<compile_context>
chip_gen: v7x
topology: tpu7x:2x2x1
jax: 0.10.2.dev20260603
libtpu: 0.0.44.dev20260713+nightly
codegen_flags: <defaults>
</compile_context>

<pallas_src>
import functools

import jax
import jax.numpy as jnp
from jax import lax
from jax.experimental import pallas as pl
from jax.experimental.pallas import tpu as pltpu
from jax.experimental.pallas import tpu_sc as plsc

N, F, G = 100000, 128, 64
NC, NS, L = 2, 16, 16
NW = NC * NS
SPW = G // NW
W1 = 6272
CH1 = W1 // L
U1 = 4
C = 128
CT = 64
U = 8
NB = 6
AHEAD = 5
NV = F // L


def _body(x_hbm, gi_hbm, out_hbm, ind_v, cnt_v, cntall_v, xbuf_v, tbuf_v,
          obuf_v, cnt_sh, sem, sem2):
    cid = lax.axis_index("c")
    sid = lax.axis_index("s")
    wid = sid * NC + cid

    iota = lax.iota(jnp.int32, L)
    ones_i = jnp.ones((L,), jnp.int32)
    zeros_i = jnp.zeros((L,), jnp.int32)

    base = jnp.minimum(sid * W1, N - W1)
    lo = sid * W1
    hi = jnp.minimum((sid + 1) * W1, N)
    pltpu.sync_copy(gi_hbm.at[pl.ds(base, W1)], ind_v)
    for k in range(G // L):
        cnt_v[pl.ds(k * L, L)] = zeros_i

    def p1(jj, carry):
        for u in range(U1):
            j = jj * U1 + u
            seg = ind_v[pl.ds(j * L, L)]
            ids = base + j * L + iota
            m = (ids >= lo) & (ids < hi)
            plsc.addupdate_scatter(cnt_v, [seg], ones_i, mask=m)
        return carry

    lax.fori_loop(0, CH1 // U1, p1, 0)

    pltpu.sync_copy(cnt_v, cnt_sh.at[sid])
    plsc.subcore_barrier()
    pltpu.sync_copy(cnt_sh, cntall_v)

    cnt = []
    for k in range(G // L):
        acc = cntall_v[0, pl.ds(k * L, L)]
        for s in range(1, NS):
            acc = acc + cntall_v[s, pl.ds(k * L, L)]
        cnt.append(acc)

    neg_inf = jnp.full((L,), -jnp.inf, jnp.float32)
    zeros_f = jnp.zeros((L,), jnp.float32)

    starts, counts = [], []
    for t in range(SPW):
        seg = wid * SPW + t
        s_ = jnp.int32(0)
        c_ = jnp.int32(0)
        for k in range(G // L):
            idx = iota + k * L
            s_ = s_ + jnp.sum(jnp.where(idx < seg, cnt[k], zeros_i))
            c_ = c_ + jnp.sum(jnp.where(idx == seg, cnt[k], zeros_i))
        starts.append(s_)
        counts.append(c_)
    nfs = [counts[t] // C for t in range(SPW)]
    tstarts = [starts[t] + nfs[t] * C for t in range(SPW)]
    rems = [counts[t] - nfs[t] * C for t in range(SPW)]
    nts = [(rems[t] + CT - 1) // CT for t in range(SPW)]
    tpoffs = [jnp.int32(0), lax.rem(nts[0], 2)]
    poffs = [jnp.int32(0), lax.rem(nfs[0], NB)]

    def dma_start(row, p):
        pltpu.async_copy(x_hbm.at[pl.ds(row, C)], xbuf_v.at[p], sem.at[p])

    def dma_wait(p):
        pltpu.make_async_copy(x_hbm.at[pl.ds(0, C)], xbuf_v.at[p],
                              sem.at[p]).wait()

    def tail_t0(u, tstart):
        return jnp.minimum(tstart + u * CT, N - CT)

    def tail_start(u, p, tstart):
        pltpu.async_copy(x_hbm.at[pl.ds(tail_t0(u, tstart), CT)],
                         tbuf_v.at[p], sem2.at[p])

    def tail_wait(p):
        pltpu.make_async_copy(x_hbm.at[pl.ds(0, CT)], tbuf_v.at[p],
                              sem2.at[p]).wait()

    for g in range(AHEAD):
        @pl.when(g < nfs[0])
        def _(g=g):
            dma_start(starts[0] + g * C, g % NB)

        @pl.when((g >= nfs[0]) & (g - nfs[0] < nfs[1]))
        def _(g=g):
            dma_start(starts[1] + (g - nfs[0]) * C, g % NB)

    @pl.when(nts[0] > 0)
    def _():
        tail_start(0, 0, tstarts[0])

    for t in range(SPW):
        start, count, nf = starts[t], counts[t], nfs[t]
        end = start + count
        poff = poffs[t]

        def chunk_body(q, accs, start=start, nf=nf, poff=poff, t=t):
            p = lax.rem(q + poff, NB)

            nxt = q + AHEAD
            @pl.when(nxt < nf)
            def _():
                dma_start(start + nxt * C, lax.rem(nxt + poff, NB))

            if t == 0:
                @pl.when((nxt >= nf) & (nxt - nf < nfs[1]))
                def _():
                    dma_start(starts[1] + (nxt - nf) * C,
                              lax.rem(nxt + poff, NB))

            dma_wait(p)

            def row_body(g, a, p=p):
                a = list(a)
                for u in range(U):
                    r = g * U + u
                    xs = [xbuf_v[p, r, pl.ds(v * L, L)] for v in range(NV)]
                    for v in range(NV):
                        a[v] = a[v] + xs[v]
                        a[NV + v] = jnp.maximum(a[NV + v], xs[v])
                return tuple(a)

            return lax.fori_loop(0, C // U, row_body, accs)

        init = tuple(zeros_f for _ in range(NV)) + tuple(neg_inf for _ in range(NV))
        accs = lax.fori_loop(0, nf, chunk_body, init)


        tstart, nt, tpoff = tstarts[t], nts[t], tpoffs[t]

        def tail_body(u, accs, tstart=tstart, end=end, nt=nt, tpoff=tpoff):
            p = lax.rem(u + tpoff, 2)

            @pl.when(u + 1 < nt)
            def _():
                tail_start(u + 1, 1 - p, tstart)

            tail_wait(p)
            t0 = tail_t0(u, tstart)
            r0 = tstart + u * CT - t0
            r1 = jnp.minimum(tstart + (u + 1) * CT, end) - t0

            def row_body(r, a, p=p):
                xs = [tbuf_v[p, r, pl.ds(v * L, L)] for v in range(NV)]
                sums = tuple(a[v] + xs[v] for v in range(NV))
                maxs = tuple(jnp.maximum(a[NV + v], xs[v]) for v in range(NV))
                return sums + maxs

            return lax.fori_loop(r0, r1, row_body, accs)

        accs = lax.fori_loop(0, nt, tail_body, accs)

        if t == 0:
            @pl.when(nts[1] > 0)
            def _():
                tail_start(0, tpoffs[1], tstarts[1])

        cf = jnp.maximum(count.astype(jnp.float32), 1.0)
        for v in range(NV):
            obuf_v[t, pl.ds(v * L, L)] = accs[v] / cf
            obuf_v[t, pl.ds(F + v * L, L)] = accs[NV + v]

    pltpu.sync_copy(obuf_v, out_hbm.at[pl.ds(wid * SPW, SPW)])


@functools.cache
def _make_readout(interpret=False):
    return pl.kernel(
        _body,
        out_type=jax.ShapeDtypeStruct((G, 2 * F), jnp.float32),
        mesh=plsc.VectorSubcoreMesh(
            core_axis_name="c", subcore_axis_name="s", num_cores=NC,
            num_subcores=NS),
        scratch_types=[
            pltpu.VMEM((W1,), jnp.int32),
            pltpu.VMEM((G,), jnp.int32),
            pltpu.VMEM((NS, G), jnp.int32),
            pltpu.VMEM((NB, C, F), jnp.float32),
            pltpu.VMEM((2, CT, F), jnp.float32),
            pltpu.VMEM((SPW, 2 * F), jnp.float32),
            pltpu.VMEM_SHARED((NS, G), jnp.int32),
            pltpu.SemaphoreType.DMA((NB,)),
            pltpu.SemaphoreType.DMA((2,)),
        ],
        compiler_params=pltpu.CompilerParams(use_tc_tiling_on_sc=False,
                                             needs_layout_passes=False),
        interpret=interpret,
    )


@jax.jit
def kernel(X, graph_indicator):
    return _make_readout()(X, graph_indicator)

# --- scband reference (transcript-rebuilt; emitter-appended) ---
"""Pipeline reference for scband-readout-43258910605916 (READ-ONLY COPY).

The authoritative reference and input builder live on the scoring server;
editing this copy changes nothing except your own understanding.
"""

import jax, jax.numpy as jnp
import numpy as np


def setup_inputs(seed: int = 0) -> dict:
    key = jax.random.key(seed)
    k1, k2 = jax.random.split(key)
    X = jax.random.normal(k1, (100000, 128), dtype=jnp.float32)
    graph_indicator = jnp.sort(jax.random.randint(k2, (100000,), 0, 64, dtype=jnp.int32))
    return {"X": X, "graph_indicator": graph_indicator}


def reference(X, graph_indicator):
    # num_graphs = graph_indicator.max() + 1 (as in the torch module)
    num_graphs = 64
    # global_avg_pool: scatter_mean over segments
    sums = jax.ops.segment_sum(X, graph_indicator, num_segments=num_graphs)
    counts = jax.ops.segment_sum(jnp.ones((X.shape[0],), dtype=X.dtype), graph_indicator, num_segments=num_graphs)
    avg_pool = sums / jnp.maximum(counts, 1.0)[:, None]
    # global_max_pool: scatter_max over segments
    max_pool = jax.ops.segment_max(X, graph_indicator, num_segments=num_graphs)
    readout = jnp.concatenate([avg_pool, max_pool], axis=1)
    return readout

if __name__ == "__main__":
    import jax
    _d = setup_inputs()
    print(jax.jit(kernel)(*tuple(_d.values())))

</pallas_src>

<mosaic_0001>
#map = affine_map<(d0, d1) -> (0, 0)>
#map1 = affine_map<(d0, d1) -> (0)>
module attributes {stable_mosaic.version = 14 : i64} {
  func.func @_body(%arg0: i32, %arg1: i32, %arg2: memref<100000x128xf32, #tpu.memory_space<hbm>>, %arg3: memref<100000xi32, #tpu.memory_space<hbm>>, %arg4: memref<64x256xf32, #tpu.memory_space<hbm>>, %arg5: memref<6272xi32, #tpu.memory_space<vmem>>, %arg6: memref<64xi32, #tpu.memory_space<vmem>>, %arg7: memref<16x64xi32, #tpu.memory_space<vmem>>, %arg8: memref<6x128x128xf32, #tpu.memory_space<vmem>>, %arg9: memref<2x64x128xf32, #tpu.memory_space<vmem>>, %arg10: memref<2x256xf32, #tpu.memory_space<vmem>>, %arg11: memref<16x64xi32, #tpu.memory_space<vmem_shared>>, %arg12: memref<6x!tpu.dma_semaphore, #tpu.memory_space<semaphore_mem>>, %arg13: memref<2x!tpu.dma_semaphore, #tpu.memory_space<semaphore_mem>>) attributes {dimension_semantics = [#tpu.dimension_semantics<core_parallel>, #tpu.dimension_semantics<subcore_parallel>], iteration_bounds = array<i64: 2, 16>, scalar_prefetch = 0 : i64, scratch_operands = 9 : i64, tpu.core_type = #tpu.core_type<sc_vector_subcore>, window_params = [{transform_indices = #map}, {transform_indices = #map1}, {transform_indices = #map}]} {
    %mul3A = arith.constant 2 : i32
    %mul3A_0 = arith.muli %arg1, %mul3A : i32
    %add3A = arith.addi %mul3A_0, %arg0 : i32
    %iota3A = tpu.iota {dimensions = array<i32: 0>} : vector<16xi32>
    %broadcast_in_dim3A = arith.constant 1 : i32
    %broadcast_in_dim3A_1 = vector.broadcast %broadcast_in_dim3A : i32 to vector<16xi32>
    %broadcast_in_dim3A_2 = arith.constant 0 : i32
    %broadcast_in_dim3A_3 = vector.broadcast %broadcast_in_dim3A_2 : i32 to vector<16xi32>
    %mul3A_4 = arith.constant 6272 : i32
    %mul3A_5 = arith.muli %arg1, %mul3A_4 : i32
    %min3A = arith.constant 93728 : i32
    %min3A_6 = arith.minsi %mul3A_5, %min3A : i32
    %mul3A_7 = arith.constant 6272 : i32
    %mul3A_8 = arith.muli %arg1, %mul3A_7 : i32
    %add3A_9 = arith.constant 1 : i32
    %add3A_10 = arith.addi %arg1, %add3A_9 : i32
    %mul3A_11 = arith.constant 6272 : i32
    %mul3A_12 = arith.muli %add3A_10, %mul3A_11 : i32
    %min3A_13 = arith.constant 100000 : i32
    %min3A_14 = arith.minsi %mul3A_12, %min3A_13 : i32
    "tpu.region"() ({
      %run_scoped3A = tpu.sem_alloc : memref<!tpu.dma_semaphore, #tpu.memory_space<semaphore_mem>>
      %dma_start3A = tpu.memref_slice %arg3[%min3A_6] : memref<100000xi32, #tpu.memory_space<hbm>> -> memref<6272xi32, #tpu.memory_space<hbm>>
      %dma_start3A_909 = tpu.memref_slice %arg3[%min3A_6] : memref<100000xi32, #tpu.memory_space<hbm>> -> memref<6272xi32, #tpu.memory_space<hbm>>
      tpu.enqueue_dma source(%dma_start3A_909 : memref<6272xi32, #tpu.memory_space<hbm>>) target(%arg5 : memref<6272xi32, #tpu.memory_space<vmem>>) target_semaphore(%run_scoped3A : memref<!tpu.dma_semaphore, #tpu.memory_space<semaphore_mem>>)
      %dma_wait3A = tpu.memref_slice %arg3[%min3A_6] : memref<100000xi32, #tpu.memory_space<hbm>> -> memref<6272xi32, #tpu.memory_space<hbm>>
      %dma_wait3A_910 = tpu.memref_slice %arg3[%min3A_6] : memref<100000xi32, #tpu.memory_space<hbm>> -> memref<6272xi32, #tpu.memory_space<hbm>>
      tpu.wait_dma2 semaphore(%run_scoped3A : memref<!tpu.dma_semaphore, #tpu.memory_space<semaphore_mem>>) src(%dma_wait3A_910 : memref<6272xi32, #tpu.memory_space<hbm>>) dst(%arg5 : memref<6272xi32, #tpu.memory_space<vmem>>)
      tpu.yield
    }) : () -> ()
    %swap3A = arith.constant 0 : index
    %swap3A_15 = tpu.vector_load %arg6[%swap3A] {strides = array<i32>} : memref<64xi32, #tpu.memory_space<vmem>>, vector<16xi32>,
    tpu.vector_store %arg6[%swap3A], %broadcast_in_dim3A_3 {strides = array<i32>} : memref<64xi32, #tpu.memory_space<vmem>>, vector<16xi32>,
    %swap3A_16 = arith.constant 16 : index
    %swap3A_17 = tpu.vector_load %arg6[%swap3A_16] {strides = array<i32>} : memref<64xi32, #tpu.memory_space<vmem>>, vector<16xi32>,
    tpu.vector_store %arg6[%swap3A_16], %broadcast_in_dim3A_3 {strides = array<i32>} : memref<64xi32, #tpu.memory_space<vmem>>, vector<16xi32>,
    %swap3A_18 = arith.constant 32 : index
    %swap3A_19 = tpu.vector_load %arg6[%swap3A_18] {strides = array<i32>} : memref<64xi32, #tpu.memory_space<vmem>>, vector<16xi32>,
    tpu.vector_store %arg6[%swap3A_18], %broadcast_in_dim3A_3 {strides = array<i32>} : memref<64xi32, #tpu.memory_space<vmem>>, vector<16xi32>,
    %swap3A_20 = arith.constant 48 : index
    %swap3A_21 = tpu.vector_load %arg6[%swap3A_20] {strides = array<i32>} : memref<64xi32, #tpu.memory_space<vmem>>, vector<16xi32>,
    tpu.vector_store %arg6[%swap3A_20], %broadcast_in_dim3A_3 {strides = array<i32>} : memref<64xi32, #tpu.memory_space<vmem>>, vector<16xi32>,
    %scan3A = arith.constant 0 : i32
    %scan3A_22 = arith.constant 0 : i32
    %scan3A_23 = arith.constant 98 : i32
    %scan3A_24 = arith.addi %scan3A_22, %scan3A_23 : i32
    %scan3A_25 = arith.constant 1 : i32
    scf.for %scan3A_909 = %scan3A_22 to %scan3A_24 step %scan3A_25  : i32 {
      %mul3A_910 = arith.constant 4 : i32
      %mul3A_911 = arith.muli %scan3A_909, %mul3A_910 : i32
      %add3A_912 = arith.constant 0 : i32
      %add3A_913 = arith.addi %mul3A_911, %add3A_912 : i32
      %mul3A_914 = arith.constant 16 : i32
      %mul3A_915 = arith.muli %add3A_913, %mul3A_914 : i32
      %get3A_916 = arith.index_cast %mul3A_915 : i32 to index
      %get3A_917 = tpu.vector_load %arg5[%get3A_916] {strides = array<i32>} : memref<6272xi32, #tpu.memory_space<vmem>>, vector<16xi32>,
      %mul3A_918 = arith.constant 16 : i32
      %mul3A_919 = arith.muli %add3A_913, %mul3A_918 : i32
      %add3A_920 = arith.addi %min3A_6, %mul3A_919 : i32
      %add3A_921 = vector.broadcast %add3A_920 : i32 to vector<16xi32>
      %add3A_922 = arith.addi %add3A_921, %iota3A : vector<16xi32>
      %ge3A = vector.broadcast %mul3A_8 : i32 to vector<16xi32>
      %ge3A_923 = arith.cmpi sge, %add3A_922, %ge3A : vector<16xi32>
      %lt3A_924 = vector.broadcast %min3A_14 : i32 to vector<16xi32>
      %lt3A_925 = arith.cmpi slt, %add3A_922, %lt3A_924 : vector<16xi32>
      %and3A_926 = arith.andi %ge3A_923, %lt3A_925 : vector<16xi1>
      tpu.vector_store_idx %arg6[%get3A_917], %broadcast_in_dim3A_1 masked %and3A_926 {add = true} : memref<64xi32, #tpu.memory_space<vmem>>[vector<16xi32>], vector<16xi32>, vector<16xi1>
      %mul3A_927 = arith.constant 4 : i32
      %mul3A_928 = arith.muli %scan3A_909, %mul3A_927 : i32
      %add3A_929 = arith.constant 1 : i32
      %add3A_930 = arith.addi %mul3A_928, %add3A_929 : i32
      %mul3A_931 = arith.constant 16 : i32
      %mul3A_932 = arith.muli %add3A_930, %mul3A_931 : i32
      %get3A_933 = arith.index_cast %mul3A_932 : i32 to index
      %get3A_934 = tpu.vector_load %arg5[%get3A_933] {strides = array<i32>} : memref<6272xi32, #tpu.memory_space<vmem>>, vector<16xi32>,
      %mul3A_935 = arith.constant 16 : i32
      %mul3A_936 = arith.muli %add3A_930, %mul3A_935 : i32
      %add3A_937 = arith.addi %min3A_6, %mul3A_936 : i32
      %add3A_938 = vector.broadcast %add3A_937 : i32 to vector<16xi32>
      %add3A_939 = arith.addi %add3A_938, %iota3A : vector<16xi32>
      %ge3A_940 = vector.broadcast %mul3A_8 : i32 to vector<16xi32>
      %ge3A_941 = arith.cmpi sge, %add3A_939, %ge3A_940 : vector<16xi32>
      %lt3A_942 = vector.broadcast %min3A_14 : i32 to vector<16xi32>
      %lt3A_943 = arith.cmpi slt, %add3A_939, %lt3A_942 : vector<16xi32>
      %and3A_944 = arith.andi %ge3A_941, %lt3A_943 : vector<16xi1>
      tpu.vector_store_idx %arg6[%get3A_934], %broadcast_in_dim3A_1 masked %and3A_944 {add = true} : memref<64xi32, #tpu.memory_space<vmem>>[vector<16xi32>], vector<16xi32>, vector<16xi1>
      %mul3A_945 = arith.constant 4 : i32
      %mul3A_946 = arith.muli %scan3A_909, %mul3A_945 : i32
      %add3A_947 = arith.constant 2 : i32
      %add3A_948 = arith.addi %mul3A_946, %add3A_947 : i32
      %mul3A_949 = arith.constant 16 : i32
      %mul3A_950 = arith.muli %add3A_948, %mul3A_949 : i32
      %get3A_951 = arith.index_cast %mul3A_950 : i32 to index
      %get3A_952 = tpu.vector_load %arg5[%get3A_951] {strides = array<i32>} : memref<6272xi32, #tpu.memory_space<vmem>>, vector<16xi32>,
      %mul3A_953 = arith.constant 16 : i32
      %mul3A_954 = arith.muli %add3A_948, %mul3A_953 : i32
      %add3A_955 = arith.addi %min3A_6, %mul3A_954 : i32
      %add3A_956 = vector.broadcast %add3A_955 : i32 to vector<16xi32>
      %add3A_957 = arith.addi %add3A_956, %iota3A : vector<16xi32>
      %ge3A_958 = vector.broadcast %mul3A_8 : i32 to vector<16xi32>
      %ge3A_959 = arith.cmpi sge, %add3A_957, %ge3A_958 : vector<16xi32>
      %lt3A_960 = vector.broadcast %min3A_14 : i32 to vector<16xi32>
      %lt3A_961 = arith.cmpi slt, %add3A_957, %lt3A_960 : vector<16xi32>
      %and3A_962 = arith.andi %ge3A_959, %lt3A_961 : vector<16xi1>
      tpu.vector_store_idx %arg6[%get3A_952], %broadcast_in_dim3A_1 masked %and3A_962 {add = true} : memref<64xi32, #tpu.memory_space<vmem>>[vector<16xi32>], vector<16xi32>, vector<16xi1>
      %mul3A_963 = arith.constant 4 : i32
      %mul3A_964 = arith.muli %scan3A_909, %mul3A_963 : i32
      %add3A_965 = arith.constant 3 : i32
      %add3A_966 = arith.addi %mul3A_964, %add3A_965 : i32
      %mul3A_967 = arith.constant 16 : i32
      %mul3A_968 = arith.muli %add3A_966, %mul3A_967 : i32
      %get3A_969 = arith.index_cast %mul3A_968 : i32 to index
      %get3A_970 = tpu.vector_load %arg5[%get3A_969] {strides = array<i32>} : memref<6272xi32, #tpu.memory_space<vmem>>, vector<16xi32>,
      %mul3A_971 = arith.constant 16 : i32
      %mul3A_972 = arith.muli %add3A_966, %mul3A_971 : i32
      %add3A_973 = arith.addi %min3A_6, %mul3A_972 : i32
      %add3A_974 = vector.broadcast %add3A_973 : i32 to vector<16xi32>
      %add3A_975 = arith.addi %add3A_974, %iota3A : vector<16xi32>
      %ge3A_976 = vector.broadcast %mul3A_8 : i32 to vector<16xi32>
      %ge3A_977 = arith.cmpi sge, %add3A_975, %ge3A_976 : vector<16xi32>
      %lt3A_978 = vector.broadcast %min3A_14 : i32 to vector<16xi32>
      %lt3A_979 = arith.cmpi slt, %add3A_975, %lt3A_978 : vector<16xi32>
      %and3A_980 = arith.andi %ge3A_977, %lt3A_979 : vector<16xi1>
      tpu.vector_store_idx %arg6[%get3A_970], %broadcast_in_dim3A_1 masked %and3A_980 {add = true} : memref<64xi32, #tpu.memory_space<vmem>>[vector<16xi32>], vector<16xi32>, vector<16xi1>
    }
    %scan3A_26 = arith.constant 98 : i32
    "tpu.region"() ({
      %run_scoped3A = tpu.sem_alloc : memref<!tpu.dma_semaphore, #tpu.memory_space<semaphore_mem>>
      %dma_start3A = arith.constant 0 : i32
      %dma_start3A_909 = tpu.memref_slice %arg11[%arg1, %dma_start3A] : memref<16x64xi32, #tpu.memory_space<vmem_shared>> -> memref<1x64xi32, #tpu.memory_space<vmem_shared>>
      %dma_start3A_910 = tpu.memref_squeeze %dma_start3A_909 : memref<1x64xi32, #tpu.memory_space<vmem_shared>> -> memref<64xi32, #tpu.memory_space<vmem_shared>>
      %dma_start3A_911 = arith.constant 0 : i32
      %dma_start3A_912 = tpu.memref_slice %arg11[%arg1, %dma_start3A_911] : memref<16x64xi32, #tpu.memory_space<vmem_shared>> -> memref<1x64xi32, #tpu.memory_space<vmem_shared>>
      %dma_start3A_913 = tpu.memref_squeeze %dma_start3A_912 : memref<1x64xi32, #tpu.memory_space<vmem_shared>> -> memref<64xi32, #tpu.memory_space<vmem_shared>>
      tpu.enqueue_dma source(%arg6 : memref<64xi32, #tpu.memory_space<vmem>>) target(%dma_start3A_913 : memref<64xi32, #tpu.memory_space<vmem_shared>>) target_semaphore(%run_scoped3A : memref<!tpu.dma_semaphore, #tpu.memory_space<semaphore_mem>>)
      %dma_wait3A = arith.constant 0 : i32
      %dma_wait3A_914 = tpu.memref_slice %arg11[%arg1, %dma_wait3A] : memref<16x64xi32, #tpu.memory_space<vmem_shared>> -> memref<1x64xi32, #tpu.memory_space<vmem_shared>>
      %dma_wait3A_915 = tpu.memref_squeeze %dma_wait3A_914 : memref<1x64xi32, #tpu.memory_space<vmem_shared>> -> memref<64xi32, #tpu.memory_space<vmem_shared>>
      %dma_wait3A_916 = arith.constant 0 : i32
      %dma_wait3A_917 = tpu.memref_slice %arg11[%arg1, %dma_wait3A_916] : memref<16x64xi32, #tpu.memory_space<vmem_shared>> -> memref<1x64xi32, #tpu.memory_space<vmem_shared>>
      %dma_wait3A_918 = tpu.memref_squeeze %dma_wait3A_917 : memref<1x64xi32, #tpu.memory_space<vmem_shared>> -> memref<64xi32, #tpu.memory_space<vmem_shared>>
      tpu.wait_dma2 semaphore(%run_scoped3A : memref<!tpu.dma_semaphore, #tpu.memory_space<semaphore_mem>>) src(%arg6 : memref<64xi32, #tpu.memory_space<vmem>>) dst(%dma_wait3A_918 : memref<64xi32, #tpu.memory_space<vmem_shared>>)
      tpu.yield
    }) : () -> ()
    %barrier3A = arith.constant 0 : index
    tpu.barrier barrier_id(%barrier3A)
    "tpu.region"() ({
      %run_scoped3A = tpu.sem_alloc : memref<!tpu.dma_semaphore, #tpu.memory_space<semaphore_mem>>
      tpu.enqueue_dma source(%arg11 : memref<16x64xi32, #tpu.memory_space<vmem_shared>>) target(%arg7 : memref<16x64xi32, #tpu.memory_space<vmem>>) target_semaphore(%run_scoped3A : memref<!tpu.dma_semaphore, #tpu.memory_space<semaphore_mem>>)
      tpu.wait_dma2 semaphore(%run_scoped3A : memref<!tpu.dma_semaphore, #tpu.memory_space<semaphore_mem>>) src(%arg11 : memref<16x64xi32, #tpu.memory_space<vmem_shared>>) dst(%arg7 : memref<16x64xi32, #tpu.memory_space<vmem>>)
      tpu.yield
    }) : () -> ()
    %get3A = arith.constant 0 : i32
    %get3A_27 = arith.index_cast %get3A : i32 to index
    %get3A_28 = arith.constant 0 : index
    %get3A_29 = tpu.vector_load %arg7[%get3A_27, %get3A_28] {strides = array<i32>} : memref<16x64xi32, #tpu.memory_space<vmem>>, vector<16xi32>,
    %get3A_30 = arith.constant 1 : i32
    %get3A_31 = arith.index_cast %get3A_30 : i32 to index
    %get3A_32 = arith.constant 0 : index
    %get3A_33 = tpu.vector_load %arg7[%get3A_31, %get3A_32] {strides = array<i32>} : memref<16x64xi32, #tpu.memory_space<vmem>>, vector<16xi32>,
    %add3A_34 = arith.addi %get3A_29, %get3A_33 : vector<16xi32>
    %get3A_35 = arith.constant 2 : i32
    %get3A_36 = arith.index_cast %get3A_35 : i32 to index
    %get3A_37 = arith.constant 0 : index
    %get3A_38 = tpu.vector_load %arg7[%get3A_36, %get3A_37] {strides = array<i32>} : memref<16x64xi32, #tpu.memory_space<vmem>>, vector<16xi32>,
    %add3A_39 = arith.addi %add3A_34, %get3A_38 : vector<16xi32>
    %get3A_40 = arith.constant 3 : i32
    %get3A_41 = arith.index_cast %get3A_40 : i32 to index
    %get3A_42 = arith.constant 0 : index
    %get3A_43 = tpu.vector_load %arg7[%get3A_41, %get3A_42] {strides = array<i32>} : memref<16x64xi32, #tpu.memory_space<vmem>>, vector<16xi32>,
    %add3A_44 = arith.addi %add3A_39, %get3A_43 : vector<16xi32>
    %get3A_45 = arith.constant 4 : i32
    %get3A_46 = arith.index_cast %get3A_45 : i32 to index
    %get3A_47 = arith.constant 0 : index
    %get3A_48 = tpu.vector_load %arg7[%get3A_46, %get3A_47] {strides = array<i32>} : memref<16x64xi32, #tpu.memory_space<vmem>>, vector<16xi32>,
    %add3A_49 = arith.addi %add3A_44, %get3A_48 : vector<16xi32>
    %get3A_50 = arith.constant 5 : i32
    %get3A_51 = arith.index_cast %get3A_50 : i32 to index
    %get3A_52 = arith.constant 0 : index
    %get3A_53 = tpu.vector_load %arg7[%get3A_51, %get3A_52] {strides = array<i32>} : memref<16x64xi32, #tpu.memory_space<vmem>>, vector<16xi32>,
    %add3A_54 = arith.addi %add3A_49, %get3A_53 : vector<16xi32>
    %get3A_55 = arith.constant 6 : i32
    %get3A_56 = arith.index_cast %get3A_55 : i32 to index
    %get3A_57 = arith.constant 0 : index
    %get3A_58 = tpu.vector_load %arg7[%get3A_56, %get3A_57] {strides = array<i32>} : memref<16x64xi32, #tpu.memory_space<vmem>>, vector<16xi32>,
    %add3A_59 = arith.addi %add3A_54, %get3A_58 : vector<16xi32>
    %get3A_60 = arith.constant 7 : i32
    %get3A_61 = arith.index_cast %get3A_60 : i32 to index
    %get3A_62 = arith.constant 0 : index
    %get3A_63 = tpu.vector_load %arg7[%get3A_61, %get3A_62] {strides = array<i32>} : memref<16x64xi32, #tpu.memory_space<vmem>>, vector<16xi32>,
    %add3A_64 = arith.addi %add3A_59, %get3A_63 : vector<16xi32>
    %get3A_65 = arith.constant 8 : i32
    %get3A_66 = arith.index_cast %get3A_65 : i32 to index
    %get3A_67 = arith.constant 0 : index
    %get3A_68 = tpu.vector_load %arg7[%get3A_66, %get3A_67] {strides = array<i32>} : memref<16x64xi32, #tpu.memory_space<vmem>>, vector<16xi32>,
    %add3A_69 = arith.addi %add3A_64, %get3A_68 : vector<16xi32>
    %get3A_70 = arith.constant 9 : i32
    %get3A_71 = arith.index_cast %get3A_70 : i32 to index
    %get3A_72 = arith.constant 0 : index
    %get3A_73 = tpu.vector_load %arg7[%get3A_71, %get3A_72] {strides = array<i32>} : memref<16x64xi32, #tpu.memory_space<vmem>>, vector<16xi32>,
    %add3A_74 = arith.addi %add3A_69, %get3A_73 : vector<16xi32>
    %get3A_75 = arith.constant 10 : i32
    %get3A_76 = arith.index_cast %get3A_75 : i32 to index
    %get3A_77 = arith.constant 0 : index
    %get3A_78 = tpu.vector_load %arg7[%get3A_76, %get3A_77] {strides = array<i32>} : memref<16x64xi32, #tpu.memory_space<vmem>>, vector<16xi32>,
    %add3A_79 = arith.addi %add3A_74, %get3A_78 : vector<16xi32>
    %get3A_80 = arith.constant 11 : i32
    %get3A_81 = arith.index_cast %get3A_80 : i32 to index
    %get3A_82 = arith.constant 0 : index
    %get3A_83 = tpu.vector_load %arg7[%get3A_81, %get3A_82] {strides = array<i32>} : memref<16x64xi32, #tpu.memory_space<vmem>>, vector<16xi32>,
    %add3A_84 = arith.addi %add3A_79, %get3A_83 : vector<16xi32>
    %get3A_85 = arith.constant 12 : i32
    %get3A_86 = arith.index_cast %get3A_85 : i32 to index
    %get3A_87 = arith.constant 0 : index
    %get3A_88 = tpu.vector_load %arg7[%get3A_86, %get3A_87] {strides = array<i32>} : memref<16x64xi32, #tpu.memory_space<vmem>>, vector<16xi32>,
    %add3A_89 = arith.addi %add3A_84, %get3A_88 : vector<16xi32>
    %get3A_90 = arith.constant 13 : i32
    %get3A_91 = arith.index_cast %get3A_90 : i32 to index
    %get3A_92 = arith.constant 0 : index
    %get3A_93 = tpu.vector_load %arg7[%get3A_91, %get3A_92] {strides = array<i32>} : memref<16x64xi32, #tpu.memory_space<vmem>>, vector<16xi32>,
    %add3A_94 = arith.addi %add3A_89, %get3A_93 : vector<16xi32>
    %get3A_95 = arith.constant 14 : i32
    %get3A_96 = arith.index_cast %get3A_95 : i32 to index
    %get3A_97 = arith.constant 0 : index
    %get3A_98 = tpu.vector_load %arg7[%get3A_96, %get3A_97] {strides = array<i32>} : memref<16x64xi32, #tpu.memory_space<vmem>>, vector<16xi32>,
    %add3A_99 = arith.addi %add3A_94, %get3A_98 : vector<16xi32>
    %get3A_100 = arith.constant 15 : i32
    %get3A_101 = arith.index_cast %get3A_100 : i32 to index
    %get3A_102 = arith.constant 0 : index
    %get3A_103 = tpu.vector_load %arg7[%get3A_101, %get3A_102] {strides = array<i32>} : memref<16x64xi32, #tpu.memory_space<vmem>>, vector<16xi32>,
    %add3A_104 = arith.addi %add3A_99, %get3A_103 : vector<16xi32>
    %get3A_105 = arith.constant 0 : i32
    %get3A_106 = arith.index_cast %get3A_105 : i32 to index
    %get3A_107 = arith.constant 16 : index
    %get3A_108 = tpu.vector_load %arg7[%get3A_106, %get3A_107] {strides = array<i32>} : memref<16x64xi32, #tpu.memory_space<vmem>>, vector<16xi32>,
    %get3A_109 = arith.constant 1 : i32
    %get3A_110 = arith.index_cast %get3A_109 : i32 to index
    %get3A_111 = arith.constant 16 : index
    %get3A_112 = tpu.vector_load %arg7[%get3A_110, %get3A_111] {strides = array<i32>} : memref<16x64xi32, #tpu.memory_space<vmem>>, vector<16xi32>,
    %add3A_113 = arith.addi %get3A_108, %get3A_112 : vector<16xi32>
    %get3A_114 = arith.constant 2 : i32
    %get3A_115 = arith.index_cast %get3A_114 : i32 to index
    %get3A_116 = arith.constant 16 : index
    %get3A_117 = tpu.vector_load %arg7[%get3A_115, %get3A_116] {strides = array<i32>} : memref<16x64xi32, #tpu.memory_space<vmem>>, vector<16xi32>,
    %add3A_118 = arith.addi %add3A_113, %get3A_117 : vector<16xi32>
    %get3A_119 = arith.constant 3 : i32
    %get3A_120 = arith.index_cast %get3A_119 : i32 to index
    %get3A_121 = arith.constant 16 : index
    %get3A_122 = tpu.vector_load %arg7[%get3A_120, %get3A_121] {strides = array<i32>} : memref<16x64xi32, #tpu.memory_space<vmem>>, vector<16xi32>,
    %add3A_123 = arith.addi %add3A_118, %get3A_122 : vector<16xi32>
    %get3A_124 = arith.constant 4 : i32
    %get3A_125 = arith.index_cast %get3A_124 : i32 to index
    %get3A_126 = arith.constant 16 : index
    %get3A_127 = tpu.vector_load %arg7[%get3A_125, %get3A_126] {strides = array<i32>} : memref<16x64xi32, #tpu.memory_space<vmem>>, vector<16xi32>,
    %add3A_128 = arith.addi %add3A_123, %get3A_127 : vector<16xi32>
    %get3A_129 = arith.constant 5 : i32
    %get3A_130 = arith.index_cast %get3A_129 : i32 to index
    %get3A_131 = arith.constant 16 : index
    %get3A_132 = tpu.vector_load %arg7[%get3A_130, %get3A_131] {strides = array<i32>} : memref<16x64xi32, #tpu.memory_space<vmem>>, vector<16xi32>,
    %add3A_133 = arith.addi %add3A_128, %get3A_132 : vector<16xi32>
    %get3A_134 = arith.constant 6 : i32
    %get3A_135 = arith.index_cast %get3A_134 : i32 to index
    %get3A_136 = arith.constant 16 : index
    %get3A_137 = tpu.vector_load %arg7[%get3A_135, %get3A_136] {strides = array<i32>} : memref<16x64xi32, #tpu.memory_space<vmem>>, vector<16xi32>,
    %add3A_138 = arith.addi %add3A_133, %get3A_137 : vector<16xi32>
    %get3A_139 = arith.constant 7 : i32
    %get3A_140 = arith.index_cast %get3A_139 : i32 to index
    %get3A_141 = arith.constant 16 : index
    %get3A_142 = tpu.vector_load %arg7[%get3A_140, %get3A_141] {strides = array<i32>} : memref<16x64xi32, #tpu.memory_space<vmem>>, vector<16xi32>,
    %add3A_143 = arith.addi %add3A_138, %get3A_142 : vector<16xi32>
    %get3A_144 = arith.constant 8 : i32
    %get3A_145 = arith.index_cast %get3A_144 : i32 to index
    %get3A_146 = arith.constant 16 : index
    %get3A_147 = tpu.vector_load %arg7[%get3A_145, %get3A_146] {strides = array<i32>} : memref<16x64xi32, #tpu.memory_space<vmem>>, vector<16xi32>,
    %add3A_148 = arith.addi %add3A_143, %get3A_147 : vector<16xi32>
    %get3A_149 = arith.constant 9 : i32
    %get3A_150 = arith.index_cast %get3A_149 : i32 to index
    %get3A_151 = arith.constant 16 : index
    %get3A_152 = tpu.vector_load %arg7[%get3A_150, %get3A_151] {strides = array<i32>} : memref<16x64xi32, #tpu.memory_space<vmem>>, vector<16xi32>,
    %add3A_153 = arith.addi %add3A_148, %get3A_152 : vector<16xi32>
    %get3A_154 = arith.constant 10 : i32
    %get3A_155 = arith.index_cast %get3A_154 : i32 to index
    %get3A_156 = arith.constant 16 : index
    %get3A_157 = tpu.vector_load %arg7[%get3A_155, %get3A_156] {strides = array<i32>} : memref<16x64xi32, #tpu.memory_space<vmem>>, vector<16xi32>,
    %add3A_158 = arith.addi %add3A_153, %get3A_157 : vector<16xi32>
    %get3A_159 = arith.constant 11 : i32
    %get3A_160 = arith.index_cast %get3A_159 : i32 to index
    %get3A_161 = arith.constant 16 : index
    %get3A_162 = tpu.vector_load %arg7[%get3A_160, %get3A_161] {strides = array<i32>} : memref<16x64xi32, #tpu.memory_space<vmem>>, vector<16xi32>,
    %add3A_163 = arith.addi %add3A_158, %get3A_162 : vector<16xi32>
    %get3A_164 = arith.constant 12 : i32
    %get3A_165 = arith.index_cast %get3A_164 : i32 to index
    %get3A_166 = arith.constant 16 : index
    %get3A_167 = tpu.vector_load %arg7[%get3A_165, %get3A_166] {strides = array<i32>} : memref<16x64xi32, #tpu.memory_space<vmem>>, vector<16xi32>,
    %add3A_168 = arith.addi %add3A_163, %get3A_167 : vector<16xi32>
    %get3A_169 = arith.constant 13 : i32
    %get3A_170 = arith.index_cast %get3A_169 : i32 to index
    %get3A_171 = arith.constant 16 : index
    %get3A_172 = tpu.vector_load %arg7[%get3A_170, %get3A_171] {strides = array<i32>} : memref<16x64xi32, #tpu.memory_space<vmem>>, vector<16xi32>,
    %add3A_173 = arith.addi %add3A_168, %get3A_172 : vector<16xi32>
    %get3A_174 = arith.constant 14 : i32
    %get3A_175 = arith.index_cast %get3A_174 : i32 to index
    %get3A_176 = arith.constant 16 : index
    %get3A_177 = tpu.vector_load %arg7[%get3A_175, %get3A_176] {strides = array<i32>} : memref<16x64xi32, #tpu.memory_space<vmem>>, vector<16xi32>,
    %add3A_178 = arith.addi %add3A_173, %get3A_177 : vector<16xi32>
    %get3A_179 = arith.constant 15 : i32
    %get3A_180 = arith.index_cast %get3A_179 : i32 to index
    %get3A_181 = arith.constant 16 : index
    %get3A_182 = tpu.vector_load %arg7[%get3A_180, %get3A_181] {strides = array<i32>} : memref<16x64xi32, #tpu.memory_space<vmem>>, vector<16xi32>,
    %add3A_183 = arith.addi %add3A_178, %get3A_182 : vector<16xi32>
    %get3A_184 = arith.constant 0 : i32
    %get3A_185 = arith.index_cast %get3A_184 : i32 to index
    %get3A_186 = arith.constant 32 : index
    %get3A_187 = tpu.vector_load %arg7[%get3A_185, %get3A_186] {strides = array<i32>} : memref<16x64xi32, #tpu.memory_space<vmem>>, vector<16xi32>,
    %get3A_188 = arith.constant 1 : i32
    %get3A_189 = arith.index_cast %get3A_188 : i32 to index
    %get3A_190 = arith.constant 32 : index
    %get3A_191 = tpu.vector_load %arg7[%get3A_189, %get3A_190] {strides = array<i32>} : memref<16x64xi32, #tpu.memory_space<vmem>>, vector<16xi32>,
    %add3A_192 = arith.addi %get3A_187, %get3A_191 : vector<16xi32>
    %get3A_193 = arith.constant 2 : i32
    %get3A_194 = arith.index_cast %get3A_193 : i32 to index
    %get3A_195 = arith.constant 32 : index
    %get3A_196 = tpu.vector_load %arg7[%get3A_194, %get3A_195] {strides = array<i32>} : memref<16x64xi32, #tpu.memory_space<vmem>>, vector<16xi32>,
    %add3A_197 = arith.addi %add3A_192, %get3A_196 : vector<16xi32>
    %get3A_198 = arith.constant 3 : i32
    %get3A_199 = arith.index_cast %get3A_198 : i32 to index
    %get3A_200 = arith.constant 32 : index
    %get3A_201 = tpu.vector_load %arg7[%get3A_199, %get3A_200] {strides = array<i32>} : memref<16x64xi32, #tpu.memory_space<vmem>>, vector<16xi32>,
    %add3A_202 = arith.addi %add3A_197, %get3A_201 : vector<16xi32>
    %get3A_203 = arith.constant 4 : i32
    %get3A_204 = arith.index_cast %get3A_203 : i32 to index
    %get3A_205 = arith.constant 32 : index
    %get3A_206 = tpu.vector_load %arg7[%get3A_204, %get3A_205] {strides = array<i32>} : memref<16x64xi32, #tpu.memory_space<vmem>>, vector<16xi32>,
    %add3A_207 = arith.addi %add3A_202, %get3A_206 : vector<16xi32>
    %get3A_208 = arith.constant 5 : i32
    %get3A_209 = arith.index_cast %get3A_208 : i32 to index
    %get3A_210 = arith.constant 32 : index
    %get3A_211 = tpu.vector_load %arg7[%get3A_209, %get3A_210] {strides = array<i32>} : memref<16x64xi32, #tpu.memory_space<vmem>>, vector<16xi32>,
    %add3A_212 = arith.addi %add3A_207, %get3A_211 : vector<16xi32>
    %get3A_213 = arith.constant 6 : i32
    %get3A_214 = arith.index_cast %get3A_213 : i32 to index
    %get3A_215 = arith.constant 32 : index
    %get3A_216 = tpu.vector_load %arg7[%get3A_214, %get3A_215] {strides = array<i32>} : memref<16x64xi32, #tpu.memory_space<vmem>>, vector<16xi32>,
    %add3A_217 = arith.addi %add3A_212, %get3A_216 : vector<16xi32>
    %get3A_218 = arith.constant 7 : i32
    %get3A_219 = arith.index_cast %get3A_218 : i32 to index
    %get3A_220 = arith.constant 32 : index
    %get3A_221 = tpu.vector_load %arg7[%get3A_219, %get3A_220] {strides = array<i32>} : memref<16x64xi32, #tpu.memory_space<vmem>>, vector<16xi32>,
    %add3A_222 = arith.addi %add3A_217, %get3A_221 : vector<16xi32>
    %get3A_223 = arith.constant 8 : i32
    %get3A_224 = arith.index_cast %get3A_223 : i32 to index
    %get3A_225 = arith.constant 32 : index
    %get3A_226 = tpu.vector_load %arg7[%get3A_224, %get3A_225] {strides = array<i32>} : memref<16x64xi32, #tpu.memory_space<vmem>>, vector<16xi32>,
    %add3A_227 = arith.addi %add3A_222, %get3A_226 : vector<16xi32>
    %get3A_228 = arith.constant 9 : i32
    %get3A_229 = arith.index_cast %get3A_228 : i32 to index
    %get3A_230 = arith.constant 32 : index
    %get3A_231 = tpu.vector_load %arg7[%get3A_229, %get3A_230] {strides = array<i32>} : memref<16x64xi32, #tpu.memory_space<vmem>>, vector<16xi32>,
    %add3A_232 = arith.addi %add3A_227, %get3A_231 : vector<16xi32>
    %get3A_233 = arith.constant 10 : i32
    %get3A_234 = arith.index_cast %get3A_233 : i32 to index
    %get3A_235 = arith.constant 32 : index
    %get3A_236 = tpu.vector_load %arg7[%get3A_234, %get3A_235] {strides = array<i32>} : memref<16x64xi32, #tpu.memory_space<vmem>>, vector<16xi32>,
    %add3A_237 = arith.addi %add3A_232, %get3A_236 : vector<16xi32>
    %get3A_238 = arith.constant 11 : i32
    %get3A_239 = arith.index_cast %get3A_238 : i32 to index
    %get3A_240 = arith.constant 32 : index
    %get3A_241 = tpu.vector_load %arg7[%get3A_239, %get3A_240] {strides = array<i32>} : memref<16x64xi32, #tpu.memory_space<vmem>>, vector<16xi32>,
    %add3A_242 = arith.addi %add3A_237, %get3A_241 : vector<16xi32>
    %get3A_243 = arith.constant 12 : i32
    %get3A_244 = arith.index_cast %get3A_243 : i32 to index
    %get3A_245 = arith.constant 32 : index
    %get3A_246 = tpu.vector_load %arg7[%get3A_244, %get3A_245] {strides = array<i32>} : memref<16x64xi32, #tpu.memory_space<vmem>>, vector<16xi32>,
    %add3A_247 = arith.addi %add3A_242, %get3A_246 : vector<16xi32>
    %get3A_248 = arith.constant 13 : i32
    %get3A_249 = arith.index_cast %get3A_248 : i32 to index
    %get3A_250 = arith.constant 32 : index
    %get3A_251 = tpu.vector_load %arg7[%get3A_249, %get3A_250] {strides = array<i32>} : memref<16x64xi32, #tpu.memory_space<vmem>>, vector<16xi32>,
    %add3A_252 = arith.addi %add3A_247, %get3A_251 : vector<16xi32>
    %get3A_253 = arith.constant 14 : i32
    %get3A_254 = arith.index_cast %get3A_253 : i32 to index
    %get3A_255 = arith.constant 32 : index
    %get3A_256 = tpu.vector_load %arg7[%get3A_254, %get3A_255] {strides = array<i32>} : memref<16x64xi32, #tpu.memory_space<vmem>>, vector<16xi32>,
    %add3A_257 = arith.addi %add3A_252, %get3A_256 : vector<16xi32>
    %get3A_258 = arith.constant 15 : i32
    %get3A_259 = arith.index_cast %get3A_258 : i32 to index
    %get3A_260 = arith.constant 32 : index
    %get3A_261 = tpu.vector_load %arg7[%get3A_259, %get3A_260] {strides = array<i32>} : memref<16x64xi32, #tpu.memory_space<vmem>>, vector<16xi32>,
    %add3A_262 = arith.addi %add3A_257, %get3A_261 : vector<16xi32>
    %get3A_263 = arith.constant 0 : i32
    %get3A_264 = arith.index_cast %get3A_263 : i32 to index
    %get3A_265 = arith.constant 48 : index
    %get3A_266 = tpu.vector_load %arg7[%get3A_264, %get3A_265] {strides = array<i32>} : memref<16x64xi32, #tpu.memory_space<vmem>>, vector<16xi32>,
    %get3A_267 = arith.constant 1 : i32
    %get3A_268 = arith.index_cast %get3A_267 : i32 to index
    %get3A_269 = arith.constant 48 : index
    %get3A_270 = tpu.vector_load %arg7[%get3A_268, %get3A_269] {strides = array<i32>} : memref<16x64xi32, #tpu.memory_space<vmem>>, vector<16xi32>,
    %add3A_271 = arith.addi %get3A_266, %get3A_270 : vector<16xi32>
    %get3A_272 = arith.constant 2 : i32
    %get3A_273 = arith.index_cast %get3A_272 : i32 to index
    %get3A_274 = arith.constant 48 : index
    %get3A_275 = tpu.vector_load %arg7[%get3A_273, %get3A_274] {strides = array<i32>} : memref<16x64xi32, #tpu.memory_space<vmem>>, vector<16xi32>,
    %add3A_276 = arith.addi %add3A_271, %get3A_275 : vector<16xi32>
    %get3A_277 = arith.constant 3 : i32
    %get3A_278 = arith.index_cast %get3A_277 : i32 to index
    %get3A_279 = arith.constant 48 : index
    %get3A_280 = tpu.vector_load %arg7[%get3A_278, %get3A_279] {strides = array<i32>} : memref<16x64xi32, #tpu.memory_space<vmem>>, vector<16xi32>,
    %add3A_281 = arith.addi %add3A_276, %get3A_280 : vector<16xi32>
    %get3A_282 = arith.constant 4 : i32
    %get3A_283 = arith.index_cast %get3A_282 : i32 to index
    %get3A_284 = arith.constant 48 : index
    %get3A_285 = tpu.vector_load %arg7[%get3A_283, %get3A_284] {strides = array<i32>} : memref<16x64xi32, #tpu.memory_space<vmem>>, vector<16xi32>,
    %add3A_286 = arith.addi %add3A_281, %get3A_285 : vector<16xi32>
    %get3A_287 = arith.constant 5 : i32
    %get3A_288 = arith.index_cast %get3A_287 : i32 to index
    %get3A_289 = arith.constant 48 : index
    %get3A_290 = tpu.vector_load %arg7[%get3A_288, %get3A_289] {strides = array<i32>} : memref<16x64xi32, #tpu.memory_space<vmem>>, vector<16xi32>,
    %add3A_291 = arith.addi %add3A_286, %get3A_290 : vector<16xi32>
    %get3A_292 = arith.constant 6 : i32
    %get3A_293 = arith.index_cast %get3A_292 : i32 to index
    %get3A_294 = arith.constant 48 : index
    %get3A_295 = tpu.vector_load %arg7[%get3A_293, %get3A_294] {strides = array<i32>} : memref<16x64xi32, #tpu.memory_space<vmem>>, vector<16xi32>,
    %add3A_296 = arith.addi %add3A_291, %get3A_295 : vector<16xi32>
    %get3A_297 = arith.constant 7 : i32
    %get3A_298 = arith.index_cast %get3A_297 : i32 to index
    %get3A_299 = arith.constant 48 : index
    %get3A_300 = tpu.vector_load %arg7[%get3A_298, %get3A_299] {strides = array<i32>} : memref<16x64xi32, #tpu.memory_space<vmem>>, vector<16xi32>,
    %add3A_301 = arith.addi %add3A_296, %get3A_300 : vector<16xi32>
    %get3A_302 = arith.constant 8 : i32
    %get3A_303 = arith.index_cast %get3A_302 : i32 to index
    %get3A_304 = arith.constant 48 : index
    %get3A_305 = tpu.vector_load %arg7[%get3A_303, %get3A_304] {strides = array<i32>} : memref<16x64xi32, #tpu.memory_space<vmem>>, vector<16xi32>,
    %add3A_306 = arith.addi %add3A_301, %get3A_305 : vector<16xi32>
    %get3A_307 = arith.constant 9 : i32
    %get3A_308 = arith.index_cast %get3A_307 : i32 to index
    %get3A_309 = arith.constant 48 : index
    %get3A_310 = tpu.vector_load %arg7[%get3A_308, %get3A_309] {strides = array<i32>} : memref<16x64xi32, #tpu.memory_space<vmem>>, vector<16xi32>,
    %add3A_311 = arith.addi %add3A_306, %get3A_310 : vector<16xi32>
    %get3A_312 = arith.constant 10 : i32
    %get3A_313 = arith.index_cast %get3A_312 : i32 to index
    %get3A_314 = arith.constant 48 : index
    %get3A_315 = tpu.vector_load %arg7[%get3A_313, %get3A_314] {strides = array<i32>} : memref<16x64xi32, #tpu.memory_space<vmem>>, vector<16xi32>,
    %add3A_316 = arith.addi %add3A_311, %get3A_315 : vector<16xi32>
    %get3A_317 = arith.constant 11 : i32
    %get3A_318 = arith.index_cast %get3A_317 : i32 to index
    %get3A_319 = arith.constant 48 : index
    %get3A_320 = tpu.vector_load %arg7[%get3A_318, %get3A_319] {strides = array<i32>} : memref<16x64xi32, #tpu.memory_space<vmem>>, vector<16xi32>,
    %add3A_321 = arith.addi %add3A_316, %get3A_320 : vector<16xi32>
    %get3A_322 = arith.constant 12 : i32
    %get3A_323 = arith.index_cast %get3A_322 : i32 to index
    %get3A_324 = arith.constant 48 : index
    %get3A_325 = tpu.vector_load %arg7[%get3A_323, %get3A_324] {strides = array<i32>} : memref<16x64xi32, #tpu.memory_space<vmem>>, vector<16xi32>,
    %add3A_326 = arith.addi %add3A_321, %get3A_325 : vector<16xi32>
    %get3A_327 = arith.constant 13 : i32
    %get3A_328 = arith.index_cast %get3A_327 : i32 to index
    %get3A_329 = arith.constant 48 : index
    %get3A_330 = tpu.vector_load %arg7[%get3A_328, %get3A_329] {strides = array<i32>} : memref<16x64xi32, #tpu.memory_space<vmem>>, vector<16xi32>,
    %add3A_331 = arith.addi %add3A_326, %get3A_330 : vector<16xi32>
    %get3A_332 = arith.constant 14 : i32
    %get3A_333 = arith.index_cast %get3A_332 : i32 to index
    %get3A_334 = arith.constant 48 : index
    %get3A_335 = tpu.vector_load %arg7[%get3A_333, %get3A_334] {strides = array<i32>} : memref<16x64xi32, #tpu.memory_space<vmem>>, vector<16xi32>,
    %add3A_336 = arith.addi %add3A_331, %get3A_335 : vector<16xi32>
    %get3A_337 = arith.constant 15 : i32
    %get3A_338 = arith.index_cast %get3A_337 : i32 to index
    %get3A_339 = arith.constant 48 : index
    %get3A_340 = tpu.vector_load %arg7[%get3A_338, %get3A_339] {strides = array<i32>} : memref<16x64xi32, #tpu.memory_space<vmem>>, vector<16xi32>,
    %add3A_341 = arith.addi %add3A_336, %get3A_340 : vector<16xi32>
    %broadcast_in_dim3A_342 = arith.constant 0xFF800000 : f32
    %broadcast_in_dim3A_343 = vector.broadcast %broadcast_in_dim3A_342 : f32 to vector<16xf32>
    %broadcast_in_dim3A_344 = arith.constant 0.000000e+00 : f32
    %broadcast_in_dim3A_345 = vector.broadcast %broadcast_in_dim3A_344 : f32 to vector<16xf32>
    %mul3A_346 = arith.constant 2 : i32
    %mul3A_347 = arith.muli %add3A, %mul3A_346 : i32
    %add3A_348 = arith.constant 0 : i32
    %add3A_349 = arith.addi %mul3A_347, %add3A_348 : i32
    %add3A_350 = arith.constant 0 : i32
    %add3A_351 = vector.broadcast %add3A_350 : i32 to vector<16xi32>
    %add3A_352 = arith.addi %iota3A, %add3A_351 : vector<16xi32>
    %lt3A = vector.broadcast %add3A_349 : i32 to vector<16xi32>
    %lt3A_353 = arith.cmpi slt, %add3A_352, %lt3A : vector<16xi32>
    %select_n3A = arith.select %lt3A_353, %add3A_104, %broadcast_in_dim3A_3 : vector<16xi1>, vector<16xi32>
    %reduce_sum3A = arith.constant true
    %reduce_sum3A_354 = vector.broadcast %reduce_sum3A : i1 to vector<16xi1>
    %reduce_sum3A_355 = tpu.scan <sum>, %select_n3A masked %reduce_sum3A_354 : vector<16xi32>, vector<16xi1> -> vector<16xi32>
    %reduce_sum3A_356 = vector.extract %reduce_sum3A_355[15] : i32 from vector<16xi32>
    %add3A_357 = arith.constant 0 : i32
    %add3A_358 = arith.addi %add3A_357, %reduce_sum3A_356 : i32
    %eq3A = vector.broadcast %add3A_349 : i32 to vector<16xi32>
    %eq3A_359 = arith.cmpi eq, %add3A_352, %eq3A : vector<16xi32>
    %select_n3A_360 = arith.select %eq3A_359, %add3A_104, %broadcast_in_dim3A_3 : vector<16xi1>, vector<16xi32>
    %reduce_sum3A_361 = arith.constant true
    %reduce_sum3A_362 = vector.broadcast %reduce_sum3A_361 : i1 to vector<16xi1>
    %reduce_sum3A_363 = tpu.scan <sum>, %select_n3A_360 masked %reduce_sum3A_362 : vector<16xi32>, vector<16xi1> -> vector<16xi32>
    %reduce_sum3A_364 = vector.extract %reduce_sum3A_363[15] : i32 from vector<16xi32>
    %add3A_365 = arith.constant 0 : i32
    %add3A_366 = arith.addi %add3A_365, %reduce_sum3A_364 : i32
    %add3A_367 = arith.constant 16 : i32
    %add3A_368 = vector.broadcast %add3A_367 : i32 to vector<16xi32>
    %add3A_369 = arith.addi %iota3A, %add3A_368 : vector<16xi32>
    %lt3A_370 = vector.broadcast %add3A_349 : i32 to vector<16xi32>
    %lt3A_371 = arith.cmpi slt, %add3A_369, %lt3A_370 : vector<16xi32>
    %select_n3A_372 = arith.select %lt3A_371, %add3A_183, %broadcast_in_dim3A_3 : vector<16xi1>, vector<16xi32>
    %reduce_sum3A_373 = arith.constant true
    %reduce_sum3A_374 = vector.broadcast %reduce_sum3A_373 : i1 to vector<16xi1>
    %reduce_sum3A_375 = tpu.scan <sum>, %select_n3A_372 masked %reduce_sum3A_374 : vector<16xi32>, vector<16xi1> -> vector<16xi32>
    %reduce_sum3A_376 = vector.extract %reduce_sum3A_375[15] : i32 from vector<16xi32>
    %add3A_377 = arith.addi %add3A_358, %reduce_sum3A_376 : i32
    %eq3A_378 = vector.broadcast %add3A_349 : i32 to vector<16xi32>
    %eq3A_379 = arith.cmpi eq, %add3A_369, %eq3A_378 : vector<16xi32>
    %select_n3A_380 = arith.select %eq3A_379, %add3A_183, %broadcast_in_dim3A_3 : vector<16xi1>, vector<16xi32>
    %reduce_sum3A_381 = arith.constant true
    %reduce_sum3A_382 = vector.broadcast %reduce_sum3A_381 : i1 to vector<16xi1>
    %reduce_sum3A_383 = tpu.scan <sum>, %select_n3A_380 masked %reduce_sum3A_382 : vector<16xi32>, vector<16xi1> -> vector<16xi32>
    %reduce_sum3A_384 = vector.extract %reduce_sum3A_383[15] : i32 from vector<16xi32>
    %add3A_385 = arith.addi %add3A_366, %reduce_sum3A_384 : i32
    %add3A_386 = arith.constant 32 : i32
    %add3A_387 = vector.broadcast %add3A_386 : i32 to vector<16xi32>
    %add3A_388 = arith.addi %iota3A, %add3A_387 : vector<16xi32>
    %lt3A_389 = vector.broadcast %add3A_349 : i32 to vector<16xi32>
    %lt3A_390 = arith.cmpi slt, %add3A_388, %lt3A_389 : vector<16xi32>
    %select_n3A_391 = arith.select %lt3A_390, %add3A_262, %broadcast_in_dim3A_3 : vector<16xi1>, vector<16xi32>
    %reduce_sum3A_392 = arith.constant true
    %reduce_sum3A_393 = vector.broadcast %reduce_sum3A_392 : i1 to vector<16xi1>
    %reduce_sum3A_394 = tpu.scan <sum>, %select_n3A_391 masked %reduce_sum3A_393 : vector<16xi32>, vector<16xi1> -> vector<16xi32>
    %reduce_sum3A_395 = vector.extract %reduce_sum3A_394[15] : i32 from vector<16xi32>
    %add3A_396 = arith.addi %add3A_377, %reduce_sum3A_395 : i32
    %eq3A_397 = vector.broadcast %add3A_349 : i32 to vector<16xi32>
    %eq3A_398 = arith.cmpi eq, %add3A_388, %eq3A_397 : vector<16xi32>
    %select_n3A_399 = arith.select %eq3A_398, %add3A_262, %broadcast_in_dim3A_3 : vector<16xi1>, vector<16xi32>
    %reduce_sum3A_400 = arith.constant true
    %reduce_sum3A_401 = vector.broadcast %reduce_sum3A_400 : i1 to vector<16xi1>
    %reduce_sum3A_402 = tpu.scan <sum>, %select_n3A_399 masked %reduce_sum3A_401 : vector<16xi32>, vector<16xi1> -> vector<16xi32>
    %reduce_sum3A_403 = vector.extract %reduce_sum3A_402[15] : i32 from vector<16xi32>
    %add3A_404 = arith.addi %add3A_385, %reduce_sum3A_403 : i32
    %add3A_405 = arith.constant 48 : i32
    %add3A_406 = vector.broadcast %add3A_405 : i32 to vector<16xi32>
    %add3A_407 = arith.addi %iota3A, %add3A_406 : vector<16xi32>
    %lt3A_408 = vector.broadcast %add3A_349 : i32 to vector<16xi32>
    %lt3A_409 = arith.cmpi slt, %add3A_407, %lt3A_408 : vector<16xi32>
    %select_n3A_410 = arith.select %lt3A_409, %add3A_341, %broadcast_in_dim3A_3 : vector<16xi1>, vector<16xi32>
    %reduce_sum3A_411 = arith.constant true
    %reduce_sum3A_412 = vector.broadcast %reduce_sum3A_411 : i1 to vector<16xi1>
    %reduce_sum3A_413 = tpu.scan <sum>, %select_n3A_410 masked %reduce_sum3A_412 : vector<16xi32>, vector<16xi1> -> vector<16xi32>
    %reduce_sum3A_414 = vector.extract %reduce_sum3A_413[15] : i32 from vector<16xi32>
    %add3A_415 = arith.addi %add3A_396, %reduce_sum3A_414 : i32
    %eq3A_416 = vector.broadcast %add3A_349 : i32 to vector<16xi32>
    %eq3A_417 = arith.cmpi eq, %add3A_407, %eq3A_416 : vector<16xi32>
    %select_n3A_418 = arith.select %eq3A_417, %add3A_341, %broadcast_in_dim3A_3 : vector<16xi1>, vector<16xi32>
    %reduce_sum3A_419 = arith.constant true
    %reduce_sum3A_420 = vector.broadcast %reduce_sum3A_419 : i1 to vector<16xi1>
    %reduce_sum3A_421 = tpu.scan <sum>, %select_n3A_418 masked %reduce_sum3A_420 : vector<16xi32>, vector<16xi1> -> vector<16xi32>
    %reduce_sum3A_422 = vector.extract %reduce_sum3A_421[15] : i32 from vector<16xi32>
    %add3A_423 = arith.addi %add3A_404, %reduce_sum3A_422 : i32
    %mul3A_424 = arith.constant 2 : i32
    %mul3A_425 = arith.muli %add3A, %mul3A_424 : i32
    %add3A_426 = arith.constant 1 : i32
    %add3A_427 = arith.addi %mul3A_425, %add3A_426 : i32
    %add3A_428 = arith.constant 0 : i32
    %add3A_429 = vector.broadcast %add3A_428 : i32 to vector<16xi32>
    %add3A_430 = arith.addi %iota3A, %add3A_429 : vector<16xi32>
    %lt3A_431 = vector.broadcast %add3A_427 : i32 to vector<16xi32>
    %lt3A_432 = arith.cmpi slt, %add3A_430, %lt3A_431 : vector<16xi32>
    %select_n3A_433 = arith.select %lt3A_432, %add3A_104, %broadcast_in_dim3A_3 : vector<16xi1>, vector<16xi32>
    %reduce_sum3A_434 = arith.constant true
    %reduce_sum3A_435 = vector.broadcast %reduce_sum3A_434 : i1 to vector<16xi1>
    %reduce_sum3A_436 = tpu.scan <sum>, %select_n3A_433 masked %reduce_sum3A_435 : vector<16xi32>, vector<16xi1> -> vector<16xi32>
    %reduce_sum3A_437 = vector.extract %reduce_sum3A_436[15] : i32 from vector<16xi32>
    %add3A_438 = arith.constant 0 : i32
    %add3A_439 = arith.addi %add3A_438, %reduce_sum3A_437 : i32
    %eq3A_440 = vector.broadcast %add3A_427 : i32 to vector<16xi32>
    %eq3A_441 = arith.cmpi eq, %add3A_430, %eq3A_440 : vector<16xi32>
    %select_n3A_442 = arith.select %eq3A_441, %add3A_104, %broadcast_in_dim3A_3 : vector<16xi1>, vector<16xi32>
    %reduce_sum3A_443 = arith.constant true
    %reduce_sum3A_444 = vector.broadcast %reduce_sum3A_443 : i1 to vector<16xi1>
    %reduce_sum3A_445 = tpu.scan <sum>, %select_n3A_442 masked %reduce_sum3A_444 : vector<16xi32>, vector<16xi1> -> vector<16xi32>
    %reduce_sum3A_446 = vector.extract %reduce_sum3A_445[15] : i32 from vector<16xi32>
    %add3A_447 = arith.constant 0 : i32
    %add3A_448 = arith.addi %add3A_447, %reduce_sum3A_446 : i32
    %add3A_449 = arith.constant 16 : i32
    %add3A_450 = vector.broadcast %add3A_449 : i32 to vector<16xi32>
    %add3A_451 = arith.addi %iota3A, %add3A_450 : vector<16xi32>
    %lt3A_452 = vector.broadcast %add3A_427 : i32 to vector<16xi32>
    %lt3A_453 = arith.cmpi slt, %add3A_451, %lt3A_452 : vector<16xi32>
    %select_n3A_454 = arith.select %lt3A_453, %add3A_183, %broadcast_in_dim3A_3 : vector<16xi1>, vector<16xi32>
    %reduce_sum3A_455 = arith.constant true
    %reduce_sum3A_456 = vector.broadcast %reduce_sum3A_455 : i1 to vector<16xi1>
    %reduce_sum3A_457 = tpu.scan <sum>, %select_n3A_454 masked %reduce_sum3A_456 : vector<16xi32>, vector<16xi1> -> vector<16xi32>
    %reduce_sum3A_458 = vector.extract %reduce_sum3A_457[15] : i32 from vector<16xi32>
    %add3A_459 = arith.addi %add3A_439, %reduce_sum3A_458 : i32
    %eq3A_460 = vector.broadcast %add3A_427 : i32 to vector<16xi32>
    %eq3A_461 = arith.cmpi eq, %add3A_451, %eq3A_460 : vector<16xi32>
    %select_n3A_462 = arith.select %eq3A_461, %add3A_183, %broadcast_in_dim3A_3 : vector<16xi1>, vector<16xi32>
    %reduce_sum3A_463 = arith.constant true
    %reduce_sum3A_464 = vector.broadcast %reduce_sum3A_463 : i1 to vector<16xi1>
    %reduce_sum3A_465 = tpu.scan <sum>, %select_n3A_462 masked %reduce_sum3A_464 : vector<16xi32>, vector<16xi1> -> vector<16xi32>
    %reduce_sum3A_466 = vector.extract %reduce_sum3A_465[15] : i32 from vector<16xi32>
    %add3A_467 = arith.addi %add3A_448, %reduce_sum3A_466 : i32
    %add3A_468 = arith.constant 32 : i32
    %add3A_469 = vector.broadcast %add3A_468 : i32 to vector<16xi32>
    %add3A_470 = arith.addi %iota3A, %add3A_469 : vector<16xi32>
    %lt3A_471 = vector.broadcast %add3A_427 : i32 to vector<16xi32>
    %lt3A_472 = arith.cmpi slt, %add3A_470, %lt3A_471 : vector<16xi32>
    %select_n3A_473 = arith.select %lt3A_472, %add3A_262, %broadcast_in_dim3A_3 : vector<16xi1>, vector<16xi32>
    %reduce_sum3A_474 = arith.constant true
    %reduce_sum3A_475 = vector.broadcast %reduce_sum3A_474 : i1 to vector<16xi1>
    %reduce_sum3A_476 = tpu.scan <sum>, %select_n3A_473 masked %reduce_sum3A_475 : vector<16xi32>, vector<16xi1> -> vector<16xi32>
    %reduce_sum3A_477 = vector.extract %reduce_sum3A_476[15] : i32 from vector<16xi32>
    %add3A_478 = arith.addi %add3A_459, %reduce_sum3A_477 : i32
    %eq3A_479 = vector.broadcast %add3A_427 : i32 to vector<16xi32>
    %eq3A_480 = arith.cmpi eq, %add3A_470, %eq3A_479 : vector<16xi32>
    %select_n3A_481 = arith.select %eq3A_480, %add3A_262, %broadcast_in_dim3A_3 : vector<16xi1>, vector<16xi32>
    %reduce_sum3A_482 = arith.constant true
    %reduce_sum3A_483 = vector.broadcast %reduce_sum3A_482 : i1 to vector<16xi1>
    %reduce_sum3A_484 = tpu.scan <sum>, %select_n3A_481 masked %reduce_sum3A_483 : vector<16xi32>, vector<16xi1> -> vector<16xi32>
    %reduce_sum3A_485 = vector.extract %reduce_sum3A_484[15] : i32 from vector<16xi32>
    %add3A_486 = arith.addi %add3A_467, %reduce_sum3A_485 : i32
    %add3A_487 = arith.constant 48 : i32
    %add3A_488 = vector.broadcast %add3A_487 : i32 to vector<16xi32>
    %add3A_489 = arith.addi %iota3A, %add3A_488 : vector<16xi32>
    %lt3A_490 = vector.broadcast %add3A_427 : i32 to vector<16xi32>
    %lt3A_491 = arith.cmpi slt, %add3A_489, %lt3A_490 : vector<16xi32>
    %select_n3A_492 = arith.select %lt3A_491, %add3A_341, %broadcast_in_dim3A_3 : vector<16xi1>, vector<16xi32>
    %reduce_sum3A_493 = arith.constant true
    %reduce_sum3A_494 = vector.broadcast %reduce_sum3A_493 : i1 to vector<16xi1>
    %reduce_sum3A_495 = tpu.scan <sum>, %select_n3A_492 masked %reduce_sum3A_494 : vector<16xi32>, vector<16xi1> -> vector<16xi32>
    %reduce_sum3A_496 = vector.extract %reduce_sum3A_495[15] : i32 from vector<16xi32>
    %add3A_497 = arith.addi %add3A_478, %reduce_sum3A_496 : i32
    %eq3A_498 = vector.broadcast %add3A_427 : i32 to vector<16xi32>
    %eq3A_499 = arith.cmpi eq, %add3A_489, %eq3A_498 : vector<16xi32>
    %select_n3A_500 = arith.select %eq3A_499, %add3A_341, %broadcast_in_dim3A_3 : vector<16xi1>, vector<16xi32>
    %reduce_sum3A_501 = arith.constant true
    %reduce_sum3A_502 = vector.broadcast %reduce_sum3A_501 : i1 to vector<16xi1>
    %reduce_sum3A_503 = tpu.scan <sum>, %select_n3A_500 masked %reduce_sum3A_502 : vector<16xi32>, vector<16xi1> -> vector<16xi32>
    %reduce_sum3A_504 = vector.extract %reduce_sum3A_503[15] : i32 from vector<16xi32>
    %add3A_505 = arith.addi %add3A_486, %reduce_sum3A_504 : i32
    %jit3A = arith.constant 128 : i32
    %div3A = arith.divsi %add3A_423, %jit3A : i32
    %sign3A = arith.constant 0 : i32
    %sign3A_506 = arith.cmpi sgt, %add3A_423, %sign3A : i32
    %sign3A_507 = arith.extui %sign3A_506 : i1 to i32
    %sign3A_508 = arith.constant 0 : i32
    %sign3A_509 = arith.cmpi slt, %add3A_423, %sign3A_508 : i32
    %sign3A_510 = arith.extui %sign3A_509 : i1 to i32
    %sign3A_511 = arith.subi %sign3A_507, %sign3A_510 : i32
    %sign3A_512 = arith.constant 0 : i32
    %sign3A_513 = arith.cmpi sgt, %jit3A, %sign3A_512 : i32
    %sign3A_514 = arith.extui %sign3A_513 : i1 to i32
    %sign3A_515 = arith.constant 0 : i32
    %sign3A_516 = arith.cmpi slt, %jit3A, %sign3A_515 : i32
    %sign3A_517 = arith.extui %sign3A_516 : i1 to i32
    %sign3A_518 = arith.subi %sign3A_514, %sign3A_517 : i32
    %ne3A = arith.cmpi ne, %sign3A_511, %sign3A_518 : i32
    %rem3A = arith.remsi %add3A_423, %jit3A : i32
    %ne3A_519 = arith.constant 0 : i32
    %ne3A_520 = arith.cmpi ne, %rem3A, %ne3A_519 : i32
    %and3A = arith.andi %ne3A, %ne3A_520 : i1
    %sub3A = arith.constant 1 : i32
    %sub3A_521 = arith.subi %div3A, %sub3A : i32
    %select_n3A_522 = arith.select %and3A, %sub3A_521, %div3A : i32
    %jit3A_523 = arith.constant 128 : i32
    %div3A_524 = arith.divsi %add3A_505, %jit3A_523 : i32
    %sign3A_525 = arith.constant 0 : i32
    %sign3A_526 = arith.cmpi sgt, %add3A_505, %sign3A_525 : i32
    %sign3A_527 = arith.extui %sign3A_526 : i1 to i32
    %sign3A_528 = arith.constant 0 : i32
    %sign3A_529 = arith.cmpi slt, %add3A_505, %sign3A_528 : i32
    %sign3A_530 = arith.extui %sign3A_529 : i1 to i32
    %sign3A_531 = arith.subi %sign3A_527, %sign3A_530 : i32
    %sign3A_532 = arith.constant 0 : i32
    %sign3A_533 = arith.cmpi sgt, %jit3A_523, %sign3A_532 : i32
    %sign3A_534 = arith.extui %sign3A_533 : i1 to i32
    %sign3A_535 = arith.constant 0 : i32
    %sign3A_536 = arith.cmpi slt, %jit3A_523, %sign3A_535 : i32
    %sign3A_537 = arith.extui %sign3A_536 : i1 to i32
    %sign3A_538 = arith.subi %sign3A_534, %sign3A_537 : i32
    %ne3A_539 = arith.cmpi ne, %sign3A_531, %sign3A_538 : i32
    %rem3A_540 = arith.remsi %add3A_505, %jit3A_523 : i32
    %ne3A_541 = arith.constant 0 : i32
    %ne3A_542 = arith.cmpi ne, %rem3A_540, %ne3A_541 : i32
    %and3A_543 = arith.andi %ne3A_539, %ne3A_542 : i1
    %sub3A_544 = arith.constant 1 : i32
    %sub3A_545 = arith.subi %div3A_524, %sub3A_544 : i32
    %select_n3A_546 = arith.select %and3A_543, %sub3A_545, %div3A_524 : i32
    %mul3A_547 = arith.constant 128 : i32
    %mul3A_548 = arith.muli %select_n3A_522, %mul3A_547 : i32
    %add3A_549 = arith.addi %add3A_415, %mul3A_548 : i32
    %mul3A_550 = arith.constant 128 : i32
    %mul3A_551 = arith.muli %select_n3A_546, %mul3A_550 : i32
    %add3A_552 = arith.addi %add3A_497, %mul3A_551 : i32
    %mul3A_553 = arith.constant 128 : i32
    %mul3A_554 = arith.muli %select_n3A_522, %mul3A_553 : i32
    %sub3A_555 = arith.subi %add3A_423, %mul3A_554 : i32
    %mul3A_556 = arith.constant 128 : i32
    %mul3A_557 = arith.muli %select_n3A_546, %mul3A_556 : i32
    %sub3A_558 = arith.subi %add3A_505, %mul3A_557 : i32
    %add3A_559 = arith.constant 64 : i32
    %add3A_560 = arith.addi %sub3A_555, %add3A_559 : i32
    %sub3A_561 = arith.constant 1 : i32
    %sub3A_562 = arith.subi %add3A_560, %sub3A_561 : i32
    %jit3A_563 = arith.constant 64 : i32
    %div3A_564 = arith.divsi %sub3A_562, %jit3A_563 : i32
    %sign3A_565 = arith.constant 0 : i32
    %sign3A_566 = arith.cmpi sgt, %sub3A_562, %sign3A_565 : i32
    %sign3A_567 = arith.extui %sign3A_566 : i1 to i32
    %sign3A_568 = arith.constant 0 : i32
    %sign3A_569 = arith.cmpi slt, %sub3A_562, %sign3A_568 : i32
    %sign3A_570 = arith.extui %sign3A_569 : i1 to i32
    %sign3A_571 = arith.subi %sign3A_567, %sign3A_570 : i32
    %sign3A_572 = arith.constant 0 : i32
    %sign3A_573 = arith.cmpi sgt, %jit3A_563, %sign3A_572 : i32
    %sign3A_574 = arith.extui %sign3A_573 : i1 to i32
    %sign3A_575 = arith.constant 0 : i32
    %sign3A_576 = arith.cmpi slt, %jit3A_563, %sign3A_575 : i32
    %sign3A_577 = arith.extui %sign3A_576 : i1 to i32
    %sign3A_578 = arith.subi %sign3A_574, %sign3A_577 : i32
    %ne3A_579 = arith.cmpi ne, %sign3A_571, %sign3A_578 : i32
    %rem3A_580 = arith.remsi %sub3A_562, %jit3A_563 : i32
    %ne3A_581 = arith.constant 0 : i32
    %ne3A_582 = arith.cmpi ne, %rem3A_580, %ne3A_581 : i32
    %and3A_583 = arith.andi %ne3A_579, %ne3A_582 : i1
    %sub3A_584 = arith.constant 1 : i32
    %sub3A_585 = arith.subi %div3A_564, %sub3A_584 : i32
    %select_n3A_586 = arith.select %and3A_583, %sub3A_585, %div3A_564 : i32
    %add3A_587 = arith.constant 64 : i32
    %add3A_588 = arith.addi %sub3A_558, %add3A_587 : i32
    %sub3A_589 = arith.constant 1 : i32
    %sub3A_590 = arith.subi %add3A_588, %sub3A_589 : i32
    %jit3A_591 = arith.constant 64 : i32
    %div3A_592 = arith.divsi %sub3A_590, %jit3A_591 : i32
    %sign3A_593 = arith.constant 0 : i32
    %sign3A_594 = arith.cmpi sgt, %sub3A_590, %sign3A_593 : i32
    %sign3A_595 = arith.extui %sign3A_594 : i1 to i32
    %sign3A_596 = arith.constant 0 : i32
    %sign3A_597 = arith.cmpi slt, %sub3A_590, %sign3A_596 : i32
    %sign3A_598 = arith.extui %sign3A_597 : i1 to i32
    %sign3A_599 = arith.subi %sign3A_595, %sign3A_598 : i32
    %sign3A_600 = arith.constant 0 : i32
    %sign3A_601 = arith.cmpi sgt, %jit3A_591, %sign3A_600 : i32
    %sign3A_602 = arith.extui %sign3A_601 : i1 to i32
    %sign3A_603 = arith.constant 0 : i32
    %sign3A_604 = arith.cmpi slt, %jit3A_591, %sign3A_603 : i32
    %sign3A_605 = arith.extui %sign3A_604 : i1 to i32
    %sign3A_606 = arith.subi %sign3A_602, %sign3A_605 : i32
    %ne3A_607 = arith.cmpi ne, %sign3A_599, %sign3A_606 : i32
    %rem3A_608 = arith.remsi %sub3A_590, %jit3A_591 : i32
    %ne3A_609 = arith.constant 0 : i32
    %ne3A_610 = arith.cmpi ne, %rem3A_608, %ne3A_609 : i32
    %and3A_611 = arith.andi %ne3A_607, %ne3A_610 : i1
    %sub3A_612 = arith.constant 1 : i32
    %sub3A_613 = arith.subi %div3A_592, %sub3A_612 : i32
    %select_n3A_614 = arith.select %and3A_611, %sub3A_613, %div3A_592 : i32
    %rem3A_615 = arith.constant 2 : i32
    %rem3A_616 = arith.remsi %select_n3A_586, %rem3A_615 : i32
    %rem3A_617 = arith.constant 6 : i32
    %rem3A_618 = arith.remsi %select_n3A_522, %rem3A_617 : i32
    %gt3A = arith.constant 0 : i32
    %gt3A_619 = arith.cmpi sgt, %select_n3A_522, %gt3A : i32
    %convert_element_type3A = arith.extui %gt3A_619 : i1 to i32
    %cond3A = arith.constant 0 : i32
    %cond3A_620 = arith.cmpi ne, %convert_element_type3A, %cond3A : i32
    scf.if %cond3A_620 {
      %add3A_909 = arith.constant 0 : i32
      %add3A_910 = arith.addi %add3A_415, %add3A_909 : i32
      %dma_start3A = arith.constant 0 : i32
      %dma_start3A_911 = arith.constant 0 : i32
      %dma_start3A_912 = arith.constant 0 : i32
      %dma_start3A_913 = arith.constant 0 : i32
      %dma_start3A_914 = tpu.memref_slice %arg8[%dma_start3A, %dma_start3A_912, %dma_start3A_913] : memref<6x128x128xf32, #tpu.memory_space<vmem>> -> memref<1x128x128xf32, #tpu.memory_space<vmem>>
      %dma_start3A_915 = tpu.memref_squeeze %dma_start3A_914 : memref<1x128x128xf32, #tpu.memory_space<vmem>> -> memref<128x128xf32, #tpu.memory_space<vmem>>
      %dma_start3A_916 = arith.constant 0 : i32
      %dma_start3A_917 = tpu.memref_slice %arg2[%add3A_910, %dma_start3A_916] : memref<100000x128xf32, #tpu.memory_space<hbm>> -> memref<128x128xf32, #tpu.memory_space<hbm>>
      %dma_start3A_918 = tpu.memref_slice %arg12[%dma_start3A_911] : memref<6x!tpu.dma_semaphore, #tpu.memory_space<semaphore_mem>> -> memref<1x!tpu.dma_semaphore, #tpu.memory_space<semaphore_mem>>
      %dma_start3A_919 = tpu.memref_squeeze %dma_start3A_918 : memref<1x!tpu.dma_semaphore, #tpu.memory_space<semaphore_mem>> -> memref<!tpu.dma_semaphore, #tpu.memory_space<semaphore_mem>>
      %dma_start3A_920 = arith.constant 0 : i32
      %dma_start3A_921 = arith.constant 0 : i32
      %dma_start3A_922 = tpu.memref_slice %arg8[%dma_start3A, %dma_start3A_920, %dma_start3A_921] : memref<6x128x128xf32, #tpu.memory_space<vmem>> -> memref<1x128x128xf32, #tpu.memory_space<vmem>>
      %dma_start3A_923 = tpu.memref_squeeze %dma_start3A_922 : memref<1x128x128xf32, #tpu.memory_space<vmem>> -> memref<128x128xf32, #tpu.memory_space<vmem>>
      %dma_start3A_924 = arith.constant 0 : i32
      %dma_start3A_925 = tpu.memref_slice %arg2[%add3A_910, %dma_start3A_924] : memref<100000x128xf32, #tpu.memory_space<hbm>> -> memref<128x128xf32, #tpu.memory_space<hbm>>
      tpu.enqueue_dma source(%dma_start3A_925 : memref<128x128xf32, #tpu.memory_space<hbm>>) target(%dma_start3A_923 : memref<128x128xf32, #tpu.memory_space<vmem>>) target_semaphore(%dma_start3A_919 : memref<!tpu.dma_semaphore, #tpu.memory_space<semaphore_mem>>)
    } else {
    }
    %le3A = arith.constant 0 : i32
    %le3A_621 = arith.cmpi sle, %select_n3A_522, %le3A : i32
    %sub3A_622 = arith.constant 0 : i32
    %sub3A_623 = arith.subi %sub3A_622, %select_n3A_522 : i32
    %lt3A_624 = arith.cmpi slt, %sub3A_623, %select_n3A_546 : i32
    %and3A_625 = arith.andi %le3A_621, %lt3A_624 : i1
    %convert_element_type3A_626 = arith.extui %and3A_625 : i1 to i32
    %cond3A_627 = arith.constant 0 : i32
    %cond3A_628 = arith.cmpi ne, %convert_element_type3A_626, %cond3A_627 : i32
    scf.if %cond3A_628 {
      %sub3A_909 = arith.constant 0 : i32
      %sub3A_910 = arith.subi %sub3A_909, %select_n3A_522 : i32
      %mul3A_911 = arith.constant 128 : i32
      %mul3A_912 = arith.muli %sub3A_910, %mul3A_911 : i32
      %add3A_913 = arith.addi %add3A_497, %mul3A_912 : i32
      %dma_start3A = arith.constant 0 : i32
      %dma_start3A_914 = arith.constant 0 : i32
      %dma_start3A_915 = arith.constant 0 : i32
      %dma_start3A_916 = arith.constant 0 : i32
      %dma_start3A_917 = tpu.memref_slice %arg8[%dma_start3A, %dma_start3A_915, %dma_start3A_916] : memref<6x128x128xf32, #tpu.memory_space<vmem>> -> memref<1x128x128xf32, #tpu.memory_space<vmem>>
      %dma_start3A_918 = tpu.memref_squeeze %dma_start3A_917 : memref<1x128x128xf32, #tpu.memory_space<vmem>> -> memref<128x128xf32, #tpu.memory_space<vmem>>
      %dma_start3A_919 = arith.constant 0 : i32
      %dma_start3A_920 = tpu.memref_slice %arg2[%add3A_913, %dma_start3A_919] : memref<100000x128xf32, #tpu.memory_space<hbm>> -> memref<128x128xf32, #tpu.memory_space<hbm>>
      %dma_start3A_921 = tpu.memref_slice %arg12[%dma_start3A_914] : memref<6x!tpu.dma_semaphore, #tpu.memory_space<semaphore_mem>> -> memref<1x!tpu.dma_semaphore, #tpu.memory_space<semaphore_mem>>
      %dma_start3A_922 = tpu.memref_squeeze %dma_start3A_921 : memref<1x!tpu.dma_semaphore, #tpu.memory_space<semaphore_mem>> -> memref<!tpu.dma_semaphore, #tpu.memory_space<semaphore_mem>>
      %dma_start3A_923 = arith.constant 0 : i32
      %dma_start3A_924 = arith.constant 0 : i32
      %dma_start3A_925 = tpu.memref_slice %arg8[%dma_start3A, %dma_start3A_923, %dma_start3A_924] : memref<6x128x128xf32, #tpu.memory_space<vmem>> -> memref<1x128x128xf32, #tpu.memory_space<vmem>>
      %dma_start3A_926 = tpu.memref_squeeze %dma_start3A_925 : memref<1x128x128xf32, #tpu.memory_space<vmem>> -> memref<128x128xf32, #tpu.memory_space<vmem>>
      %dma_start3A_927 = arith.constant 0 : i32
      %dma_start3A_928 = tpu.memref_slice %arg2[%add3A_913, %dma_start3A_927] : memref<100000x128xf32, #tpu.memory_space<hbm>> -> memref<128x128xf32, #tpu.memory_space<hbm>>
      tpu.enqueue_dma source(%dma_start3A_928 : memref<128x128xf32, #tpu.memory_space<hbm>>) target(%dma_start3A_926 : memref<128x128xf32, #tpu.memory_space<vmem>>) target_semaphore(%dma_start3A_922 : memref<!tpu.dma_semaphore, #tpu.memory_space<semaphore_mem>>)
    } else {
    }
    %gt3A_629 = arith.constant 1 : i32
    %gt3A_630 = arith.cmpi sgt, %select_n3A_522, %gt3A_629 : i32
    %convert_element_type3A_631 = arith.extui %gt3A_630 : i1 to i32
    %cond3A_632 = arith.constant 0 : i32
    %cond3A_633 = arith.cmpi ne, %convert_element_type3A_631, %cond3A_632 : i32
    scf.if %cond3A_633 {
      %add3A_909 = arith.constant 128 : i32
      %add3A_910 = arith.addi %add3A_415, %add3A_909 : i32
      %dma_start3A = arith.constant 1 : i32
      %dma_start3A_911 = arith.constant 1 : i32
      %dma_start3A_912 = arith.constant 0 : i32
      %dma_start3A_913 = arith.constant 0 : i32
      %dma_start3A_914 = tpu.memref_slice %arg8[%dma_start3A, %dma_start3A_912, %dma_start3A_913] : memref<6x128x128xf32, #tpu.memory_space<vmem>> -> memref<1x128x128xf32, #tpu.memory_space<vmem>>
      %dma_start3A_915 = tpu.memref_squeeze %dma_start3A_914 : memref<1x128x128xf32, #tpu.memory_space<vmem>> -> memref<128x128xf32, #tpu.memory_space<vmem>>
      %dma_start3A_916 = arith.constant 0 : i32
      %dma_start3A_917 = tpu.memref_slice %arg2[%add3A_910, %dma_start3A_916] : memref<100000x128xf32, #tpu.memory_space<hbm>> -> memref<128x128xf32, #tpu.memory_space<hbm>>
      %dma_start3A_918 = tpu.memref_slice %arg12[%dma_start3A_911] : memref<6x!tpu.dma_semaphore, #tpu.memory_space<semaphore_mem>> -> memref<1x!tpu.dma_semaphore, #tpu.memory_space<semaphore_mem>>
      %dma_start3A_919 = tpu.memref_squeeze %dma_start3A_918 : memref<1x!tpu.dma_semaphore, #tpu.memory_space<semaphore_mem>> -> memref<!tpu.dma_semaphore, #tpu.memory_space<semaphore_mem>>
      %dma_start3A_920 = arith.constant 0 : i32
      %dma_start3A_921 = arith.constant 0 : i32
      %dma_start3A_922 = tpu.memref_slice %arg8[%dma_start3A, %dma_start3A_920, %dma_start3A_921] : memref<6x128x128xf32, #tpu.memory_space<vmem>> -> memref<1x128x128xf32, #tpu.memory_space<vmem>>
      %dma_start3A_923 = tpu.memref_squeeze %dma_start3A_922 : memref<1x128x128xf32, #tpu.memory_space<vmem>> -> memref<128x128xf32, #tpu.memory_space<vmem>>
      %dma_start3A_924 = arith.constant 0 : i32
      %dma_start3A_925 = tpu.memref_slice %arg2[%add3A_910, %dma_start3A_924] : memref<100000x128xf32, #tpu.memory_space<hbm>> -> memref<128x128xf32, #tpu.memory_space<hbm>>
      tpu.enqueue_dma source(%dma_start3A_925 : memref<128x128xf32, #tpu.memory_space<hbm>>) target(%dma_start3A_923 : memref<128x128xf32, #tpu.memory_space<vmem>>) target_semaphore(%dma_start3A_919 : memref<!tpu.dma_semaphore, #tpu.memory_space<semaphore_mem>>)
    } else {
    }
    %le3A_634 = arith.constant 1 : i32
    %le3A_635 = arith.cmpi sle, %select_n3A_522, %le3A_634 : i32
    %sub3A_636 = arith.constant 1 : i32
    %sub3A_637 = arith.subi %sub3A_636, %select_n3A_522 : i32
    %lt3A_638 = arith.cmpi slt, %sub3A_637, %select_n3A_546 : i32
    %and3A_639 = arith.andi %le3A_635, %lt3A_638 : i1
    %convert_element_type3A_640 = arith.extui %and3A_639 : i1 to i32
    %cond3A_641 = arith.constant 0 : i32
    %cond3A_642 = arith.cmpi ne, %convert_element_type3A_640, %cond3A_641 : i32
    scf.if %cond3A_642 {
      %sub3A_909 = arith.constant 1 : i32
      %sub3A_910 = arith.subi %sub3A_909, %select_n3A_522 : i32
      %mul3A_911 = arith.constant 128 : i32
      %mul3A_912 = arith.muli %sub3A_910, %mul3A_911 : i32
      %add3A_913 = arith.addi %add3A_497, %mul3A_912 : i32
      %dma_start3A = arith.constant 1 : i32
      %dma_start3A_914 = arith.constant 1 : i32
      %dma_start3A_915 = arith.constant 0 : i32
      %dma_start3A_916 = arith.constant 0 : i32
      %dma_start3A_917 = tpu.memref_slice %arg8[%dma_start3A, %dma_start3A_915, %dma_start3A_916] : memref<6x128x128xf32, #tpu.memory_space<vmem>> -> memref<1x128x128xf32, #tpu.memory_space<vmem>>
      %dma_start3A_918 = tpu.memref_squeeze %dma_start3A_917 : memref<1x128x128xf32, #tpu.memory_space<vmem>> -> memref<128x128xf32, #tpu.memory_space<vmem>>
      %dma_start3A_919 = arith.constant 0 : i32
      %dma_start3A_920 = tpu.memref_slice %arg2[%add3A_913, %dma_start3A_919] : memref<100000x128xf32, #tpu.memory_space<hbm>> -> memref<128x128xf32, #tpu.memory_space<hbm>>
      %dma_start3A_921 = tpu.memref_slice %arg12[%dma_start3A_914] : memref<6x!tpu.dma_semaphore, #tpu.memory_space<semaphore_mem>> -> memref<1x!tpu.dma_semaphore, #tpu.memory_space<semaphore_mem>>
      %dma_start3A_922 = tpu.memref_squeeze %dma_start3A_921 : memref<1x!tpu.dma_semaphore, #tpu.memory_space<semaphore_mem>> -> memref<!tpu.dma_semaphore, #tpu.memory_space<semaphore_mem>>
      %dma_start3A_923 = arith.constant 0 : i32
      %dma_start3A_924 = arith.constant 0 : i32
      %dma_start3A_925 = tpu.memref_slice %arg8[%dma_start3A, %dma_start3A_923, %dma_start3A_924] : memref<6x128x128xf32, #tpu.memory_space<vmem>> -> memref<1x128x128xf32, #tpu.memory_space<vmem>>
      %dma_start3A_926 = tpu.memref_squeeze %dma_start3A_925 : memref<1x128x128xf32, #tpu.memory_space<vmem>> -> memref<128x128xf32, #tpu.memory_space<vmem>>
      %dma_start3A_927 = arith.constant 0 : i32
      %dma_start3A_928 = tpu.memref_slice %arg2[%add3A_913, %dma_start3A_927] : memref<100000x128xf32, #tpu.memory_space<hbm>> -> memref<128x128xf32, #tpu.memory_space<hbm>>
      tpu.enqueue_dma source(%dma_start3A_928 : memref<128x128xf32, #tpu.memory_space<hbm>>) target(%dma_start3A_926 : memref<128x128xf32, #tpu.memory_space<vmem>>) target_semaphore(%dma_start3A_922 : memref<!tpu.dma_semaphore, #tpu.memory_space<semaphore_mem>>)
    } else {
    }
    %gt3A_643 = arith.constant 2 : i32
    %gt3A_644 = arith.cmpi sgt, %select_n3A_522, %gt3A_643 : i32
    %convert_element_type3A_645 = arith.extui %gt3A_644 : i1 to i32
    %cond3A_646 = arith.constant 0 : i32
    %cond3A_647 = arith.cmpi ne, %convert_element_type3A_645, %cond3A_646 : i32
    scf.if %cond3A_647 {
      %add3A_909 = arith.constant 256 : i32
      %add3A_910 = arith.addi %add3A_415, %add3A_909 : i32
      %dma_start3A = arith.constant 2 : i32
      %dma_start3A_911 = arith.constant 2 : i32
      %dma_start3A_912 = arith.constant 0 : i32
      %dma_start3A_913 = arith.constant 0 : i32
      %dma_start3A_914 = tpu.memref_slice %arg8[%dma_start3A, %dma_start3A_912, %dma_start3A_913] : memref<6x128x128xf32, #tpu.memory_space<vmem>> -> memref<1x128x128xf32, #tpu.memory_space<vmem>>
      %dma_start3A_915 = tpu.memref_squeeze %dma_start3A_914 : memref<1x128x128xf32, #tpu.memory_space<vmem>> -> memref<128x128xf32, #tpu.memory_space<vmem>>
      %dma_start3A_916 = arith.constant 0 : i32
      %dma_start3A_917 = tpu.memref_slice %arg2[%add3A_910, %dma_start3A_916] : memref<100000x128xf32, #tpu.memory_space<hbm>> -> memref<128x128xf32, #tpu.memory_space<hbm>>
      %dma_start3A_918 = tpu.memref_slice %arg12[%dma_start3A_911] : memref<6x!tpu.dma_semaphore, #tpu.memory_space<semaphore_mem>> -> memref<1x!tpu.dma_semaphore, #tpu.memory_space<semaphore_mem>>
      %dma_start3A_919 = tpu.memref_squeeze %dma_start3A_918 : memref<1x!tpu.dma_semaphore, #tpu.memory_space<semaphore_mem>> -> memref<!tpu.dma_semaphore, #tpu.memory_space<semaphore_mem>>
      %dma_start3A_920 = arith.constant 0 : i32
      %dma_start3A_921 = arith.constant 0 : i32
      %dma_start3A_922 = tpu.memref_slice %arg8[%dma_start3A, %dma_start3A_920, %dma_start3A_921] : memref<6x128x128xf32, #tpu.memory_space<vmem>> -> memref<1x128x128xf32, #tpu.memory_space<vmem>>
      %dma_start3A_923 = tpu.memref_squeeze %dma_start3A_922 : memref<1x128x128xf32, #tpu.memory_space<vmem>> -> memref<128x128xf32, #tpu.memory_space<vmem>>
      %dma_start3A_924 = arith.constant 0 : i32
      %dma_start3A_925 = tpu.memref_slice %arg2[%add3A_910, %dma_start3A_924] : memref<100000x128xf32, #tpu.memory_space<hbm>> -> memref<128x128xf32, #tpu.memory_space<hbm>>
      tpu.enqueue_dma source(%dma_start3A_925 : memref<128x128xf32, #tpu.memory_space<hbm>>) target(%dma_start3A_923 : memref<128x128xf32, #tpu.memory_space<vmem>>) target_semaphore(%dma_start3A_919 : memref<!tpu.dma_semaphore, #tpu.memory_space<semaphore_mem>>)
    } else {
    }
    %le3A_648 = arith.constant 2 : i32
    %le3A_649 = arith.cmpi sle, %select_n3A_522, %le3A_648 : i32
    %sub3A_650 = arith.constant 2 : i32
    %sub3A_651 = arith.subi %sub3A_650, %select_n3A_522 : i32
    %lt3A_652 = arith.cmpi slt, %sub3A_651, %select_n3A_546 : i32
    %and3A_653 = arith.andi %le3A_649, %lt3A_652 : i1
    %convert_element_type3A_654 = arith.extui %and3A_653 : i1 to i32
    %cond3A_655 = arith.constant 0 : i32
    %cond3A_656 = arith.cmpi ne, %convert_element_type3A_654, %cond3A_655 : i32
    scf.if %cond3A_656 {
      %sub3A_909 = arith.constant 2 : i32
      %sub3A_910 = arith.subi %sub3A_909, %select_n3A_522 : i32
      %mul3A_911 = arith.constant 128 : i32
      %mul3A_912 = arith.muli %sub3A_910, %mul3A_911 : i32
      %add3A_913 = arith.addi %add3A_497, %mul3A_912 : i32
      %dma_start3A = arith.constant 2 : i32
      %dma_start3A_914 = arith.constant 2 : i32
      %dma_start3A_915 = arith.constant 0 : i32
      %dma_start3A_916 = arith.constant 0 : i32
      %dma_start3A_917 = tpu.memref_slice %arg8[%dma_start3A, %dma_start3A_915, %dma_start3A_916] : memref<6x128x128xf32, #tpu.memory_space<vmem>> -> memref<1x128x128xf32, #tpu.memory_space<vmem>>
      %dma_start3A_918 = tpu.memref_squeeze %dma_start3A_917 : memref<1x128x128xf32, #tpu.memory_space<vmem>> -> memref<128x128xf32, #tpu.memory_space<vmem>>
      %dma_start3A_919 = arith.constant 0 : i32
      %dma_start3A_920 = tpu.memref_slice %arg2[%add3A_913, %dma_start3A_919] : memref<100000x128xf32, #tpu.memory_space<hbm>> -> memref<128x128xf32, #tpu.memory_space<hbm>>
      %dma_start3A_921 = tpu.memref_slice %arg12[%dma_start3A_914] : memref<6x!tpu.dma_semaphore, #tpu.memory_space<semaphore_mem>> -> memref<1x!tpu.dma_semaphore, #tpu.memory_space<semaphore_mem>>
      %dma_start3A_922 = tpu.memref_squeeze %dma_start3A_921 : memref<1x!tpu.dma_semaphore, #tpu.memory_space<semaphore_mem>> -> memref<!tpu.dma_semaphore, #tpu.memory_space<semaphore_mem>>
      %dma_start3A_923 = arith.constant 0 : i32
      %dma_start3A_924 = arith.constant 0 : i32
      %dma_start3A_925 = tpu.memref_slice %arg8[%dma_start3A, %dma_start3A_923, %dma_start3A_924] : memref<6x128x128xf32, #tpu.memory_space<vmem>> -> memref<1x128x128xf32, #tpu.memory_space<vmem>>
      %dma_start3A_926 = tpu.memref_squeeze %dma_start3A_925 : memref<1x128x128xf32, #tpu.memory_space<vmem>> -> memref<128x128xf32, #tpu.memory_space<vmem>>
      %dma_start3A_927 = arith.constant 0 : i32
      %dma_start3A_928 = tpu.memref_slice %arg2[%add3A_913, %dma_start3A_927] : memref<100000x128xf32, #tpu.memory_space<hbm>> -> memref<128x128xf32, #tpu.memory_space<hbm>>
      tpu.enqueue_dma source(%dma_start3A_928 : memref<128x128xf32, #tpu.memory_space<hbm>>) target(%dma_start3A_926 : memref<128x128xf32, #tpu.memory_space<vmem>>) target_semaphore(%dma_start3A_922 : memref<!tpu.dma_semaphore, #tpu.memory_space<semaphore_mem>>)
    } else {
    }
    %gt3A_657 = arith.constant 3 : i32
    %gt3A_658 = arith.cmpi sgt, %select_n3A_522, %gt3A_657 : i32
    %convert_element_type3A_659 = arith.extui %gt3A_658 : i1 to i32
    %cond3A_660 = arith.constant 0 : i32
    %cond3A_661 = arith.cmpi ne, %convert_element_type3A_659, %cond3A_660 : i32
    scf.if %cond3A_661 {
      %add3A_909 = arith.constant 384 : i32
      %add3A_910 = arith.addi %add3A_415, %add3A_909 : i32
      %dma_start3A = arith.constant 3 : i32
      %dma_start3A_911 = arith.constant 3 : i32
      %dma_start3A_912 = arith.constant 0 : i32
      %dma_start3A_913 = arith.constant 0 : i32
      %dma_start3A_914 = tpu.memref_slice %arg8[%dma_start3A, %dma_start3A_912, %dma_start3A_913] : memref<6x128x128xf32, #tpu.memory_space<vmem>> -> memref<1x128x128xf32, #tpu.memory_space<vmem>>
      %dma_start3A_915 = tpu.memref_squeeze %dma_start3A_914 : memref<1x128x128xf32, #tpu.memory_space<vmem>> -> memref<128x128xf32, #tpu.memory_space<vmem>>
      %dma_start3A_916 = arith.constant 0 : i32
      %dma_start3A_917 = tpu.memref_slice %arg2[%add3A_910, %dma_start3A_916] : memref<100000x128xf32, #tpu.memory_space<hbm>> -> memref<128x128xf32, #tpu.memory_space<hbm>>
      %dma_start3A_918 = tpu.memref_slice %arg12[%dma_start3A_911] : memref<6x!tpu.dma_semaphore, #tpu.memory_space<semaphore_mem>> -> memref<1x!tpu.dma_semaphore, #tpu.memory_space<semaphore_mem>>
      %dma_start3A_919 = tpu.memref_squeeze %dma_start3A_918 : memref<1x!tpu.dma_semaphore, #tpu.memory_space<semaphore_mem>> -> memref<!tpu.dma_semaphore, #tpu.memory_space<semaphore_mem>>
      %dma_start3A_920 = arith.constant 0 : i32
      %dma_start3A_921 = arith.constant 0 : i32
      %dma_start3A_922 = tpu.memref_slice %arg8[%dma_start3A, %dma_start3A_920, %dma_start3A_921] : memref<6x128x128xf32, #tpu.memory_space<vmem>> -> memref<1x128x128xf32, #tpu.memory_space<vmem>>
      %dma_start3A_923 = tpu.memref_squeeze %dma_start3A_922 : memref<1x128x128xf32, #tpu.memory_space<vmem>> -> memref<128x128xf32, #tpu.memory_space<vmem>>
      %dma_start3A_924 = arith.constant 0 : i32
      %dma_start3A_925 = tpu.memref_slice %arg2[%add3A_910, %dma_start3A_924] : memref<100000x128xf32, #tpu.memory_space<hbm>> -> memref<128x128xf32, #tpu.memory_space<hbm>>
      tpu.enqueue_dma source(%dma_start3A_925 : memref<128x128xf32, #tpu.memory_space<hbm>>) target(%dma_start3A_923 : memref<128x128xf32, #tpu.memory_space<vmem>>) target_semaphore(%dma_start3A_919 : memref<!tpu.dma_semaphore, #tpu.memory_space<semaphore_mem>>)
    } else {
    }
    %le3A_662 = arith.constant 3 : i32
    %le3A_663 = arith.cmpi sle, %select_n3A_522, %le3A_662 : i32
    %sub3A_664 = arith.constant 3 : i32
    %sub3A_665 = arith.subi %sub3A_664, %select_n3A_522 : i32
    %lt3A_666 = arith.cmpi slt, %sub3A_665, %select_n3A_546 : i32
    %and3A_667 = arith.andi %le3A_663, %lt3A_666 : i1
    %convert_element_type3A_668 = arith.extui %and3A_667 : i1 to i32
    %cond3A_669 = arith.constant 0 : i32
    %cond3A_670 = arith.cmpi ne, %convert_element_type3A_668, %cond3A_669 : i32
    scf.if %cond3A_670 {
      %sub3A_909 = arith.constant 3 : i32
      %sub3A_910 = arith.subi %sub3A_909, %select_n3A_522 : i32
      %mul3A_911 = arith.constant 128 : i32
      %mul3A_912 = arith.muli %sub3A_910, %mul3A_911 : i32
      %add3A_913 = arith.addi %add3A_497, %mul3A_912 : i32
      %dma_start3A = arith.constant 3 : i32
      %dma_start3A_914 = arith.constant 3 : i32
      %dma_start3A_915 = arith.constant 0 : i32
      %dma_start3A_916 = arith.constant 0 : i32
      %dma_start3A_917 = tpu.memref_slice %arg8[%dma_start3A, %dma_start3A_915, %dma_start3A_916] : memref<6x128x128xf32, #tpu.memory_space<vmem>> -> memref<1x128x128xf32, #tpu.memory_space<vmem>>
      %dma_start3A_918 = tpu.memref_squeeze %dma_start3A_917 : memref<1x128x128xf32, #tpu.memory_space<vmem>> -> memref<128x128xf32, #tpu.memory_space<vmem>>
      %dma_start3A_919 = arith.constant 0 : i32
      %dma_start3A_920 = tpu.memref_slice %arg2[%add3A_913, %dma_start3A_919] : memref<100000x128xf32, #tpu.memory_space<hbm>> -> memref<128x128xf32, #tpu.memory_space<hbm>>
      %dma_start3A_921 = tpu.memref_slice %arg12[%dma_start3A_914] : memref<6x!tpu.dma_semaphore, #tpu.memory_space<semaphore_mem>> -> memref<1x!tpu.dma_semaphore, #tpu.memory_space<semaphore_mem>>
      %dma_start3A_922 = tpu.memref_squeeze %dma_start3A_921 : memref<1x!tpu.dma_semaphore, #tpu.memory_space<semaphore_mem>> -> memref<!tpu.dma_semaphore, #tpu.memory_space<semaphore_mem>>
      %dma_start3A_923 = arith.constant 0 : i32
      %dma_start3A_924 = arith.constant 0 : i32
      %dma_start3A_925 = tpu.memref_slice %arg8[%dma_start3A, %dma_start3A_923, %dma_start3A_924] : memref<6x128x128xf32, #tpu.memory_space<vmem>> -> memref<1x128x128xf32, #tpu.memory_space<vmem>>
      %dma_start3A_926 = tpu.memref_squeeze %dma_start3A_925 : memref<1x128x128xf32, #tpu.memory_space<vmem>> -> memref<128x128xf32, #tpu.memory_space<vmem>>
      %dma_start3A_927 = arith.constant 0 : i32
      %dma_start3A_928 = tpu.memref_slice %arg2[%add3A_913, %dma_start3A_927] : memref<100000x128xf32, #tpu.memory_space<hbm>> -> memref<128x128xf32, #tpu.memory_space<hbm>>
      tpu.enqueue_dma source(%dma_start3A_928 : memref<128x128xf32, #tpu.memory_space<hbm>>) target(%dma_start3A_926 : memref<128x128xf32, #tpu.memory_space<vmem>>) target_semaphore(%dma_start3A_922 : memref<!tpu.dma_semaphore, #tpu.memory_space<semaphore_mem>>)
    } else {
    }
    %gt3A_671 = arith.constant 4 : i32
    %gt3A_672 = arith.cmpi sgt, %select_n3A_522, %gt3A_671 : i32
    %convert_element_type3A_673 = arith.extui %gt3A_672 : i1 to i32
    %cond3A_674 = arith.constant 0 : i32
    %cond3A_675 = arith.cmpi ne, %convert_element_type3A_673, %cond3A_674 : i32
    scf.if %cond3A_675 {
      %add3A_909 = arith.constant 512 : i32
      %add3A_910 = arith.addi %add3A_415, %add3A_909 : i32
      %dma_start3A = arith.constant 4 : i32
      %dma_start3A_911 = arith.constant 4 : i32
      %dma_start3A_912 = arith.constant 0 : i32
      %dma_start3A_913 = arith.constant 0 : i32
      %dma_start3A_914 = tpu.memref_slice %arg8[%dma_start3A, %dma_start3A_912, %dma_start3A_913] : memref<6x128x128xf32, #tpu.memory_space<vmem>> -> memref<1x128x128xf32, #tpu.memory_space<vmem>>
      %dma_start3A_915 = tpu.memref_squeeze %dma_start3A_914 : memref<1x128x128xf32, #tpu.memory_space<vmem>> -> memref<128x128xf32, #tpu.memory_space<vmem>>
      %dma_start3A_916 = arith.constant 0 : i32
      %dma_start3A_917 = tpu.memref_slice %arg2[%add3A_910, %dma_start3A_916] : memref<100000x128xf32, #tpu.memory_space<hbm>> -> memref<128x128xf32, #tpu.memory_space<hbm>>
      %dma_start3A_918 = tpu.memref_slice %arg12[%dma_start3A_911] : memref<6x!tpu.dma_semaphore, #tpu.memory_space<semaphore_mem>> -> memref<1x!tpu.dma_semaphore, #tpu.memory_space<semaphore_mem>>
      %dma_start3A_919 = tpu.memref_squeeze %dma_start3A_918 : memref<1x!tpu.dma_semaphore, #tpu.memory_space<semaphore_mem>> -> memref<!tpu.dma_semaphore, #tpu.memory_space<semaphore_mem>>
      %dma_start3A_920 = arith.constant 0 : i32
      %dma_start3A_921 = arith.constant 0 : i32
      %dma_start3A_922 = tpu.memref_slice %arg8[%dma_start3A, %dma_start3A_920, %dma_start3A_921] : memref<6x128x128xf32, #tpu.memory_space<vmem>> -> memref<1x128x128xf32, #tpu.memory_space<vmem>>
      %dma_start3A_923 = tpu.memref_squeeze %dma_start3A_922 : memref<1x128x128xf32, #tpu.memory_space<vmem>> -> memref<128x128xf32, #tpu.memory_space<vmem>>
      %dma_start3A_924 = arith.constant 0 : i32
      %dma_start3A_925 = tpu.memref_slice %arg2[%add3A_910, %dma_start3A_924] : memref<100000x128xf32, #tpu.memory_space<hbm>> -> memref<128x128xf32, #tpu.memory_space<hbm>>
      tpu.enqueue_dma source(%dma_start3A_925 : memref<128x128xf32, #tpu.memory_space<hbm>>) target(%dma_start3A_923 : memref<128x128xf32, #tpu.memory_space<vmem>>) target_semaphore(%dma_start3A_919 : memref<!tpu.dma_semaphore, #tpu.memory_space<semaphore_mem>>)
    } else {
    }
    %le3A_676 = arith.constant 4 : i32
    %le3A_677 = arith.cmpi sle, %select_n3A_522, %le3A_676 : i32
    %sub3A_678 = arith.constant 4 : i32
    %sub3A_679 = arith.subi %sub3A_678, %select_n3A_522 : i32
    %lt3A_680 = arith.cmpi slt, %sub3A_679, %select_n3A_546 : i32
    %and3A_681 = arith.andi %le3A_677, %lt3A_680 : i1
    %convert_element_type3A_682 = arith.extui %and3A_681 : i1 to i32
    %cond3A_683 = arith.constant 0 : i32
    %cond3A_684 = arith.cmpi ne, %convert_element_type3A_682, %cond3A_683 : i32
    scf.if %cond3A_684 {
      %sub3A_909 = arith.constant 4 : i32
      %sub3A_910 = arith.subi %sub3A_909, %select_n3A_522 : i32
      %mul3A_911 = arith.constant 128 : i32
      %mul3A_912 = arith.muli %sub3A_910, %mul3A_911 : i32
      %add3A_913 = arith.addi %add3A_497, %mul3A_912 : i32
      %dma_start3A = arith.constant 4 : i32
      %dma_start3A_914 = arith.constant 4 : i32
      %dma_start3A_915 = arith.constant 0 : i32
      %dma_start3A_916 = arith.constant 0 : i32
      %dma_start3A_917 = tpu.memref_slice %arg8[%dma_start3A, %dma_start3A_915, %dma_start3A_916] : memref<6x128x128xf32, #tpu.memory_space<vmem>> -> memref<1x128x128xf32, #tpu.memory_space<vmem>>
      %dma_start3A_918 = tpu.memref_squeeze %dma_start3A_917 : memref<1x128x128xf32, #tpu.memory_space<vmem>> -> memref<128x128xf32, #tpu.memory_space<vmem>>
      %dma_start3A_919 = arith.constant 0 : i32
      %dma_start3A_920 = tpu.memref_slice %arg2[%add3A_913, %dma_start3A_919] : memref<100000x128xf32, #tpu.memory_space<hbm>> -> memref<128x128xf32, #tpu.memory_space<hbm>>
      %dma_start3A_921 = tpu.memref_slice %arg12[%dma_start3A_914] : memref<6x!tpu.dma_semaphore, #tpu.memory_space<semaphore_mem>> -> memref<1x!tpu.dma_semaphore, #tpu.memory_space<semaphore_mem>>
      %dma_start3A_922 = tpu.memref_squeeze %dma_start3A_921 : memref<1x!tpu.dma_semaphore, #tpu.memory_space<semaphore_mem>> -> memref<!tpu.dma_semaphore, #tpu.memory_space<semaphore_mem>>
      %dma_start3A_923 = arith.constant 0 : i32
      %dma_start3A_924 = arith.constant 0 : i32
      %dma_start3A_925 = tpu.memref_slice %arg8[%dma_start3A, %dma_start3A_923, %dma_start3A_924] : memref<6x128x128xf32, #tpu.memory_space<vmem>> -> memref<1x128x128xf32, #tpu.memory_space<vmem>>
      %dma_start3A_926 = tpu.memref_squeeze %dma_start3A_925 : memref<1x128x128xf32, #tpu.memory_space<vmem>> -> memref<128x128xf32, #tpu.memory_space<vmem>>
      %dma_start3A_927 = arith.constant 0 : i32
      %dma_start3A_928 = tpu.memref_slice %arg2[%add3A_913, %dma_start3A_927] : memref<100000x128xf32, #tpu.memory_space<hbm>> -> memref<128x128xf32, #tpu.memory_space<hbm>>
      tpu.enqueue_dma source(%dma_start3A_928 : memref<128x128xf32, #tpu.memory_space<hbm>>) target(%dma_start3A_926 : memref<128x128xf32, #tpu.memory_space<vmem>>) target_semaphore(%dma_start3A_922 : memref<!tpu.dma_semaphore, #tpu.memory_space<semaphore_mem>>)
    } else {
    }
    %gt3A_685 = arith.constant 0 : i32
    %gt3A_686 = arith.cmpi sgt, %select_n3A_586, %gt3A_685 : i32
    %convert_element_type3A_687 = arith.extui %gt3A_686 : i1 to i32
    %cond3A_688 = arith.constant 0 : i32
    %cond3A_689 = arith.cmpi ne, %convert_element_type3A_687, %cond3A_688 : i32
    scf.if %cond3A_689 {
      %add3A_909 = arith.constant 0 : i32
      %add3A_910 = arith.addi %add3A_549, %add3A_909 : i32
      %min3A_911 = arith.constant 99936 : i32
      %min3A_912 = arith.minsi %add3A_910, %min3A_911 : i32
      %dma_start3A = arith.constant 0 : i32
      %dma_start3A_913 = arith.constant 0 : i32
      %dma_start3A_914 = arith.constant 0 : i32
      %dma_start3A_915 = arith.constant 0 : i32
      %dma_start3A_916 = tpu.memref_slice %arg9[%dma_start3A, %dma_start3A_914, %dma_start3A_915] : memref<2x64x128xf32, #tpu.memory_space<vmem>> -> memref<1x64x128xf32, #tpu.memory_space<vmem>>
      %dma_start3A_917 = tpu.memref_squeeze %dma_start3A_916 : memref<1x64x128xf32, #tpu.memory_space<vmem>> -> memref<64x128xf32, #tpu.memory_space<vmem>>
      %dma_start3A_918 = arith.constant 0 : i32
      %dma_start3A_919 = tpu.memref_slice %arg2[%min3A_912, %dma_start3A_918] : memref<100000x128xf32, #tpu.memory_space<hbm>> -> memref<64x128xf32, #tpu.memory_space<hbm>>
      %dma_start3A_920 = tpu.memref_slice %arg13[%dma_start3A_913] : memref<2x!tpu.dma_semaphore, #tpu.memory_space<semaphore_mem>> -> memref<1x!tpu.dma_semaphore, #tpu.memory_space<semaphore_mem>>
      %dma_start3A_921 = tpu.memref_squeeze %dma_start3A_920 : memref<1x!tpu.dma_semaphore, #tpu.memory_space<semaphore_mem>> -> memref<!tpu.dma_semaphore, #tpu.memory_space<semaphore_mem>>
      %dma_start3A_922 = arith.constant 0 : i32
      %dma_start3A_923 = arith.constant 0 : i32
      %dma_start3A_924 = tpu.memref_slice %arg9[%dma_start3A, %dma_start3A_922, %dma_start3A_923] : memref<2x64x128xf32, #tpu.memory_space<vmem>> -> memref<1x64x128xf32, #tpu.memory_space<vmem>>
      %dma_start3A_925 = tpu.memref_squeeze %dma_start3A_924 : memref<1x64x128xf32, #tpu.memory_space<vmem>> -> memref<64x128xf32, #tpu.memory_space<vmem>>
      %dma_start3A_926 = arith.constant 0 : i32
      %dma_start3A_927 = tpu.memref_slice %arg2[%min3A_912, %dma_start3A_926] : memref<100000x128xf32, #tpu.memory_space<hbm>> -> memref<64x128xf32, #tpu.memory_space<hbm>>
      tpu.enqueue_dma source(%dma_start3A_927 : memref<64x128xf32, #tpu.memory_space<hbm>>) target(%dma_start3A_925 : memref<64x128xf32, #tpu.memory_space<vmem>>) target_semaphore(%dma_start3A_921 : memref<!tpu.dma_semaphore, #tpu.memory_space<semaphore_mem>>)
    } else {
    }
    %add3A_690 = arith.addi %add3A_415, %add3A_423 : i32
    %while3A = arith.constant 0 : i32
    %while3A_691 = arith.constant 0 : i32
    %while3A_692 = arith.subi %select_n3A_522, %while3A_691 : i32
    %while3A_693 = arith.addi %while3A_691, %while3A_692 : i32
    %while3A_694 = arith.constant 1 : i32
    %while3A_695 = arith.divsi %while3A_692, %while3A_694 : i32
    %while3A_696 = arith.muli %while3A_695, %while3A_694 : i32
    %while3A_697 = arith.addi %while3A_691, %while3A_696 : i32
    %while3A_698 = arith.constant 1 : i32
    %while3A_699:16 = scf.for %while3A_909 = %while3A_691 to %while3A_697 step %while3A_698 iter_args(%while3A_910 = %broadcast_in_dim3A_345, %while3A_911 = %broadcast_in_dim3A_345, %while3A_912 = %broadcast_in_dim3A_345, %while3A_913 = %broadcast_in_dim3A_345, %while3A_914 = %broadcast_in_dim3A_345, %while3A_915 = %broadcast_in_dim3A_345, %while3A_916 = %broadcast_in_dim3A_345, %while3A_917 = %broadcast_in_dim3A_345, %while3A_918 = %broadcast_in_dim3A_343, %while3A_919 = %broadcast_in_dim3A_343, %while3A_920 = %broadcast_in_dim3A_343, %while3A_921 = %broadcast_in_dim3A_343, %while3A_922 = %broadcast_in_dim3A_343, %while3A_923 = %broadcast_in_dim3A_343, %while3A_924 = %broadcast_in_dim3A_343, %while3A_925 = %broadcast_in_dim3A_343) -> (vector<16xf32>, vector<16xf32>, vector<16xf32>, vector<16xf32>, vector<16xf32>, vector<16xf32>, vector<16xf32>, vector<16xf32>, vector<16xf32>, vector<16xf32>, vector<16xf32>, vector<16xf32>, vector<16xf32>, vector<16xf32>, vector<16xf32>, vector<16xf32>)  : i32 {
      %add3A_926 = arith.addi %while3A_909, %while3A : i32
      %rem3A_927 = arith.constant 6 : i32
      %rem3A_928 = arith.remsi %add3A_926, %rem3A_927 : i32
      %add3A_929 = arith.constant 5 : i32
      %add3A_930 = arith.addi %while3A_909, %add3A_929 : i32
      %lt3A_931 = arith.cmpi slt, %add3A_930, %select_n3A_522 : i32
      %convert_element_type3A_932 = arith.extui %lt3A_931 : i1 to i32
      %cond3A_933 = arith.constant 0 : i32
      %cond3A_934 = arith.cmpi ne, %convert_element_type3A_932, %cond3A_933 : i32
      scf.if %cond3A_934 {
        %mul3A_962 = arith.constant 128 : i32
        %mul3A_963 = arith.muli %add3A_930, %mul3A_962 : i32
        %add3A_964 = arith.addi %add3A_415, %mul3A_963 : i32
        %add3A_965 = arith.addi %add3A_930, %while3A : i32
        %rem3A_966 = arith.constant 6 : i32
        %rem3A_967 = arith.remsi %add3A_965, %rem3A_966 : i32
        %dma_start3A = arith.constant 0 : i32
        %dma_start3A_968 = arith.constant 0 : i32
        %dma_start3A_969 = tpu.memref_slice %arg8[%rem3A_967, %dma_start3A, %dma_start3A_968] : memref<6x128x128xf32, #tpu.memory_space<vmem>> -> memref<1x128x128xf32, #tpu.memory_space<vmem>>
        %dma_start3A_970 = tpu.memref_squeeze %dma_start3A_969 : memref<1x128x128xf32, #tpu.memory_space<vmem>> -> memref<128x128xf32, #tpu.memory_space<vmem>>
        %dma_start3A_971 = arith.constant 0 : i32
        %dma_start3A_972 = tpu.memref_slice %arg2[%add3A_964, %dma_start3A_971] : memref<100000x128xf32, #tpu.memory_space<hbm>> -> memref<128x128xf32, #tpu.memory_space<hbm>>
        %dma_start3A_973 = tpu.memref_slice %arg12[%rem3A_967] : memref<6x!tpu.dma_semaphore, #tpu.memory_space<semaphore_mem>> -> memref<1x!tpu.dma_semaphore, #tpu.memory_space<semaphore_mem>>
        %dma_start3A_974 = tpu.memref_squeeze %dma_start3A_973 : memref<1x!tpu.dma_semaphore, #tpu.memory_space<semaphore_mem>> -> memref<!tpu.dma_semaphore, #tpu.memory_space<semaphore_mem>>
        %dma_start3A_975 = arith.constant 0 : i32
        %dma_start3A_976 = arith.constant 0 : i32
        %dma_start3A_977 = tpu.memref_slice %arg8[%rem3A_967, %dma_start3A_975, %dma_start3A_976] : memref<6x128x128xf32, #tpu.memory_space<vmem>> -> memref<1x128x128xf32, #tpu.memory_space<vmem>>
        %dma_start3A_978 = tpu.memref_squeeze %dma_start3A_977 : memref<1x128x128xf32, #tpu.memory_space<vmem>> -> memref<128x128xf32, #tpu.memory_space<vmem>>
        %dma_start3A_979 = arith.constant 0 : i32
        %dma_start3A_980 = tpu.memref_slice %arg2[%add3A_964, %dma_start3A_979] : memref<100000x128xf32, #tpu.memory_space<hbm>> -> memref<128x128xf32, #tpu.memory_space<hbm>>
        tpu.enqueue_dma source(%dma_start3A_980 : memref<128x128xf32, #tpu.memory_space<hbm>>) target(%dma_start3A_978 : memref<128x128xf32, #tpu.memory_space<vmem>>) target_semaphore(%dma_start3A_974 : memref<!tpu.dma_semaphore, #tpu.memory_space<semaphore_mem>>)
      } else {
      }
      %ge3A = arith.cmpi sge, %add3A_930, %select_n3A_522 : i32
      %sub3A_935 = arith.subi %add3A_930, %select_n3A_522 : i32
      %lt3A_936 = arith.cmpi slt, %sub3A_935, %select_n3A_546 : i32
      %and3A_937 = arith.andi %ge3A, %lt3A_936 : i1
      %convert_element_type3A_938 = arith.extui %and3A_937 : i1 to i32
      %cond3A_939 = arith.constant 0 : i32
      %cond3A_940 = arith.cmpi ne, %convert_element_type3A_938, %cond3A_939 : i32
      scf.if %cond3A_940 {
        %sub3A_962 = arith.subi %add3A_930, %select_n3A_522 : i32
        %mul3A_963 = arith.constant 128 : i32
        %mul3A_964 = arith.muli %sub3A_962, %mul3A_963 : i32
        %add3A_965 = arith.addi %add3A_497, %mul3A_964 : i32
        %add3A_966 = arith.addi %add3A_930, %while3A : i32
        %rem3A_967 = arith.constant 6 : i32
        %rem3A_968 = arith.remsi %add3A_966, %rem3A_967 : i32
        %dma_start3A = arith.constant 0 : i32
        %dma_start3A_969 = arith.constant 0 : i32
        %dma_start3A_970 = tpu.memref_slice %arg8[%rem3A_968, %dma_start3A, %dma_start3A_969] : memref<6x128x128xf32, #tpu.memory_space<vmem>> -> memref<1x128x128xf32, #tpu.memory_space<vmem>>
        %dma_start3A_971 = tpu.memref_squeeze %dma_start3A_970 : memref<1x128x128xf32, #tpu.memory_space<vmem>> -> memref<128x128xf32, #tpu.memory_space<vmem>>
        %dma_start3A_972 = arith.constant 0 : i32
        %dma_start3A_973 = tpu.memref_slice %arg2[%add3A_965, %dma_start3A_972] : memref<100000x128xf32, #tpu.memory_space<hbm>> -> memref<128x128xf32, #tpu.memory_space<hbm>>
        %dma_start3A_974 = tpu.memref_slice %arg12[%rem3A_968] : memref<6x!tpu.dma_semaphore, #tpu.memory_space<semaphore_mem>> -> memref<1x!tpu.dma_semaphore, #tpu.memory_space<semaphore_mem>>
        %dma_start3A_975 = tpu.memref_squeeze %dma_start3A_974 : memref<1x!tpu.dma_semaphore, #tpu.memory_space<semaphore_mem>> -> memref<!tpu.dma_semaphore, #tpu.memory_space<semaphore_mem>>
        %dma_start3A_976 = arith.constant 0 : i32
        %dma_start3A_977 = arith.constant 0 : i32
        %dma_start3A_978 = tpu.memref_slice %arg8[%rem3A_968, %dma_start3A_976, %dma_start3A_977] : memref<6x128x128xf32, #tpu.memory_space<vmem>> -> memref<1x128x128xf32, #tpu.memory_space<vmem>>
        %dma_start3A_979 = tpu.memref_squeeze %dma_start3A_978 : memref<1x128x128xf32, #tpu.memory_space<vmem>> -> memref<128x128xf32, #tpu.memory_space<vmem>>
        %dma_start3A_980 = arith.constant 0 : i32
        %dma_start3A_981 = tpu.memref_slice %arg2[%add3A_965, %dma_start3A_980] : memref<100000x128xf32, #tpu.memory_space<hbm>> -> memref<128x128xf32, #tpu.memory_space<hbm>>
        tpu.enqueue_dma source(%dma_start3A_981 : memref<128x128xf32, #tpu.memory_space<hbm>>) target(%dma_start3A_979 : memref<128x128xf32, #tpu.memory_space<vmem>>) target_semaphore(%dma_start3A_975 : memref<!tpu.dma_semaphore, #tpu.memory_space<semaphore_mem>>)
      } else {
      }
      %dma_wait3A = arith.constant 0 : i32
      %dma_wait3A_941 = arith.constant 0 : i32
      %dma_wait3A_942 = tpu.memref_slice %arg8[%rem3A_928, %dma_wait3A, %dma_wait3A_941] : memref<6x128x128xf32, #tpu.memory_space<vmem>> -> memref<1x128x128xf32, #tpu.memory_space<vmem>>
      %dma_wait3A_943 = tpu.memref_squeeze %dma_wait3A_942 : memref<1x128x128xf32, #tpu.memory_space<vmem>> -> memref<128x128xf32, #tpu.memory_space<vmem>>
      %dma_wait3A_944 = arith.constant 0 : i32
      %dma_wait3A_945 = arith.constant 0 : i32
      %dma_wait3A_946 = tpu.memref_slice %arg2[%dma_wait3A_944, %dma_wait3A_945] : memref<100000x128xf32, #tpu.memory_space<hbm>> -> memref<128x128xf32, #tpu.memory_space<hbm>>
      %dma_wait3A_947 = tpu.memref_slice %arg12[%rem3A_928] : memref<6x!tpu.dma_semaphore, #tpu.memory_space<semaphore_mem>> -> memref<1x!tpu.dma_semaphore, #tpu.memory_space<semaphore_mem>>
      %dma_wait3A_948 = tpu.memref_squeeze %dma_wait3A_947 : memref<1x!tpu.dma_semaphore, #tpu.memory_space<semaphore_mem>> -> memref<!tpu.dma_semaphore, #tpu.memory_space<semaphore_mem>>
      %dma_wait3A_949 = arith.constant 0 : i32
      %dma_wait3A_950 = arith.constant 0 : i32
      %dma_wait3A_951 = tpu.memref_slice %arg8[%rem3A_928, %dma_wait3A_949, %dma_wait3A_950] : memref<6x128x128xf32, #tpu.memory_space<vmem>> -> memref<1x128x128xf32, #tpu.memory_space<vmem>>
      %dma_wait3A_952 = tpu.memref_squeeze %dma_wait3A_951 : memref<1x128x128xf32, #tpu.memory_space<vmem>> -> memref<128x128xf32, #tpu.memory_space<vmem>>
      %dma_wait3A_953 = arith.constant 0 : i32
      %dma_wait3A_954 = arith.constant 0 : i32
      %dma_wait3A_955 = tpu.memref_slice %arg2[%dma_wait3A_953, %dma_wait3A_954] : memref<100000x128xf32, #tpu.memory_space<hbm>> -> memref<128x128xf32, #tpu.memory_space<hbm>>
      tpu.wait_dma2 semaphore(%dma_wait3A_948 : memref<!tpu.dma_semaphore, #tpu.memory_space<semaphore_mem>>) src(%dma_wait3A_955 : memref<128x128xf32, #tpu.memory_space<hbm>>) dst(%dma_wait3A_952 : memref<128x128xf32, #tpu.memory_space<vmem>>)
      %scan3A_956 = arith.constant 0 : i32
      %scan3A_957 = arith.constant 16 : i32
      %scan3A_958 = arith.addi %scan3A_956, %scan3A_957 : i32
      %scan3A_959 = arith.constant 1 : i32
      %scan3A_960:16 = scf.for %scan3A_962 = %scan3A_956 to %scan3A_958 step %scan3A_959 iter_args(%scan3A_963 = %while3A_910, %scan3A_964 = %while3A_911, %scan3A_965 = %while3A_912, %scan3A_966 = %while3A_913, %scan3A_967 = %while3A_914, %scan3A_968 = %while3A_915, %scan3A_969 = %while3A_916, %scan3A_970 = %while3A_917, %scan3A_971 = %while3A_918, %scan3A_972 = %while3A_919, %scan3A_973 = %while3A_920, %scan3A_974 = %while3A_921, %scan3A_975 = %while3A_922, %scan3A_976 = %while3A_923, %scan3A_977 = %while3A_924, %scan3A_978 = %while3A_925) -> (vector<16xf32>, vector<16xf32>, vector<16xf32>, vector<16xf32>, vector<16xf32>, vector<16xf32>, vector<16xf32>, vector<16xf32>, vector<16xf32>, vector<16xf32>, vector<16xf32>, vector<16xf32>, vector<16xf32>, vector<16xf32>, vector<16xf32>, vector<16xf32>)  : i32 {
        %mul3A_979 = arith.constant 8 : i32
        %mul3A_980 = arith.muli %scan3A_962, %mul3A_979 : i32
        %add3A_981 = arith.constant 0 : i32
        %add3A_982 = arith.addi %mul3A_980, %add3A_981 : i32
        %get3A_983 = arith.index_cast %rem3A_928 : i32 to index
        %get3A_984 = arith.index_cast %add3A_982 : i32 to index
        %get3A_985 = arith.constant 0 : index
        %get3A_986 = tpu.vector_load %arg8[%get3A_983, %get3A_984, %get3A_985] {strides = array<i32>} : memref<6x128x128xf32, #tpu.memory_space<vmem>>, vector<16xf32>,
        %get3A_987 = arith.index_cast %rem3A_928 : i32 to index
        %get3A_988 = arith.index_cast %add3A_982 : i32 to index
        %get3A_989 = arith.constant 16 : index
        %get3A_990 = tpu.vector_load %arg8[%get3A_987, %get3A_988, %get3A_989] {strides = array<i32>} : memref<6x128x128xf32, #tpu.memory_space<vmem>>, vector<16xf32>,
        %get3A_991 = arith.index_cast %rem3A_928 : i32 to index
        %get3A_992 = arith.index_cast %add3A_982 : i32 to index
        %get3A_993 = arith.constant 32 : index
        %get3A_994 = tpu.vector_load %arg8[%get3A_991, %get3A_992, %get3A_993] {strides = array<i32>} : memref<6x128x128xf32, #tpu.memory_space<vmem>>, vector<16xf32>,
        %get3A_995 = arith.index_cast %rem3A_928 : i32 to index
        %get3A_996 = arith.index_cast %add3A_982 : i32 to index
        %get3A_997 = arith.constant 48 : index
        %get3A_998 = tpu.vector_load %arg8[%get3A_995, %get3A_996, %get3A_997] {strides = array<i32>} : memref<6x128x128xf32, #tpu.memory_space<vmem>>, vector<16xf32>,
        %get3A_999 = arith.index_cast %rem3A_928 : i32 to index
        %get3A_1000 = arith.index_cast %add3A_982 : i32 to index
        %get3A_1001 = arith.constant 64 : index
        %get3A_1002 = tpu.vector_load %arg8[%get3A_999, %get3A_1000, %get3A_1001] {strides = array<i32>} : memref<6x128x128xf32, #tpu.memory_space<vmem>>, vector<16xf32>,
        %get3A_1003 = arith.index_cast %rem3A_928 : i32 to index
        %get3A_1004 = arith.index_cast %add3A_982 : i32 to index
        %get3A_1005 = arith.constant 80 : index
        %get3A_1006 = tpu.vector_load %arg8[%get3A_1003, %get3A_1004, %get3A_1005] {strides = array<i32>} : memref<6x128x128xf32, #tpu.memory_space<vmem>>, vector<16xf32>,
        %get3A_1007 = arith.index_cast %rem3A_928 : i32 to index
        %get3A_1008 = arith.index_cast %add3A_982 : i32 to index
        %get3A_1009 = arith.constant 96 : index
        %get3A_1010 = tpu.vector_load %arg8[%get3A_1007, %get3A_1008, %get3A_1009] {strides = array<i32>} : memref<6x128x128xf32, #tpu.memory_space<vmem>>, vector<16xf32>,
        %get3A_1011 = arith.index_cast %rem3A_928 : i32 to index
        %get3A_1012 = arith.index_cast %add3A_982 : i32 to index
        %get3A_1013 = arith.constant 112 : index
        %get3A_1014 = tpu.vector_load %arg8[%get3A_1011, %get3A_1012, %get3A_1013] {strides = array<i32>} : memref<6x128x128xf32, #tpu.memory_space<vmem>>, vector<16xf32>,
        %add3A_1015 = arith.addf %scan3A_963, %get3A_986 : vector<16xf32>
        %max3A_1016 = arith.maximumf %scan3A_971, %get3A_986 : vector<16xf32>
        %add3A_1017 = arith.addf %scan3A_964, %get3A_990 : vector<16xf32>
        %max3A_1018 = arith.maximumf %scan3A_972, %get3A_990 : vector<16xf32>
        %add3A_1019 = arith.addf %scan3A_965, %get3A_994 : vector<16xf32>
        %max3A_1020 = arith.maximumf %scan3A_973, %get3A_994 : vector<16xf32>
        %add3A_1021 = arith.addf %scan3A_966, %get3A_998 : vector<16xf32>
        %max3A_1022 = arith.maximumf %scan3A_974, %get3A_998 : vector<16xf32>
        %add3A_1023 = arith.addf %scan3A_967, %get3A_1002 : vector<16xf32>
        %max3A_1024 = arith.maximumf %scan3A_975, %get3A_1002 : vector<16xf32>
        %add3A_1025 = arith.addf %scan3A_968, %get3A_1006 : vector<16xf32>
        %max3A_1026 = arith.maximumf %scan3A_976, %get3A_1006 : vector<16xf32>
        %add3A_1027 = arith.addf %scan3A_969, %get3A_1010 : vector<16xf32>
        %max3A_1028 = arith.maximumf %scan3A_977, %get3A_1010 : vector<16xf32>
        %add3A_1029 = arith.addf %scan3A_970, %get3A_1014 : vector<16xf32>
        %max3A_1030 = arith.maximumf %scan3A_978, %get3A_1014 : vector<16xf32>
        %mul3A_1031 = arith.constant 8 : i32
        %mul3A_1032 = arith.muli %scan3A_962, %mul3A_1031 : i32
        %add3A_1033 = arith.constant 1 : i32
        %add3A_1034 = arith.addi %mul3A_1032, %add3A_1033 : i32
        %get3A_1035 = arith.index_cast %rem3A_928 : i32 to index
        %get3A_1036 = arith.index_cast %add3A_1034 : i32 to index
        %get3A_1037 = arith.constant 0 : index
        %get3A_1038 = tpu.vector_load %arg8[%get3A_1035, %get3A_1036, %get3A_1037] {strides = array<i32>} : memref<6x128x128xf32, #tpu.memory_space<vmem>>, vector<16xf32>,
        %get3A_1039 = arith.index_cast %rem3A_928 : i32 to index
        %get3A_1040 = arith.index_cast %add3A_1034 : i32 to index
        %get3A_1041 = arith.constant 16 : index
        %get3A_1042 = tpu.vector_load %arg8[%get3A_1039, %get3A_1040, %get3A_1041] {strides = array<i32>} : memref<6x128x128xf32, #tpu.memory_space<vmem>>, vector<16xf32>,
        %get3A_1043 = arith.index_cast %rem3A_928 : i32 to index
        %get3A_1044 = arith.index_cast %add3A_1034 : i32 to index
        %get3A_1045 = arith.constant 32 : index
        %get3A_1046 = tpu.vector_load %arg8[%get3A_1043, %get3A_1044, %get3A_1045] {strides = array<i32>} : memref<6x128x128xf32, #tpu.memory_space<vmem>>, vector<16xf32>,
        %get3A_1047 = arith.index_cast %rem3A_928 : i32 to index
        %get3A_1048 = arith.index_cast %add3A_1034 : i32 to index
        %get3A_1049 = arith.constant 48 : index
        %get3A_1050 = tpu.vector_load %arg8[%get3A_1047, %get3A_1048, %get3A_1049] {strides = array<i32>} : memref<6x128x128xf32, #tpu.memory_space<vmem>>, vector<16xf32>,
        %get3A_1051 = arith.index_cast %rem3A_928 : i32 to index
        %get3A_1052 = arith.index_cast %add3A_1034 : i32 to index
        %get3A_1053 = arith.constant 64 : index
        %get3A_1054 = tpu.vector_load %arg8[%get3A_1051, %get3A_1052, %get3A_1053] {strides = array<i32>} : memref<6x128x128xf32, #tpu.memory_space<vmem>>, vector<16xf32>,
        %get3A_1055 = arith.index_cast %rem3A_928 : i32 to index
        %get3A_1056 = arith.index_cast %add3A_1034 : i32 to index
        %get3A_1057 = arith.constant 80 : index
        %get3A_1058 = tpu.vector_load %arg8[%get3A_1055, %get3A_1056, %get3A_1057] {strides = array<i32>} : memref<6x128x128xf32, #tpu.memory_space<vmem>>, vector<16xf32>,
        %get3A_1059 = arith.index_cast %rem3A_928 : i32 to index
        %get3A_1060 = arith.index_cast %add3A_1034 : i32 to index
        %get3A_1061 = arith.constant 96 : index
        %get3A_1062 = tpu.vector_load %arg8[%get3A_1059, %get3A_1060, %get3A_1061] {strides = array<i32>} : memref<6x128x128xf32, #tpu.memory_space<vmem>>, vector<16xf32>,
        %get3A_1063 = arith.index_cast %rem3A_928 : i32 to index
        %get3A_1064 = arith.index_cast %add3A_1034 : i32 to index
        %get3A_1065 = arith.constant 112 : index
        %get3A_1066 = tpu.vector_load %arg8[%get3A_1063, %get3A_1064, %get3A_1065] {strides = array<i32>} : memref<6x128x128xf32, #tpu.memory_space<vmem>>, vector<16xf32>,
        %add3A_1067 = arith.addf %add3A_1015, %get3A_1038 : vector<16xf32>
        %max3A_1068 = arith.maximumf %max3A_1016, %get3A_1038 : vector<16xf32>
        %add3A_1069 = arith.addf %add3A_1017, %get3A_1042 : vector<16xf32>
        %max3A_1070 = arith.maximumf %max3A_1018, %get3A_1042 : vector<16xf32>
        %add3A_1071 = arith.addf %add3A_1019, %get3A_1046 : vector<16xf32>
        %max3A_1072 = arith.maximumf %max3A_1020, %get3A_1046 : vector<16xf32>
        %add3A_1073 = arith.addf %add3A_1021, %get3A_1050 : vector<16xf32>
        %max3A_1074 = arith.maximumf %max3A_1022, %get3A_1050 : vector<16xf32>
        %add3A_1075 = arith.addf %add3A_1023, %get3A_1054 : vector<16xf32>
        %max3A_1076 = arith.maximumf %max3A_1024, %get3A_1054 : vector<16xf32>
        %add3A_1077 = arith.addf %add3A_1025, %get3A_1058 : vector<16xf32>
        %max3A_1078 = arith.maximumf %max3A_1026, %get3A_1058 : vector<16xf32>
        %add3A_1079 = arith.addf %add3A_1027, %get3A_1062 : vector<16xf32>
        %max3A_1080 = arith.maximumf %max3A_1028, %get3A_1062 : vector<16xf32>
        %add3A_1081 = arith.addf %add3A_1029, %get3A_1066 : vector<16xf32>
        %max3A_1082 = arith.maximumf %max3A_1030, %get3A_1066 : vector<16xf32>
        %mul3A_1083 = arith.constant 8 : i32
        %mul3A_1084 = arith.muli %scan3A_962, %mul3A_1083 : i32
        %add3A_1085 = arith.constant 2 : i32
        %add3A_1086 = arith.addi %mul3A_1084, %add3A_1085 : i32
        %get3A_1087 = arith.index_cast %rem3A_928 : i32 to index
        %get3A_1088 = arith.index_cast %add3A_1086 : i32 to index
        %get3A_1089 = arith.constant 0 : index
        %get3A_1090 = tpu.vector_load %arg8[%get3A_1087, %get3A_1088, %get3A_1089] {strides = array<i32>} : memref<6x128x128xf32, #tpu.memory_space<vmem>>, vector<16xf32>,
        %get3A_1091 = arith.index_cast %rem3A_928 : i32 to index
        %get3A_1092 = arith.index_cast %add3A_1086 : i32 to index
        %get3A_1093 = arith.constant 16 : index
        %get3A_1094 = tpu.vector_load %arg8[%get3A_1091, %get3A_1092, %get3A_1093] {strides = array<i32>} : memref<6x128x128xf32, #tpu.memory_space<vmem>>, vector<16xf32>,
        %get3A_1095 = arith.index_cast %rem3A_928 : i32 to index
        %get3A_1096 = arith.index_cast %add3A_1086 : i32 to index
        %get3A_1097 = arith.constant 32 : index
        %get3A_1098 = tpu.vector_load %arg8[%get3A_1095, %get3A_1096, %get3A_1097] {strides = array<i32>} : memref<6x128x128xf32, #tpu.memory_space<vmem>>, vector<16xf32>,
        %get3A_1099 = arith.index_cast %rem3A_928 : i32 to index
        %get3A_1100 = arith.index_cast %add3A_1086 : i32 to index
        %get3A_1101 = arith.constant 48 : index
        %get3A_1102 = tpu.vector_load %arg8[%get3A_1099, %get3A_1100, %get3A_1101] {strides = array<i32>} : memref<6x128x128xf32, #tpu.memory_space<vmem>>, vector<16xf32>,
        %get3A_1103 = arith.index_cast %rem3A_928 : i32 to index
        %get3A_1104 = arith.index_cast %add3A_1086 : i32 to index
        %get3A_1105 = arith.constant 64 : index
        %get3A_1106 = tpu.vector_load %arg8[%get3A_1103, %get3A_1104, %get3A_1105] {strides = array<i32>} : memref<6x128x128xf32, #tpu.memory_space<vmem>>, vector<16xf32>,
        %get3A_1107 = arith.index_cast %rem3A_928 : i32 to index
        %get3A_1108 = arith.index_cast %add3A_1086 : i32 to index
        %get3A_1109 = arith.constant 80 : index
        %get3A_1110 = tpu.vector_load %arg8[%get3A_1107, %get3A_1108, %get3A_1109] {strides = array<i32>} : memref<6x128x128xf32, #tpu.memory_space<vmem>>, vector<16xf32>,
        %get3A_1111 = arith.index_cast %rem3A_928 : i32 to index
        %get3A_1112 = arith.index_cast %add3A_1086 : i32 to index
        %get3A_1113 = arith.constant 96 : index
        %get3A_1114 = tpu.vector_load %arg8[%get3A_1111, %get3A_1112, %get3A_1113] {strides = array<i32>} : memref<6x128x128xf32, #tpu.memory_space<vmem>>, vector<16xf32>,
        %get3A_1115 = arith.index_cast %rem3A_928 : i32 to index
        %get3A_1116 = arith.index_cast %add3A_1086 : i32 to index
        %get3A_1117 = arith.constant 112 : index
        %get3A_1118 = tpu.vector_load %arg8[%get3A_1115, %get3A_1116, %get3A_1117] {strides = array<i32>} : memref<6x128x128xf32, #tpu.memory_space<vmem>>, vector<16xf32>,
        %add3A_1119 = arith.addf %add3A_1067, %get3A_1090 : vector<16xf32>
        %max3A_1120 = arith.maximumf %max3A_1068, %get3A_1090 : vector<16xf32>
        %add3A_1121 = arith.addf %add3A_1069, %get3A_1094 : vector<16xf32>
        %max3A_1122 = arith.maximumf %max3A_1070, %get3A_1094 : vector<16xf32>
        %add3A_1123 = arith.addf %add3A_1071, %get3A_1098 : vector<16xf32>
        %max3A_1124 = arith.maximumf %max3A_1072, %get3A_1098 : vector<16xf32>
        %add3A_1125 = arith.addf %add3A_1073, %get3A_1102 : vector<16xf32>
        %max3A_1126 = arith.maximumf %max3A_1074, %get3A_1102 : vector<16xf32>
        %add3A_1127 = arith.addf %add3A_1075, %get3A_1106 : vector<16xf32>
        %max3A_1128 = arith.maximumf %max3A_1076, %get3A_1106 : vector<16xf32>
        %add3A_1129 = arith.addf %add3A_1077, %get3A_1110 : vector<16xf32>
        %max3A_1130 = arith.maximumf %max3A_1078, %get3A_1110 : vector<16xf32>
        %add3A_1131 = arith.addf %add3A_1079, %get3A_1114 : vector<16xf32>
        %max3A_1132 = arith.maximumf %max3A_1080, %get3A_1114 : vector<16xf32>
        %add3A_1133 = arith.addf %add3A_1081, %get3A_1118 : vector<16xf32>
        %max3A_1134 = arith.maximumf %max3A_1082, %get3A_1118 : vector<16xf32>
        %mul3A_1135 = arith.constant 8 : i32
        %mul3A_1136 = arith.muli %scan3A_962, %mul3A_1135 : i32
        %add3A_1137 = arith.constant 3 : i32
        %add3A_1138 = arith.addi %mul3A_1136, %add3A_1137 : i32
        %get3A_1139 = arith.index_cast %rem3A_928 : i32 to index
        %get3A_1140 = arith.index_cast %add3A_1138 : i32 to index
        %get3A_1141 = arith.constant 0 : index
        %get3A_1142 = tpu.vector_load %arg8[%get3A_1139, %get3A_1140, %get3A_1141] {strides = array<i32>} : memref<6x128x128xf32, #tpu.memory_space<vmem>>, vector<16xf32>,
        %get3A_1143 = arith.index_cast %rem3A_928 : i32 to index
        %get3A_1144 = arith.index_cast %add3A_1138 : i32 to index
        %get3A_1145 = arith.constant 16 : index
        %get3A_1146 = tpu.vector_load %arg8[%get3A_1143, %get3A_1144, %get3A_1145] {strides = array<i32>} : memref<6x128x128xf32, #tpu.memory_space<vmem>>, vector<16xf32>,
        %get3A_1147 = arith.index_cast %rem3A_928 : i32 to index
        %get3A_1148 = arith.index_cast %add3A_1138 : i32 to index
        %get3A_1149 = arith.constant 32 : index
        %get3A_1150 = tpu.vector_load %arg8[%get3A_1147, %get3A_1148, %get3A_1149] {strides = array<i32>} : memref<6x128x128xf32, #tpu.memory_space<vmem>>, vector<16xf32>,
        %get3A_1151 = arith.index_cast %rem3A_928 : i32 to index
        %get3A_1152 = arith.index_cast %add3A_1138 : i32 to index
        %get3A_1153 = arith.constant 48 : index
        %get3A_1154 = tpu.vector_load %arg8[%get3A_1151, %get3A_1152, %get3A_1153] {strides = array<i32>} : memref<6x128x128xf32, #tpu.memory_space<vmem>>, vector<16xf32>,
        %get3A_1155 = arith.index_cast %rem3A_928 : i32 to index
        %get3A_1156 = arith.index_cast %add3A_1138 : i32 to index
        %get3A_1157 = arith.constant 64 : index
        %get3A_1158 = tpu.vector_load %arg8[%get3A_1155, %get3A_1156, %get3A_1157] {strides = array<i32>} : memref<6x128x128xf32, #tpu.memory_space<vmem>>, vector<16xf32>,
        %get3A_1159 = arith.index_cast %rem3A_928 : i32 to index
        %get3A_1160 = arith.index_cast %add3A_1138 : i32 to index
        %get3A_1161 = arith.constant 80 : index
        %get3A_1162 = tpu.vector_load %arg8[%get3A_1159, %get3A_1160, %get3A_1161] {strides = array<i32>} : memref<6x128x128xf32, #tpu.memory_space<vmem>>, vector<16xf32>,
        %get3A_1163 = arith.index_cast %rem3A_928 : i32 to index
        %get3A_1164 = arith.index_cast %add3A_1138 : i32 to index
        %get3A_1165 = arith.constant 96 : index
        %get3A_1166 = tpu.vector_load %arg8[%get3A_1163, %get3A_1164, %get3A_1165] {strides = array<i32>} : memref<6x128x128xf32, #tpu.memory_space<vmem>>, vector<16xf32>,
        %get3A_1167 = arith.index_cast %rem3A_928 : i32 to index
        %get3A_1168 = arith.index_cast %add3A_1138 : i32 to index
        %get3A_1169 = arith.constant 112 : index
        %get3A_1170 = tpu.vector_load %arg8[%get3A_1167, %get3A_1168, %get3A_1169] {strides = array<i32>} : memref<6x128x128xf32, #tpu.memory_space<vmem>>, vector<16xf32>,
        %add3A_1171 = arith.addf %add3A_1119, %get3A_1142 : vector<16xf32>
        %max3A_1172 = arith.maximumf %max3A_1120, %get3A_1142 : vector<16xf32>
        %add3A_1173 = arith.addf %add3A_1121, %get3A_1146 : vector<16xf32>
        %max3A_1174 = arith.maximumf %max3A_1122, %get3A_1146 : vector<16xf32>
        %add3A_1175 = arith.addf %add3A_1123, %get3A_1150 : vector<16xf32>
        %max3A_1176 = arith.maximumf %max3A_1124, %get3A_1150 : vector<16xf32>
        %add3A_1177 = arith.addf %add3A_1125, %get3A_1154 : vector<16xf32>
        %max3A_1178 = arith.maximumf %max3A_1126, %get3A_1154 : vector<16xf32>
        %add3A_1179 = arith.addf %add3A_1127, %get3A_1158 : vector<16xf32>
        %max3A_1180 = arith.maximumf %max3A_1128, %get3A_1158 : vector<16xf32>
        %add3A_1181 = arith.addf %add3A_1129, %get3A_1162 : vector<16xf32>
        %max3A_1182 = arith.maximumf %max3A_1130, %get3A_1162 : vector<16xf32>
        %add3A_1183 = arith.addf %add3A_1131, %get3A_1166 : vector<16xf32>
        %max3A_1184 = arith.maximumf %max3A_1132, %get3A_1166 : vector<16xf32>
        %add3A_1185 = arith.addf %add3A_1133, %get3A_1170 : vector<16xf32>
        %max3A_1186 = arith.maximumf %max3A_1134, %get3A_1170 : vector<16xf32>
        %mul3A_1187 = arith.constant 8 : i32
        %mul3A_1188 = arith.muli %scan3A_962, %mul3A_1187 : i32
        %add3A_1189 = arith.constant 4 : i32
        %add3A_1190 = arith.addi %mul3A_1188, %add3A_1189 : i32
        %get3A_1191 = arith.index_cast %rem3A_928 : i32 to index
        %get3A_1192 = arith.index_cast %add3A_1190 : i32 to index
        %get3A_1193 = arith.constant 0 : index
        %get3A_1194 = tpu.vector_load %arg8[%get3A_1191, %get3A_1192, %get3A_1193] {strides = array<i32>} : memref<6x128x128xf32, #tpu.memory_space<vmem>>, vector<16xf32>,
        %get3A_1195 = arith.index_cast %rem3A_928 : i32 to index
        %get3A_1196 = arith.index_cast %add3A_1190 : i32 to index
        %get3A_1197 = arith.constant 16 : index
        %get3A_1198 = tpu.vector_load %arg8[%get3A_1195, %get3A_1196, %get3A_1197] {strides = array<i32>} : memref<6x128x128xf32, #tpu.memory_space<vmem>>, vector<16xf32>,
        %get3A_1199 = arith.index_cast %rem3A_928 : i32 to index
        %get3A_1200 = arith.index_cast %add3A_1190 : i32 to index
        %get3A_1201 = arith.constant 32 : index
        %get3A_1202 = tpu.vector_load %arg8[%get3A_1199, %get3A_1200, %get3A_1201] {strides = array<i32>} : memref<6x128x128xf32, #tpu.memory_space<vmem>>, vector<16xf32>,
        %get3A_1203 = arith.index_cast %rem3A_928 : i32 to index
        %get3A_1204 = arith.index_cast %add3A_1190 : i32 to index
        %get3A_1205 = arith.constant 48 : index
        %get3A_1206 = tpu.vector_load %arg8[%get3A_1203, %get3A_1204, %get3A_1205] {strides = array<i32>} : memref<6x128x128xf32, #tpu.memory_space<vmem>>, vector<16xf32>,
        %get3A_1207 = arith.index_cast %rem3A_928 : i32 to index
        %get3A_1208 = arith.index_cast %add3A_1190 : i32 to index
        %get3A_1209 = arith.constant 64 : index
        %get3A_1210 = tpu.vector_load %arg8[%get3A_1207, %get3A_1208, %get3A_1209] {strides = array<i32>} : memref<6x128x128xf32, #tpu.memory_space<vmem>>, vector<16xf32>,
        %get3A_1211 = arith.index_cast %rem3A_928 : i32 to index
        %get3A_1212 = arith.index_cast %add3A_1190 : i32 to index
        %get3A_1213 = arith.constant 80 : index
        %get3A_1214 = tpu.vector_load %arg8[%get3A_1211, %get3A_1212, %get3A_1213] {strides = array<i32>} : memref<6x128x128xf32, #tpu.memory_space<vmem>>, vector<16xf32>,
        %get3A_1215 = arith.index_cast %rem3A_928 : i32 to index
        %get3A_1216 = arith.index_cast %add3A_1190 : i32 to index
        %get3A_1217 = arith.constant 96 : index
        %get3A_1218 = tpu.vector_load %arg8[%get3A_1215, %get3A_1216, %get3A_1217] {strides = array<i32>} : memref<6x128x128xf32, #tpu.memory_space<vmem>>, vector<16xf32>,
        %get3A_1219 = arith.index_cast %rem3A_928 : i32 to index
        %get3A_1220 = arith.index_cast %add3A_1190 : i32 to index
        %get3A_1221 = arith.constant 112 : index
        %get3A_1222 = tpu.vector_load %arg8[%get3A_1219, %get3A_1220, %get3A_1221] {strides = array<i32>} : memref<6x128x128xf32, #tpu.memory_space<vmem>>, vector<16xf32>,
        %add3A_1223 = arith.addf %add3A_1171, %get3A_1194 : vector<16xf32>
        %max3A_1224 = arith.maximumf %max3A_1172, %get3A_1194 : vector<16xf32>
        %add3A_1225 = arith.addf %add3A_1173, %get3A_1198 : vector<16xf32>
        %max3A_1226 = arith.maximumf %max3A_1174, %get3A_1198 : vector<16xf32>
        %add3A_1227 = arith.addf %add3A_1175, %get3A_1202 : vector<16xf32>
        %max3A_1228 = arith.maximumf %max3A_1176, %get3A_1202 : vector<16xf32>
        %add3A_1229 = arith.addf %add3A_1177, %get3A_1206 : vector<16xf32>
        %max3A_1230 = arith.maximumf %max3A_1178, %get3A_1206 : vector<16xf32>
        %add3A_1231 = arith.addf %add3A_1179, %get3A_1210 : vector<16xf32>
        %max3A_1232 = arith.maximumf %max3A_1180, %get3A_1210 : vector<16xf32>
        %add3A_1233 = arith.addf %add3A_1181, %get3A_1214 : vector<16xf32>
        %max3A_1234 = arith.maximumf %max3A_1182, %get3A_1214 : vector<16xf32>
        %add3A_1235 = arith.addf %add3A_1183, %get3A_1218 : vector<16xf32>
        %max3A_1236 = arith.maximumf %max3A_1184, %get3A_1218 : vector<16xf32>
        %add3A_1237 = arith.addf %add3A_1185, %get3A_1222 : vector<16xf32>
        %max3A_1238 = arith.maximumf %max3A_1186, %get3A_1222 : vector<16xf32>
        %mul3A_1239 = arith.constant 8 : i32
        %mul3A_1240 = arith.muli %scan3A_962, %mul3A_1239 : i32
        %add3A_1241 = arith.constant 5 : i32
        %add3A_1242 = arith.addi %mul3A_1240, %add3A_1241 : i32
        %get3A_1243 = arith.index_cast %rem3A_928 : i32 to index
        %get3A_1244 = arith.index_cast %add3A_1242 : i32 to index
        %get3A_1245 = arith.constant 0 : index
        %get3A_1246 = tpu.vector_load %arg8[%get3A_1243, %get3A_1244, %get3A_1245] {strides = array<i32>} : memref<6x128x128xf32, #tpu.memory_space<vmem>>, vector<16xf32>,
        %get3A_1247 = arith.index_cast %rem3A_928 : i32 to index
        %get3A_1248 = arith.index_cast %add3A_1242 : i32 to index
        %get3A_1249 = arith.constant 16 : index
        %get3A_1250 = tpu.vector_load %arg8[%get3A_1247, %get3A_1248, %get3A_1249] {strides = array<i32>} : memref<6x128x128xf32, #tpu.memory_space<vmem>>, vector<16xf32>,
        %get3A_1251 = arith.index_cast %rem3A_928 : i32 to index
        %get3A_1252 = arith.index_cast %add3A_1242 : i32 to index
        %get3A_1253 = arith.constant 32 : index
        %get3A_1254 = tpu.vector_load %arg8[%get3A_1251, %get3A_1252, %get3A_1253] {strides = array<i32>} : memref<6x128x128xf32, #tpu.memory_space<vmem>>, vector<16xf32>,
        %get3A_1255 = arith.index_cast %rem3A_928 : i32 to index
        %get3A_1256 = arith.index_cast %add3A_1242 : i32 to index
        %get3A_1257 = arith.constant 48 : index
        %get3A_1258 = tpu.vector_load %arg8[%get3A_1255, %get3A_1256, %get3A_1257] {strides = array<i32>} : memref<6x128x128xf32, #tpu.memory_space<vmem>>, vector<16xf32>,
        %get3A_1259 = arith.index_cast %rem3A_928 : i32 to index
        %get3A_1260 = arith.index_cast %add3A_1242 : i32 to index
        %get3A_1261 = arith.constant 64 : index
        %get3A_1262 = tpu.vector_load %arg8[%get3A_1259, %get3A_1260, %get3A_1261] {strides = array<i32>} : memref<6x128x128xf32, #tpu.memory_space<vmem>>, vector<16xf32>,
        %get3A_1263 = arith.index_cast %rem3A_928 : i32 to index
        %get3A_1264 = arith.index_cast %add3A_1242 : i32 to index
        %get3A_1265 = arith.constant 80 : index
        %get3A_1266 = tpu.vector_load %arg8[%get3A_1263, %get3A_1264, %get3A_1265] {strides = array<i32>} : memref<6x128x128xf32, #tpu.memory_space<vmem>>, vector<16xf32>,
        %get3A_1267 = arith.index_cast %rem3A_928 : i32 to index
        %get3A_1268 = arith.index_cast %add3A_1242 : i32 to index
        %get3A_1269 = arith.constant 96 : index
        %get3A_1270 = tpu.vector_load %arg8[%get3A_1267, %get3A_1268, %get3A_1269] {strides = array<i32>} : memref<6x128x128xf32, #tpu.memory_space<vmem>>, vector<16xf32>,
        %get3A_1271 = arith.index_cast %rem3A_928 : i32 to index
        %get3A_1272 = arith.index_cast %add3A_1242 : i32 to index
        %get3A_1273 = arith.constant 112 : index
        %get3A_1274 = tpu.vector_load %arg8[%get3A_1271, %get3A_1272, %get3A_1273] {strides = array<i32>} : memref<6x128x128xf32, #tpu.memory_space<vmem>>, vector<16xf32>,
        %add3A_1275 = arith.addf %add3A_1223, %get3A_1246 : vector<16xf32>
        %max3A_1276 = arith.maximumf %max3A_1224, %get3A_1246 : vector<16xf32>
        %add3A_1277 = arith.addf %add3A_1225, %get3A_1250 : vector<16xf32>
        %max3A_1278 = arith.maximumf %max3A_1226, %get3A_1250 : vector<16xf32>
        %add3A_1279 = arith.addf %add3A_1227, %get3A_1254 : vector<16xf32>
        %max3A_1280 = arith.maximumf %max3A_1228, %get3A_1254 : vector<16xf32>
        %add3A_1281 = arith.addf %add3A_1229, %get3A_1258 : vector<16xf32>
        %max3A_1282 = arith.maximumf %max3A_1230, %get3A_1258 : vector<16xf32>
        %add3A_1283 = arith.addf %add3A_1231, %get3A_1262 : vector<16xf32>
        %max3A_1284 = arith.maximumf %max3A_1232, %get3A_1262 : vector<16xf32>
        %add3A_1285 = arith.addf %add3A_1233, %get3A_1266 : vector<16xf32>
        %max3A_1286 = arith.maximumf %max3A_1234, %get3A_1266 : vector<16xf32>
        %add3A_1287 = arith.addf %add3A_1235, %get3A_1270 : vector<16xf32>
        %max3A_1288 = arith.maximumf %max3A_1236, %get3A_1270 : vector<16xf32>
        %add3A_1289 = arith.addf %add3A_1237, %get3A_1274 : vector<16xf32>
        %max3A_1290 = arith.maximumf %max3A_1238, %get3A_1274 : vector<16xf32>
        %mul3A_1291 = arith.constant 8 : i32
        %mul3A_1292 = arith.muli %scan3A_962, %mul3A_1291 : i32
        %add3A_1293 = arith.constant 6 : i32
        %add3A_1294 = arith.addi %mul3A_1292, %add3A_1293 : i32
        %get3A_1295 = arith.index_cast %rem3A_928 : i32 to index
        %get3A_1296 = arith.index_cast %add3A_1294 : i32 to index
        %get3A_1297 = arith.constant 0 : index
        %get3A_1298 = tpu.vector_load %arg8[%get3A_1295, %get3A_1296, %get3A_1297] {strides = array<i32>} : memref<6x128x128xf32, #tpu.memory_space<vmem>>, vector<16xf32>,
        %get3A_1299 = arith.index_cast %rem3A_928 : i32 to index
        %get3A_1300 = arith.index_cast %add3A_1294 : i32 to index
        %get3A_1301 = arith.constant 16 : index
        %get3A_1302 = tpu.vector_load %arg8[%get3A_1299, %get3A_1300, %get3A_1301] {strides = array<i32>} : memref<6x128x128xf32, #tpu.memory_space<vmem>>, vector<16xf32>,
        %get3A_1303 = arith.index_cast %rem3A_928 : i32 to index
        %get3A_1304 = arith.index_cast %add3A_1294 : i32 to index
        %get3A_1305 = arith.constant 32 : index
        %get3A_1306 = tpu.vector_load %arg8[%get3A_1303, %get3A_1304, %get3A_1305] {strides = array<i32>} : memref<6x128x128xf32, #tpu.memory_space<vmem>>, vector<16xf32>,
        %get3A_1307 = arith.index_cast %rem3A_928 : i32 to index
        %get3A_1308 = arith.index_cast %add3A_1294 : i32 to index
        %get3A_1309 = arith.constant 48 : index
        %get3A_1310 = tpu.vector_load %arg8[%get3A_1307, %get3A_1308, %get3A_1309] {strides = array<i32>} : memref<6x128x128xf32, #tpu.memory_space<vmem>>, vector<16xf32>,
        %get3A_1311 = arith.index_cast %rem3A_928 : i32 to index
        %get3A_1312 = arith.index_cast %add3A_1294 : i32 to index
        %get3A_1313 = arith.constant 64 : index
        %get3A_1314 = tpu.vector_load %arg8[%get3A_1311, %get3A_1312, %get3A_1313] {strides = array<i32>} : memref<6x128x128xf32, #tpu.memory_space<vmem>>, vector<16xf32>,
        %get3A_1315 = arith.index_cast %rem3A_928 : i32 to index
        %get3A_1316 = arith.index_cast %add3A_1294 : i32 to index
        %get3A_1317 = arith.constant 80 : index
        %get3A_1318 = tpu.vector_load %arg8[%get3A_1315, %get3A_1316, %get3A_1317] {strides = array<i32>} : memref<6x128x128xf32, #tpu.memory_space<vmem>>, vector<16xf32>,
        %get3A_1319 = arith.index_cast %rem3A_928 : i32 to index
        %get3A_1320 = arith.index_cast %add3A_1294 : i32 to index
        %get3A_1321 = arith.constant 96 : index
        %get3A_1322 = tpu.vector_load %arg8[%get3A_1319, %get3A_1320, %get3A_1321] {strides = array<i32>} : memref<6x128x128xf32, #tpu.memory_space<vmem>>, vector<16xf32>,
        %get3A_1323 = arith.index_cast %rem3A_928 : i32 to index
        %get3A_1324 = arith.index_cast %add3A_1294 : i32 to index
        %get3A_1325 = arith.constant 112 : index
        %get3A_1326 = tpu.vector_load %arg8[%get3A_1323, %get3A_1324, %get3A_1325] {strides = array<i32>} : memref<6x128x128xf32, #tpu.memory_space<vmem>>, vector<16xf32>,
        %add3A_1327 = arith.addf %add3A_1275, %get3A_1298 : vector<16xf32>
        %max3A_1328 = arith.maximumf %max3A_1276, %get3A_1298 : vector<16xf32>
        %add3A_1329 = arith.addf %add3A_1277, %get3A_1302 : vector<16xf32>
        %max3A_1330 = arith.maximumf %max3A_1278, %get3A_1302 : vector<16xf32>
        %add3A_1331 = arith.addf %add3A_1279, %get3A_1306 : vector<16xf32>
        %max3A_1332 = arith.maximumf %max3A_1280, %get3A_1306 : vector<16xf32>
        %add3A_1333 = arith.addf %add3A_1281, %get3A_1310 : vector<16xf32>
        %max3A_1334 = arith.maximumf %max3A_1282, %get3A_1310 : vector<16xf32>
        %add3A_1335 = arith.addf %add3A_1283, %get3A_1314 : vector<16xf32>
        %max3A_1336 = arith.maximumf %max3A_1284, %get3A_1314 : vector<16xf32>
        %add3A_1337 = arith.addf %add3A_1285, %get3A_1318 : vector<16xf32>
        %max3A_1338 = arith.maximumf %max3A_1286, %get3A_1318 : vector<16xf32>
        %add3A_1339 = arith.addf %add3A_1287, %get3A_1322 : vector<16xf32>
        %max3A_1340 = arith.maximumf %max3A_1288, %get3A_1322 : vector<16xf32>
        %add3A_1341 = arith.addf %add3A_1289, %get3A_1326 : vector<16xf32>
        %max3A_1342 = arith.maximumf %max3A_1290, %get3A_1326 : vector<16xf32>
        %mul3A_1343 = arith.constant 8 : i32
        %mul3A_1344 = arith.muli %scan3A_962, %mul3A_1343 : i32
        %add3A_1345 = arith.constant 7 : i32
        %add3A_1346 = arith.addi %mul3A_1344, %add3A_1345 : i32
        %get3A_1347 = arith.index_cast %rem3A_928 : i32 to index
        %get3A_1348 = arith.index_cast %add3A_1346 : i32 to index
        %get3A_1349 = arith.constant 0 : index
        %get3A_1350 = tpu.vector_load %arg8[%get3A_1347, %get3A_1348, %get3A_1349] {strides = array<i32>} : memref<6x128x128xf32, #tpu.memory_space<vmem>>, vector<16xf32>,
        %get3A_1351 = arith.index_cast %rem3A_928 : i32 to index
        %get3A_1352 = arith.index_cast %add3A_1346 : i32 to index
        %get3A_1353 = arith.constant 16 : index
        %get3A_1354 = tpu.vector_load %arg8[%get3A_1351, %get3A_1352, %get3A_1353] {strides = array<i32>} : memref<6x128x128xf32, #tpu.memory_space<vmem>>, vector<16xf32>,
        %get3A_1355 = arith.index_cast %rem3A_928 : i32 to index
        %get3A_1356 = arith.index_cast %add3A_1346 : i32 to index
        %get3A_1357 = arith.constant 32 : index
        %get3A_1358 = tpu.vector_load %arg8[%get3A_1355, %get3A_1356, %get3A_1357] {strides = array<i32>} : memref<6x128x128xf32, #tpu.memory_space<vmem>>, vector<16xf32>,
        %get3A_1359 = arith.index_cast %rem3A_928 : i32 to index
        %get3A_1360 = arith.index_cast %add3A_1346 : i32 to index
        %get3A_1361 = arith.constant 48 : index
        %get3A_1362 = tpu.vector_load %arg8[%get3A_1359, %get3A_1360, %get3A_1361] {strides = array<i32>} : memref<6x128x128xf32, #tpu.memory_space<vmem>>, vector<16xf32>,
        %get3A_1363 = arith.index_cast %rem3A_928 : i32 to index
        %get3A_1364 = arith.index_cast %add3A_1346 : i32 to index
        %get3A_1365 = arith.constant 64 : index
        %get3A_1366 = tpu.vector_load %arg8[%get3A_1363, %get3A_1364, %get3A_1365] {strides = array<i32>} : memref<6x128x128xf32, #tpu.memory_space<vmem>>, vector<16xf32>,
        %get3A_1367 = arith.index_cast %rem3A_928 : i32 to index
        %get3A_1368 = arith.index_cast %add3A_1346 : i32 to index
        %get3A_1369 = arith.constant 80 : index
        %get3A_1370 = tpu.vector_load %arg8[%get3A_1367, %get3A_1368, %get3A_1369] {strides = array<i32>} : memref<6x128x128xf32, #tpu.memory_space<vmem>>, vector<16xf32>,
        %get3A_1371 = arith.index_cast %rem3A_928 : i32 to index
        %get3A_1372 = arith.index_cast %add3A_1346 : i32 to index
        %get3A_1373 = arith.constant 96 : index
        %get3A_1374 = tpu.vector_load %arg8[%get3A_1371, %get3A_1372, %get3A_1373] {strides = array<i32>} : memref<6x128x128xf32, #tpu.memory_space<vmem>>, vector<16xf32>,
        %get3A_1375 = arith.index_cast %rem3A_928 : i32 to index
        %get3A_1376 = arith.index_cast %add3A_1346 : i32 to index
        %get3A_1377 = arith.constant 112 : index
        %get3A_1378 = tpu.vector_load %arg8[%get3A_1375, %get3A_1376, %get3A_1377] {strides = array<i32>} : memref<6x128x128xf32, #tpu.memory_space<vmem>>, vector<16xf32>,
        %add3A_1379 = arith.addf %add3A_1327, %get3A_1350 : vector<16xf32>
        %max3A_1380 = arith.maximumf %max3A_1328, %get3A_1350 : vector<16xf32>
        %add3A_1381 = arith.addf %add3A_1329, %get3A_1354 : vector<16xf32>
        %max3A_1382 = arith.maximumf %max3A_1330, %get3A_1354 : vector<16xf32>
        %add3A_1383 = arith.addf %add3A_1331, %get3A_1358 : vector<16xf32>
        %max3A_1384 = arith.maximumf %max3A_1332, %get3A_1358 : vector<16xf32>
        %add3A_1385 = arith.addf %add3A_1333, %get3A_1362 : vector<16xf32>
        %max3A_1386 = arith.maximumf %max3A_1334, %get3A_1362 : vector<16xf32>
        %add3A_1387 = arith.addf %add3A_1335, %get3A_1366 : vector<16xf32>
        %max3A_1388 = arith.maximumf %max3A_1336, %get3A_1366 : vector<16xf32>
        %add3A_1389 = arith.addf %add3A_1337, %get3A_1370 : vector<16xf32>
        %max3A_1390 = arith.maximumf %max3A_1338, %get3A_1370 : vector<16xf32>
        %add3A_1391 = arith.addf %add3A_1339, %get3A_1374 : vector<16xf32>
        %max3A_1392 = arith.maximumf %max3A_1340, %get3A_1374 : vector<16xf32>
        %add3A_1393 = arith.addf %add3A_1341, %get3A_1378 : vector<16xf32>
        %max3A_1394 = arith.maximumf %max3A_1342, %get3A_1378 : vector<16xf32>
        scf.yield %add3A_1379, %add3A_1381, %add3A_1383, %add3A_1385, %add3A_1387, %add3A_1389, %add3A_1391, %add3A_1393, %max3A_1380, %max3A_1382, %max3A_1384, %max3A_1386, %max3A_1388, %max3A_1390, %max3A_1392, %max3A_1394 : vector<16xf32>, vector<16xf32>, vector<16xf32>, vector<16xf32>, vector<16xf32>, vector<16xf32>, vector<16xf32>, vector<16xf32>, vector<16xf32>, vector<16xf32>, vector<16xf32>, vector<16xf32>, vector<16xf32>, vector<16xf32>, vector<16xf32>, vector<16xf32>
      }
      %scan3A_961 = arith.constant 16 : i32
      scf.yield %scan3A_960#0, %scan3A_960#1, %scan3A_960#2, %scan3A_960#3, %scan3A_960#4, %scan3A_960#5, %scan3A_960#6, %scan3A_960#7, %scan3A_960#8, %scan3A_960#9, %scan3A_960#10, %scan3A_960#11, %scan3A_960#12, %scan3A_960#13, %scan3A_960#14, %scan3A_960#15 : vector<16xf32>, vector<16xf32>, vector<16xf32>, vector<16xf32>, vector<16xf32>, vector<16xf32>, vector<16xf32>, vector<16xf32>, vector<16xf32>, vector<16xf32>, vector<16xf32>, vector<16xf32>, vector<16xf32>, vector<16xf32>, vector<16xf32>, vector<16xf32>
    }
    %while3A_700 = arith.constant 1 : i32
    %while3A_701:16 = scf.for %while3A_909 = %while3A_697 to %while3A_693 step %while3A_700 iter_args(%while3A_910 = %while3A_699#0, %while3A_911 = %while3A_699#1, %while3A_912 = %while3A_699#2, %while3A_913 = %while3A_699#3, %while3A_914 = %while3A_699#4, %while3A_915 = %while3A_699#5, %while3A_916 = %while3A_699#6, %while3A_917 = %while3A_699#7, %while3A_918 = %while3A_699#8, %while3A_919 = %while3A_699#9, %while3A_920 = %while3A_699#10, %while3A_921 = %while3A_699#11, %while3A_922 = %while3A_699#12, %while3A_923 = %while3A_699#13, %while3A_924 = %while3A_699#14, %while3A_925 = %while3A_699#15) -> (vector<16xf32>, vector<16xf32>, vector<16xf32>, vector<16xf32>, vector<16xf32>, vector<16xf32>, vector<16xf32>, vector<16xf32>, vector<16xf32>, vector<16xf32>, vector<16xf32>, vector<16xf32>, vector<16xf32>, vector<16xf32>, vector<16xf32>, vector<16xf32>)  : i32 {
      %add3A_926 = arith.addi %while3A_909, %while3A : i32
      %rem3A_927 = arith.constant 6 : i32
      %rem3A_928 = arith.remsi %add3A_926, %rem3A_927 : i32
      %add3A_929 = arith.constant 5 : i32
      %add3A_930 = arith.addi %while3A_909, %add3A_929 : i32
      %lt3A_931 = arith.cmpi slt, %add3A_930, %select_n3A_522 : i32
      %convert_element_type3A_932 = arith.extui %lt3A_931 : i1 to i32
      %cond3A_933 = arith.constant 0 : i32
      %cond3A_934 = arith.cmpi ne, %convert_element_type3A_932, %cond3A_933 : i32
      scf.if %cond3A_934 {
        %mul3A_962 = arith.constant 128 : i32
        %mul3A_963 = arith.muli %add3A_930, %mul3A_962 : i32
        %add3A_964 = arith.addi %add3A_415, %mul3A_963 : i32
        %add3A_965 = arith.addi %add3A_930, %while3A : i32
        %rem3A_966 = arith.constant 6 : i32
        %rem3A_967 = arith.remsi %add3A_965, %rem3A_966 : i32
        %dma_start3A = arith.constant 0 : i32
        %dma_start3A_968 = arith.constant 0 : i32
        %dma_start3A_969 = tpu.memref_slice %arg8[%rem3A_967, %dma_start3A, %dma_start3A_968] : memref<6x128x128xf32, #tpu.memory_space<vmem>> -> memref<1x128x128xf32, #tpu.memory_space<vmem>>
        %dma_start3A_970 = tpu.memref_squeeze %dma_start3A_969 : memref<1x128x128xf32, #tpu.memory_space<vmem>> -> memref<128x128xf32, #tpu.memory_space<vmem>>
        %dma_start3A_971 = arith.constant 0 : i32
        %dma_start3A_972 = tpu.memref_slice %arg2[%add3A_964, %dma_start3A_971] : memref<100000x128xf32, #tpu.memory_space<hbm>> -> memref<128x128xf32, #tpu.memory_space<hbm>>
        %dma_start3A_973 = tpu.memref_slice %arg12[%rem3A_967] : memref<6x!tpu.dma_semaphore, #tpu.memory_space<semaphore_mem>> -> memref<1x!tpu.dma_semaphore, #tpu.memory_space<semaphore_mem>>
        %dma_start3A_974 = tpu.memref_squeeze %dma_start3A_973 : memref<1x!tpu.dma_semaphore, #tpu.memory_space<semaphore_mem>> -> memref<!tpu.dma_semaphore, #tpu.memory_space<semaphore_mem>>
        %dma_start3A_975 = arith.constant 0 : i32
        %dma_start3A_976 = arith.constant 0 : i32
        %dma_start3A_977 = tpu.memref_slice %arg8[%rem3A_967, %dma_start3A_975, %dma_start3A_976] : memref<6x128x128xf32, #tpu.memory_space<vmem>> -> memref<1x128x128xf32, #tpu.memory_space<vmem>>
        %dma_start3A_978 = tpu.memref_squeeze %dma_start3A_977 : memref<1x128x128xf32, #tpu.memory_space<vmem>> -> memref<128x128xf32, #tpu.memory_space<vmem>>
        %dma_start3A_979 = arith.constant 0 : i32
        %dma_start3A_980 = tpu.memref_slice %arg2[%add3A_964, %dma_start3A_979] : memref<100000x128xf32, #tpu.memory_space<hbm>> -> memref<128x128xf32, #tpu.memory_space<hbm>>
        tpu.enqueue_dma source(%dma_start3A_980 : memref<128x128xf32, #tpu.memory_space<hbm>>) target(%dma_start3A_978 : memref<128x128xf32, #tpu.memory_space<vmem>>) target_semaphore(%dma_start3A_974 : memref<!tpu.dma_semaphore, #tpu.memory_space<semaphore_mem>>)
      } else {
      }
      %ge3A = arith.cmpi sge, %add3A_930, %select_n3A_522 : i32
      %sub3A_935 = arith.subi %add3A_930, %select_n3A_522 : i32
      %lt3A_936 = arith.cmpi slt, %sub3A_935, %select_n3A_546 : i32
      %and3A_937 = arith.andi %ge3A, %lt3A_936 : i1
      %convert_element_type3A_938 = arith.extui %and3A_937 : i1 to i32
      %cond3A_939 = arith.constant 0 : i32
      %cond3A_940 = arith.cmpi ne, %convert_element_type3A_938, %cond3A_939 : i32
      scf.if %cond3A_940 {
        %sub3A_962 = arith.subi %add3A_930, %select_n3A_522 : i32
        %mul3A_963 = arith.constant 128 : i32
        %mul3A_964 = arith.muli %sub3A_962, %mul3A_963 : i32
        %add3A_965 = arith.addi %add3A_497, %mul3A_964 : i32
        %add3A_966 = arith.addi %add3A_930, %while3A : i32
        %rem3A_967 = arith.constant 6 : i32
        %rem3A_968 = arith.remsi %add3A_966, %rem3A_967 : i32
        %dma_start3A = arith.constant 0 : i32
        %dma_start3A_969 = arith.constant 0 : i32
        %dma_start3A_970 = tpu.memref_slice %arg8[%rem3A_968, %dma_start3A, %dma_start3A_969] : memref<6x128x128xf32, #tpu.memory_space<vmem>> -> memref<1x128x128xf32, #tpu.memory_space<vmem>>
        %dma_start3A_971 = tpu.memref_squeeze %dma_start3A_970 : memref<1x128x128xf32, #tpu.memory_space<vmem>> -> memref<128x128xf32, #tpu.memory_space<vmem>>
        %dma_start3A_972 = arith.constant 0 : i32
        %dma_start3A_973 = tpu.memref_slice %arg2[%add3A_965, %dma_start3A_972] : memref<100000x128xf32, #tpu.memory_space<hbm>> -> memref<128x128xf32, #tpu.memory_space<hbm>>
        %dma_start3A_974 = tpu.memref_slice %arg12[%rem3A_968] : memref<6x!tpu.dma_semaphore, #tpu.memory_space<semaphore_mem>> -> memref<1x!tpu.dma_semaphore, #tpu.memory_space<semaphore_mem>>
        %dma_start3A_975 = tpu.memref_squeeze %dma_start3A_974 : memref<1x!tpu.dma_semaphore, #tpu.memory_space<semaphore_mem>> -> memref<!tpu.dma_semaphore, #tpu.memory_space<semaphore_mem>>
        %dma_start3A_976 = arith.constant 0 : i32
        %dma_start3A_977 = arith.constant 0 : i32
        %dma_start3A_978 = tpu.memref_slice %arg8[%rem3A_968, %dma_start3A_976, %dma_start3A_977] : memref<6x128x128xf32, #tpu.memory_space<vmem>> -> memref<1x128x128xf32, #tpu.memory_space<vmem>>
        %dma_start3A_979 = tpu.memref_squeeze %dma_start3A_978 : memref<1x128x128xf32, #tpu.memory_space<vmem>> -> memref<128x128xf32, #tpu.memory_space<vmem>>
        %dma_start3A_980 = arith.constant 0 : i32
        %dma_start3A_981 = tpu.memref_slice %arg2[%add3A_965, %dma_start3A_980] : memref<100000x128xf32, #tpu.memory_space<hbm>> -> memref<128x128xf32, #tpu.memory_space<hbm>>
        tpu.enqueue_dma source(%dma_start3A_981 : memref<128x128xf32, #tpu.memory_space<hbm>>) target(%dma_start3A_979 : memref<128x128xf32, #tpu.memory_space<vmem>>) target_semaphore(%dma_start3A_975 : memref<!tpu.dma_semaphore, #tpu.memory_space<semaphore_mem>>)
      } else {
      }
      %dma_wait3A = arith.constant 0 : i32
      %dma_wait3A_941 = arith.constant 0 : i32
      %dma_wait3A_942 = tpu.memref_slice %arg8[%rem3A_928, %dma_wait3A, %dma_wait3A_941] : memref<6x128x128xf32, #tpu.memory_space<vmem>> -> memref<1x128x128xf32, #tpu.memory_space<vmem>>
      %dma_wait3A_943 = tpu.memref_squeeze %dma_wait3A_942 : memref<1x128x128xf32, #tpu.memory_space<vmem>> -> memref<128x128xf32, #tpu.memory_space<vmem>>
      %dma_wait3A_944 = arith.constant 0 : i32
      %dma_wait3A_945 = arith.constant 0 : i32
      %dma_wait3A_946 = tpu.memref_slice %arg2[%dma_wait3A_944, %dma_wait3A_945] : memref<100000x128xf32, #tpu.memory_space<hbm>> -> memref<128x128xf32, #tpu.memory_space<hbm>>
      %dma_wait3A_947 = tpu.memref_slice %arg12[%rem3A_928] : memref<6x!tpu.dma_semaphore, #tpu.memory_space<semaphore_mem>> -> memref<1x!tpu.dma_semaphore, #tpu.memory_space<semaphore_mem>>
      %dma_wait3A_948 = tpu.memref_squeeze %dma_wait3A_947 : memref<1x!tpu.dma_semaphore, #tpu.memory_space<semaphore_mem>> -> memref<!tpu.dma_semaphore, #tpu.memory_space<semaphore_mem>>
      %dma_wait3A_949 = arith.constant 0 : i32
      %dma_wait3A_950 = arith.constant 0 : i32
      %dma_wait3A_951 = tpu.memref_slice %arg8[%rem3A_928, %dma_wait3A_949, %dma_wait3A_950] : memref<6x128x128xf32, #tpu.memory_space<vmem>> -> memref<1x128x128xf32, #tpu.memory_space<vmem>>
      %dma_wait3A_952 = tpu.memref_squeeze %dma_wait3A_951 : memref<1x128x128xf32, #tpu.memory_space<vmem>> -> memref<128x128xf32, #tpu.memory_space<vmem>>
      %dma_wait3A_953 = arith.constant 0 : i32
      %dma_wait3A_954 = arith.constant 0 : i32
      %dma_wait3A_955 = tpu.memref_slice %arg2[%dma_wait3A_953, %dma_wait3A_954] : memref<100000x128xf32, #tpu.memory_space<hbm>> -> memref<128x128xf32, #tpu.memory_space<hbm>>
      tpu.wait_dma2 semaphore(%dma_wait3A_948 : memref<!tpu.dma_semaphore, #tpu.memory_space<semaphore_mem>>) src(%dma_wait3A_955 : memref<128x128xf32, #tpu.memory_space<hbm>>) dst(%dma_wait3A_952 : memref<128x128xf32, #tpu.memory_space<vmem>>)
      %scan3A_956 = arith.constant 0 : i32
      %scan3A_957 = arith.constant 16 : i32
      %scan3A_958 = arith.addi %scan3A_956, %scan3A_957 : i32
      %scan3A_959 = arith.constant 1 : i32
      %scan3A_960:16 = scf.for %scan3A_962 = %scan3A_956 to %scan3A_958 step %scan3A_959 iter_args(%scan3A_963 = %while3A_910, %scan3A_964 = %while3A_911, %scan3A_965 = %while3A_912, %scan3A_966 = %while3A_913, %scan3A_967 = %while3A_914, %scan3A_968 = %while3A_915, %scan3A_969 = %while3A_916, %scan3A_970 = %while3A_917, %scan3A_971 = %while3A_918, %scan3A_972 = %while3A_919, %scan3A_973 = %while3A_920, %scan3A_974 = %while3A_921, %scan3A_975 = %while3A_922, %scan3A_976 = %while3A_923, %scan3A_977 = %while3A_924, %scan3A_978 = %while3A_925) -> (vector<16xf32>, vector<16xf32>, vector<16xf32>, vector<16xf32>, vector<16xf32>, vector<16xf32>, vector<16xf32>, vector<16xf32>, vector<16xf32>, vector<16xf32>, vector<16xf32>, vector<16xf32>, vector<16xf32>, vector<16xf32>, vector<16xf32>, vector<16xf32>)  : i32 {
        %mul3A_979 = arith.constant 8 : i32
        %mul3A_980 = arith.muli %scan3A_962, %mul3A_979 : i32
        %add3A_981 = arith.constant 0 : i32
        %add3A_982 = arith.addi %mul3A_980, %add3A_981 : i32
        %get3A_983 = arith.index_cast %rem3A_928 : i32 to index
        %get3A_984 = arith.index_cast %add3A_982 : i32 to index
        %get3A_985 = arith.constant 0 : index
        %get3A_986 = tpu.vector_load %arg8[%get3A_983, %get3A_984, %get3A_985] {strides = array<i32>} : memref<6x128x128xf32, #tpu.memory_space<vmem>>, vector<16xf32>,
        %get3A_987 = arith.index_cast %rem3A_928 : i32 to index
        %get3A_988 = arith.index_cast %add3A_982 : i32 to index
        %get3A_989 = arith.constant 16 : index
        %get3A_990 = tpu.vector_load %arg8[%get3A_987, %get3A_988, %get3A_989] {strides = array<i32>} : memref<6x128x128xf32, #tpu.memory_space<vmem>>, vector<16xf32>,
        %get3A_991 = arith.index_cast %rem3A_928 : i32 to index
        %get3A_992 = arith.index_cast %add3A_982 : i32 to index
        %get3A_993 = arith.constant 32 : index
        %get3A_994 = tpu.vector_load %arg8[%get3A_991, %get3A_992, %get3A_993] {strides = array<i32>} : memref<6x128x128xf32, #tpu.memory_space<vmem>>, vector<16xf32>,
        %get3A_995 = arith.index_cast %rem3A_928 : i32 to index
        %get3A_996 = arith.index_cast %add3A_982 : i32 to index
        %get3A_997 = arith.constant 48 : index
        %get3A_998 = tpu.vector_load %arg8[%get3A_995, %get3A_996, %get3A_997] {strides = array<i32>} : memref<6x128x128xf32, #tpu.memory_space<vmem>>, vector<16xf32>,
        %get3A_999 = arith.index_cast %rem3A_928 : i32 to index
        %get3A_1000 = arith.index_cast %add3A_982 : i32 to index
        %get3A_1001 = arith.constant 64 : index
        %get3A_1002 = tpu.vector_load %arg8[%get3A_999, %get3A_1000, %get3A_1001] {strides = array<i32>} : memref<6x128x128xf32, #tpu.memory_space<vmem>>, vector<16xf32>,
        %get3A_1003 = arith.index_cast %rem3A_928 : i32 to index
        %get3A_1004 = arith.index_cast %add3A_982 : i32 to index
        %get3A_1005 = arith.constant 80 : index
        %get3A_1006 = tpu.vector_load %arg8[%get3A_1003, %get3A_1004, %get3A_1005] {strides = array<i32>} : memref<6x128x128xf32, #tpu.memory_space<vmem>>, vector<16xf32>,
        %get3A_1007 = arith.index_cast %rem3A_928 : i32 to index
        %get3A_1008 = arith.index_cast %add3A_982 : i32 to index
        %get3A_1009 = arith.constant 96 : index
        %get3A_1010 = tpu.vector_load %arg8[%get3A_1007, %get3A_1008, %get3A_1009] {strides = array<i32>} : memref<6x128x128xf32, #tpu.memory_space<vmem>>, vector<16xf32>,
        %get3A_1011 = arith.index_cast %rem3A_928 : i32 to index
        %get3A_1012 = arith.index_cast %add3A_982 : i32 to index
        %get3A_1013 = arith.constant 112 : index
        %get3A_1014 = tpu.vector_load %arg8[%get3A_1011, %get3A_1012, %get3A_1013] {strides = array<i32>} : memref<6x128x128xf32, #tpu.memory_space<vmem>>, vector<16xf32>,
        %add3A_1015 = arith.addf %scan3A_963, %get3A_986 : vector<16xf32>
        %max3A_1016 = arith.maximumf %scan3A_971, %get3A_986 : vector<16xf32>
        %add3A_1017 = arith.addf %scan3A_964, %get3A_990 : vector<16xf32>
        %max3A_1018 = arith.maximumf %scan3A_972, %get3A_990 : vector<16xf32>
        %add3A_1019 = arith.addf %scan3A_965, %get3A_994 : vector<16xf32>
        %max3A_1020 = arith.maximumf %scan3A_973, %get3A_994 : vector<16xf32>
        %add3A_1021 = arith.addf %scan3A_966, %get3A_998 : vector<16xf32>
        %max3A_1022 = arith.maximumf %scan3A_974, %get3A_998 : vector<16xf32>
        %add3A_1023 = arith.addf %scan3A_967, %get3A_1002 : vector<16xf32>
        %max3A_1024 = arith.maximumf %scan3A_975, %get3A_1002 : vector<16xf32>
        %add3A_1025 = arith.addf %scan3A_968, %get3A_1006 : vector<16xf32>
        %max3A_1026 = arith.maximumf %scan3A_976, %get3A_1006 : vector<16xf32>
        %add3A_1027 = arith.addf %scan3A_969, %get3A_1010 : vector<16xf32>
        %max3A_1028 = arith.maximumf %scan3A_977, %get3A_1010 : vector<16xf32>
        %add3A_1029 = arith.addf %scan3A_970, %get3A_1014 : vector<16xf32>
        %max3A_1030 = arith.maximumf %scan3A_978, %get3A_1014 : vector<16xf32>
        %mul3A_1031 = arith.constant 8 : i32
        %mul3A_1032 = arith.muli %scan3A_962, %mul3A_1031 : i32
        %add3A_1033 = arith.constant 1 : i32
        %add3A_1034 = arith.addi %mul3A_1032, %add3A_1033 : i32
        %get3A_1035 = arith.index_cast %rem3A_928 : i32 to index
        %get3A_1036 = arith.index_cast %add3A_1034 : i32 to index
        %get3A_1037 = arith.constant 0 : index
        %get3A_1038 = tpu.vector_load %arg8[%get3A_1035, %get3A_1036, %get3A_1037] {strides = array<i32>} : memref<6x128x128xf32, #tpu.memory_space<vmem>>, vector<16xf32>,
        %get3A_1039 = arith.index_cast %rem3A_928 : i32 to index
        %get3A_1040 = arith.index_cast %add3A_1034 : i32 to index
        %get3A_1041 = arith.constant 16 : index
        %get3A_1042 = tpu.vector_load %arg8[%get3A_1039, %get3A_1040, %get3A_1041] {strides = array<i32>} : memref<6x128x128xf32, #tpu.memory_space<vmem>>, vector<16xf32>,
        %get3A_1043 = arith.index_cast %rem3A_928 : i32 to index
        %get3A_1044 = arith.index_cast %add3A_1034 : i32 to index
        %get3A_1045 = arith.constant 32 : index
        %get3A_1046 = tpu.vector_load %arg8[%get3A_1043, %get3A_1044, %get3A_1045] {strides = array<i32>} : memref<6x128x128xf32, #tpu.memory_space<vmem>>, vector<16xf32>,
        %get3A_1047 = arith.index_cast %rem3A_928 : i32 to index
        %get3A_1048 = arith.index_cast %add3A_1034 : i32 to index
        %get3A_1049 = arith.constant 48 : index
        %get3A_1050 = tpu.vector_load %arg8[%get3A_1047, %get3A_1048, %get3A_1049] {strides = array<i32>} : memref<6x128x128xf32, #tpu.memory_space<vmem>>, vector<16xf32>,
        %get3A_1051 = arith.index_cast %rem3A_928 : i32 to index
        %get3A_1052 = arith.index_cast %add3A_1034 : i32 to index
        %get3A_1053 = arith.constant 64 : index
        %get3A_1054 = tpu.vector_load %arg8[%get3A_1051, %get3A_1052, %get3A_1053] {strides = array<i32>} : memref<6x128x128xf32, #tpu.memory_space<vmem>>, vector<16xf32>,
        %get3A_1055 = arith.index_cast %rem3A_928 : i32 to index
        %get3A_1056 = arith.index_cast %add3A_1034 : i32 to index
        %get3A_1057 = arith.constant 80 : index
        %get3A_1058 = tpu.vector_load %arg8[%get3A_1055, %get3A_1056, %get3A_1057] {strides = array<i32>} : memref<6x128x128xf32, #tpu.memory_space<vmem>>, vector<16xf32>,
        %get3A_1059 = arith.index_cast %rem3A_928 : i32 to index
        %get3A_1060 = arith.index_cast %add3A_1034 : i32 to index
        %get3A_1061 = arith.constant 96 : index
        %get3A_1062 = tpu.vector_load %arg8[%get3A_1059, %get3A_1060, %get3A_1061] {strides = array<i32>} : memref<6x128x128xf32, #tpu.memory_space<vmem>>, vector<16xf32>,
        %get3A_1063 = arith.index_cast %rem3A_928 : i32 to index
        %get3A_1064 = arith.index_cast %add3A_1034 : i32 to index
        %get3A_1065 = arith.constant 112 : index
        %get3A_1066 = tpu.vector_load %arg8[%get3A_1063, %get3A_1064, %get3A_1065] {strides = array<i32>} : memref<6x128x128xf32, #tpu.memory_space<vmem>>, vector<16xf32>,
        %add3A_1067 = arith.addf %add3A_1015, %get3A_1038 : vector<16xf32>
        %max3A_1068 = arith.maximumf %max3A_1016, %get3A_1038 : vector<16xf32>
        %add3A_1069 = arith.addf %add3A_1017, %get3A_1042 : vector<16xf32>
        %max3A_1070 = arith.maximumf %max3A_1018, %get3A_1042 : vector<16xf32>
        %add3A_1071 = arith.addf %add3A_1019, %get3A_1046 : vector<16xf32>
        %max3A_1072 = arith.maximumf %max3A_1020, %get3A_1046 : vector<16xf32>
        %add3A_1073 = arith.addf %add3A_1021, %get3A_1050 : vector<16xf32>
        %max3A_1074 = arith.maximumf %max3A_1022, %get3A_1050 : vector<16xf32>
        %add3A_1075 = arith.addf %add3A_1023, %get3A_1054 : vector<16xf32>
        %max3A_1076 = arith.maximumf %max3A_1024, %get3A_1054 : vector<16xf32>
        %add3A_1077 = arith.addf %add3A_1025, %get3A_1058 : vector<16xf32>
        %max3A_1078 = arith.maximumf %max3A_1026, %get3A_1058 : vector<16xf32>
        %add3A_1079 = arith.addf %add3A_1027, %get3A_1062 : vector<16xf32>
        %max3A_1080 = arith.maximumf %max3A_1028, %get3A_1062 : vector<16xf32>
        %add3A_1081 = arith.addf %add3A_1029, %get3A_1066 : vector<16xf32>
        %max3A_1082 = arith.maximumf %max3A_1030, %get3A_1066 : vector<16xf32>
        %mul3A_1083 = arith.constant 8 : i32
        %mul3A_1084 = arith.muli %scan3A_962, %mul3A_1083 : i32
        %add3A_1085 = arith.constant 2 : i32
        %add3A_1086 = arith.addi %mul3A_1084, %add3A_1085 : i32
        %get3A_1087 = arith.index_cast %rem3A_928 : i32 to index
        %get3A_1088 = arith.index_cast %add3A_1086 : i32 to index
        %get3A_1089 = arith.constant 0 : index
        %get3A_1090 = tpu.vector_load %arg8[%get3A_1087, %get3A_1088, %get3A_1089] {strides = array<i32>} : memref<6x128x128xf32, #tpu.memory_space<vmem>>, vector<16xf32>,
        %get3A_1091 = arith.index_cast %rem3A_928 : i32 to index
        %get3A_1092 = arith.index_cast %add3A_1086 : i32 to index
        %get3A_1093 = arith.constant 16 : index
        %get3A_1094 = tpu.vector_load %arg8[%get3A_1091, %get3A_1092, %get3A_1093] {strides = array<i32>} : memref<6x128x128xf32, #tpu.memory_space<vmem>>, vector<16xf32>,
        %get3A_1095 = arith.index_cast %rem3A_928 : i32 to index
        %get3A_1096 = arith.index_cast %add3A_1086 : i32 to index
        %get3A_1097 = arith.constant 32 : index
        %get3A_1098 = tpu.vector_load %arg8[%get3A_1095, %get3A_1096, %get3A_1097] {strides = array<i32>} : memref<6x128x128xf32, #tpu.memory_space<vmem>>, vector<16xf32>,
        %get3A_1099 = arith.index_cast %rem3A_928 : i32 to index
        %get3A_1100 = arith.index_cast %add3A_1086 : i32 to index
        %get3A_1101 = arith.constant 48 : index
        %get3A_1102 = tpu.vector_load %arg8[%get3A_1099, %get3A_1100, %get3A_1101] {strides = array<i32>} : memref<6x128x128xf32, #tpu.memory_space<vmem>>, vector<16xf32>,
        %get3A_1103 = arith.index_cast %rem3A_928 : i32 to index
        %get3A_1104 = arith.index_cast %add3A_1086 : i32 to index
        %get3A_1105 = arith.constant 64 : index
        %get3A_1106 = tpu.vector_load %arg8[%get3A_1103, %get3A_1104, %get3A_1105] {strides = array<i32>} : memref<6x128x128xf32, #tpu.memory_space<vmem>>, vector<16xf32>,
        %get3A_1107 = arith.index_cast %rem3A_928 : i32 to index
        %get3A_1108 = arith.index_cast %add3A_1086 : i32 to index
        %get3A_1109 = arith.constant 80 : index
        %get3A_1110 = tpu.vector_load %arg8[%get3A_1107, %get3A_1108, %get3A_1109] {strides = array<i32>} : memref<6x128x128xf32, #tpu.memory_space<vmem>>, vector<16xf32>,
        %get3A_1111 = arith.index_cast %rem3A_928 : i32 to index
        %get3A_1112 = arith.index_cast %add3A_1086 : i32 to index
        %get3A_1113 = arith.constant 96 : index
        %get3A_1114 = tpu.vector_load %arg8[%get3A_1111, %get3A_1112, %get3A_1113] {strides = array<i32>} : memref<6x128x128xf32, #tpu.memory_space<vmem>>, vector<16xf32>,
        %get3A_1115 = arith.index_cast %rem3A_928 : i32 to index
        %get3A_1116 = arith.index_cast %add3A_1086 : i32 to index
        %get3A_1117 = arith.constant 112 : index
        %get3A_1118 = tpu.vector_load %arg8[%get3A_1115, %get3A_1116, %get3A_1117] {strides = array<i32>} : memref<6x128x128xf32, #tpu.memory_space<vmem>>, vector<16xf32>,
        %add3A_1119 = arith.addf %add3A_1067, %get3A_1090 : vector<16xf32>
        %max3A_1120 = arith.maximumf %max3A_1068, %get3A_1090 : vector<16xf32>
        %add3A_1121 = arith.addf %add3A_1069, %get3A_1094 : vector<16xf32>
        %max3A_1122 = arith.maximumf %max3A_1070, %get3A_1094 : vector<16xf32>
        %add3A_1123 = arith.addf %add3A_1071, %get3A_1098 : vector<16xf32>
        %max3A_1124 = arith.maximumf %max3A_1072, %get3A_1098 : vector<16xf32>
        %add3A_1125 = arith.addf %add3A_1073, %get3A_1102 : vector<16xf32>
        %max3A_1126 = arith.maximumf %max3A_1074, %get3A_1102 : vector<16xf32>
        %add3A_1127 = arith.addf %add3A_1075, %get3A_1106 : vector<16xf32>
        %max3A_1128 = arith.maximumf %max3A_1076, %get3A_1106 : vector<16xf32>
        %add3A_1129 = arith.addf %add3A_1077, %get3A_1110 : vector<16xf32>
        %max3A_1130 = arith.maximumf %max3A_1078, %get3A_1110 : vector<16xf32>
        %add3A_1131 = arith.addf %add3A_1079, %get3A_1114 : vector<16xf32>
        %max3A_1132 = arith.maximumf %max3A_1080, %get3A_1114 : vector<16xf32>
        %add3A_1133 = arith.addf %add3A_1081, %get3A_1118 : vector<16xf32>
        %max3A_1134 = arith.maximumf %max3A_1082, %get3A_1118 : vector<16xf32>
        %mul3A_1135 = arith.constant 8 : i32
        %mul3A_1136 = arith.muli %scan3A_962, %mul3A_1135 : i32
        %add3A_1137 = arith.constant 3 : i32
        %add3A_1138 = arith.addi %mul3A_1136, %add3A_1137 : i32
        %get3A_1139 = arith.index_cast %rem3A_928 : i32 to index
        %get3A_1140 = arith.index_cast %add3A_1138 : i32 to index
        %get3A_1141 = arith.constant 0 : index
        %get3A_1142 = tpu.vector_load %arg8[%get3A_1139, %get3A_1140, %get3A_1141] {strides = array<i32>} : memref<6x128x128xf32, #tpu.memory_space<vmem>>, vector<16xf32>,
        %get3A_1143 = arith.index_cast %rem3A_928 : i32 to index
        %get3A_1144 = arith.index_cast %add3A_1138 : i32 to index
        %get3A_1145 = arith.constant 16 : index
        %get3A_1146 = tpu.vector_load %arg8[%get3A_1143, %get3A_1144, %get3A_1145] {strides = array<i32>} : memref<6x128x128xf32, #tpu.memory_space<vmem>>, vector<16xf32>,
        %get3A_1147 = arith.index_cast %rem3A_928 : i32 to index
        %get3A_1148 = arith.index_cast %add3A_1138 : i32 to index
        %get3A_1149 = arith.constant 32 : index
        %get3A_1150 = tpu.vector_load %arg8[%get3A_1147, %get3A_1148, %get3A_1149] {strides = array<i32>} : memref<6x128x128xf32, #tpu.memory_space<vmem>>, vector<16xf32>,
        %get3A_1151 = arith.index_cast %rem3A_928 : i32 to index
        %get3A_1152 = arith.index_cast %add3A_1138 : i32 to index
        %get3A_1153 = arith.constant 48 : index
        %get3A_1154 = tpu.vector_load %arg8[%get3A_1151, %get3A_1152, %get3A_1153] {strides = array<i32>} : memref<6x128x128xf32, #tpu.memory_space<vmem>>, vector<16xf32>,
        %get3A_1155 = arith.index_cast %rem3A_928 : i32 to index
        %get3A_1156 = arith.index_cast %add3A_1138 : i32 to index
        %get3A_1157 = arith.constant 64 : index
        %get3A_1158 = tpu.vector_load %arg8[%get3A_1155, %get3A_1156, %get3A_1157] {strides = array<i32>} : memref<6x128x128xf32, #tpu.memory_space<vmem>>, vector<16xf32>,
        %get3A_1159 = arith.index_cast %rem3A_928 : i32 to index
        %get3A_1160 = arith.index_cast %add3A_1138 : i32 to index
        %get3A_1161 = arith.constant 80 : index
        %get3A_1162 = tpu.vector_load %arg8[%get3A_1159, %get3A_1160, %get3A_1161] {strides = array<i32>} : memref<6x128x128xf32, #tpu.memory_space<vmem>>, vector<16xf32>,
        %get3A_1163 = arith.index_cast %rem3A_928 : i32 to index
        %get3A_1164 = arith.index_cast %add3A_1138 : i32 to index
        %get3A_1165 = arith.constant 96 : index
        %get3A_1166 = tpu.vector_load %arg8[%get3A_1163, %get3A_1164, %get3A_1165] {strides = array<i32>} : memref<6x128x128xf32, #tpu.memory_space<vmem>>, vector<16xf32>,
        %get3A_1167 = arith.index_cast %rem3A_928 : i32 to index
        %get3A_1168 = arith.index_cast %add3A_1138 : i32 to index
        %get3A_1169 = arith.constant 112 : index
        %get3A_1170 = tpu.vector_load %arg8[%get3A_1167, %get3A_1168, %get3A_1169] {strides = array<i32>} : memref<6x128x128xf32, #tpu.memory_space<vmem>>, vector<16xf32>,
        %add3A_1171 = arith.addf %add3A_1119, %get3A_1142 : vector<16xf32>
        %max3A_1172 = arith.maximumf %max3A_1120, %get3A_1142 : vector<16xf32>
        %add3A_1173 = arith.addf %add3A_1121, %get3A_1146 : vector<16xf32>
        %max3A_1174 = arith.maximumf %max3A_1122, %get3A_1146 : vector<16xf32>
        %add3A_1175 = arith.addf %add3A_1123, %get3A_1150 : vector<16xf32>
        %max3A_1176 = arith.maximumf %max3A_1124, %get3A_1150 : vector<16xf32>
        %add3A_1177 = arith.addf %add3A_1125, %get3A_1154 : vector<16xf32>
        %max3A_1178 = arith.maximumf %max3A_1126, %get3A_1154 : vector<16xf32>
        %add3A_1179 = arith.addf %add3A_1127, %get3A_1158 : vector<16xf32>
        %max3A_1180 = arith.maximumf %max3A_1128, %get3A_1158 : vector<16xf32>
        %add3A_1181 = arith.addf %add3A_1129, %get3A_1162 : vector<16xf32>
        %max3A_1182 = arith.maximumf %max3A_1130, %get3A_1162 : vector<16xf32>
        %add3A_1183 = arith.addf %add3A_1131, %get3A_1166 : vector<16xf32>
        %max3A_1184 = arith.maximumf %max3A_1132, %get3A_1166 : vector<16xf32>
        %add3A_1185 = arith.addf %add3A_1133, %get3A_1170 : vector<16xf32>
        %max3A_1186 = arith.maximumf %max3A_1134, %get3A_1170 : vector<16xf32>
        %mul3A_1187 = arith.constant 8 : i32
        %mul3A_1188 = arith.muli %scan3A_962, %mul3A_1187 : i32
        %add3A_1189 = arith.constant 4 : i32
        %add3A_1190 = arith.addi %mul3A_1188, %add3A_1189 : i32
        %get3A_1191 = arith.index_cast %rem3A_928 : i32 to index
        %get3A_1192 = arith.index_cast %add3A_1190 : i32 to index
        %get3A_1193 = arith.constant 0 : index
        %get3A_1194 = tpu.vector_load %arg8[%get3A_1191, %get3A_1192, %get3A_1193] {strides = array<i32>} : memref<6x128x128xf32, #tpu.memory_space<vmem>>, vector<16xf32>,
        %get3A_1195 = arith.index_cast %rem3A_928 : i32 to index
        %get3A_1196 = arith.index_cast %add3A_1190 : i32 to index
        %get3A_1197 = arith.constant 16 : index
        %get3A_1198 = tpu.vector_load %arg8[%get3A_1195, %get3A_1196, %get3A_1197] {strides = array<i32>} : memref<6x128x128xf32, #tpu.memory_space<vmem>>, vector<16xf32>,
        %get3A_1199 = arith.index_cast %rem3A_928 : i32 to index
        %get3A_1200 = arith.index_cast %add3A_1190 : i32 to index
        %get3A_1201 = arith.constant 32 : index
        %get3A_1202 = tpu.vector_load %arg8[%get3A_1199, %get3A_1200, %get3A_1201] {strides = array<i32>} : memref<6x128x128xf32, #tpu.memory_space<vmem>>, vector<16xf32>,
        %get3A_1203 = arith.index_cast %rem3A_928 : i32 to index
        %get3A_1204 = arith.index_cast %add3A_1190 : i32 to index
        %get3A_1205 = arith.constant 48 : index
        %get3A_1206 = tpu.vector_load %arg8[%get3A_1203, %get3A_1204, %get3A_1205] {strides = array<i32>} : memref<6x128x128xf32, #tpu.memory_space<vmem>>, vector<16xf32>,
        %get3A_1207 = arith.index_cast %rem3A_928 : i32 to index
        %get3A_1208 = arith.index_cast %add3A_1190 : i32 to index
        %get3A_1209 = arith.constant 64 : index
        %get3A_1210 = tpu.vector_load %arg8[%get3A_1207, %get3A_1208, %get3A_1209] {strides = array<i32>} : memref<6x128x128xf32, #tpu.memory_space<vmem>>, vector<16xf32>,
        %get3A_1211 = arith.index_cast %rem3A_928 : i32 to index
        %get3A_1212 = arith.index_cast %add3A_1190 : i32 to index
        %get3A_1213 = arith.constant 80 : index
        %get3A_1214 = tpu.vector_load %arg8[%get3A_1211, %get3A_1212, %get3A_1213] {strides = array<i32>} : memref<6x128x128xf32, #tpu.memory_space<vmem>>, vector<16xf32>,
        %get3A_1215 = arith.index_cast %rem3A_928 : i32 to index
        %get3A_1216 = arith.index_cast %add3A_1190 : i32 to index
        %get3A_1217 = arith.constant 96 : index
        %get3A_1218 = tpu.vector_load %arg8[%get3A_1215, %get3A_1216, %get3A_1217] {strides = array<i32>} : memref<6x128x128xf32, #tpu.memory_space<vmem>>, vector<16xf32>,
        %get3A_1219 = arith.index_cast %rem3A_928 : i32 to index
        %get3A_1220 = arith.index_cast %add3A_1190 : i32 to index
        %get3A_1221 = arith.constant 112 : index
        %get3A_1222 = tpu.vector_load %arg8[%get3A_1219, %get3A_1220, %get3A_1221] {strides = array<i32>} : memref<6x128x128xf32, #tpu.memory_space<vmem>>, vector<16xf32>,
        %add3A_1223 = arith.addf %add3A_1171, %get3A_1194 : vector<16xf32>
        %max3A_1224 = arith.maximumf %max3A_1172, %get3A_1194 : vector<16xf32>
        %add3A_1225 = arith.addf %add3A_1173, %get3A_1198 : vector<16xf32>
        %max3A_1226 = arith.maximumf %max3A_1174, %get3A_1198 : vector<16xf32>
        %add3A_1227 = arith.addf %add3A_1175, %get3A_1202 : vector<16xf32>
        %max3A_1228 = arith.maximumf %max3A_1176, %get3A_1202 : vector<16xf32>
        %add3A_1229 = arith.addf %add3A_1177, %get3A_1206 : vector<16xf32>
        %max3A_1230 = arith.maximumf %max3A_1178, %get3A_1206 : vector<16xf32>
        %add3A_1231 = arith.addf %add3A_1179, %get3A_1210 : vector<16xf32>
        %max3A_1232 = arith.maximumf %max3A_1180, %get3A_1210 : vector<16xf32>
        %add3A_1233 = arith.addf %add3A_1181, %get3A_1214 : vector<16xf32>
        %max3A_1234 = arith.maximumf %max3A_1182, %get3A_1214 : vector<16xf32>
        %add3A_1235 = arith.addf %add3A_1183, %get3A_1218 : vector<16xf32>
        %max3A_1236 = arith.maximumf %max3A_1184, %get3A_1218 : vector<16xf32>
        %add3A_1237 = arith.addf %add3A_1185, %get3A_1222 : vector<16xf32>
        %max3A_1238 = arith.maximumf %max3A_1186, %get3A_1222 : vector<16xf32>
        %mul3A_1239 = arith.constant 8 : i32
        %mul3A_1240 = arith.muli %scan3A_962, %mul3A_1239 : i32
        %add3A_1241 = arith.constant 5 : i32
        %add3A_1242 = arith.addi %mul3A_1240, %add3A_1241 : i32
        %get3A_1243 = arith.index_cast %rem3A_928 : i32 to index
        %get3A_1244 = arith.index_cast %add3A_1242 : i32 to index
        %get3A_1245 = arith.constant 0 : index
        %get3A_1246 = tpu.vector_load %arg8[%get3A_1243, %get3A_1244, %get3A_1245] {strides = array<i32>} : memref<6x128x128xf32, #tpu.memory_space<vmem>>, vector<16xf32>,
        %get3A_1247 = arith.index_cast %rem3A_928 : i32 to index
        %get3A_1248 = arith.index_cast %add3A_1242 : i32 to index
        %get3A_1249 = arith.constant 16 : index
        %get3A_1250 = tpu.vector_load %arg8[%get3A_1247, %get3A_1248, %get3A_1249] {strides = array<i32>} : memref<6x128x128xf32, #tpu.memory_space<vmem>>, vector<16xf32>,
        %get3A_1251 = arith.index_cast %rem3A_928 : i32 to index
        %get3A_1252 = arith.index_cast %add3A_1242 : i32 to index
        %get3A_1253 = arith.constant 32 : index
        %get3A_1254 = tpu.vector_load %arg8[%get3A_1251, %get3A_1252, %get3A_1253] {strides = array<i32>} : memref<6x128x128xf32, #tpu.memory_space<vmem>>, vector<16xf32>,
        %get3A_1255 = arith.index_cast %rem3A_928 : i32 to index
        %get3A_1256 = arith.index_cast %add3A_1242 : i32 to index
        %get3A_1257 = arith.constant 48 : index
        %get3A_1258 = tpu.vector_load %arg8[%get3A_1255, %get3A_1256, %get3A_1257] {strides = array<i32>} : memref<6x128x128xf32, #tpu.memory_space<vmem>>, vector<16xf32>,
        %get3A_1259 = arith.index_cast %rem3A_928 : i32 to index
        %get3A_1260 = arith.index_cast %add3A_1242 : i32 to index
        %get3A_1261 = arith.constant 64 : index
        %get3A_1262 = tpu.vector_load %arg8[%get3A_1259, %get3A_1260, %get3A_1261] {strides = array<i32>} : memref<6x128x128xf32, #tpu.memory_space<vmem>>, vector<16xf32>,
        %get3A_1263 = arith.index_cast %rem3A_928 : i32 to index
        %get3A_1264 = arith.index_cast %add3A_1242 : i32 to index
        %get3A_1265 = arith.constant 80 : index
        %get3A_1266 = tpu.vector_load %arg8[%get3A_1263, %get3A_1264, %get3A_1265] {strides = array<i32>} : memref<6x128x128xf32, #tpu.memory_space<vmem>>, vector<16xf32>,
        %get3A_1267 = arith.index_cast %rem3A_928 : i32 to index
        %get3A_1268 = arith.index_cast %add3A_1242 : i32 to index
        %get3A_1269 = arith.constant 96 : index
        %get3A_1270 = tpu.vector_load %arg8[%get3A_1267, %get3A_1268, %get3A_1269] {strides = array<i32>} : memref<6x128x128xf32, #tpu.memory_space<vmem>>, vector<16xf32>,
        %get3A_1271 = arith.index_cast %rem3A_928 : i32 to index
        %get3A_1272 = arith.index_cast %add3A_1242 : i32 to index
        %get3A_1273 = arith.constant 112 : index
        %get3A_1274 = tpu.vector_load %arg8[%get3A_1271, %get3A_1272, %get3A_1273] {strides = array<i32>} : memref<6x128x128xf32, #tpu.memory_space<vmem>>, vector<16xf32>,
        %add3A_1275 = arith.addf %add3A_1223, %get3A_1246 : vector<16xf32>
        %max3A_1276 = arith.maximumf %max3A_1224, %get3A_1246 : vector<16xf32>
        %add3A_1277 = arith.addf %add3A_1225, %get3A_1250 : vector<16xf32>
        %max3A_1278 = arith.maximumf %max3A_1226, %get3A_1250 : vector<16xf32>
        %add3A_1279 = arith.addf %add3A_1227, %get3A_1254 : vector<16xf32>
        %max3A_1280 = arith.maximumf %max3A_1228, %get3A_1254 : vector<16xf32>
        %add3A_1281 = arith.addf %add3A_1229, %get3A_1258 : vector<16xf32>
        %max3A_1282 = arith.maximumf %max3A_1230, %get3A_1258 : vector<16xf32>
        %add3A_1283 = arith.addf %add3A_1231, %get3A_1262 : vector<16xf32>
        %max3A_1284 = arith.maximumf %max3A_1232, %get3A_1262 : vector<16xf32>
        %add3A_1285 = arith.addf %add3A_1233, %get3A_1266 : vector<16xf32>
        %max3A_1286 = arith.maximumf %max3A_1234, %get3A_1266 : vector<16xf32>
        %add3A_1287 = arith.addf %add3A_1235, %get3A_1270 : vector<16xf32>
        %max3A_1288 = arith.maximumf %max3A_1236, %get3A_1270 : vector<16xf32>
        %add3A_1289 = arith.addf %add3A_1237, %get3A_1274 : vector<16xf32>
        %max3A_1290 = arith.maximumf %max3A_1238, %get3A_1274 : vector<16xf32>
        %mul3A_1291 = arith.constant 8 : i32
        %mul3A_1292 = arith.muli %scan3A_962, %mul3A_1291 : i32
        %add3A_1293 = arith.constant 6 : i32
        %add3A_1294 = arith.addi %mul3A_1292, %add3A_1293 : i32
        %get3A_1295 = arith.index_cast %rem3A_928 : i32 to index
        %get3A_1296 = arith.index_cast %add3A_1294 : i32 to index
        %get3A_1297 = arith.constant 0 : index
        %get3A_1298 = tpu.vector_load %arg8[%get3A_1295, %get3A_1296, %get3A_1297] {strides = array<i32>} : memref<6x128x128xf32, #tpu.memory_space<vmem>>, vector<16xf32>,
        %get3A_1299 = arith.index_cast %rem3A_928 : i32 to index
        %get3A_1300 = arith.index_cast %add3A_1294 : i32 to index
        %get3A_1301 = arith.constant 16 : index
        %get3A_1302 = tpu.vector_load %arg8[%get3A_1299, %get3A_1300, %get3A_1301] {strides = array<i32>} : memref<6x128x128xf32, #tpu.memory_space<vmem>>, vector<16xf32>,
        %get3A_1303 = arith.index_cast %rem3A_928 : i32 to index
        %get3A_1304 = arith.index_cast %add3A_1294 : i32 to index
        %get3A_1305 = arith.constant 32 : index
        %get3A_1306 = tpu.vector_load %arg8[%get3A_1303, %get3A_1304, %get3A_1305] {strides = array<i32>} : memref<6x128x128xf32, #tpu.memory_space<vmem>>, vector<16xf32>,
        %get3A_1307 = arith.index_cast %rem3A_928 : i32 to index
        %get3A_1308 = arith.index_cast %add3A_1294 : i32 to index
        %get3A_1309 = arith.constant 48 : index
        %get3A_1310 = tpu.vector_load %arg8[%get3A_1307, %get3A_1308, %get3A_1309] {strides = array<i32>} : memref<6x128x128xf32, #tpu.memory_space<vmem>>, vector<16xf32>,
        %get3A_1311 = arith.index_cast %rem3A_928 : i32 to index
        %get3A_1312 = arith.index_cast %add3A_1294 : i32 to index
        %get3A_1313 = arith.constant 64 : index
        %get3A_1314 = tpu.vector_load %arg8[%get3A_1311, %get3A_1312, %get3A_1313] {strides = array<i32>} : memref<6x128x128xf32, #tpu.memory_space<vmem>>, vector<16xf32>,
        %get3A_1315 = arith.index_cast %rem3A_928 : i32 to index
        %get3A_1316 = arith.index_cast %add3A_1294 : i32 to index
        %get3A_1317 = arith.constant 80 : index
        %get3A_1318 = tpu.vector_load %arg8[%get3A_1315, %get3A_1316, %get3A_1317] {strides = array<i32>} : memref<6x128x128xf32, #tpu.memory_space<vmem>>, vector<16xf32>,
        %get3A_1319 = arith.index_cast %rem3A_928 : i32 to index
        %get3A_1320 = arith.index_cast %add3A_1294 : i32 to index
        %get3A_1321 = arith.constant 96 : index
        %get3A_1322 = tpu.vector_load %arg8[%get3A_1319, %get3A_1320, %get3A_1321] {strides = array<i32>} : memref<6x128x128xf32, #tpu.memory_space<vmem>>, vector<16xf32>,
        %get3A_1323 = arith.index_cast %rem3A_928 : i32 to index
        %get3A_1324 = arith.index_cast %add3A_1294 : i32 to index
        %get3A_1325 = arith.constant 112 : index
        %get3A_1326 = tpu.vector_load %arg8[%get3A_1323, %get3A_1324, %get3A_1325] {strides = array<i32>} : memref<6x128x128xf32, #tpu.memory_space<vmem>>, vector<16xf32>,
        %add3A_1327 = arith.addf %add3A_1275, %get3A_1298 : vector<16xf32>
        %max3A_1328 = arith.maximumf %max3A_1276, %get3A_1298 : vector<16xf32>
        %add3A_1329 = arith.addf %add3A_1277, %get3A_1302 : vector<16xf32>
        %max3A_1330 = arith.maximumf %max3A_1278, %get3A_1302 : vector<16xf32>
        %add3A_1331 = arith.addf %add3A_1279, %get3A_1306 : vector<16xf32>
        %max3A_1332 = arith.maximumf %max3A_1280, %get3A_1306 : vector<16xf32>
        %add3A_1333 = arith.addf %add3A_1281, %get3A_1310 : vector<16xf32>
        %max3A_1334 = arith.maximumf %max3A_1282, %get3A_1310 : vector<16xf32>
        %add3A_1335 = arith.addf %add3A_1283, %get3A_1314 : vector<16xf32>
        %max3A_1336 = arith.maximumf %max3A_1284, %get3A_1314 : vector<16xf32>
        %add3A_1337 = arith.addf %add3A_1285, %get3A_1318 : vector<16xf32>
        %max3A_1338 = arith.maximumf %max3A_1286, %get3A_1318 : vector<16xf32>
        %add3A_1339 = arith.addf %add3A_1287, %get3A_1322 : vector<16xf32>
        %max3A_1340 = arith.maximumf %max3A_1288, %get3A_1322 : vector<16xf32>
        %add3A_1341 = arith.addf %add3A_1289, %get3A_1326 : vector<16xf32>
        %max3A_1342 = arith.maximumf %max3A_1290, %get3A_1326 : vector<16xf32>
        %mul3A_1343 = arith.constant 8 : i32
        %mul3A_1344 = arith.muli %scan3A_962, %mul3A_1343 : i32
        %add3A_1345 = arith.constant 7 : i32
        %add3A_1346 = arith.addi %mul3A_1344, %add3A_1345 : i32
        %get3A_1347 = arith.index_cast %rem3A_928 : i32 to index
        %get3A_1348 = arith.index_cast %add3A_1346 : i32 to index
        %get3A_1349 = arith.constant 0 : index
        %get3A_1350 = tpu.vector_load %arg8[%get3A_1347, %get3A_1348, %get3A_1349] {strides = array<i32>} : memref<6x128x128xf32, #tpu.memory_space<vmem>>, vector<16xf32>,
        %get3A_1351 = arith.index_cast %rem3A_928 : i32 to index
        %get3A_1352 = arith.index_cast %add3A_1346 : i32 to index
        %get3A_1353 = arith.constant 16 : index
        %get3A_1354 = tpu.vector_load %arg8[%get3A_1351, %get3A_1352, %get3A_1353] {strides = array<i32>} : memref<6x128x128xf32, #tpu.memory_space<vmem>>, vector<16xf32>,
        %get3A_1355 = arith.index_cast %rem3A_928 : i32 to index
        %get3A_1356 = arith.index_cast %add3A_1346 : i32 to index
        %get3A_1357 = arith.constant 32 : index
        %get3A_1358 = tpu.vector_load %arg8[%get3A_1355, %get3A_1356, %get3A_1357] {strides = array<i32>} : memref<6x128x128xf32, #tpu.memory_space<vmem>>, vector<16xf32>,
        %get3A_1359 = arith.index_cast %rem3A_928 : i32 to index
        %get3A_1360 = arith.index_cast %add3A_1346 : i32 to index
        %get3A_1361 = arith.constant 48 : index
        %get3A_1362 = tpu.vector_load %arg8[%get3A_1359, %get3A_1360, %get3A_1361] {strides = array<i32>} : memref<6x128x128xf32, #tpu.memory_space<vmem>>, vector<16xf32>,
        %get3A_1363 = arith.index_cast %rem3A_928 : i32 to index
        %get3A_1364 = arith.index_cast %add3A_1346 : i32 to index
        %get3A_1365 = arith.constant 64 : index
        %get3A_1366 = tpu.vector_load %arg8[%get3A_1363, %get3A_1364, %get3A_1365] {strides = array<i32>} : memref<6x128x128xf32, #tpu.memory_space<vmem>>, vector<16xf32>,
        %get3A_1367 = arith.index_cast %rem3A_928 : i32 to index
        %get3A_1368 = arith.index_cast %add3A_1346 : i32 to index
        %get3A_1369 = arith.constant 80 : index
        %get3A_1370 = tpu.vector_load %arg8[%get3A_1367, %get3A_1368, %get3A_1369] {strides = array<i32>} : memref<6x128x128xf32, #tpu.memory_space<vmem>>, vector<16xf32>,
        %get3A_1371 = arith.index_cast %rem3A_928 : i32 to index
        %get3A_1372 = arith.index_cast %add3A_1346 : i32 to index
        %get3A_1373 = arith.constant 96 : index
        %get3A_1374 = tpu.vector_load %arg8[%get3A_1371, %get3A_1372, %get3A_1373] {strides = array<i32>} : memref<6x128x128xf32, #tpu.memory_space<vmem>>, vector<16xf32>,
        %get3A_1375 = arith.index_cast %rem3A_928 : i32 to index
        %get3A_1376 = arith.index_cast %add3A_1346 : i32 to index
        %get3A_1377 = arith.constant 112 : index
        %get3A_1378 = tpu.vector_load %arg8[%get3A_1375, %get3A_1376, %get3A_1377] {strides = array<i32>} : memref<6x128x128xf32, #tpu.memory_space<vmem>>, vector<16xf32>,
        %add3A_1379 = arith.addf %add3A_1327, %get3A_1350 : vector<16xf32>
        %max3A_1380 = arith.maximumf %max3A_1328, %get3A_1350 : vector<16xf32>
        %add3A_1381 = arith.addf %add3A_1329, %get3A_1354 : vector<16xf32>
        %max3A_1382 = arith.maximumf %max3A_1330, %get3A_1354 : vector<16xf32>
        %add3A_1383 = arith.addf %add3A_1331, %get3A_1358 : vector<16xf32>
        %max3A_1384 = arith.maximumf %max3A_1332, %get3A_1358 : vector<16xf32>
        %add3A_1385 = arith.addf %add3A_1333, %get3A_1362 : vector<16xf32>
        %max3A_1386 = arith.maximumf %max3A_1334, %get3A_1362 : vector<16xf32>
        %add3A_1387 = arith.addf %add3A_1335, %get3A_1366 : vector<16xf32>
        %max3A_1388 = arith.maximumf %max3A_1336, %get3A_1366 : vector<16xf32>
        %add3A_1389 = arith.addf %add3A_1337, %get3A_1370 : vector<16xf32>
        %max3A_1390 = arith.maximumf %max3A_1338, %get3A_1370 : vector<16xf32>
        %add3A_1391 = arith.addf %add3A_1339, %get3A_1374 : vector<16xf32>
        %max3A_1392 = arith.maximumf %max3A_1340, %get3A_1374 : vector<16xf32>
        %add3A_1393 = arith.addf %add3A_1341, %get3A_1378 : vector<16xf32>
        %max3A_1394 = arith.maximumf %max3A_1342, %get3A_1378 : vector<16xf32>
        scf.yield %add3A_1379, %add3A_1381, %add3A_1383, %add3A_1385, %add3A_1387, %add3A_1389, %add3A_1391, %add3A_1393, %max3A_1380, %max3A_1382, %max3A_1384, %max3A_1386, %max3A_1388, %max3A_1390, %max3A_1392, %max3A_1394 : vector<16xf32>, vector<16xf32>, vector<16xf32>, vector<16xf32>, vector<16xf32>, vector<16xf32>, vector<16xf32>, vector<16xf32>, vector<16xf32>, vector<16xf32>, vector<16xf32>, vector<16xf32>, vector<16xf32>, vector<16xf32>, vector<16xf32>, vector<16xf32>
      }
      %scan3A_961 = arith.constant 16 : i32
      scf.yield %scan3A_960#0, %scan3A_960#1, %scan3A_960#2, %scan3A_960#3, %scan3A_960#4, %scan3A_960#5, %scan3A_960#6, %scan3A_960#7, %scan3A_960#8, %scan3A_960#9, %scan3A_960#10, %scan3A_960#11, %scan3A_960#12, %scan3A_960#13, %scan3A_960#14, %scan3A_960#15 : vector<16xf32>, vector<16xf32>, vector<16xf32>, vector<16xf32>, vector<16xf32>, vector<16xf32>, vector<16xf32>, vector<16xf32>, vector<16xf32>, vector<16xf32>, vector<16xf32>, vector<16xf32>, vector<16xf32>, vector<16xf32>, vector<16xf32>, vector<16xf32>
    }
    %while3A_702 = arith.constant 0 : i32
    %while3A_703 = arith.constant 0 : i32
    %while3A_704 = arith.subi %select_n3A_586, %while3A_703 : i32
    %while3A_705 = arith.addi %while3A_703, %while3A_704 : i32
    %while3A_706 = arith.constant 1 : i32
    %while3A_707 = arith.divsi %while3A_704, %while3A_706 : i32
    %while3A_708 = arith.muli %while3A_707, %while3A_706 : i32
    %while3A_709 = arith.addi %while3A_703, %while3A_708 : i32
    %while3A_710 = arith.constant 1 : i32
    %while3A_711:16 = scf.for %while3A_909 = %while3A_703 to %while3A_709 step %while3A_710 iter_args(%while3A_910 = %while3A_701#0, %while3A_911 = %while3A_701#1, %while3A_912 = %while3A_701#2, %while3A_913 = %while3A_701#3, %while3A_914 = %while3A_701#4, %while3A_915 = %while3A_701#5, %while3A_916 = %while3A_701#6, %while3A_917 = %while3A_701#7, %while3A_918 = %while3A_701#8, %while3A_919 = %while3A_701#9, %while3A_920 = %while3A_701#10, %while3A_921 = %while3A_701#11, %while3A_922 = %while3A_701#12, %while3A_923 = %while3A_701#13, %while3A_924 = %while3A_701#14, %while3A_925 = %while3A_701#15) -> (vector<16xf32>, vector<16xf32>, vector<16xf32>, vector<16xf32>, vector<16xf32>, vector<16xf32>, vector<16xf32>, vector<16xf32>, vector<16xf32>, vector<16xf32>, vector<16xf32>, vector<16xf32>, vector<16xf32>, vector<16xf32>, vector<16xf32>, vector<16xf32>)  : i32 {
      %add3A_926 = arith.addi %while3A_909, %while3A_702 : i32
      %rem3A_927 = arith.constant 2 : i32
      %rem3A_928 = arith.remsi %add3A_926, %rem3A_927 : i32
      %add3A_929 = arith.constant 1 : i32
      %add3A_930 = arith.addi %while3A_909, %add3A_929 : i32
      %lt3A_931 = arith.cmpi slt, %add3A_930, %select_n3A_586 : i32
      %convert_element_type3A_932 = arith.extui %lt3A_931 : i1 to i32
      %cond3A_933 = arith.constant 0 : i32
      %cond3A_934 = arith.cmpi ne, %convert_element_type3A_932, %cond3A_933 : i32
      scf.if %cond3A_934 {
        %add3A_976 = arith.constant 1 : i32
        %add3A_977 = arith.addi %while3A_909, %add3A_976 : i32
        %sub3A_978 = arith.constant 1 : i32
        %sub3A_979 = arith.subi %sub3A_978, %rem3A_928 : i32
        %mul3A_980 = arith.constant 64 : i32
        %mul3A_981 = arith.muli %add3A_977, %mul3A_980 : i32
        %add3A_982 = arith.addi %add3A_549, %mul3A_981 : i32
        %min3A_983 = arith.constant 99936 : i32
        %min3A_984 = arith.minsi %add3A_982, %min3A_983 : i32
        %dma_start3A = arith.constant 0 : i32
        %dma_start3A_985 = arith.constant 0 : i32
        %dma_start3A_986 = tpu.memref_slice %arg9[%sub3A_979, %dma_start3A, %dma_start3A_985] : memref<2x64x128xf32, #tpu.memory_space<vmem>> -> memref<1x64x128xf32, #tpu.memory_space<vmem>>
        %dma_start3A_987 = tpu.memref_squeeze %dma_start3A_986 : memref<1x64x128xf32, #tpu.memory_space<vmem>> -> memref<64x128xf32, #tpu.memory_space<vmem>>
        %dma_start3A_988 = arith.constant 0 : i32
        %dma_start3A_989 = tpu.memref_slice %arg2[%min3A_984, %dma_start3A_988] : memref<100000x128xf32, #tpu.memory_space<hbm>> -> memref<64x128xf32, #tpu.memory_space<hbm>>
        %dma_start3A_990 = tpu.memref_slice %arg13[%sub3A_979] : memref<2x!tpu.dma_semaphore, #tpu.memory_space<semaphore_mem>> -> memref<1x!tpu.dma_semaphore, #tpu.memory_space<semaphore_mem>>
        %dma_start3A_991 = tpu.memref_squeeze %dma_start3A_990 : memref<1x!tpu.dma_semaphore, #tpu.memory_space<semaphore_mem>> -> memref<!tpu.dma_semaphore, #tpu.memory_space<semaphore_mem>>
        %dma_start3A_992 = arith.constant 0 : i32
        %dma_start3A_993 = arith.constant 0 : i32
        %dma_start3A_994 = tpu.memref_slice %arg9[%sub3A_979, %dma_start3A_992, %dma_start3A_993] : memref<2x64x128xf32, #tpu.memory_space<vmem>> -> memref<1x64x128xf32, #tpu.memory_space<vmem>>
        %dma_start3A_995 = tpu.memref_squeeze %dma_start3A_994 : memref<1x64x128xf32, #tpu.memory_space<vmem>> -> memref<64x128xf32, #tpu.memory_space<vmem>>
        %dma_start3A_996 = arith.constant 0 : i32
        %dma_start3A_997 = tpu.memref_slice %arg2[%min3A_984, %dma_start3A_996] : memref<100000x128xf32, #tpu.memory_space<hbm>> -> memref<64x128xf32, #tpu.memory_space<hbm>>
        tpu.enqueue_dma source(%dma_start3A_997 : memref<64x128xf32, #tpu.memory_space<hbm>>) target(%dma_start3A_995 : memref<64x128xf32, #tpu.memory_space<vmem>>) target_semaphore(%dma_start3A_991 : memref<!tpu.dma_semaphore, #tpu.memory_space<semaphore_mem>>)
      } else {
      }
      %dma_wait3A = arith.constant 0 : i32
      %dma_wait3A_935 = arith.constant 0 : i32
      %dma_wait3A_936 = tpu.memref_slice %arg9[%rem3A_928, %dma_wait3A, %dma_wait3A_935] : memref<2x64x128xf32, #tpu.memory_space<vmem>> -> memref<1x64x128xf32, #tpu.memory_space<vmem>>
      %dma_wait3A_937 = tpu.memref_squeeze %dma_wait3A_936 : memref<1x64x128xf32, #tpu.memory_space<vmem>> -> memref<64x128xf32, #tpu.memory_space<vmem>>
      %dma_wait3A_938 = arith.constant 0 : i32
      %dma_wait3A_939 = arith.constant 0 : i32
      %dma_wait3A_940 = tpu.memref_slice %arg2[%dma_wait3A_938, %dma_wait3A_939] : memref<100000x128xf32, #tpu.memory_space<hbm>> -> memref<64x128xf32, #tpu.memory_space<hbm>>
      %dma_wait3A_941 = tpu.memref_slice %arg13[%rem3A_928] : memref<2x!tpu.dma_semaphore, #tpu.memory_space<semaphore_mem>> -> memref<1x!tpu.dma_semaphore, #tpu.memory_space<semaphore_mem>>
      %dma_wait3A_942 = tpu.memref_squeeze %dma_wait3A_941 : memref<1x!tpu.dma_semaphore, #tpu.memory_space<semaphore_mem>> -> memref<!tpu.dma_semaphore, #tpu.memory_space<semaphore_mem>>
      %dma_wait3A_943 = arith.constant 0 : i32
      %dma_wait3A_944 = arith.constant 0 : i32
      %dma_wait3A_945 = tpu.memref_slice %arg9[%rem3A_928, %dma_wait3A_943, %dma_wait3A_944] : memref<2x64x128xf32, #tpu.memory_space<vmem>> -> memref<1x64x128xf32, #tpu.memory_space<vmem>>
      %dma_wait3A_946 = tpu.memref_squeeze %dma_wait3A_945 : memref<1x64x128xf32, #tpu.memory_space<vmem>> -> memref<64x128xf32, #tpu.memory_space<vmem>>
      %dma_wait3A_947 = arith.constant 0 : i32
      %dma_wait3A_948 = arith.constant 0 : i32
      %dma_wait3A_949 = tpu.memref_slice %arg2[%dma_wait3A_947, %dma_wait3A_948] : memref<100000x128xf32, #tpu.memory_space<hbm>> -> memref<64x128xf32, #tpu.memory_space<hbm>>
      tpu.wait_dma2 semaphore(%dma_wait3A_942 : memref<!tpu.dma_semaphore, #tpu.memory_space<semaphore_mem>>) src(%dma_wait3A_949 : memref<64x128xf32, #tpu.memory_space<hbm>>) dst(%dma_wait3A_946 : memref<64x128xf32, #tpu.memory_space<vmem>>)
      %mul3A_950 = arith.constant 64 : i32
      %mul3A_951 = arith.muli %while3A_909, %mul3A_950 : i32
      %add3A_952 = arith.addi %add3A_549, %mul3A_951 : i32
      %min3A_953 = arith.constant 99936 : i32
      %min3A_954 = arith.minsi %add3A_952, %min3A_953 : i32
      %mul3A_955 = arith.constant 64 : i32
      %mul3A_956 = arith.muli %while3A_909, %mul3A_955 : i32
      %add3A_957 = arith.addi %add3A_549, %mul3A_956 : i32
      %sub3A_958 = arith.subi %add3A_957, %min3A_954 : i32
      %add3A_959 = arith.constant 1 : i32
      %add3A_960 = arith.addi %while3A_909, %add3A_959 : i32
      %mul3A_961 = arith.constant 64 : i32
      %mul3A_962 = arith.muli %add3A_960, %mul3A_961 : i32
      %add3A_963 = arith.addi %add3A_549, %mul3A_962 : i32
      %min3A_964 = arith.minsi %add3A_963, %add3A_690 : i32
      %sub3A_965 = arith.subi %min3A_964, %min3A_954 : i32
      %while3A_966 = arith.subi %sub3A_965, %sub3A_958 : i32
      %while3A_967 = arith.addi %sub3A_958, %while3A_966 : i32
      %while3A_968 = arith.constant 1 : i32
      %while3A_969 = arith.divsi %while3A_966, %while3A_968 : i32
      %while3A_970 = arith.muli %while3A_969, %while3A_968 : i32
      %while3A_971 = arith.addi %sub3A_958, %while3A_970 : i32
      %while3A_972 = arith.constant 1 : i32
      %while3A_973:16 = scf.for %while3A_976 = %sub3A_958 to %while3A_971 step %while3A_972 iter_args(%while3A_977 = %while3A_910, %while3A_978 = %while3A_911, %while3A_979 = %while3A_912, %while3A_980 = %while3A_913, %while3A_981 = %while3A_914, %while3A_982 = %while3A_915, %while3A_983 = %while3A_916, %while3A_984 = %while3A_917, %while3A_985 = %while3A_918, %while3A_986 = %while3A_919, %while3A_987 = %while3A_920, %while3A_988 = %while3A_921, %while3A_989 = %while3A_922, %while3A_990 = %while3A_923, %while3A_991 = %while3A_924, %while3A_992 = %while3A_925) -> (vector<16xf32>, vector<16xf32>, vector<16xf32>, vector<16xf32>, vector<16xf32>, vector<16xf32>, vector<16xf32>, vector<16xf32>, vector<16xf32>, vector<16xf32>, vector<16xf32>, vector<16xf32>, vector<16xf32>, vector<16xf32>, vector<16xf32>, vector<16xf32>)  : i32 {
        %get3A_993 = arith.index_cast %rem3A_928 : i32 to index
        %get3A_994 = arith.index_cast %while3A_976 : i32 to index
        %get3A_995 = arith.constant 0 : index
        %get3A_996 = tpu.vector_load %arg9[%get3A_993, %get3A_994, %get3A_995] {strides = array<i32>} : memref<2x64x128xf32, #tpu.memory_space<vmem>>, vector<16xf32>,
        %get3A_997 = arith.index_cast %rem3A_928 : i32 to index
        %get3A_998 = arith.index_cast %while3A_976 : i32 to index
        %get3A_999 = arith.constant 16 : index
        %get3A_1000 = tpu.vector_load %arg9[%get3A_997, %get3A_998, %get3A_999] {strides = array<i32>} : memref<2x64x128xf32, #tpu.memory_space<vmem>>, vector<16xf32>,
        %get3A_1001 = arith.index_cast %rem3A_928 : i32 to index
        %get3A_1002 = arith.index_cast %while3A_976 : i32 to index
        %get3A_1003 = arith.constant 32 : index
        %get3A_1004 = tpu.vector_load %arg9[%get3A_1001, %get3A_1002, %get3A_1003] {strides = array<i32>} : memref<2x64x128xf32, #tpu.memory_space<vmem>>, vector<16xf32>,
        %get3A_1005 = arith.index_cast %rem3A_928 : i32 to index
        %get3A_1006 = arith.index_cast %while3A_976 : i32 to index
        %get3A_1007 = arith.constant 48 : index
        %get3A_1008 = tpu.vector_load %arg9[%get3A_1005, %get3A_1006, %get3A_1007] {strides = array<i32>} : memref<2x64x128xf32, #tpu.memory_space<vmem>>, vector<16xf32>,
        %get3A_1009 = arith.index_cast %rem3A_928 : i32 to index
        %get3A_1010 = arith.index_cast %while3A_976 : i32 to index
        %get3A_1011 = arith.constant 64 : index
        %get3A_1012 = tpu.vector_load %arg9[%get3A_1009, %get3A_1010, %get3A_1011] {strides = array<i32>} : memref<2x64x128xf32, #tpu.memory_space<vmem>>, vector<16xf32>,
        %get3A_1013 = arith.index_cast %rem3A_928 : i32 to index
        %get3A_1014 = arith.index_cast %while3A_976 : i32 to index
        %get3A_1015 = arith.constant 80 : index
        %get3A_1016 = tpu.vector_load %arg9[%get3A_1013, %get3A_1014, %get3A_1015] {strides = array<i32>} : memref<2x64x128xf32, #tpu.memory_space<vmem>>, vector<16xf32>,
        %get3A_1017 = arith.index_cast %rem3A_928 : i32 to index
        %get3A_1018 = arith.index_cast %while3A_976 : i32 to index
        %get3A_1019 = arith.constant 96 : index
        %get3A_1020 = tpu.vector_load %arg9[%get3A_1017, %get3A_1018, %get3A_1019] {strides = array<i32>} : memref<2x64x128xf32, #tpu.memory_space<vmem>>, vector<16xf32>,
        %get3A_1021 = arith.index_cast %rem3A_928 : i32 to index
        %get3A_1022 = arith.index_cast %while3A_976 : i32 to index
        %get3A_1023 = arith.constant 112 : index
        %get3A_1024 = tpu.vector_load %arg9[%get3A_1021, %get3A_1022, %get3A_1023] {strides = array<i32>} : memref<2x64x128xf32, #tpu.memory_space<vmem>>, vector<16xf32>,
        %add3A_1025 = arith.addf %while3A_977, %get3A_996 : vector<16xf32>
        %add3A_1026 = arith.addf %while3A_978, %get3A_1000 : vector<16xf32>
        %add3A_1027 = arith.addf %while3A_979, %get3A_1004 : vector<16xf32>
        %add3A_1028 = arith.addf %while3A_980, %get3A_1008 : vector<16xf32>
        %add3A_1029 = arith.addf %while3A_981, %get3A_1012 : vector<16xf32>
        %add3A_1030 = arith.addf %while3A_982, %get3A_1016 : vector<16xf32>
        %add3A_1031 = arith.addf %while3A_983, %get3A_1020 : vector<16xf32>
        %add3A_1032 = arith.addf %while3A_984, %get3A_1024 : vector<16xf32>
        %max3A_1033 = arith.maximumf %while3A_985, %get3A_996 : vector<16xf32>
        %max3A_1034 = arith.maximumf %while3A_986, %get3A_1000 : vector<16xf32>
        %max3A_1035 = arith.maximumf %while3A_987, %get3A_1004 : vector<16xf32>
        %max3A_1036 = arith.maximumf %while3A_988, %get3A_1008 : vector<16xf32>
        %max3A_1037 = arith.maximumf %while3A_989, %get3A_1012 : vector<16xf32>
        %max3A_1038 = arith.maximumf %while3A_990, %get3A_1016 : vector<16xf32>
        %max3A_1039 = arith.maximumf %while3A_991, %get3A_1020 : vector<16xf32>
        %max3A_1040 = arith.maximumf %while3A_992, %get3A_1024 : vector<16xf32>
        scf.yield %add3A_1025, %add3A_1026, %add3A_1027, %add3A_1028, %add3A_1029, %add3A_1030, %add3A_1031, %add3A_1032, %max3A_1033, %max3A_1034, %max3A_1035, %max3A_1036, %max3A_1037, %max3A_1038, %max3A_1039, %max3A_1040 : vector<16xf32>, vector<16xf32>, vector<16xf32>, vector<16xf32>, vector<16xf32>, vector<16xf32>, vector<16xf32>, vector<16xf32>, vector<16xf32>, vector<16xf32>, vector<16xf32>, vector<16xf32>, vector<16xf32>, vector<16xf32>, vector<16xf32>, vector<16xf32>
      }
      %while3A_974 = arith.constant 1 : i32
      %while3A_975:16 = scf.for %while3A_976 = %while3A_971 to %while3A_967 step %while3A_974 iter_args(%while3A_977 = %while3A_973#0, %while3A_978 = %while3A_973#1, %while3A_979 = %while3A_973#2, %while3A_980 = %while3A_973#3, %while3A_981 = %while3A_973#4, %while3A_982 = %while3A_973#5, %while3A_983 = %while3A_973#6, %while3A_984 = %while3A_973#7, %while3A_985 = %while3A_973#8, %while3A_986 = %while3A_973#9, %while3A_987 = %while3A_973#10, %while3A_988 = %while3A_973#11, %while3A_989 = %while3A_973#12, %while3A_990 = %while3A_973#13, %while3A_991 = %while3A_973#14, %while3A_992 = %while3A_973#15) -> (vector<16xf32>, vector<16xf32>, vector<16xf32>, vector<16xf32>, vector<16xf32>, vector<16xf32>, vector<16xf32>, vector<16xf32>, vector<16xf32>, vector<16xf32>, vector<16xf32>, vector<16xf32>, vector<16xf32>, vector<16xf32>, vector<16xf32>, vector<16xf32>)  : i32 {
        %get3A_993 = arith.index_cast %rem3A_928 : i32 to index
        %get3A_994 = arith.index_cast %while3A_976 : i32 to index
        %get3A_995 = arith.constant 0 : index
        %get3A_996 = tpu.vector_load %arg9[%get3A_993, %get3A_994, %get3A_995] {strides = array<i32>} : memref<2x64x128xf32, #tpu.memory_space<vmem>>, vector<16xf32>,
        %get3A_997 = arith.index_cast %rem3A_928 : i32 to index
        %get3A_998 = arith.index_cast %while3A_976 : i32 to index
        %get3A_999 = arith.constant 16 : index
        %get3A_1000 = tpu.vector_load %arg9[%get3A_997, %get3A_998, %get3A_999] {strides = array<i32>} : memref<2x64x128xf32, #tpu.memory_space<vmem>>, vector<16xf32>,
        %get3A_1001 = arith.index_cast %rem3A_928 : i32 to index
        %get3A_1002 = arith.index_cast %while3A_976 : i32 to index
        %get3A_1003 = arith.constant 32 : index
        %get3A_1004 = tpu.vector_load %arg9[%get3A_1001, %get3A_1002, %get3A_1003] {strides = array<i32>} : memref<2x64x128xf32, #tpu.memory_space<vmem>>, vector<16xf32>,
        %get3A_1005 = arith.index_cast %rem3A_928 : i32 to index
        %get3A_1006 = arith.index_cast %while3A_976 : i32 to index
        %get3A_1007 = arith.constant 48 : index
        %get3A_1008 = tpu.vector_load %arg9[%get3A_1005, %get3A_1006, %get3A_1007] {strides = array<i32>} : memref<2x64x128xf32, #tpu.memory_space<vmem>>, vector<16xf32>,
        %get3A_1009 = arith.index_cast %rem3A_928 : i32 to index
        %get3A_1010 = arith.index_cast %while3A_976 : i32 to index
        %get3A_1011 = arith.constant 64 : index
        %get3A_1012 = tpu.vector_load %arg9[%get3A_1009, %get3A_1010, %get3A_1011] {strides = array<i32>} : memref<2x64x128xf32, #tpu.memory_space<vmem>>, vector<16xf32>,
        %get3A_1013 = arith.index_cast %rem3A_928 : i32 to index
        %get3A_1014 = arith.index_cast %while3A_976 : i32 to index
        %get3A_1015 = arith.constant 80 : index
        %get3A_1016 = tpu.vector_load %arg9[%get3A_1013, %get3A_1014, %get3A_1015] {strides = array<i32>} : memref<2x64x128xf32, #tpu.memory_space<vmem>>, vector<16xf32>,
        %get3A_1017 = arith.index_cast %rem3A_928 : i32 to index
        %get3A_1018 = arith.index_cast %while3A_976 : i32 to index
        %get3A_1019 = arith.constant 96 : index
        %get3A_1020 = tpu.vector_load %arg9[%get3A_1017, %get3A_1018, %get3A_1019] {strides = array<i32>} : memref<2x64x128xf32, #tpu.memory_space<vmem>>, vector<16xf32>,
        %get3A_1021 = arith.index_cast %rem3A_928 : i32 to index
        %get3A_1022 = arith.index_cast %while3A_976 : i32 to index
        %get3A_1023 = arith.constant 112 : index
        %get3A_1024 = tpu.vector_load %arg9[%get3A_1021, %get3A_1022, %get3A_1023] {strides = array<i32>} : memref<2x64x128xf32, #tpu.memory_space<vmem>>, vector<16xf32>,
        %add3A_1025 = arith.addf %while3A_977, %get3A_996 : vector<16xf32>
        %add3A_1026 = arith.addf %while3A_978, %get3A_1000 : vector<16xf32>
        %add3A_1027 = arith.addf %while3A_979, %get3A_1004 : vector<16xf32>
        %add3A_1028 = arith.addf %while3A_980, %get3A_1008 : vector<16xf32>
        %add3A_1029 = arith.addf %while3A_981, %get3A_1012 : vector<16xf32>
        %add3A_1030 = arith.addf %while3A_982, %get3A_1016 : vector<16xf32>
        %add3A_1031 = arith.addf %while3A_983, %get3A_1020 : vector<16xf32>
        %add3A_1032 = arith.addf %while3A_984, %get3A_1024 : vector<16xf32>
        %max3A_1033 = arith.maximumf %while3A_985, %get3A_996 : vector<16xf32>
        %max3A_1034 = arith.maximumf %while3A_986, %get3A_1000 : vector<16xf32>
        %max3A_1035 = arith.maximumf %while3A_987, %get3A_1004 : vector<16xf32>
        %max3A_1036 = arith.maximumf %while3A_988, %get3A_1008 : vector<16xf32>
        %max3A_1037 = arith.maximumf %while3A_989, %get3A_1012 : vector<16xf32>
        %max3A_1038 = arith.maximumf %while3A_990, %get3A_1016 : vector<16xf32>
        %max3A_1039 = arith.maximumf %while3A_991, %get3A_1020 : vector<16xf32>
        %max3A_1040 = arith.maximumf %while3A_992, %get3A_1024 : vector<16xf32>
        scf.yield %add3A_1025, %add3A_1026, %add3A_1027, %add3A_1028, %add3A_1029, %add3A_1030, %add3A_1031, %add3A_1032, %max3A_1033, %max3A_1034, %max3A_1035, %max3A_1036, %max3A_1037, %max3A_1038, %max3A_1039, %max3A_1040 : vector<16xf32>, vector<16xf32>, vector<16xf32>, vector<16xf32>, vector<16xf32>, vector<16xf32>, vector<16xf32>, vector<16xf32>, vector<16xf32>, vector<16xf32>, vector<16xf32>, vector<16xf32>, vector<16xf32>, vector<16xf32>, vector<16xf32>, vector<16xf32>
      }
      scf.yield %while3A_975#0, %while3A_975#1, %while3A_975#2, %while3A_975#3, %while3A_975#4, %while3A_975#5, %while3A_975#6, %while3A_975#7, %while3A_975#8, %while3A_975#9, %while3A_975#10, %while3A_975#11, %while3A_975#12, %while3A_975#13, %while3A_975#14, %while3A_975#15 : vector<16xf32>, vector<16xf32>, vector<16xf32>, vector<16xf32>, vector<16xf32>, vector<16xf32>, vector<16xf32>, vector<16xf32>, vector<16xf32>, vector<16xf32>, vector<16xf32>, vector<16xf32>, vector<16xf32>, vector<16xf32>, vector<16xf32>, vector<16xf32>
    }
    %while3A_712 = arith.constant 1 : i32
    %while3A_713:16 = scf.for %while3A_909 = %while3A_709 to %while3A_705 step %while3A_712 iter_args(%while3A_910 = %while3A_711#0, %while3A_911 = %while3A_711#1, %while3A_912 = %while3A_711#2, %while3A_913 = %while3A_711#3, %while3A_914 = %while3A_711#4, %while3A_915 = %while3A_711#5, %while3A_916 = %while3A_711#6, %while3A_917 = %while3A_711#7, %while3A_918 = %while3A_711#8, %while3A_919 = %while3A_711#9, %while3A_920 = %while3A_711#10, %while3A_921 = %while3A_711#11, %while3A_922 = %while3A_711#12, %while3A_923 = %while3A_711#13, %while3A_924 = %while3A_711#14, %while3A_925 = %while3A_711#15) -> (vector<16xf32>, vector<16xf32>, vector<16xf32>, vector<16xf32>, vector<16xf32>, vector<16xf32>, vector<16xf32>, vector<16xf32>, vector<16xf32>, vector<16xf32>, vector<16xf32>, vector<16xf32>, vector<16xf32>, vector<16xf32>, vector<16xf32>, vector<16xf32>)  : i32 {
      %add3A_926 = arith.addi %while3A_909, %while3A_702 : i32
      %rem3A_927 = arith.constant 2 : i32
      %rem3A_928 = arith.remsi %add3A_926, %rem3A_927 : i32
      %add3A_929 = arith.constant 1 : i32
      %add3A_930 = arith.addi %while3A_909, %add3A_929 : i32
      %lt3A_931 = arith.cmpi slt, %add3A_930, %select_n3A_586 : i32
      %convert_element_type3A_932 = arith.extui %lt3A_931 : i1 to i32
      %cond3A_933 = arith.constant 0 : i32
      %cond3A_934 = arith.cmpi ne, %convert_element_type3A_932, %cond3A_933 : i32
      scf.if %cond3A_934 {
        %add3A_976 = arith.constant 1 : i32
        %add3A_977 = arith.addi %while3A_909, %add3A_976 : i32
        %sub3A_978 = arith.constant 1 : i32
        %sub3A_979 = arith.subi %sub3A_978, %rem3A_928 : i32
        %mul3A_980 = arith.constant 64 : i32
        %mul3A_981 = arith.muli %add3A_977, %mul3A_980 : i32
        %add3A_982 = arith.addi %add3A_549, %mul3A_981 : i32
        %min3A_983 = arith.constant 99936 : i32
        %min3A_984 = arith.minsi %add3A_982, %min3A_983 : i32
        %dma_start3A = arith.constant 0 : i32
        %dma_start3A_985 = arith.constant 0 : i32
        %dma_start3A_986 = tpu.memref_slice %arg9[%sub3A_979, %dma_start3A, %dma_start3A_985] : memref<2x64x128xf32, #tpu.memory_space<vmem>> -> memref<1x64x128xf32, #tpu.memory_space<vmem>>
        %dma_start3A_987 = tpu.memref_squeeze %dma_start3A_986 : memref<1x64x128xf32, #tpu.memory_space<vmem>> -> memref<64x128xf32, #tpu.memory_space<vmem>>
        %dma_start3A_988 = arith.constant 0 : i32
        %dma_start3A_989 = tpu.memref_slice %arg2[%min3A_984, %dma_start3A_988] : memref<100000x128xf32, #tpu.memory_space<hbm>> -> memref<64x128xf32, #tpu.memory_space<hbm>>
        %dma_start3A_990 = tpu.memref_slice %arg13[%sub3A_979] : memref<2x!tpu.dma_semaphore, #tpu.memory_space<semaphore_mem>> -> memref<1x!tpu.dma_semaphore, #tpu.memory_space<semaphore_mem>>
        %dma_start3A_991 = tpu.memref_squeeze %dma_start3A_990 : memref<1x!tpu.dma_semaphore, #tpu.memory_space<semaphore_mem>> -> memref<!tpu.dma_semaphore, #tpu.memory_space<semaphore_mem>>
        %dma_start3A_992 = arith.constant 0 : i32
        %dma_start3A_993 = arith.constant 0 : i32
        %dma_start3A_994 = tpu.memref_slice %arg9[%sub3A_979, %dma_start3A_992, %dma_start3A_993] : memref<2x64x128xf32, #tpu.memory_space<vmem>> -> memref<1x64x128xf32, #tpu.memory_space<vmem>>
        %dma_start3A_995 = tpu.memref_squeeze %dma_start3A_994 : memref<1x64x128xf32, #tpu.memory_space<vmem>> -> memref<64x128xf32, #tpu.memory_space<vmem>>
        %dma_start3A_996 = arith.constant 0 : i32
        %dma_start3A_997 = tpu.memref_slice %arg2[%min3A_984, %dma_start3A_996] : memref<100000x128xf32, #tpu.memory_space<hbm>> -> memref<64x128xf32, #tpu.memory_space<hbm>>
        tpu.enqueue_dma source(%dma_start3A_997 : memref<64x128xf32, #tpu.memory_space<hbm>>) target(%dma_start3A_995 : memref<64x128xf32, #tpu.memory_space<vmem>>) target_semaphore(%dma_start3A_991 : memref<!tpu.dma_semaphore, #tpu.memory_space<semaphore_mem>>)
      } else {
      }
      %dma_wait3A = arith.constant 0 : i32
      %dma_wait3A_935 = arith.constant 0 : i32
      %dma_wait3A_936 = tpu.memref_slice %arg9[%rem3A_928, %dma_wait3A, %dma_wait3A_935] : memref<2x64x128xf32, #tpu.memory_space<vmem>> -> memref<1x64x128xf32, #tpu.memory_space<vmem>>
      %dma_wait3A_937 = tpu.memref_squeeze %dma_wait3A_936 : memref<1x64x128xf32, #tpu.memory_space<vmem>> -> memref<64x128xf32, #tpu.memory_space<vmem>>
      %dma_wait3A_938 = arith.constant 0 : i32
      %dma_wait3A_939 = arith.constant 0 : i32
      %dma_wait3A_940 = tpu.memref_slice %arg2[%dma_wait3A_938, %dma_wait3A_939] : memref<100000x128xf32, #tpu.memory_space<hbm>> -> memref<64x128xf32, #tpu.memory_space<hbm>>
      %dma_wait3A_941 = tpu.memref_slice %arg13[%rem3A_928] : memref<2x!tpu.dma_semaphore, #tpu.memory_space<semaphore_mem>> -> memref<1x!tpu.dma_semaphore, #tpu.memory_space<semaphore_mem>>
      %dma_wait3A_942 = tpu.memref_squeeze %dma_wait3A_941 : memref<1x!tpu.dma_semaphore, #tpu.memory_space<semaphore_mem>> -> memref<!tpu.dma_semaphore, #tpu.memory_space<semaphore_mem>>
      %dma_wait3A_943 = arith.constant 0 : i32
      %dma_wait3A_944 = arith.constant 0 : i32
      %dma_wait3A_945 = tpu.memref_slice %arg9[%rem3A_928, %dma_wait3A_943, %dma_wait3A_944] : memref<2x64x128xf32, #tpu.memory_space<vmem>> -> memref<1x64x128xf32, #tpu.memory_space<vmem>>
      %dma_wait3A_946 = tpu.memref_squeeze %dma_wait3A_945 : memref<1x64x128xf32, #tpu.memory_space<vmem>> -> memref<64x128xf32, #tpu.memory_space<vmem>>
      %dma_wait3A_947 = arith.constant 0 : i32
      %dma_wait3A_948 = arith.constant 0 : i32
      %dma_wait3A_949 = tpu.memref_slice %arg2[%dma_wait3A_947, %dma_wait3A_948] : memref<100000x128xf32, #tpu.memory_space<hbm>> -> memref<64x128xf32, #tpu.memory_space<hbm>>
      tpu.wait_dma2 semaphore(%dma_wait3A_942 : memref<!tpu.dma_semaphore, #tpu.memory_space<semaphore_mem>>) src(%dma_wait3A_949 : memref<64x128xf32, #tpu.memory_space<hbm>>) dst(%dma_wait3A_946 : memref<64x128xf32, #tpu.memory_space<vmem>>)
      %mul3A_950 = arith.constant 64 : i32
      %mul3A_951 = arith.muli %while3A_909, %mul3A_950 : i32
      %add3A_952 = arith.addi %add3A_549, %mul3A_951 : i32
      %min3A_953 = arith.constant 99936 : i32
      %min3A_954 = arith.minsi %add3A_952, %min3A_953 : i32
      %mul3A_955 = arith.constant 64 : i32
      %mul3A_956 = arith.muli %while3A_909, %mul3A_955 : i32
      %add3A_957 = arith.addi %add3A_549, %mul3A_956 : i32
      %sub3A_958 = arith.subi %add3A_957, %min3A_954 : i32
      %add3A_959 = arith.constant 1 : i32
      %add3A_960 = arith.addi %while3A_909, %add3A_959 : i32
      %mul3A_961 = arith.constant 64 : i32
      %mul3A_962 = arith.muli %add3A_960, %mul3A_961 : i32
      %add3A_963 = arith.addi %add3A_549, %mul3A_962 : i32
      %min3A_964 = arith.minsi %add3A_963, %add3A_690 : i32
      %sub3A_965 = arith.subi %min3A_964, %min3A_954 : i32
      %while3A_966 = arith.subi %sub3A_965, %sub3A_958 : i32
      %while3A_967 = arith.addi %sub3A_958, %while3A_966 : i32
      %while3A_968 = arith.constant 1 : i32
      %while3A_969 = arith.divsi %while3A_966, %while3A_968 : i32
      %while3A_970 = arith.muli %while3A_969, %while3A_968 : i32
      %while3A_971 = arith.addi %sub3A_958, %while3A_970 : i32
      %while3A_972 = arith.constant 1 : i32
      %while3A_973:16 = scf.for %while3A_976 = %sub3A_958 to %while3A_971 step %while3A_972 iter_args(%while3A_977 = %while3A_910, %while3A_978 = %while3A_911, %while3A_979 = %while3A_912, %while3A_980 = %while3A_913, %while3A_981 = %while3A_914, %while3A_982 = %while3A_915, %while3A_983 = %while3A_916, %while3A_984 = %while3A_917, %while3A_985 = %while3A_918, %while3A_986 = %while3A_919, %while3A_987 = %while3A_920, %while3A_988 = %while3A_921, %while3A_989 = %while3A_922, %while3A_990 = %while3A_923, %while3A_991 = %while3A_924, %while3A_992 = %while3A_925) -> (vector<16xf32>, vector<16xf32>, vector<16xf32>, vector<16xf32>, vector<16xf32>, vector<16xf32>, vector<16xf32>, vector<16xf32>, vector<16xf32>, vector<16xf32>, vector<16xf32>, vector<16xf32>, vector<16xf32>, vector<16xf32>, vector<16xf32>, vector<16xf32>)  : i32 {
        %get3A_993 = arith.index_cast %rem3A_928 : i32 to index
        %get3A_994 = arith.index_cast %while3A_976 : i32 to index
        %get3A_995 = arith.constant 0 : index
        %get3A_996 = tpu.vector_load %arg9[%get3A_993, %get3A_994, %get3A_995] {strides = array<i32>} : memref<2x64x128xf32, #tpu.memory_space<vmem>>, vector<16xf32>,
        %get3A_997 = arith.index_cast %rem3A_928 : i32 to index
        %get3A_998 = arith.index_cast %while3A_976 : i32 to index
        %get3A_999 = arith.constant 16 : index
        %get3A_1000 = tpu.vector_load %arg9[%get3A_997, %get3A_998, %get3A_999] {strides = array<i32>} : memref<2x64x128xf32, #tpu.memory_space<vmem>>, vector<16xf32>,
        %get3A_1001 = arith.index_cast %rem3A_928 : i32 to index
        %get3A_1002 = arith.index_cast %while3A_976 : i32 to index
        %get3A_1003 = arith.constant 32 : index
        %get3A_1004 = tpu.vector_load %arg9[%get3A_1001, %get3A_1002, %get3A_1003] {strides = array<i32>} : memref<2x64x128xf32, #tpu.memory_space<vmem>>, vector<16xf32>,
        %get3A_1005 = arith.index_cast %rem3A_928 : i32 to index
        %get3A_1006 = arith.index_cast %while3A_976 : i32 to index
        %get3A_1007 = arith.constant 48 : index
        %get3A_1008 = tpu.vector_load %arg9[%get3A_1005, %get3A_1006, %get3A_1007] {strides = array<i32>} : memref<2x64x128xf32, #tpu.memory_space<vmem>>, vector<16xf32>,
        %get3A_1009 = arith.index_cast %rem3A_928 : i32 to index
        %get3A_1010 = arith.index_cast %while3A_976 : i32 to index
        %get3A_1011 = arith.constant 64 : index
        %get3A_1012 = tpu.vector_load %arg9[%get3A_1009, %get3A_1010, %get3A_1011] {strides = array<i32>} : memref<2x64x128xf32, #tpu.memory_space<vmem>>, vector<16xf32>,
        %get3A_1013 = arith.index_cast %rem3A_928 : i32 to index
        %get3A_1014 = arith.index_cast %while3A_976 : i32 to index
        %get3A_1015 = arith.constant 80 : index
        %get3A_1016 = tpu.vector_load %arg9[%get3A_1013, %get3A_1014, %get3A_1015] {strides = array<i32>} : memref<2x64x128xf32, #tpu.memory_space<vmem>>, vector<16xf32>,
        %get3A_1017 = arith.index_cast %rem3A_928 : i32 to index
        %get3A_1018 = arith.index_cast %while3A_976 : i32 to index
        %get3A_1019 = arith.constant 96 : index
        %get3A_1020 = tpu.vector_load %arg9[%get3A_1017, %get3A_1018, %get3A_1019] {strides = array<i32>} : memref<2x64x128xf32, #tpu.memory_space<vmem>>, vector<16xf32>,
        %get3A_1021 = arith.index_cast %rem3A_928 : i32 to index
        %get3A_1022 = arith.index_cast %while3A_976 : i32 to index
        %get3A_1023 = arith.constant 112 : index
        %get3A_1024 = tpu.vector_load %arg9[%get3A_1021, %get3A_1022, %get3A_1023] {strides = array<i32>} : memref<2x64x128xf32, #tpu.memory_space<vmem>>, vector<16xf32>,
        %add3A_1025 = arith.addf %while3A_977, %get3A_996 : vector<16xf32>
        %add3A_1026 = arith.addf %while3A_978, %get3A_1000 : vector<16xf32>
        %add3A_1027 = arith.addf %while3A_979, %get3A_1004 : vector<16xf32>
        %add3A_1028 = arith.addf %while3A_980, %get3A_1008 : vector<16xf32>
        %add3A_1029 = arith.addf %while3A_981, %get3A_1012 : vector<16xf32>
        %add3A_1030 = arith.addf %while3A_982, %get3A_1016 : vector<16xf32>
        %add3A_1031 = arith.addf %while3A_983, %get3A_1020 : vector<16xf32>
        %add3A_1032 = arith.addf %while3A_984, %get3A_1024 : vector<16xf32>
        %max3A_1033 = arith.maximumf %while3A_985, %get3A_996 : vector<16xf32>
        %max3A_1034 = arith.maximumf %while3A_986, %get3A_1000 : vector<16xf32>
        %max3A_1035 = arith.maximumf %while3A_987, %get3A_1004 : vector<16xf32>
        %max3A_1036 = arith.maximumf %while3A_988, %get3A_1008 : vector<16xf32>
        %max3A_1037 = arith.maximumf %while3A_989, %get3A_1012 : vector<16xf32>
        %max3A_1038 = arith.maximumf %while3A_990, %get3A_1016 : vector<16xf32>
        %max3A_1039 = arith.maximumf %while3A_991, %get3A_1020 : vector<16xf32>
        %max3A_1040 = arith.maximumf %while3A_992, %get3A_1024 : vector<16xf32>
        scf.yield %add3A_1025, %add3A_1026, %add3A_1027, %add3A_1028, %add3A_1029, %add3A_1030, %add3A_1031, %add3A_1032, %max3A_1033, %max3A_1034, %max3A_1035, %max3A_1036, %max3A_1037, %max3A_1038, %max3A_1039, %max3A_1040 : vector<16xf32>, vector<16xf32>, vector<16xf32>, vector<16xf32>, vector<16xf32>, vector<16xf32>, vector<16xf32>, vector<16xf32>, vector<16xf32>, vector<16xf32>, vector<16xf32>, vector<16xf32>, vector<16xf32>, vector<16xf32>, vector<16xf32>, vector<16xf32>
      }
      %while3A_974 = arith.constant 1 : i32
      %while3A_975:16 = scf.for %while3A_976 = %while3A_971 to %while3A_967 step %while3A_974 iter_args(%while3A_977 = %while3A_973#0, %while3A_978 = %while3A_973#1, %while3A_979 = %while3A_973#2, %while3A_980 = %while3A_973#3, %while3A_981 = %while3A_973#4, %while3A_982 = %while3A_973#5, %while3A_983 = %while3A_973#6, %while3A_984 = %while3A_973#7, %while3A_985 = %while3A_973#8, %while3A_986 = %while3A_973#9, %while3A_987 = %while3A_973#10, %while3A_988 = %while3A_973#11, %while3A_989 = %while3A_973#12, %while3A_990 = %while3A_973#13, %while3A_991 = %while3A_973#14, %while3A_992 = %while3A_973#15) -> (vector<16xf32>, vector<16xf32>, vector<16xf32>, vector<16xf32>, vector<16xf32>, vector<16xf32>, vector<16xf32>, vector<16xf32>, vector<16xf32>, vector<16xf32>, vector<16xf32>, vector<16xf32>, vector<16xf32>, vector<16xf32>, vector<16xf32>, vector<16xf32>)  : i32 {
        %get3A_993 = arith.index_cast %rem3A_928 : i32 to index
        %get3A_994 = arith.index_cast %while3A_976 : i32 to index
        %get3A_995 = arith.constant 0 : index
        %get3A_996 = tpu.vector_load %arg9[%get3A_993, %get3A_994, %get3A_995] {strides = array<i32>} : memref<2x64x128xf32, #tpu.memory_space<vmem>>, vector<16xf32>,
        %get3A_997 = arith.index_cast %rem3A_928 : i32 to index
        %get3A_998 = arith.index_cast %while3A_976 : i32 to index
        %get3A_999 = arith.constant 16 : index
        %get3A_1000 = tpu.vector_load %arg9[%get3A_997, %get3A_998, %get3A_999] {strides = array<i32>} : memref<2x64x128xf32, #tpu.memory_space<vmem>>, vector<16xf32>,
        %get3A_1001 = arith.index_cast %rem3A_928 : i32 to index
        %get3A_1002 = arith.index_cast %while3A_976 : i32 to index
        %get3A_1003 = arith.constant 32 : index
        %get3A_1004 = tpu.vector_load %arg9[%get3A_1001, %get3A_1002, %get3A_1003] {strides = array<i32>} : memref<2x64x128xf32, #tpu.memory_space<vmem>>, vector<16xf32>,
        %get3A_1005 = arith.index_cast %rem3A_928 : i32 to index
        %get3A_1006 = arith.index_cast %while3A_976 : i32 to index
        %get3A_1007 = arith.constant 48 : index
        %get3A_1008 = tpu.vector_load %arg9[%get3A_1005, %get3A_1006, %get3A_1007] {strides = array<i32>} : memref<2x64x128xf32, #tpu.memory_space<vmem>>, vector<16xf32>,
        %get3A_1009 = arith.index_cast %rem3A_928 : i32 to index
        %get3A_1010 = arith.index_cast %while3A_976 : i32 to index
        %get3A_1011 = arith.constant 64 : index
        %get3A_1012 = tpu.vector_load %arg9[%get3A_1009, %get3A_1010, %get3A_1011] {strides = array<i32>} : memref<2x64x128xf32, #tpu.memory_space<vmem>>, vector<16xf32>,
        %get3A_1013 = arith.index_cast %rem3A_928 : i32 to index
        %get3A_1014 = arith.index_cast %while3A_976 : i32 to index
        %get3A_1015 = arith.constant 80 : index
        %get3A_1016 = tpu.vector_load %arg9[%get3A_1013, %get3A_1014, %get3A_1015] {strides = array<i32>} : memref<2x64x128xf32, #tpu.memory_space<vmem>>, vector<16xf32>,
        %get3A_1017 = arith.index_cast %rem3A_928 : i32 to index
        %get3A_1018 = arith.index_cast %while3A_976 : i32 to index
        %get3A_1019 = arith.constant 96 : index
        %get3A_1020 = tpu.vector_load %arg9[%get3A_1017, %get3A_1018, %get3A_1019] {strides = array<i32>} : memref<2x64x128xf32, #tpu.memory_space<vmem>>, vector<16xf32>,
        %get3A_1021 = arith.index_cast %rem3A_928 : i32 to index
        %get3A_1022 = arith.index_cast %while3A_976 : i32 to index
        %get3A_1023 = arith.constant 112 : index
        %get3A_1024 = tpu.vector_load %arg9[%get3A_1021, %get3A_1022, %get3A_1023] {strides = array<i32>} : memref<2x64x128xf32, #tpu.memory_space<vmem>>, vector<16xf32>,
        %add3A_1025 = arith.addf %while3A_977, %get3A_996 : vector<16xf32>
        %add3A_1026 = arith.addf %while3A_978, %get3A_1000 : vector<16xf32>
        %add3A_1027 = arith.addf %while3A_979, %get3A_1004 : vector<16xf32>
        %add3A_1028 = arith.addf %while3A_980, %get3A_1008 : vector<16xf32>
        %add3A_1029 = arith.addf %while3A_981, %get3A_1012 : vector<16xf32>
        %add3A_1030 = arith.addf %while3A_982, %get3A_1016 : vector<16xf32>
        %add3A_1031 = arith.addf %while3A_983, %get3A_1020 : vector<16xf32>
        %add3A_1032 = arith.addf %while3A_984, %get3A_1024 : vector<16xf32>
        %max3A_1033 = arith.maximumf %while3A_985, %get3A_996 : vector<16xf32>
        %max3A_1034 = arith.maximumf %while3A_986, %get3A_1000 : vector<16xf32>
        %max3A_1035 = arith.maximumf %while3A_987, %get3A_1004 : vector<16xf32>
        %max3A_1036 = arith.maximumf %while3A_988, %get3A_1008 : vector<16xf32>
        %max3A_1037 = arith.maximumf %while3A_989, %get3A_1012 : vector<16xf32>
        %max3A_1038 = arith.maximumf %while3A_990, %get3A_1016 : vector<16xf32>
        %max3A_1039 = arith.maximumf %while3A_991, %get3A_1020 : vector<16xf32>
        %max3A_1040 = arith.maximumf %while3A_992, %get3A_1024 : vector<16xf32>
        scf.yield %add3A_1025, %add3A_1026, %add3A_1027, %add3A_1028, %add3A_1029, %add3A_1030, %add3A_1031, %add3A_1032, %max3A_1033, %max3A_1034, %max3A_1035, %max3A_1036, %max3A_1037, %max3A_1038, %max3A_1039, %max3A_1040 : vector<16xf32>, vector<16xf32>, vector<16xf32>, vector<16xf32>, vector<16xf32>, vector<16xf32>, vector<16xf32>, vector<16xf32>, vector<16xf32>, vector<16xf32>, vector<16xf32>, vector<16xf32>, vector<16xf32>, vector<16xf32>, vector<16xf32>, vector<16xf32>
      }
      scf.yield %while3A_975#0, %while3A_975#1, %while3A_975#2, %while3A_975#3, %while3A_975#4, %while3A_975#5, %while3A_975#6, %while3A_975#7, %while3A_975#8, %while3A_975#9, %while3A_975#10, %while3A_975#11, %while3A_975#12, %while3A_975#13, %while3A_975#14, %while3A_975#15 : vector<16xf32>, vector<16xf32>, vector<16xf32>, vector<16xf32>, vector<16xf32>, vector<16xf32>, vector<16xf32>, vector<16xf32>, vector<16xf32>, vector<16xf32>, vector<16xf32>, vector<16xf32>, vector<16xf32>, vector<16xf32>, vector<16xf32>, vector<16xf32>
    }
    %gt3A_714 = arith.constant 0 : i32
    %gt3A_715 = arith.cmpi sgt, %select_n3A_614, %gt3A_714 : i32
    %convert_element_type3A_716 = arith.extui %gt3A_715 : i1 to i32
    %cond3A_717 = arith.constant 0 : i32
    %cond3A_718 = arith.cmpi ne, %convert_element_type3A_716, %cond3A_717 : i32
    scf.if %cond3A_718 {
      %add3A_909 = arith.constant 0 : i32
      %add3A_910 = arith.addi %add3A_552, %add3A_909 : i32
      %min3A_911 = arith.constant 99936 : i32
      %min3A_912 = arith.minsi %add3A_910, %min3A_911 : i32
      %dma_start3A = arith.constant 0 : i32
      %dma_start3A_913 = arith.constant 0 : i32
      %dma_start3A_914 = tpu.memref_slice %arg9[%rem3A_616, %dma_start3A, %dma_start3A_913] : memref<2x64x128xf32, #tpu.memory_space<vmem>> -> memref<1x64x128xf32, #tpu.memory_space<vmem>>
      %dma_start3A_915 = tpu.memref_squeeze %dma_start3A_914 : memref<1x64x128xf32, #tpu.memory_space<vmem>> -> memref<64x128xf32, #tpu.memory_space<vmem>>
      %dma_start3A_916 = arith.constant 0 : i32
      %dma_start3A_917 = tpu.memref_slice %arg2[%min3A_912, %dma_start3A_916] : memref<100000x128xf32, #tpu.memory_space<hbm>> -> memref<64x128xf32, #tpu.memory_space<hbm>>
      %dma_start3A_918 = tpu.memref_slice %arg13[%rem3A_616] : memref<2x!tpu.dma_semaphore, #tpu.memory_space<semaphore_mem>> -> memref<1x!tpu.dma_semaphore, #tpu.memory_space<semaphore_mem>>
      %dma_start3A_919 = tpu.memref_squeeze %dma_start3A_918 : memref<1x!tpu.dma_semaphore, #tpu.memory_space<semaphore_mem>> -> memref<!tpu.dma_semaphore, #tpu.memory_space<semaphore_mem>>
      %dma_start3A_920 = arith.constant 0 : i32
      %dma_start3A_921 = arith.constant 0 : i32
      %dma_start3A_922 = tpu.memref_slice %arg9[%rem3A_616, %dma_start3A_920, %dma_start3A_921] : memref<2x64x128xf32, #tpu.memory_space<vmem>> -> memref<1x64x128xf32, #tpu.memory_space<vmem>>
      %dma_start3A_923 = tpu.memref_squeeze %dma_start3A_922 : memref<1x64x128xf32, #tpu.memory_space<vmem>> -> memref<64x128xf32, #tpu.memory_space<vmem>>
      %dma_start3A_924 = arith.constant 0 : i32
      %dma_start3A_925 = tpu.memref_slice %arg2[%min3A_912, %dma_start3A_924] : memref<100000x128xf32, #tpu.memory_space<hbm>> -> memref<64x128xf32, #tpu.memory_space<hbm>>
      tpu.enqueue_dma source(%dma_start3A_925 : memref<64x128xf32, #tpu.memory_space<hbm>>) target(%dma_start3A_923 : memref<64x128xf32, #tpu.memory_space<vmem>>) target_semaphore(%dma_start3A_919 : memref<!tpu.dma_semaphore, #tpu.memory_space<semaphore_mem>>)
    } else {
    }
    %convert_element_type3A_719 = arith.sitofp %add3A_423 : i32 to f32
    %max3A = arith.constant 1.000000e+00 : f32
    %max3A_720 = arith.maximumf %convert_element_type3A_719, %max3A : f32
    %div3A_721 = vector.broadcast %max3A_720 : f32 to vector<16xf32>
    %div3A_722 = arith.divf %while3A_713#0, %div3A_721 : vector<16xf32>
    %swap3A_723 = arith.constant 0 : i32
    %swap3A_724 = arith.index_cast %swap3A_723 : i32 to index
    %swap3A_725 = arith.constant 0 : index
    %swap3A_726 = tpu.vector_load %arg10[%swap3A_724, %swap3A_725] {strides = array<i32>} : memref<2x256xf32, #tpu.memory_space<vmem>>, vector<16xf32>,
    tpu.vector_store %arg10[%swap3A_724, %swap3A_725], %div3A_722 {strides = array<i32>} : memref<2x256xf32, #tpu.memory_space<vmem>>, vector<16xf32>,
    %swap3A_727 = arith.constant 0 : i32
    %swap3A_728 = arith.index_cast %swap3A_727 : i32 to index
    %swap3A_729 = arith.constant 128 : index
    %swap3A_730 = tpu.vector_load %arg10[%swap3A_728, %swap3A_729] {strides = array<i32>} : memref<2x256xf32, #tpu.memory_space<vmem>>, vector<16xf32>,
    tpu.vector_store %arg10[%swap3A_728, %swap3A_729], %while3A_713#8 {strides = array<i32>} : memref<2x256xf32, #tpu.memory_space<vmem>>, vector<16xf32>,
    %div3A_731 = vector.broadcast %max3A_720 : f32 to vector<16xf32>
    %div3A_732 = arith.divf %while3A_713#1, %div3A_731 : vector<16xf32>
    %swap3A_733 = arith.constant 0 : i32
    %swap3A_734 = arith.index_cast %swap3A_733 : i32 to index
    %swap3A_735 = arith.constant 16 : index
    %swap3A_736 = tpu.vector_load %arg10[%swap3A_734, %swap3A_735] {strides = array<i32>} : memref<2x256xf32, #tpu.memory_space<vmem>>, vector<16xf32>,
    tpu.vector_store %arg10[%swap3A_734, %swap3A_735], %div3A_732 {strides = array<i32>} : memref<2x256xf32, #tpu.memory_space<vmem>>, vector<16xf32>,
    %swap3A_737 = arith.constant 0 : i32
    %swap3A_738 = arith.index_cast %swap3A_737 : i32 to index
    %swap3A_739 = arith.constant 144 : index
    %swap3A_740 = tpu.vector_load %arg10[%swap3A_738, %swap3A_739] {strides = array<i32>} : memref<2x256xf32, #tpu.memory_space<vmem>>, vector<16xf32>,
    tpu.vector_store %arg10[%swap3A_738, %swap3A_739], %while3A_713#9 {strides = array<i32>} : memref<2x256xf32, #tpu.memory_space<vmem>>, vector<16xf32>,
    %div3A_741 = vector.broadcast %max3A_720 : f32 to vector<16xf32>
    %div3A_742 = arith.divf %while3A_713#2, %div3A_741 : vector<16xf32>
    %swap3A_743 = arith.constant 0 : i32
    %swap3A_744 = arith.index_cast %swap3A_743 : i32 to index
    %swap3A_745 = arith.constant 32 : index
    %swap3A_746 = tpu.vector_load %arg10[%swap3A_744, %swap3A_745] {strides = array<i32>} : memref<2x256xf32, #tpu.memory_space<vmem>>, vector<16xf32>,
    tpu.vector_store %arg10[%swap3A_744, %swap3A_745], %div3A_742 {strides = array<i32>} : memref<2x256xf32, #tpu.memory_space<vmem>>, vector<16xf32>,
    %swap3A_747 = arith.constant 0 : i32
    %swap3A_748 = arith.index_cast %swap3A_747 : i32 to index
    %swap3A_749 = arith.constant 160 : index
    %swap3A_750 = tpu.vector_load %arg10[%swap3A_748, %swap3A_749] {strides = array<i32>} : memref<2x256xf32, #tpu.memory_space<vmem>>, vector<16xf32>,
    tpu.vector_store %arg10[%swap3A_748, %swap3A_749], %while3A_713#10 {strides = array<i32>} : memref<2x256xf32, #tpu.memory_space<vmem>>, vector<16xf32>,
    %div3A_751 = vector.broadcast %max3A_720 : f32 to vector<16xf32>
    %div3A_752 = arith.divf %while3A_713#3, %div3A_751 : vector<16xf32>
    %swap3A_753 = arith.constant 0 : i32
    %swap3A_754 = arith.index_cast %swap3A_753 : i32 to index
    %swap3A_755 = arith.constant 48 : index
    %swap3A_756 = tpu.vector_load %arg10[%swap3A_754, %swap3A_755] {strides = array<i32>} : memref<2x256xf32, #tpu.memory_space<vmem>>, vector<16xf32>,
    tpu.vector_store %arg10[%swap3A_754, %swap3A_755], %div3A_752 {strides = array<i32>} : memref<2x256xf32, #tpu.memory_space<vmem>>, vector<16xf32>,
    %swap3A_757 = arith.constant 0 : i32
    %swap3A_758 = arith.index_cast %swap3A_757 : i32 to index
    %swap3A_759 = arith.constant 176 : index
    %swap3A_760 = tpu.vector_load %arg10[%swap3A_758, %swap3A_759] {strides = array<i32>} : memref<2x256xf32, #tpu.memory_space<vmem>>, vector<16xf32>,
    tpu.vector_store %arg10[%swap3A_758, %swap3A_759], %while3A_713#11 {strides = array<i32>} : memref<2x256xf32, #tpu.memory_space<vmem>>, vector<16xf32>,
    %div3A_761 = vector.broadcast %max3A_720 : f32 to vector<16xf32>
    %div3A_762 = arith.divf %while3A_713#4, %div3A_761 : vector<16xf32>
    %swap3A_763 = arith.constant 0 : i32
    %swap3A_764 = arith.index_cast %swap3A_763 : i32 to index
    %swap3A_765 = arith.constant 64 : index
    %swap3A_766 = tpu.vector_load %arg10[%swap3A_764, %swap3A_765] {strides = array<i32>} : memref<2x256xf32, #tpu.memory_space<vmem>>, vector<16xf32>,
    tpu.vector_store %arg10[%swap3A_764, %swap3A_765], %div3A_762 {strides = array<i32>} : memref<2x256xf32, #tpu.memory_space<vmem>>, vector<16xf32>,
    %swap3A_767 = arith.constant 0 : i32
    %swap3A_768 = arith.index_cast %swap3A_767 : i32 to index
    %swap3A_769 = arith.constant 192 : index
    %swap3A_770 = tpu.vector_load %arg10[%swap3A_768, %swap3A_769] {strides = array<i32>} : memref<2x256xf32, #tpu.memory_space<vmem>>, vector<16xf32>,
    tpu.vector_store %arg10[%swap3A_768, %swap3A_769], %while3A_713#12 {strides = array<i32>} : memref<2x256xf32, #tpu.memory_space<vmem>>, vector<16xf32>,
    %div3A_771 = vector.broadcast %max3A_720 : f32 to vector<16xf32>
    %div3A_772 = arith.divf %while3A_713#5, %div3A_771 : vector<16xf32>
    %swap3A_773 = arith.constant 0 : i32
    %swap3A_774 = arith.index_cast %swap3A_773 : i32 to index
    %swap3A_775 = arith.constant 80 : index
    %swap3A_776 = tpu.vector_load %arg10[%swap3A_774, %swap3A_775] {strides = array<i32>} : memref<2x256xf32, #tpu.memory_space<vmem>>, vector<16xf32>,
    tpu.vector_store %arg10[%swap3A_774, %swap3A_775], %div3A_772 {strides = array<i32>} : memref<2x256xf32, #tpu.memory_space<vmem>>, vector<16xf32>,
    %swap3A_777 = arith.constant 0 : i32
    %swap3A_778 = arith.index_cast %swap3A_777 : i32 to index
    %swap3A_779 = arith.constant 208 : index
    %swap3A_780 = tpu.vector_load %arg10[%swap3A_778, %swap3A_779] {strides = array<i32>} : memref<2x256xf32, #tpu.memory_space<vmem>>, vector<16xf32>,
    tpu.vector_store %arg10[%swap3A_778, %swap3A_779], %while3A_713#13 {strides = array<i32>} : memref<2x256xf32, #tpu.memory_space<vmem>>, vector<16xf32>,
    %div3A_781 = vector.broadcast %max3A_720 : f32 to vector<16xf32>
    %div3A_782 = arith.divf %while3A_713#6, %div3A_781 : vector<16xf32>
    %swap3A_783 = arith.constant 0 : i32
    %swap3A_784 = arith.index_cast %swap3A_783 : i32 to index
    %swap3A_785 = arith.constant 96 : index
    %swap3A_786 = tpu.vector_load %arg10[%swap3A_784, %swap3A_785] {strides = array<i32>} : memref<2x256xf32, #tpu.memory_space<vmem>>, vector<16xf32>,
    tpu.vector_store %arg10[%swap3A_784, %swap3A_785], %div3A_782 {strides = array<i32>} : memref<2x256xf32, #tpu.memory_space<vmem>>, vector<16xf32>,
    %swap3A_787 = arith.constant 0 : i32
    %swap3A_788 = arith.index_cast %swap3A_787 : i32 to index
    %swap3A_789 = arith.constant 224 : index
    %swap3A_790 = tpu.vector_load %arg10[%swap3A_788, %swap3A_789] {strides = array<i32>} : memref<2x256xf32, #tpu.memory_space<vmem>>, vector<16xf32>,
    tpu.vector_store %arg10[%swap3A_788, %swap3A_789], %while3A_713#14 {strides = array<i32>} : memref<2x256xf32, #tpu.memory_space<vmem>>, vector<16xf32>,
    %div3A_791 = vector.broadcast %max3A_720 : f32 to vector<16xf32>
    %div3A_792 = arith.divf %while3A_713#7, %div3A_791 : vector<16xf32>
    %swap3A_793 = arith.constant 0 : i32
    %swap3A_794 = arith.index_cast %swap3A_793 : i32 to index
    %swap3A_795 = arith.constant 112 : index
    %swap3A_796 = tpu.vector_load %arg10[%swap3A_794, %swap3A_795] {strides = array<i32>} : memref<2x256xf32, #tpu.memory_space<vmem>>, vector<16xf32>,
    tpu.vector_store %arg10[%swap3A_794, %swap3A_795], %div3A_792 {strides = array<i32>} : memref<2x256xf32, #tpu.memory_space<vmem>>, vector<16xf32>,
    %swap3A_797 = arith.constant 0 : i32
    %swap3A_798 = arith.index_cast %swap3A_797 : i32 to index
    %swap3A_799 = arith.constant 240 : index
    %swap3A_800 = tpu.vector_load %arg10[%swap3A_798, %swap3A_799] {strides = array<i32>} : memref<2x256xf32, #tpu.memory_space<vmem>>, vector<16xf32>,
    tpu.vector_store %arg10[%swap3A_798, %swap3A_799], %while3A_713#15 {strides = array<i32>} : memref<2x256xf32, #tpu.memory_space<vmem>>, vector<16xf32>,
    %add3A_801 = arith.addi %add3A_497, %add3A_505 : i32
    %while3A_802 = arith.constant 0 : i32
    %while3A_803 = arith.subi %select_n3A_546, %while3A_802 : i32
    %while3A_804 = arith.addi %while3A_802, %while3A_803 : i32
    %while3A_805 = arith.constant 1 : i32
    %while3A_806 = arith.divsi %while3A_803, %while3A_805 : i32
    %while3A_807 = arith.muli %while3A_806, %while3A_805 : i32
    %while3A_808 = arith.addi %while3A_802, %while3A_807 : i32
    %while3A_809 = arith.constant 1 : i32
    %while3A_810:16 = scf.for %while3A_909 = %while3A_802 to %while3A_808 step %while3A_809 iter_args(%while3A_910 = %broadcast_in_dim3A_345, %while3A_911 = %broadcast_in_dim3A_345, %while3A_912 = %broadcast_in_dim3A_345, %while3A_913 = %broadcast_in_dim3A_345, %while3A_914 = %broadcast_in_dim3A_345, %while3A_915 = %broadcast_in_dim3A_345, %while3A_916 = %broadcast_in_dim3A_345, %while3A_917 = %broadcast_in_dim3A_345, %while3A_918 = %broadcast_in_dim3A_343, %while3A_919 = %broadcast_in_dim3A_343, %while3A_920 = %broadcast_in_dim3A_343, %while3A_921 = %broadcast_in_dim3A_343, %while3A_922 = %broadcast_in_dim3A_343, %while3A_923 = %broadcast_in_dim3A_343, %while3A_924 = %broadcast_in_dim3A_343, %while3A_925 = %broadcast_in_dim3A_343) -> (vector<16xf32>, vector<16xf32>, vector<16xf32>, vector<16xf32>, vector<16xf32>, vector<16xf32>, vector<16xf32>, vector<16xf32>, vector<16xf32>, vector<16xf32>, vector<16xf32>, vector<16xf32>, vector<16xf32>, vector<16xf32>, vector<16xf32>, vector<16xf32>)  : i32 {
      %add3A_926 = arith.addi %while3A_909, %rem3A_618 : i32
      %rem3A_927 = arith.constant 6 : i32
      %rem3A_928 = arith.remsi %add3A_926, %rem3A_927 : i32
      %add3A_929 = arith.constant 5 : i32
      %add3A_930 = arith.addi %while3A_909, %add3A_929 : i32
      %lt3A_931 = arith.cmpi slt, %add3A_930, %select_n3A_546 : i32
      %convert_element_type3A_932 = arith.extui %lt3A_931 : i1 to i32
      %cond3A_933 = arith.constant 0 : i32
      %cond3A_934 = arith.cmpi ne, %convert_element_type3A_932, %cond3A_933 : i32
      scf.if %cond3A_934 {
        %mul3A_956 = arith.constant 128 : i32
        %mul3A_957 = arith.muli %add3A_930, %mul3A_956 : i32
        %add3A_958 = arith.addi %add3A_497, %mul3A_957 : i32
        %add3A_959 = arith.addi %add3A_930, %rem3A_618 : i32
        %rem3A_960 = arith.constant 6 : i32
        %rem3A_961 = arith.remsi %add3A_959, %rem3A_960 : i32
        %dma_start3A = arith.constant 0 : i32
        %dma_start3A_962 = arith.constant 0 : i32
        %dma_start3A_963 = tpu.memref_slice %arg8[%rem3A_961, %dma_start3A, %dma_start3A_962] : memref<6x128x128xf32, #tpu.memory_space<vmem>> -> memref<1x128x128xf32, #tpu.memory_space<vmem>>
        %dma_start3A_964 = tpu.memref_squeeze %dma_start3A_963 : memref<1x128x128xf32, #tpu.memory_space<vmem>> -> memref<128x128xf32, #tpu.memory_space<vmem>>
        %dma_start3A_965 = arith.constant 0 : i32
        %dma_start3A_966 = tpu.memref_slice %arg2[%add3A_958, %dma_start3A_965] : memref<100000x128xf32, #tpu.memory_space<hbm>> -> memref<128x128xf32, #tpu.memory_space<hbm>>
        %dma_start3A_967 = tpu.memref_slice %arg12[%rem3A_961] : memref<6x!tpu.dma_semaphore, #tpu.memory_space<semaphore_mem>> -> memref<1x!tpu.dma_semaphore, #tpu.memory_space<semaphore_mem>>
        %dma_start3A_968 = tpu.memref_squeeze %dma_start3A_967 : memref<1x!tpu.dma_semaphore, #tpu.memory_space<semaphore_mem>> -> memref<!tpu.dma_semaphore, #tpu.memory_space<semaphore_mem>>
        %dma_start3A_969 = arith.constant 0 : i32
        %dma_start3A_970 = arith.constant 0 : i32
        %dma_start3A_971 = tpu.memref_slice %arg8[%rem3A_961, %dma_start3A_969, %dma_start3A_970] : memref<6x128x128xf32, #tpu.memory_space<vmem>> -> memref<1x128x128xf32, #tpu.memory_space<vmem>>
        %dma_start3A_972 = tpu.memref_squeeze %dma_start3A_971 : memref<1x128x128xf32, #tpu.memory_space<vmem>> -> memref<128x128xf32, #tpu.memory_space<vmem>>
        %dma_start3A_973 = arith.constant 0 : i32
        %dma_start3A_974 = tpu.memref_slice %arg2[%add3A_958, %dma_start3A_973] : memref<100000x128xf32, #tpu.memory_space<hbm>> -> memref<128x128xf32, #tpu.memory_space<hbm>>
        tpu.enqueue_dma source(%dma_start3A_974 : memref<128x128xf32, #tpu.memory_space<hbm>>) target(%dma_start3A_972 : memref<128x128xf32, #tpu.memory_space<vmem>>) target_semaphore(%dma_start3A_968 : memref<!tpu.dma_semaphore, #tpu.memory_space<semaphore_mem>>)
      } else {
      }
      %dma_wait3A = arith.constant 0 : i32
      %dma_wait3A_935 = arith.constant 0 : i32
      %dma_wait3A_936 = tpu.memref_slice %arg8[%rem3A_928, %dma_wait3A, %dma_wait3A_935] : memref<6x128x128xf32, #tpu.memory_space<vmem>> -> memref<1x128x128xf32, #tpu.memory_space<vmem>>
      %dma_wait3A_937 = tpu.memref_squeeze %dma_wait3A_936 : memref<1x128x128xf32, #tpu.memory_space<vmem>> -> memref<128x128xf32, #tpu.memory_space<vmem>>
      %dma_wait3A_938 = arith.constant 0 : i32
      %dma_wait3A_939 = arith.constant 0 : i32
      %dma_wait3A_940 = tpu.memref_slice %arg2[%dma_wait3A_938, %dma_wait3A_939] : memref<100000x128xf32, #tpu.memory_space<hbm>> -> memref<128x128xf32, #tpu.memory_space<hbm>>
      %dma_wait3A_941 = tpu.memref_slice %arg12[%rem3A_928] : memref<6x!tpu.dma_semaphore, #tpu.memory_space<semaphore_mem>> -> memref<1x!tpu.dma_semaphore, #tpu.memory_space<semaphore_mem>>
      %dma_wait3A_942 = tpu.memref_squeeze %dma_wait3A_941 : memref<1x!tpu.dma_semaphore, #tpu.memory_space<semaphore_mem>> -> memref<!tpu.dma_semaphore, #tpu.memory_space<semaphore_mem>>
      %dma_wait3A_943 = arith.constant 0 : i32
      %dma_wait3A_944 = arith.constant 0 : i32
      %dma_wait3A_945 = tpu.memref_slice %arg8[%rem3A_928, %dma_wait3A_943, %dma_wait3A_944] : memref<6x128x128xf32, #tpu.memory_space<vmem>> -> memref<1x128x128xf32, #tpu.memory_space<vmem>>
      %dma_wait3A_946 = tpu.memref_squeeze %dma_wait3A_945 : memref<1x128x128xf32, #tpu.memory_space<vmem>> -> memref<128x128xf32, #tpu.memory_space<vmem>>
      %dma_wait3A_947 = arith.constant 0 : i32
      %dma_wait3A_948 = arith.constant 0 : i32
      %dma_wait3A_949 = tpu.memref_slice %arg2[%dma_wait3A_947, %dma_wait3A_948] : memref<100000x128xf32, #tpu.memory_space<hbm>> -> memref<128x128xf32, #tpu.memory_space<hbm>>
      tpu.wait_dma2 semaphore(%dma_wait3A_942 : memref<!tpu.dma_semaphore, #tpu.memory_space<semaphore_mem>>) src(%dma_wait3A_949 : memref<128x128xf32, #tpu.memory_space<hbm>>) dst(%dma_wait3A_946 : memref<128x128xf32, #tpu.memory_space<vmem>>)
      %scan3A_950 = arith.constant 0 : i32
      %scan3A_951 = arith.constant 16 : i32
      %scan3A_952 = arith.addi %scan3A_950, %scan3A_951 : i32
      %scan3A_953 = arith.constant 1 : i32
      %scan3A_954:16 = scf.for %scan3A_956 = %scan3A_950 to %scan3A_952 step %scan3A_953 iter_args(%scan3A_957 = %while3A_910, %scan3A_958 = %while3A_911, %scan3A_959 = %while3A_912, %scan3A_960 = %while3A_913, %scan3A_961 = %while3A_914, %scan3A_962 = %while3A_915, %scan3A_963 = %while3A_916, %scan3A_964 = %while3A_917, %scan3A_965 = %while3A_918, %scan3A_966 = %while3A_919, %scan3A_967 = %while3A_920, %scan3A_968 = %while3A_921, %scan3A_969 = %while3A_922, %scan3A_970 = %while3A_923, %scan3A_971 = %while3A_924, %scan3A_972 = %while3A_925) -> (vector<16xf32>, vector<16xf32>, vector<16xf32>, vector<16xf32>, vector<16xf32>, vector<16xf32>, vector<16xf32>, vector<16xf32>, vector<16xf32>, vector<16xf32>, vector<16xf32>, vector<16xf32>, vector<16xf32>, vector<16xf32>, vector<16xf32>, vector<16xf32>)  : i32 {
        %mul3A_973 = arith.constant 8 : i32
        %mul3A_974 = arith.muli %scan3A_956, %mul3A_973 : i32
        %add3A_975 = arith.constant 0 : i32
        %add3A_976 = arith.addi %mul3A_974, %add3A_975 : i32
        %get3A_977 = arith.index_cast %rem3A_928 : i32 to index
        %get3A_978 = arith.index_cast %add3A_976 : i32 to index
        %get3A_979 = arith.constant 0 : index
        %get3A_980 = tpu.vector_load %arg8[%get3A_977, %get3A_978, %get3A_979] {strides = array<i32>} : memref<6x128x128xf32, #tpu.memory_space<vmem>>, vector<16xf32>,
        %get3A_981 = arith.index_cast %rem3A_928 : i32 to index
        %get3A_982 = arith.index_cast %add3A_976 : i32 to index
        %get3A_983 = arith.constant 16 : index
        %get3A_984 = tpu.vector_load %arg8[%get3A_981, %get3A_982, %get3A_983] {strides = array<i32>} : memref<6x128x128xf32, #tpu.memory_space<vmem>>, vector<16xf32>,
        %get3A_985 = arith.index_cast %rem3A_928 : i32 to index
        %get3A_986 = arith.index_cast %add3A_976 : i32 to index
        %get3A_987 = arith.constant 32 : index
        %get3A_988 = tpu.vector_load %arg8[%get3A_985, %get3A_986, %get3A_987] {strides = array<i32>} : memref<6x128x128xf32, #tpu.memory_space<vmem>>, vector<16xf32>,
        %get3A_989 = arith.index_cast %rem3A_928 : i32 to index
        %get3A_990 = arith.index_cast %add3A_976 : i32 to index
        %get3A_991 = arith.constant 48 : index
        %get3A_992 = tpu.vector_load %arg8[%get3A_989, %get3A_990, %get3A_991] {strides = array<i32>} : memref<6x128x128xf32, #tpu.memory_space<vmem>>, vector<16xf32>,
        %get3A_993 = arith.index_cast %rem3A_928 : i32 to index
        %get3A_994 = arith.index_cast %add3A_976 : i32 to index
        %get3A_995 = arith.constant 64 : index
        %get3A_996 = tpu.vector_load %arg8[%get3A_993, %get3A_994, %get3A_995] {strides = array<i32>} : memref<6x128x128xf32, #tpu.memory_space<vmem>>, vector<16xf32>,
        %get3A_997 = arith.index_cast %rem3A_928 : i32 to index
        %get3A_998 = arith.index_cast %add3A_976 : i32 to index
        %get3A_999 = arith.constant 80 : index
        %get3A_1000 = tpu.vector_load %arg8[%get3A_997, %get3A_998, %get3A_999] {strides = array<i32>} : memref<6x128x128xf32, #tpu.memory_space<vmem>>, vector<16xf32>,
        %get3A_1001 = arith.index_cast %rem3A_928 : i32 to index
        %get3A_1002 = arith.index_cast %add3A_976 : i32 to index
        %get3A_1003 = arith.constant 96 : index
        %get3A_1004 = tpu.vector_load %arg8[%get3A_1001, %get3A_1002, %get3A_1003] {strides = array<i32>} : memref<6x128x128xf32, #tpu.memory_space<vmem>>, vector<16xf32>,
        %get3A_1005 = arith.index_cast %rem3A_928 : i32 to index
        %get3A_1006 = arith.index_cast %add3A_976 : i32 to index
        %get3A_1007 = arith.constant 112 : index
        %get3A_1008 = tpu.vector_load %arg8[%get3A_1005, %get3A_1006, %get3A_1007] {strides = array<i32>} : memref<6x128x128xf32, #tpu.memory_space<vmem>>, vector<16xf32>,
        %add3A_1009 = arith.addf %scan3A_957, %get3A_980 : vector<16xf32>
        %max3A_1010 = arith.maximumf %scan3A_965, %get3A_980 : vector<16xf32>
        %add3A_1011 = arith.addf %scan3A_958, %get3A_984 : vector<16xf32>
        %max3A_1012 = arith.maximumf %scan3A_966, %get3A_984 : vector<16xf32>
        %add3A_1013 = arith.addf %scan3A_959, %get3A_988 : vector<16xf32>
        %max3A_1014 = arith.maximumf %scan3A_967, %get3A_988 : vector<16xf32>
        %add3A_1015 = arith.addf %scan3A_960, %get3A_992 : vector<16xf32>
        %max3A_1016 = arith.maximumf %scan3A_968, %get3A_992 : vector<16xf32>
        %add3A_1017 = arith.addf %scan3A_961, %get3A_996 : vector<16xf32>
        %max3A_1018 = arith.maximumf %scan3A_969, %get3A_996 : vector<16xf32>
        %add3A_1019 = arith.addf %scan3A_962, %get3A_1000 : vector<16xf32>
        %max3A_1020 = arith.maximumf %scan3A_970, %get3A_1000 : vector<16xf32>
        %add3A_1021 = arith.addf %scan3A_963, %get3A_1004 : vector<16xf32>
        %max3A_1022 = arith.maximumf %scan3A_971, %get3A_1004 : vector<16xf32>
        %add3A_1023 = arith.addf %scan3A_964, %get3A_1008 : vector<16xf32>
        %max3A_1024 = arith.maximumf %scan3A_972, %get3A_1008 : vector<16xf32>
        %mul3A_1025 = arith.constant 8 : i32
        %mul3A_1026 = arith.muli %scan3A_956, %mul3A_1025 : i32
        %add3A_1027 = arith.constant 1 : i32
        %add3A_1028 = arith.addi %mul3A_1026, %add3A_1027 : i32
        %get3A_1029 = arith.index_cast %rem3A_928 : i32 to index
        %get3A_1030 = arith.index_cast %add3A_1028 : i32 to index
        %get3A_1031 = arith.constant 0 : index
        %get3A_1032 = tpu.vector_load %arg8[%get3A_1029, %get3A_1030, %get3A_1031] {strides = array<i32>} : memref<6x128x128xf32, #tpu.memory_space<vmem>>, vector<16xf32>,
        %get3A_1033 = arith.index_cast %rem3A_928 : i32 to index
        %get3A_1034 = arith.index_cast %add3A_1028 : i32 to index
        %get3A_1035 = arith.constant 16 : index
        %get3A_1036 = tpu.vector_load %arg8[%get3A_1033, %get3A_1034, %get3A_1035] {strides = array<i32>} : memref<6x128x128xf32, #tpu.memory_space<vmem>>, vector<16xf32>,
        %get3A_1037 = arith.index_cast %rem3A_928 : i32 to index
        %get3A_1038 = arith.index_cast %add3A_1028 : i32 to index
        %get3A_1039 = arith.constant 32 : index
        %get3A_1040 = tpu.vector_load %arg8[%get3A_1037, %get3A_1038, %get3A_1039] {strides = array<i32>} : memref<6x128x128xf32, #tpu.memory_space<vmem>>, vector<16xf32>,
        %get3A_1041 = arith.index_cast %rem3A_928 : i32 to index
        %get3A_1042 = arith.index_cast %add3A_1028 : i32 to index
        %get3A_1043 = arith.constant 48 : index
        %get3A_1044 = tpu.vector_load %arg8[%get3A_1041, %get3A_1042, %get3A_1043] {strides = array<i32>} : memref<6x128x128xf32, #tpu.memory_space<vmem>>, vector<16xf32>,
        %get3A_1045 = arith.index_cast %rem3A_928 : i32 to index
        %get3A_1046 = arith.index_cast %add3A_1028 : i32 to index
        %get3A_1047 = arith.constant 64 : index
        %get3A_1048 = tpu.vector_load %arg8[%get3A_1045, %get3A_1046, %get3A_1047] {strides = array<i32>} : memref<6x128x128xf32, #tpu.memory_space<vmem>>, vector<16xf32>,
        %get3A_1049 = arith.index_cast %rem3A_928 : i32 to index
        %get3A_1050 = arith.index_cast %add3A_1028 : i32 to index
        %get3A_1051 = arith.constant 80 : index
        %get3A_1052 = tpu.vector_load %arg8[%get3A_1049, %get3A_1050, %get3A_1051] {strides = array<i32>} : memref<6x128x128xf32, #tpu.memory_space<vmem>>, vector<16xf32>,
        %get3A_1053 = arith.index_cast %rem3A_928 : i32 to index
        %get3A_1054 = arith.index_cast %add3A_1028 : i32 to index
        %get3A_1055 = arith.constant 96 : index
        %get3A_1056 = tpu.vector_load %arg8[%get3A_1053, %get3A_1054, %get3A_1055] {strides = array<i32>} : memref<6x128x128xf32, #tpu.memory_space<vmem>>, vector<16xf32>,
        %get3A_1057 = arith.index_cast %rem3A_928 : i32 to index
        %get3A_1058 = arith.index_cast %add3A_1028 : i32 to index
        %get3A_1059 = arith.constant 112 : index
        %get3A_1060 = tpu.vector_load %arg8[%get3A_1057, %get3A_1058, %get3A_1059] {strides = array<i32>} : memref<6x128x128xf32, #tpu.memory_space<vmem>>, vector<16xf32>,
        %add3A_1061 = arith.addf %add3A_1009, %get3A_1032 : vector<16xf32>
        %max3A_1062 = arith.maximumf %max3A_1010, %get3A_1032 : vector<16xf32>
        %add3A_1063 = arith.addf %add3A_1011, %get3A_1036 : vector<16xf32>
        %max3A_1064 = arith.maximumf %max3A_1012, %get3A_1036 : vector<16xf32>
        %add3A_1065 = arith.addf %add3A_1013, %get3A_1040 : vector<16xf32>
        %max3A_1066 = arith.maximumf %max3A_1014, %get3A_1040 : vector<16xf32>
        %add3A_1067 = arith.addf %add3A_1015, %get3A_1044 : vector<16xf32>
        %max3A_1068 = arith.maximumf %max3A_1016, %get3A_1044 : vector<16xf32>
        %add3A_1069 = arith.addf %add3A_1017, %get3A_1048 : vector<16xf32>
        %max3A_1070 = arith.maximumf %max3A_1018, %get3A_1048 : vector<16xf32>
        %add3A_1071 = arith.addf %add3A_1019, %get3A_1052 : vector<16xf32>
        %max3A_1072 = arith.maximumf %max3A_1020, %get3A_1052 : vector<16xf32>
        %add3A_1073 = arith.addf %add3A_1021, %get3A_1056 : vector<16xf32>
        %max3A_1074 = arith.maximumf %max3A_1022, %get3A_1056 : vector<16xf32>
        %add3A_1075 = arith.addf %add3A_1023, %get3A_1060 : vector<16xf32>
        %max3A_1076 = arith.maximumf %max3A_1024, %get3A_1060 : vector<16xf32>
        %mul3A_1077 = arith.constant 8 : i32
        %mul3A_1078 = arith.muli %scan3A_956, %mul3A_1077 : i32
        %add3A_1079 = arith.constant 2 : i32
        %add3A_1080 = arith.addi %mul3A_1078, %add3A_1079 : i32
        %get3A_1081 = arith.index_cast %rem3A_928 : i32 to index
        %get3A_1082 = arith.index_cast %add3A_1080 : i32 to index
        %get3A_1083 = arith.constant 0 : index
        %get3A_1084 = tpu.vector_load %arg8[%get3A_1081, %get3A_1082, %get3A_1083] {strides = array<i32>} : memref<6x128x128xf32, #tpu.memory_space<vmem>>, vector<16xf32>,
        %get3A_1085 = arith.index_cast %rem3A_928 : i32 to index
        %get3A_1086 = arith.index_cast %add3A_1080 : i32 to index
        %get3A_1087 = arith.constant 16 : index
        %get3A_1088 = tpu.vector_load %arg8[%get3A_1085, %get3A_1086, %get3A_1087] {strides = array<i32>} : memref<6x128x128xf32, #tpu.memory_space<vmem>>, vector<16xf32>,
        %get3A_1089 = arith.index_cast %rem3A_928 : i32 to index
        %get3A_1090 = arith.index_cast %add3A_1080 : i32 to index
        %get3A_1091 = arith.constant 32 : index
        %get3A_1092 = tpu.vector_load %arg8[%get3A_1089, %get3A_1090, %get3A_1091] {strides = array<i32>} : memref<6x128x128xf32, #tpu.memory_space<vmem>>, vector<16xf32>,
        %get3A_1093 = arith.index_cast %rem3A_928 : i32 to index
        %get3A_1094 = arith.index_cast %add3A_1080 : i32 to index
        %get3A_1095 = arith.constant 48 : index
        %get3A_1096 = tpu.vector_load %arg8[%get3A_1093, %get3A_1094, %get3A_1095] {strides = array<i32>} : memref<6x128x128xf32, #tpu.memory_space<vmem>>, vector<16xf32>,
        %get3A_1097 = arith.index_cast %rem3A_928 : i32 to index
        %get3A_1098 = arith.index_cast %add3A_1080 : i32 to index
        %get3A_1099 = arith.constant 64 : index
        %get3A_1100 = tpu.vector_load %arg8[%get3A_1097, %get3A_1098, %get3A_1099] {strides = array<i32>} : memref<6x128x128xf32, #tpu.memory_space<vmem>>, vector<16xf32>,
        %get3A_1101 = arith.index_cast %rem3A_928 : i32 to index
        %get3A_1102 = arith.index_cast %add3A_1080 : i32 to index
        %get3A_1103 = arith.constant 80 : index
        %get3A_1104 = tpu.vector_load %arg8[%get3A_1101, %get3A_1102, %get3A_1103] {strides = array<i32>} : memref<6x128x128xf32, #tpu.memory_space<vmem>>, vector<16xf32>,
        %get3A_1105 = arith.index_cast %rem3A_928 : i32 to index
        %get3A_1106 = arith.index_cast %add3A_1080 : i32 to index
        %get3A_1107 = arith.constant 96 : index
        %get3A_1108 = tpu.vector_load %arg8[%get3A_1105, %get3A_1106, %get3A_1107] {strides = array<i32>} : memref<6x128x128xf32, #tpu.memory_space<vmem>>, vector<16xf32>,
        %get3A_1109 = arith.index_cast %rem3A_928 : i32 to index
        %get3A_1110 = arith.index_cast %add3A_1080 : i32 to index
        %get3A_1111 = arith.constant 112 : index
        %get3A_1112 = tpu.vector_load %arg8[%get3A_1109, %get3A_1110, %get3A_1111] {strides = array<i32>} : memref<6x128x128xf32, #tpu.memory_space<vmem>>, vector<16xf32>,
        %add3A_1113 = arith.addf %add3A_1061, %get3A_1084 : vector<16xf32>
        %max3A_1114 = arith.maximumf %max3A_1062, %get3A_1084 : vector<16xf32>
        %add3A_1115 = arith.addf %add3A_1063, %get3A_1088 : vector<16xf32>
        %max3A_1116 = arith.maximumf %max3A_1064, %get3A_1088 : vector<16xf32>
        %add3A_1117 = arith.addf %add3A_1065, %get3A_1092 : vector<16xf32>
        %max3A_1118 = arith.maximumf %max3A_1066, %get3A_1092 : vector<16xf32>
        %add3A_1119 = arith.addf %add3A_1067, %get3A_1096 : vector<16xf32>
        %max3A_1120 = arith.maximumf %max3A_1068, %get3A_1096 : vector<16xf32>
        %add3A_1121 = arith.addf %add3A_1069, %get3A_1100 : vector<16xf32>
        %max3A_1122 = arith.maximumf %max3A_1070, %get3A_1100 : vector<16xf32>
        %add3A_1123 = arith.addf %add3A_1071, %get3A_1104 : vector<16xf32>
        %max3A_1124 = arith.maximumf %max3A_1072, %get3A_1104 : vector<16xf32>
        %add3A_1125 = arith.addf %add3A_1073, %get3A_1108 : vector<16xf32>
        %max3A_1126 = arith.maximumf %max3A_1074, %get3A_1108 : vector<16xf32>
        %add3A_1127 = arith.addf %add3A_1075, %get3A_1112 : vector<16xf32>
        %max3A_1128 = arith.maximumf %max3A_1076, %get3A_1112 : vector<16xf32>
        %mul3A_1129 = arith.constant 8 : i32
        %mul3A_1130 = arith.muli %scan3A_956, %mul3A_1129 : i32
        %add3A_1131 = arith.constant 3 : i32
        %add3A_1132 = arith.addi %mul3A_1130, %add3A_1131 : i32
        %get3A_1133 = arith.index_cast %rem3A_928 : i32 to index
        %get3A_1134 = arith.index_cast %add3A_1132 : i32 to index
        %get3A_1135 = arith.constant 0 : index
        %get3A_1136 = tpu.vector_load %arg8[%get3A_1133, %get3A_1134, %get3A_1135] {strides = array<i32>} : memref<6x128x128xf32, #tpu.memory_space<vmem>>, vector<16xf32>,
        %get3A_1137 = arith.index_cast %rem3A_928 : i32 to index
        %get3A_1138 = arith.index_cast %add3A_1132 : i32 to index
        %get3A_1139 = arith.constant 16 : index
        %get3A_1140 = tpu.vector_load %arg8[%get3A_1137, %get3A_1138, %get3A_1139] {strides = array<i32>} : memref<6x128x128xf32, #tpu.memory_space<vmem>>, vector<16xf32>,
        %get3A_1141 = arith.index_cast %rem3A_928 : i32 to index
        %get3A_1142 = arith.index_cast %add3A_1132 : i32 to index
        %get3A_1143 = arith.constant 32 : index
        %get3A_1144 = tpu.vector_load %arg8[%get3A_1141, %get3A_1142, %get3A_1143] {strides = array<i32>} : memref<6x128x128xf32, #tpu.memory_space<vmem>>, vector<16xf32>,
        %get3A_1145 = arith.index_cast %rem3A_928 : i32 to index
        %get3A_1146 = arith.index_cast %add3A_1132 : i32 to index
        %get3A_1147 = arith.constant 48 : index
        %get3A_1148 = tpu.vector_load %arg8[%get3A_1145, %get3A_1146, %get3A_1147] {strides = array<i32>} : memref<6x128x128xf32, #tpu.memory_space<vmem>>, vector<16xf32>,
        %get3A_1149 = arith.index_cast %rem3A_928 : i32 to index
        %get3A_1150 = arith.index_cast %add3A_1132 : i32 to index
        %get3A_1151 = arith.constant 64 : index
        %get3A_1152 = tpu.vector_load %arg8[%get3A_1149, %get3A_1150, %get3A_1151] {strides = array<i32>} : memref<6x128x128xf32, #tpu.memory_space<vmem>>, vector<16xf32>,
        %get3A_1153 = arith.index_cast %rem3A_928 : i32 to index
        %get3A_1154 = arith.index_cast %add3A_1132 : i32 to index
        %get3A_1155 = arith.constant 80 : index
        %get3A_1156 = tpu.vector_load %arg8[%get3A_1153, %get3A_1154, %get3A_1155] {strides = array<i32>} : memref<6x128x128xf32, #tpu.memory_space<vmem>>, vector<16xf32>,
        %get3A_1157 = arith.index_cast %rem3A_928 : i32 to index
        %get3A_1158 = arith.index_cast %add3A_1132 : i32 to index
        %get3A_1159 = arith.constant 96 : index
        %get3A_1160 = tpu.vector_load %arg8[%get3A_1157, %get3A_1158, %get3A_1159] {strides = array<i32>} : memref<6x128x128xf32, #tpu.memory_space<vmem>>, vector<16xf32>,
        %get3A_1161 = arith.index_cast %rem3A_928 : i32 to index
        %get3A_1162 = arith.index_cast %add3A_1132 : i32 to index
        %get3A_1163 = arith.constant 112 : index
        %get3A_1164 = tpu.vector_load %arg8[%get3A_1161, %get3A_1162, %get3A_1163] {strides = array<i32>} : memref<6x128x128xf32, #tpu.memory_space<vmem>>, vector<16xf32>,
        %add3A_1165 = arith.addf %add3A_1113, %get3A_1136 : vector<16xf32>
        %max3A_1166 = arith.maximumf %max3A_1114, %get3A_1136 : vector<16xf32>
        %add3A_1167 = arith.addf %add3A_1115, %get3A_1140 : vector<16xf32>
        %max3A_1168 = arith.maximumf %max3A_1116, %get3A_1140 : vector<16xf32>
        %add3A_1169 = arith.addf %add3A_1117, %get3A_1144 : vector<16xf32>
        %max3A_1170 = arith.maximumf %max3A_1118, %get3A_1144 : vector<16xf32>
        %add3A_1171 = arith.addf %add3A_1119, %get3A_1148 : vector<16xf32>
        %max3A_1172 = arith.maximumf %max3A_1120, %get3A_1148 : vector<16xf32>
        %add3A_1173 = arith.addf %add3A_1121, %get3A_1152 : vector<16xf32>
        %max3A_1174 = arith.maximumf %max3A_1122, %get3A_1152 : vector<16xf32>
        %add3A_1175 = arith.addf %add3A_1123, %get3A_1156 : vector<16xf32>
        %max3A_1176 = arith.maximumf %max3A_1124, %get3A_1156 : vector<16xf32>
        %add3A_1177 = arith.addf %add3A_1125, %get3A_1160 : vector<16xf32>
        %max3A_1178 = arith.maximumf %max3A_1126, %get3A_1160 : vector<16xf32>
        %add3A_1179 = arith.addf %add3A_1127, %get3A_1164 : vector<16xf32>
        %max3A_1180 = arith.maximumf %max3A_1128, %get3A_1164 : vector<16xf32>
        %mul3A_1181 = arith.constant 8 : i32
        %mul3A_1182 = arith.muli %scan3A_956, %mul3A_1181 : i32
        %add3A_1183 = arith.constant 4 : i32
        %add3A_1184 = arith.addi %mul3A_1182, %add3A_1183 : i32
        %get3A_1185 = arith.index_cast %rem3A_928 : i32 to index
        %get3A_1186 = arith.index_cast %add3A_1184 : i32 to index
        %get3A_1187 = arith.constant 0 : index
        %get3A_1188 = tpu.vector_load %arg8[%get3A_1185, %get3A_1186, %get3A_1187] {strides = array<i32>} : memref<6x128x128xf32, #tpu.memory_space<vmem>>, vector<16xf32>,
        %get3A_1189 = arith.index_cast %rem3A_928 : i32 to index
        %get3A_1190 = arith.index_cast %add3A_1184 : i32 to index
        %get3A_1191 = arith.constant 16 : index
        %get3A_1192 = tpu.vector_load %arg8[%get3A_1189, %get3A_1190, %get3A_1191] {strides = array<i32>} : memref<6x128x128xf32, #tpu.memory_space<vmem>>, vector<16xf32>,
        %get3A_1193 = arith.index_cast %rem3A_928 : i32 to index
        %get3A_1194 = arith.index_cast %add3A_1184 : i32 to index
        %get3A_1195 = arith.constant 32 : index
        %get3A_1196 = tpu.vector_load %arg8[%get3A_1193, %get3A_1194, %get3A_1195] {strides = array<i32>} : memref<6x128x128xf32, #tpu.memory_space<vmem>>, vector<16xf32>,
        %get3A_1197 = arith.index_cast %rem3A_928 : i32 to index
        %get3A_1198 = arith.index_cast %add3A_1184 : i32 to index
        %get3A_1199 = arith.constant 48 : index
        %get3A_1200 = tpu.vector_load %arg8[%get3A_1197, %get3A_1198, %get3A_1199] {strides = array<i32>} : memref<6x128x128xf32, #tpu.memory_space<vmem>>, vector<16xf32>,
        %get3A_1201 = arith.index_cast %rem3A_928 : i32 to index
        %get3A_1202 = arith.index_cast %add3A_1184 : i32 to index
        %get3A_1203 = arith.constant 64 : index
        %get3A_1204 = tpu.vector_load %arg8[%get3A_1201, %get3A_1202, %get3A_1203] {strides = array<i32>} : memref<6x128x128xf32, #tpu.memory_space<vmem>>, vector<16xf32>,
        %get3A_1205 = arith.index_cast %rem3A_928 : i32 to index
        %get3A_1206 = arith.index_cast %add3A_1184 : i32 to index
        %get3A_1207 = arith.constant 80 : index
        %get3A_1208 = tpu.vector_load %arg8[%get3A_1205, %get3A_1206, %get3A_1207] {strides = array<i32>} : memref<6x128x128xf32, #tpu.memory_space<vmem>>, vector<16xf32>,
        %get3A_1209 = arith.index_cast %rem3A_928 : i32 to index
        %get3A_1210 = arith.index_cast %add3A_1184 : i32 to index
        %get3A_1211 = arith.constant 96 : index
        %get3A_1212 = tpu.vector_load %arg8[%get3A_1209, %get3A_1210, %get3A_1211] {strides = array<i32>} : memref<6x128x128xf32, #tpu.memory_space<vmem>>, vector<16xf32>,
        %get3A_1213 = arith.index_cast %rem3A_928 : i32 to index
        %get3A_1214 = arith.index_cast %add3A_1184 : i32 to index
        %get3A_1215 = arith.constant 112 : index
        %get3A_1216 = tpu.vector_load %arg8[%get3A_1213, %get3A_1214, %get3A_1215] {strides = array<i32>} : memref<6x128x128xf32, #tpu.memory_space<vmem>>, vector<16xf32>,
        %add3A_1217 = arith.addf %add3A_1165, %get3A_1188 : vector<16xf32>
        %max3A_1218 = arith.maximumf %max3A_1166, %get3A_1188 : vector<16xf32>
        %add3A_1219 = arith.addf %add3A_1167, %get3A_1192 : vector<16xf32>
        %max3A_1220 = arith.maximumf %max3A_1168, %get3A_1192 : vector<16xf32>
        %add3A_1221 = arith.addf %add3A_1169, %get3A_1196 : vector<16xf32>
        %max3A_1222 = arith.maximumf %max3A_1170, %get3A_1196 : vector<16xf32>
        %add3A_1223 = arith.addf %add3A_1171, %get3A_1200 : vector<16xf32>
        %max3A_1224 = arith.maximumf %max3A_1172, %get3A_1200 : vector<16xf32>
        %add3A_1225 = arith.addf %add3A_1173, %get3A_1204 : vector<16xf32>
        %max3A_1226 = arith.maximumf %max3A_1174, %get3A_1204 : vector<16xf32>
        %add3A_1227 = arith.addf %add3A_1175, %get3A_1208 : vector<16xf32>
        %max3A_1228 = arith.maximumf %max3A_1176, %get3A_1208 : vector<16xf32>
        %add3A_1229 = arith.addf %add3A_1177, %get3A_1212 : vector<16xf32>
        %max3A_1230 = arith.maximumf %max3A_1178, %get3A_1212 : vector<16xf32>
        %add3A_1231 = arith.addf %add3A_1179, %get3A_1216 : vector<16xf32>
        %max3A_1232 = arith.maximumf %max3A_1180, %get3A_1216 : vector<16xf32>
        %mul3A_1233 = arith.constant 8 : i32
        %mul3A_1234 = arith.muli %scan3A_956, %mul3A_1233 : i32
        %add3A_1235 = arith.constant 5 : i32
        %add3A_1236 = arith.addi %mul3A_1234, %add3A_1235 : i32
        %get3A_1237 = arith.index_cast %rem3A_928 : i32 to index
        %get3A_1238 = arith.index_cast %add3A_1236 : i32 to index
        %get3A_1239 = arith.constant 0 : index
        %get3A_1240 = tpu.vector_load %arg8[%get3A_1237, %get3A_1238, %get3A_1239] {strides = array<i32>} : memref<6x128x128xf32, #tpu.memory_space<vmem>>, vector<16xf32>,
        %get3A_1241 = arith.index_cast %rem3A_928 : i32 to index
        %get3A_1242 = arith.index_cast %add3A_1236 : i32 to index
        %get3A_1243 = arith.constant 16 : index
        %get3A_1244 = tpu.vector_load %arg8[%get3A_1241, %get3A_1242, %get3A_1243] {strides = array<i32>} : memref<6x128x128xf32, #tpu.memory_space<vmem>>, vector<16xf32>,
        %get3A_1245 = arith.index_cast %rem3A_928 : i32 to index
        %get3A_1246 = arith.index_cast %add3A_1236 : i32 to index
        %get3A_1247 = arith.constant 32 : index
        %get3A_1248 = tpu.vector_load %arg8[%get3A_1245, %get3A_1246, %get3A_1247] {strides = array<i32>} : memref<6x128x128xf32, #tpu.memory_space<vmem>>, vector<16xf32>,
        %get3A_1249 = arith.index_cast %rem3A_928 : i32 to index
        %get3A_1250 = arith.index_cast %add3A_1236 : i32 to index
        %get3A_1251 = arith.constant 48 : index
        %get3A_1252 = tpu.vector_load %arg8[%get3A_1249, %get3A_1250, %get3A_1251] {strides = array<i32>} : memref<6x128x128xf32, #tpu.memory_space<vmem>>, vector<16xf32>,
        %get3A_1253 = arith.index_cast %rem3A_928 : i32 to index
        %get3A_1254 = arith.index_cast %add3A_1236 : i32 to index
        %get3A_1255 = arith.constant 64 : index
        %get3A_1256 = tpu.vector_load %arg8[%get3A_1253, %get3A_1254, %get3A_1255] {strides = array<i32>} : memref<6x128x128xf32, #tpu.memory_space<vmem>>, vector<16xf32>,
        %get3A_1257 = arith.index_cast %rem3A_928 : i32 to index
        %get3A_1258 = arith.index_cast %add3A_1236 : i32 to index
        %get3A_1259 = arith.constant 80 : index
        %get3A_1260 = tpu.vector_load %arg8[%get3A_1257, %get3A_1258, %get3A_1259] {strides = array<i32>} : memref<6x128x128xf32, #tpu.memory_space<vmem>>, vector<16xf32>,
        %get3A_1261 = arith.index_cast %rem3A_928 : i32 to index
        %get3A_1262 = arith.index_cast %add3A_1236 : i32 to index
        %get3A_1263 = arith.constant 96 : index
        %get3A_1264 = tpu.vector_load %arg8[%get3A_1261, %get3A_1262, %get3A_1263] {strides = array<i32>} : memref<6x128x128xf32, #tpu.memory_space<vmem>>, vector<16xf32>,
        %get3A_1265 = arith.index_cast %rem3A_928 : i32 to index
        %get3A_1266 = arith.index_cast %add3A_1236 : i32 to index
        %get3A_1267 = arith.constant 112 : index
        %get3A_1268 = tpu.vector_load %arg8[%get3A_1265, %get3A_1266, %get3A_1267] {strides = array<i32>} : memref<6x128x128xf32, #tpu.memory_space<vmem>>, vector<16xf32>,
        %add3A_1269 = arith.addf %add3A_1217, %get3A_1240 : vector<16xf32>
        %max3A_1270 = arith.maximumf %max3A_1218, %get3A_1240 : vector<16xf32>
        %add3A_1271 = arith.addf %add3A_1219, %get3A_1244 : vector<16xf32>
        %max3A_1272 = arith.maximumf %max3A_1220, %get3A_1244 : vector<16xf32>
        %add3A_1273 = arith.addf %add3A_1221, %get3A_1248 : vector<16xf32>
        %max3A_1274 = arith.maximumf %max3A_1222, %get3A_1248 : vector<16xf32>
        %add3A_1275 = arith.addf %add3A_1223, %get3A_1252 : vector<16xf32>
        %max3A_1276 = arith.maximumf %max3A_1224, %get3A_1252 : vector<16xf32>
        %add3A_1277 = arith.addf %add3A_1225, %get3A_1256 : vector<16xf32>
        %max3A_1278 = arith.maximumf %max3A_1226, %get3A_1256 : vector<16xf32>
        %add3A_1279 = arith.addf %add3A_1227, %get3A_1260 : vector<16xf32>
        %max3A_1280 = arith.maximumf %max3A_1228, %get3A_1260 : vector<16xf32>
        %add3A_1281 = arith.addf %add3A_1229, %get3A_1264 : vector<16xf32>
        %max3A_1282 = arith.maximumf %max3A_1230, %get3A_1264 : vector<16xf32>
        %add3A_1283 = arith.addf %add3A_1231, %get3A_1268 : vector<16xf32>
        %max3A_1284 = arith.maximumf %max3A_1232, %get3A_1268 : vector<16xf32>
        %mul3A_1285 = arith.constant 8 : i32
        %mul3A_1286 = arith.muli %scan3A_956, %mul3A_1285 : i32
        %add3A_1287 = arith.constant 6 : i32
        %add3A_1288 = arith.addi %mul3A_1286, %add3A_1287 : i32
        %get3A_1289 = arith.index_cast %rem3A_928 : i32 to index
        %get3A_1290 = arith.index_cast %add3A_1288 : i32 to index
        %get3A_1291 = arith.constant 0 : index
        %get3A_1292 = tpu.vector_load %arg8[%get3A_1289, %get3A_1290, %get3A_1291] {strides = array<i32>} : memref<6x128x128xf32, #tpu.memory_space<vmem>>, vector<16xf32>,
        %get3A_1293 = arith.index_cast %rem3A_928 : i32 to index
        %get3A_1294 = arith.index_cast %add3A_1288 : i32 to index
        %get3A_1295 = arith.constant 16 : index
        %get3A_1296 = tpu.vector_load %arg8[%get3A_1293, %get3A_1294, %get3A_1295] {strides = array<i32>} : memref<6x128x128xf32, #tpu.memory_space<vmem>>, vector<16xf32>,
        %get3A_1297 = arith.index_cast %rem3A_928 : i32 to index
        %get3A_1298 = arith.index_cast %add3A_1288 : i32 to index
        %get3A_1299 = arith.constant 32 : index
        %get3A_1300 = tpu.vector_load %arg8[%get3A_1297, %get3A_1298, %get3A_1299] {strides = array<i32>} : memref<6x128x128xf32, #tpu.memory_space<vmem>>, vector<16xf32>,
        %get3A_1301 = arith.index_cast %rem3A_928 : i32 to index
        %get3A_1302 = arith.index_cast %add3A_1288 : i32 to index
        %get3A_1303 = arith.constant 48 : index
        %get3A_1304 = tpu.vector_load %arg8[%get3A_1301, %get3A_1302, %get3A_1303] {strides = array<i32>} : memref<6x128x128xf32, #tpu.memory_space<vmem>>, vector<16xf32>,
        %get3A_1305 = arith.index_cast %rem3A_928 : i32 to index
        %get3A_1306 = arith.index_cast %add3A_1288 : i32 to index
        %get3A_1307 = arith.constant 64 : index
        %get3A_1308 = tpu.vector_load %arg8[%get3A_1305, %get3A_1306, %get3A_1307] {strides = array<i32>} : memref<6x128x128xf32, #tpu.memory_space<vmem>>, vector<16xf32>,
        %get3A_1309 = arith.index_cast %rem3A_928 : i32 to index
        %get3A_1310 = arith.index_cast %add3A_1288 : i32 to index
        %get3A_1311 = arith.constant 80 : index
        %get3A_1312 = tpu.vector_load %arg8[%get3A_1309, %get3A_1310, %get3A_1311] {strides = array<i32>} : memref<6x128x128xf32, #tpu.memory_space<vmem>>, vector<16xf32>,
        %get3A_1313 = arith.index_cast %rem3A_928 : i32 to index
        %get3A_1314 = arith.index_cast %add3A_1288 : i32 to index
        %get3A_1315 = arith.constant 96 : index
        %get3A_1316 = tpu.vector_load %arg8[%get3A_1313, %get3A_1314, %get3A_1315] {strides = array<i32>} : memref<6x128x128xf32, #tpu.memory_space<vmem>>, vector<16xf32>,
        %get3A_1317 = arith.index_cast %rem3A_928 : i32 to index
        %get3A_1318 = arith.index_cast %add3A_1288 : i32 to index
        %get3A_1319 = arith.constant 112 : index
        %get3A_1320 = tpu.vector_load %arg8[%get3A_1317, %get3A_1318, %get3A_1319] {strides = array<i32>} : memref<6x128x128xf32, #tpu.memory_space<vmem>>, vector<16xf32>,
        %add3A_1321 = arith.addf %add3A_1269, %get3A_1292 : vector<16xf32>
        %max3A_1322 = arith.maximumf %max3A_1270, %get3A_1292 : vector<16xf32>
        %add3A_1323 = arith.addf %add3A_1271, %get3A_1296 : vector<16xf32>
        %max3A_1324 = arith.maximumf %max3A_1272, %get3A_1296 : vector<16xf32>
        %add3A_1325 = arith.addf %add3A_1273, %get3A_1300 : vector<16xf32>
        %max3A_1326 = arith.maximumf %max3A_1274, %get3A_1300 : vector<16xf32>
        %add3A_1327 = arith.addf %add3A_1275, %get3A_1304 : vector<16xf32>
        %max3A_1328 = arith.maximumf %max3A_1276, %get3A_1304 : vector<16xf32>
        %add3A_1329 = arith.addf %add3A_1277, %get3A_1308 : vector<16xf32>
        %max3A_1330 = arith.maximumf %max3A_1278, %get3A_1308 : vector<16xf32>
        %add3A_1331 = arith.addf %add3A_1279, %get3A_1312 : vector<16xf32>
        %max3A_1332 = arith.maximumf %max3A_1280, %get3A_1312 : vector<16xf32>
        %add3A_1333 = arith.addf %add3A_1281, %get3A_1316 : vector<16xf32>
        %max3A_1334 = arith.maximumf %max3A_1282, %get3A_1316 : vector<16xf32>
        %add3A_1335 = arith.addf %add3A_1283, %get3A_1320 : vector<16xf32>
        %max3A_1336 = arith.maximumf %max3A_1284, %get3A_1320 : vector<16xf32>
        %mul3A_1337 = arith.constant 8 : i32
        %mul3A_1338 = arith.muli %scan3A_956, %mul3A_1337 : i32
        %add3A_1339 = arith.constant 7 : i32
        %add3A_1340 = arith.addi %mul3A_1338, %add3A_1339 : i32
        %get3A_1341 = arith.index_cast %rem3A_928 : i32 to index
        %get3A_1342 = arith.index_cast %add3A_1340 : i32 to index
        %get3A_1343 = arith.constant 0 : index
        %get3A_1344 = tpu.vector_load %arg8[%get3A_1341, %get3A_1342, %get3A_1343] {strides = array<i32>} : memref<6x128x128xf32, #tpu.memory_space<vmem>>, vector<16xf32>,
        %get3A_1345 = arith.index_cast %rem3A_928 : i32 to index
        %get3A_1346 = arith.index_cast %add3A_1340 : i32 to index
        %get3A_1347 = arith.constant 16 : index
        %get3A_1348 = tpu.vector_load %arg8[%get3A_1345, %get3A_1346, %get3A_1347] {strides = array<i32>} : memref<6x128x128xf32, #tpu.memory_space<vmem>>, vector<16xf32>,
        %get3A_1349 = arith.index_cast %rem3A_928 : i32 to index
        %get3A_1350 = arith.index_cast %add3A_1340 : i32 to index
        %get3A_1351 = arith.constant 32 : index
        %get3A_1352 = tpu.vector_load %arg8[%get3A_1349, %get3A_1350, %get3A_1351] {strides = array<i32>} : memref<6x128x128xf32, #tpu.memory_space<vmem>>, vector<16xf32>,
        %get3A_1353 = arith.index_cast %rem3A_928 : i32 to index
        %get3A_1354 = arith.index_cast %add3A_1340 : i32 to index
        %get3A_1355 = arith.constant 48 : index
        %get3A_1356 = tpu.vector_load %arg8[%get3A_1353, %get3A_1354, %get3A_1355] {strides = array<i32>} : memref<6x128x128xf32, #tpu.memory_space<vmem>>, vector<16xf32>,
        %get3A_1357 = arith.index_cast %rem3A_928 : i32 to index
        %get3A_1358 = arith.index_cast %add3A_1340 : i32 to index
        %get3A_1359 = arith.constant 64 : index
        %get3A_1360 = tpu.vector_load %arg8[%get3A_1357, %get3A_1358, %get3A_1359] {strides = array<i32>} : memref<6x128x128xf32, #tpu.memory_space<vmem>>, vector<16xf32>,
        %get3A_1361 = arith.index_cast %rem3A_928 : i32 to index
        %get3A_1362 = arith.index_cast %add3A_1340 : i32 to index
        %get3A_1363 = arith.constant 80 : index
        %get3A_1364 = tpu.vector_load %arg8[%get3A_1361, %get3A_1362, %get3A_1363] {strides = array<i32>} : memref<6x128x128xf32, #tpu.memory_space<vmem>>, vector<16xf32>,
        %get3A_1365 = arith.index_cast %rem3A_928 : i32 to index
        %get3A_1366 = arith.index_cast %add3A_1340 : i32 to index
        %get3A_1367 = arith.constant 96 : index
        %get3A_1368 = tpu.vector_load %arg8[%get3A_1365, %get3A_1366, %get3A_1367] {strides = array<i32>} : memref<6x128x128xf32, #tpu.memory_space<vmem>>, vector<16xf32>,
        %get3A_1369 = arith.index_cast %rem3A_928 : i32 to index
        %get3A_1370 = arith.index_cast %add3A_1340 : i32 to index
        %get3A_1371 = arith.constant 112 : index
        %get3A_1372 = tpu.vector_load %arg8[%get3A_1369, %get3A_1370, %get3A_1371] {strides = array<i32>} : memref<6x128x128xf32, #tpu.memory_space<vmem>>, vector<16xf32>,
        %add3A_1373 = arith.addf %add3A_1321, %get3A_1344 : vector<16xf32>
        %max3A_1374 = arith.maximumf %max3A_1322, %get3A_1344 : vector<16xf32>
        %add3A_1375 = arith.addf %add3A_1323, %get3A_1348 : vector<16xf32>
        %max3A_1376 = arith.maximumf %max3A_1324, %get3A_1348 : vector<16xf32>
        %add3A_1377 = arith.addf %add3A_1325, %get3A_1352 : vector<16xf32>
        %max3A_1378 = arith.maximumf %max3A_1326, %get3A_1352 : vector<16xf32>
        %add3A_1379 = arith.addf %add3A_1327, %get3A_1356 : vector<16xf32>
        %max3A_1380 = arith.maximumf %max3A_1328, %get3A_1356 : vector<16xf32>
        %add3A_1381 = arith.addf %add3A_1329, %get3A_1360 : vector<16xf32>
        %max3A_1382 = arith.maximumf %max3A_1330, %get3A_1360 : vector<16xf32>
        %add3A_1383 = arith.addf %add3A_1331, %get3A_1364 : vector<16xf32>
        %max3A_1384 = arith.maximumf %max3A_1332, %get3A_1364 : vector<16xf32>
        %add3A_1385 = arith.addf %add3A_1333, %get3A_1368 : vector<16xf32>
        %max3A_1386 = arith.maximumf %max3A_1334, %get3A_1368 : vector<16xf32>
        %add3A_1387 = arith.addf %add3A_1335, %get3A_1372 : vector<16xf32>
        %max3A_1388 = arith.maximumf %max3A_1336, %get3A_1372 : vector<16xf32>
        scf.yield %add3A_1373, %add3A_1375, %add3A_1377, %add3A_1379, %add3A_1381, %add3A_1383, %add3A_1385, %add3A_1387, %max3A_1374, %max3A_1376, %max3A_1378, %max3A_1380, %max3A_1382, %max3A_1384, %max3A_1386, %max3A_1388 : vector<16xf32>, vector<16xf32>, vector<16xf32>, vector<16xf32>, vector<16xf32>, vector<16xf32>, vector<16xf32>, vector<16xf32>, vector<16xf32>, vector<16xf32>, vector<16xf32>, vector<16xf32>, vector<16xf32>, vector<16xf32>, vector<16xf32>, vector<16xf32>
      }
      %scan3A_955 = arith.constant 16 : i32
      scf.yield %scan3A_954#0, %scan3A_954#1, %scan3A_954#2, %scan3A_954#3, %scan3A_954#4, %scan3A_954#5, %scan3A_954#6, %scan3A_954#7, %scan3A_954#8, %scan3A_954#9, %scan3A_954#10, %scan3A_954#11, %scan3A_954#12, %scan3A_954#13, %scan3A_954#14, %scan3A_954#15 : vector<16xf32>, vector<16xf32>, vector<16xf32>, vector<16xf32>, vector<16xf32>, vector<16xf32>, vector<16xf32>, vector<16xf32>, vector<16xf32>, vector<16xf32>, vector<16xf32>, vector<16xf32>, vector<16xf32>, vector<16xf32>, vector<16xf32>, vector<16xf32>
    }
    %while3A_811 = arith.constant 1 : i32
    %while3A_812:16 = scf.for %while3A_909 = %while3A_808 to %while3A_804 step %while3A_811 iter_args(%while3A_910 = %while3A_810#0, %while3A_911 = %while3A_810#1, %while3A_912 = %while3A_810#2, %while3A_913 = %while3A_810#3, %while3A_914 = %while3A_810#4, %while3A_915 = %while3A_810#5, %while3A_916 = %while3A_810#6, %while3A_917 = %while3A_810#7, %while3A_918 = %while3A_810#8, %while3A_919 = %while3A_810#9, %while3A_920 = %while3A_810#10, %while3A_921 = %while3A_810#11, %while3A_922 = %while3A_810#12, %while3A_923 = %while3A_810#13, %while3A_924 = %while3A_810#14, %while3A_925 = %while3A_810#15) -> (vector<16xf32>, vector<16xf32>, vector<16xf32>, vector<16xf32>, vector<16xf32>, vector<16xf32>, vector<16xf32>, vector<16xf32>, vector<16xf32>, vector<16xf32>, vector<16xf32>, vector<16xf32>, vector<16xf32>, vector<16xf32>, vector<16xf32>, vector<16xf32>)  : i32 {
      %add3A_926 = arith.addi %while3A_909, %rem3A_618 : i32
      %rem3A_927 = arith.constant 6 : i32
      %rem3A_928 = arith.remsi %add3A_926, %rem3A_927 : i32
      %add3A_929 = arith.constant 5 : i32
      %add3A_930 = arith.addi %while3A_909, %add3A_929 : i32
      %lt3A_931 = arith.cmpi slt, %add3A_930, %select_n3A_546 : i32
      %convert_element_type3A_932 = arith.extui %lt3A_931 : i1 to i32
      %cond3A_933 = arith.constant 0 : i32
      %cond3A_934 = arith.cmpi ne, %convert_element_type3A_932, %cond3A_933 : i32
      scf.if %cond3A_934 {
        %mul3A_956 = arith.constant 128 : i32
        %mul3A_957 = arith.muli %add3A_930, %mul3A_956 : i32
        %add3A_958 = arith.addi %add3A_497, %mul3A_957 : i32
        %add3A_959 = arith.addi %add3A_930, %rem3A_618 : i32
        %rem3A_960 = arith.constant 6 : i32
        %rem3A_961 = arith.remsi %add3A_959, %rem3A_960 : i32
        %dma_start3A = arith.constant 0 : i32
        %dma_start3A_962 = arith.constant 0 : i32
        %dma_start3A_963 = tpu.memref_slice %arg8[%rem3A_961, %dma_start3A, %dma_start3A_962] : memref<6x128x128xf32, #tpu.memory_space<vmem>> -> memref<1x128x128xf32, #tpu.memory_space<vmem>>
        %dma_start3A_964 = tpu.memref_squeeze %dma_start3A_963 : memref<1x128x128xf32, #tpu.memory_space<vmem>> -> memref<128x128xf32, #tpu.memory_space<vmem>>
        %dma_start3A_965 = arith.constant 0 : i32
        %dma_start3A_966 = tpu.memref_slice %arg2[%add3A_958, %dma_start3A_965] : memref<100000x128xf32, #tpu.memory_space<hbm>> -> memref<128x128xf32, #tpu.memory_space<hbm>>
        %dma_start3A_967 = tpu.memref_slice %arg12[%rem3A_961] : memref<6x!tpu.dma_semaphore, #tpu.memory_space<semaphore_mem>> -> memref<1x!tpu.dma_semaphore, #tpu.memory_space<semaphore_mem>>
        %dma_start3A_968 = tpu.memref_squeeze %dma_start3A_967 : memref<1x!tpu.dma_semaphore, #tpu.memory_space<semaphore_mem>> -> memref<!tpu.dma_semaphore, #tpu.memory_space<semaphore_mem>>
        %dma_start3A_969 = arith.constant 0 : i32
        %dma_start3A_970 = arith.constant 0 : i32
        %dma_start3A_971 = tpu.memref_slice %arg8[%rem3A_961, %dma_start3A_969, %dma_start3A_970] : memref<6x128x128xf32, #tpu.memory_space<vmem>> -> memref<1x128x128xf32, #tpu.memory_space<vmem>>
        %dma_start3A_972 = tpu.memref_squeeze %dma_start3A_971 : memref<1x128x128xf32, #tpu.memory_space<vmem>> -> memref<128x128xf32, #tpu.memory_space<vmem>>
        %dma_start3A_973 = arith.constant 0 : i32
        %dma_start3A_974 = tpu.memref_slice %arg2[%add3A_958, %dma_start3A_973] : memref<100000x128xf32, #tpu.memory_space<hbm>> -> memref<128x128xf32, #tpu.memory_space<hbm>>
        tpu.enqueue_dma source(%dma_start3A_974 : memref<128x128xf32, #tpu.memory_space<hbm>>) target(%dma_start3A_972 : memref<128x128xf32, #tpu.memory_space<vmem>>) target_semaphore(%dma_start3A_968 : memref<!tpu.dma_semaphore, #tpu.memory_space<semaphore_mem>>)
      } else {
      }
      %dma_wait3A = arith.constant 0 : i32
      %dma_wait3A_935 = arith.constant 0 : i32
      %dma_wait3A_936 = tpu.memref_slice %arg8[%rem3A_928, %dma_wait3A, %dma_wait3A_935] : memref<6x128x128xf32, #tpu.memory_space<vmem>> -> memref<1x128x128xf32, #tpu.memory_space<vmem>>
      %dma_wait3A_937 = tpu.memref_squeeze %dma_wait3A_936 : memref<1x128x128xf32, #tpu.memory_space<vmem>> -> memref<128x128xf32, #tpu.memory_space<vmem>>
      %dma_wait3A_938 = arith.constant 0 : i32
      %dma_wait3A_939 = arith.constant 0 : i32
      %dma_wait3A_940 = tpu.memref_slice %arg2[%dma_wait3A_938, %dma_wait3A_939] : memref<100000x128xf32, #tpu.memory_space<hbm>> -> memref<128x128xf32, #tpu.memory_space<hbm>>
      %dma_wait3A_941 = tpu.memref_slice %arg12[%rem3A_928] : memref<6x!tpu.dma_semaphore, #tpu.memory_space<semaphore_mem>> -> memref<1x!tpu.dma_semaphore, #tpu.memory_space<semaphore_mem>>
      %dma_wait3A_942 = tpu.memref_squeeze %dma_wait3A_941 : memref<1x!tpu.dma_semaphore, #tpu.memory_space<semaphore_mem>> -> memref<!tpu.dma_semaphore, #tpu.memory_space<semaphore_mem>>
      %dma_wait3A_943 = arith.constant 0 : i32
      %dma_wait3A_944 = arith.constant 0 : i32
      %dma_wait3A_945 = tpu.memref_slice %arg8[%rem3A_928, %dma_wait3A_943, %dma_wait3A_944] : memref<6x128x128xf32, #tpu.memory_space<vmem>> -> memref<1x128x128xf32, #tpu.memory_space<vmem>>
      %dma_wait3A_946 = tpu.memref_squeeze %dma_wait3A_945 : memref<1x128x128xf32, #tpu.memory_space<vmem>> -> memref<128x128xf32, #tpu.memory_space<vmem>>
      %dma_wait3A_947 = arith.constant 0 : i32
      %dma_wait3A_948 = arith.constant 0 : i32
      %dma_wait3A_949 = tpu.memref_slice %arg2[%dma_wait3A_947, %dma_wait3A_948] : memref<100000x128xf32, #tpu.memory_space<hbm>> -> memref<128x128xf32, #tpu.memory_space<hbm>>
      tpu.wait_dma2 semaphore(%dma_wait3A_942 : memref<!tpu.dma_semaphore, #tpu.memory_space<semaphore_mem>>) src(%dma_wait3A_949 : memref<128x128xf32, #tpu.memory_space<hbm>>) dst(%dma_wait3A_946 : memref<128x128xf32, #tpu.memory_space<vmem>>)
      %scan3A_950 = arith.constant 0 : i32
      %scan3A_951 = arith.constant 16 : i32
      %scan3A_952 = arith.addi %scan3A_950, %scan3A_951 : i32
      %scan3A_953 = arith.constant 1 : i32
      %scan3A_954:16 = scf.for %scan3A_956 = %scan3A_950 to %scan3A_952 step %scan3A_953 iter_args(%scan3A_957 = %while3A_910, %scan3A_958 = %while3A_911, %scan3A_959 = %while3A_912, %scan3A_960 = %while3A_913, %scan3A_961 = %while3A_914, %scan3A_962 = %while3A_915, %scan3A_963 = %while3A_916, %scan3A_964 = %while3A_917, %scan3A_965 = %while3A_918, %scan3A_966 = %while3A_919, %scan3A_967 = %while3A_920, %scan3A_968 = %while3A_921, %scan3A_969 = %while3A_922, %scan3A_970 = %while3A_923, %scan3A_971 = %while3A_924, %scan3A_972 = %while3A_925) -> (vector<16xf32>, vector<16xf32>, vector<16xf32>, vector<16xf32>, vector<16xf32>, vector<16xf32>, vector<16xf32>, vector<16xf32>, vector<16xf32>, vector<16xf32>, vector<16xf32>, vector<16xf32>, vector<16xf32>, vector<16xf32>, vector<16xf32>, vector<16xf32>)  : i32 {
        %mul3A_973 = arith.constant 8 : i32
        %mul3A_974 = arith.muli %scan3A_956, %mul3A_973 : i32
        %add3A_975 = arith.constant 0 : i32
        %add3A_976 = arith.addi %mul3A_974, %add3A_975 : i32
        %get3A_977 = arith.index_cast %rem3A_928 : i32 to index
        %get3A_978 = arith.index_cast %add3A_976 : i32 to index
        %get3A_979 = arith.constant 0 : index
        %get3A_980 = tpu.vector_load %arg8[%get3A_977, %get3A_978, %get3A_979] {strides = array<i32>} : memref<6x128x128xf32, #tpu.memory_space<vmem>>, vector<16xf32>,
        %get3A_981 = arith.index_cast %rem3A_928 : i32 to index
        %get3A_982 = arith.index_cast %add3A_976 : i32 to index
        %get3A_983 = arith.constant 16 : index
        %get3A_984 = tpu.vector_load %arg8[%get3A_981, %get3A_982, %get3A_983] {strides = array<i32>} : memref<6x128x128xf32, #tpu.memory_space<vmem>>, vector<16xf32>,
        %get3A_985 = arith.index_cast %rem3A_928 : i32 to index
        %get3A_986 = arith.index_cast %add3A_976 : i32 to index
        %get3A_987 = arith.constant 32 : index
        %get3A_988 = tpu.vector_load %arg8[%get3A_985, %get3A_986, %get3A_987] {strides = array<i32>} : memref<6x128x128xf32, #tpu.memory_space<vmem>>, vector<16xf32>,
        %get3A_989 = arith.index_cast %rem3A_928 : i32 to index
        %get3A_990 = arith.index_cast %add3A_976 : i32 to index
        %get3A_991 = arith.constant 48 : index
        %get3A_992 = tpu.vector_load %arg8[%get3A_989, %get3A_990, %get3A_991] {strides = array<i32>} : memref<6x128x128xf32, #tpu.memory_space<vmem>>, vector<16xf32>,
        %get3A_993 = arith.index_cast %rem3A_928 : i32 to index
        %get3A_994 = arith.index_cast %add3A_976 : i32 to index
        %get3A_995 = arith.constant 64 : index
        %get3A_996 = tpu.vector_load %arg8[%get3A_993, %get3A_994, %get3A_995] {strides = array<i32>} : memref<6x128x128xf32, #tpu.memory_space<vmem>>, vector<16xf32>,
        %get3A_997 = arith.index_cast %rem3A_928 : i32 to index
        %get3A_998 = arith.index_cast %add3A_976 : i32 to index
        %get3A_999 = arith.constant 80 : index
        %get3A_1000 = tpu.vector_load %arg8[%get3A_997, %get3A_998, %get3A_999] {strides = array<i32>} : memref<6x128x128xf32, #tpu.memory_space<vmem>>, vector<16xf32>,
        %get3A_1001 = arith.index_cast %rem3A_928 : i32 to index
        %get3A_1002 = arith.index_cast %add3A_976 : i32 to index
        %get3A_1003 = arith.constant 96 : index
        %get3A_1004 = tpu.vector_load %arg8[%get3A_1001, %get3A_1002, %get3A_1003] {strides = array<i32>} : memref<6x128x128xf32, #tpu.memory_space<vmem>>, vector<16xf32>,
        %get3A_1005 = arith.index_cast %rem3A_928 : i32 to index
        %get3A_1006 = arith.index_cast %add3A_976 : i32 to index
        %get3A_1007 = arith.constant 112 : index
        %get3A_1008 = tpu.vector_load %arg8[%get3A_1005, %get3A_1006, %get3A_1007] {strides = array<i32>} : memref<6x128x128xf32, #tpu.memory_space<vmem>>, vector<16xf32>,
        %add3A_1009 = arith.addf %scan3A_957, %get3A_980 : vector<16xf32>
        %max3A_1010 = arith.maximumf %scan3A_965, %get3A_980 : vector<16xf32>
        %add3A_1011 = arith.addf %scan3A_958, %get3A_984 : vector<16xf32>
        %max3A_1012 = arith.maximumf %scan3A_966, %get3A_984 : vector<16xf32>
        %add3A_1013 = arith.addf %scan3A_959, %get3A_988 : vector<16xf32>
        %max3A_1014 = arith.maximumf %scan3A_967, %get3A_988 : vector<16xf32>
        %add3A_1015 = arith.addf %scan3A_960, %get3A_992 : vector<16xf32>
        %max3A_1016 = arith.maximumf %scan3A_968, %get3A_992 : vector<16xf32>
        %add3A_1017 = arith.addf %scan3A_961, %get3A_996 : vector<16xf32>
        %max3A_1018 = arith.maximumf %scan3A_969, %get3A_996 : vector<16xf32>
        %add3A_1019 = arith.addf %scan3A_962, %get3A_1000 : vector<16xf32>
        %max3A_1020 = arith.maximumf %scan3A_970, %get3A_1000 : vector<16xf32>
        %add3A_1021 = arith.addf %scan3A_963, %get3A_1004 : vector<16xf32>
        %max3A_1022 = arith.maximumf %scan3A_971, %get3A_1004 : vector<16xf32>
        %add3A_1023 = arith.addf %scan3A_964, %get3A_1008 : vector<16xf32>
        %max3A_1024 = arith.maximumf %scan3A_972, %get3A_1008 : vector<16xf32>
        %mul3A_1025 = arith.constant 8 : i32
        %mul3A_1026 = arith.muli %scan3A_956, %mul3A_1025 : i32
        %add3A_1027 = arith.constant 1 : i32
        %add3A_1028 = arith.addi %mul3A_1026, %add3A_1027 : i32
        %get3A_1029 = arith.index_cast %rem3A_928 : i32 to index
        %get3A_1030 = arith.index_cast %add3A_1028 : i32 to index
        %get3A_1031 = arith.constant 0 : index
        %get3A_1032 = tpu.vector_load %arg8[%get3A_1029, %get3A_1030, %get3A_1031] {strides = array<i32>} : memref<6x128x128xf32, #tpu.memory_space<vmem>>, vector<16xf32>,
        %get3A_1033 = arith.index_cast %rem3A_928 : i32 to index
        %get3A_1034 = arith.index_cast %add3A_1028 : i32 to index
        %get3A_1035 = arith.constant 16 : index
        %get3A_1036 = tpu.vector_load %arg8[%get3A_1033, %get3A_1034, %get3A_1035] {strides = array<i32>} : memref<6x128x128xf32, #tpu.memory_space<vmem>>, vector<16xf32>,
        %get3A_1037 = arith.index_cast %rem3A_928 : i32 to index
        %get3A_1038 = arith.index_cast %add3A_1028 : i32 to index
        %get3A_1039 = arith.constant 32 : index
        %get3A_1040 = tpu.vector_load %arg8[%get3A_1037, %get3A_1038, %get3A_1039] {strides = array<i32>} : memref<6x128x128xf32, #tpu.memory_space<vmem>>, vector<16xf32>,
        %get3A_1041 = arith.index_cast %rem3A_928 : i32 to index
        %get3A_1042 = arith.index_cast %add3A_1028 : i32 to index
        %get3A_1043 = arith.constant 48 : index
        %get3A_1044 = tpu.vector_load %arg8[%get3A_1041, %get3A_1042, %get3A_1043] {strides = array<i32>} : memref<6x128x128xf32, #tpu.memory_space<vmem>>, vector<16xf32>,
        %get3A_1045 = arith.index_cast %rem3A_928 : i32 to index
        %get3A_1046 = arith.index_cast %add3A_1028 : i32 to index
        %get3A_1047 = arith.constant 64 : index
        %get3A_1048 = tpu.vector_load %arg8[%get3A_1045, %get3A_1046, %get3A_1047] {strides = array<i32>} : memref<6x128x128xf32, #tpu.memory_space<vmem>>, vector<16xf32>,
        %get3A_1049 = arith.index_cast %rem3A_928 : i32 to index
        %get3A_1050 = arith.index_cast %add3A_1028 : i32 to index
        %get3A_1051 = arith.constant 80 : index
        %get3A_1052 = tpu.vector_load %arg8[%get3A_1049, %get3A_1050, %get3A_1051] {strides = array<i32>} : memref<6x128x128xf32, #tpu.memory_space<vmem>>, vector<16xf32>,
        %get3A_1053 = arith.index_cast %rem3A_928 : i32 to index
        %get3A_1054 = arith.index_cast %add3A_1028 : i32 to index
        %get3A_1055 = arith.constant 96 : index
        %get3A_1056 = tpu.vector_load %arg8[%get3A_1053, %get3A_1054, %get3A_1055] {strides = array<i32>} : memref<6x128x128xf32, #tpu.memory_space<vmem>>, vector<16xf32>,
        %get3A_1057 = arith.index_cast %rem3A_928 : i32 to index
        %get3A_1058 = arith.index_cast %add3A_1028 : i32 to index
        %get3A_1059 = arith.constant 112 : index
        %get3A_1060 = tpu.vector_load %arg8[%get3A_1057, %get3A_1058, %get3A_1059] {strides = array<i32>} : memref<6x128x128xf32, #tpu.memory_space<vmem>>, vector<16xf32>,
        %add3A_1061 = arith.addf %add3A_1009, %get3A_1032 : vector<16xf32>
        %max3A_1062 = arith.maximumf %max3A_1010, %get3A_1032 : vector<16xf32>
        %add3A_1063 = arith.addf %add3A_1011, %get3A_1036 : vector<16xf32>
        %max3A_1064 = arith.maximumf %max3A_1012, %get3A_1036 : vector<16xf32>
        %add3A_1065 = arith.addf %add3A_1013, %get3A_1040 : vector<16xf32>
        %max3A_1066 = arith.maximumf %max3A_1014, %get3A_1040 : vector<16xf32>
        %add3A_1067 = arith.addf %add3A_1015, %get3A_1044 : vector<16xf32>
        %max3A_1068 = arith.maximumf %max3A_1016, %get3A_1044 : vector<16xf32>
        %add3A_1069 = arith.addf %add3A_1017, %get3A_1048 : vector<16xf32>
        %max3A_1070 = arith.maximumf %max3A_1018, %get3A_1048 : vector<16xf32>
        %add3A_1071 = arith.addf %add3A_1019, %get3A_1052 : vector<16xf32>
        %max3A_1072 = arith.maximumf %max3A_1020, %get3A_1052 : vector<16xf32>
        %add3A_1073 = arith.addf %add3A_1021, %get3A_1056 : vector<16xf32>
        %max3A_1074 = arith.maximumf %max3A_1022, %get3A_1056 : vector<16xf32>
        %add3A_1075 = arith.addf %add3A_1023, %get3A_1060 : vector<16xf32>
        %max3A_1076 = arith.maximumf %max3A_1024, %get3A_1060 : vector<16xf32>
        %mul3A_1077 = arith.constant 8 : i32
        %mul3A_1078 = arith.muli %scan3A_956, %mul3A_1077 : i32
        %add3A_1079 = arith.constant 2 : i32
        %add3A_1080 = arith.addi %mul3A_1078, %add3A_1079 : i32
        %get3A_1081 = arith.index_cast %rem3A_928 : i32 to index
        %get3A_1082 = arith.index_cast %add3A_1080 : i32 to index
        %get3A_1083 = arith.constant 0 : index
        %get3A_1084 = tpu.vector_load %arg8[%get3A_1081, %get3A_1082, %get3A_1083] {strides = array<i32>} : memref<6x128x128xf32, #tpu.memory_space<vmem>>, vector<16xf32>,
        %get3A_1085 = arith.index_cast %rem3A_928 : i32 to index
        %get3A_1086 = arith.index_cast %add3A_1080 : i32 to index
        %get3A_1087 = arith.constant 16 : index
        %get3A_1088 = tpu.vector_load %arg8[%get3A_1085, %get3A_1086, %get3A_1087] {strides = array<i32>} : memref<6x128x128xf32, #tpu.memory_space<vmem>>, vector<16xf32>,
        %get3A_1089 = arith.index_cast %rem3A_928 : i32 to index
        %get3A_1090 = arith.index_cast %add3A_1080 : i32 to index
        %get3A_1091 = arith.constant 32 : index
        %get3A_1092 = tpu.vector_load %arg8[%get3A_1089, %get3A_1090, %get3A_1091] {strides = array<i32>} : memref<6x128x128xf32, #tpu.memory_space<vmem>>, vector<16xf32>,
        %get3A_1093 = arith.index_cast %rem3A_928 : i32 to index
        %get3A_1094 = arith.index_cast %add3A_1080 : i32 to index
        %get3A_1095 = arith.constant 48 : index
        %get3A_1096 = tpu.vector_load %arg8[%get3A_1093, %get3A_1094, %get3A_1095] {strides = array<i32>} : memref<6x128x128xf32, #tpu.memory_space<vmem>>, vector<16xf32>,
        %get3A_1097 = arith.index_cast %rem3A_928 : i32 to index
        %get3A_1098 = arith.index_cast %add3A_1080 : i32 to index
        %get3A_1099 = arith.constant 64 : index
        %get3A_1100 = tpu.vector_load %arg8[%get3A_1097, %get3A_1098, %get3A_1099] {strides = array<i32>} : memref<6x128x128xf32, #tpu.memory_space<vmem>>, vector<16xf32>,
        %get3A_1101 = arith.index_cast %rem3A_928 : i32 to index
        %get3A_1102 = arith.index_cast %add3A_1080 : i32 to index
        %get3A_1103 = arith.constant 80 : index
        %get3A_1104 = tpu.vector_load %arg8[%get3A_1101, %get3A_1102, %get3A_1103] {strides = array<i32>} : memref<6x128x128xf32, #tpu.memory_space<vmem>>, vector<16xf32>,
        %get3A_1105 = arith.index_cast %rem3A_928 : i32 to index
        %get3A_1106 = arith.index_cast %add3A_1080 : i32 to index
        %get3A_1107 = arith.constant 96 : index
        %get3A_1108 = tpu.vector_load %arg8[%get3A_1105, %get3A_1106, %get3A_1107] {strides = array<i32>} : memref<6x128x128xf32, #tpu.memory_space<vmem>>, vector<16xf32>,
        %get3A_1109 = arith.index_cast %rem3A_928 : i32 to index
        %get3A_1110 = arith.index_cast %add3A_1080 : i32 to index
        %get3A_1111 = arith.constant 112 : index
        %get3A_1112 = tpu.vector_load %arg8[%get3A_1109, %get3A_1110, %get3A_1111] {strides = array<i32>} : memref<6x128x128xf32, #tpu.memory_space<vmem>>, vector<16xf32>,
        %add3A_1113 = arith.addf %add3A_1061, %get3A_1084 : vector<16xf32>
        %max3A_1114 = arith.maximumf %max3A_1062, %get3A_1084 : vector<16xf32>
        %add3A_1115 = arith.addf %add3A_1063, %get3A_1088 : vector<16xf32>
        %max3A_1116 = arith.maximumf %max3A_1064, %get3A_1088 : vector<16xf32>
        %add3A_1117 = arith.addf %add3A_1065, %get3A_1092 : vector<16xf32>
        %max3A_1118 = arith.maximumf %max3A_1066, %get3A_1092 : vector<16xf32>
        %add3A_1119 = arith.addf %add3A_1067, %get3A_1096 : vector<16xf32>
        %max3A_1120 = arith.maximumf %max3A_1068, %get3A_1096 : vector<16xf32>
        %add3A_1121 = arith.addf %add3A_1069, %get3A_1100 : vector<16xf32>
        %max3A_1122 = arith.maximumf %max3A_1070, %get3A_1100 : vector<16xf32>
        %add3A_1123 = arith.addf %add3A_1071, %get3A_1104 : vector<16xf32>
        %max3A_1124 = arith.maximumf %max3A_1072, %get3A_1104 : vector<16xf32>
        %add3A_1125 = arith.addf %add3A_1073, %get3A_1108 : vector<16xf32>
        %max3A_1126 = arith.maximumf %max3A_1074, %get3A_1108 : vector<16xf32>
        %add3A_1127 = arith.addf %add3A_1075, %get3A_1112 : vector<16xf32>
        %max3A_1128 = arith.maximumf %max3A_1076, %get3A_1112 : vector<16xf32>
        %mul3A_1129 = arith.constant 8 : i32
        %mul3A_1130 = arith.muli %scan3A_956, %mul3A_1129 : i32
        %add3A_1131 = arith.constant 3 : i32
        %add3A_1132 = arith.addi %mul3A_1130, %add3A_1131 : i32
        %get3A_1133 = arith.index_cast %rem3A_928 : i32 to index
        %get3A_1134 = arith.index_cast %add3A_1132 : i32 to index
        %get3A_1135 = arith.constant 0 : index
        %get3A_1136 = tpu.vector_load %arg8[%get3A_1133, %get3A_1134, %get3A_1135] {strides = array<i32>} : memref<6x128x128xf32, #tpu.memory_space<vmem>>, vector<16xf32>,
        %get3A_1137 = arith.index_cast %rem3A_928 : i32 to index
        %get3A_1138 = arith.index_cast %add3A_1132 : i32 to index
        %get3A_1139 = arith.constant 16 : index
        %get3A_1140 = tpu.vector_load %arg8[%get3A_1137, %get3A_1138, %get3A_1139] {strides = array<i32>} : memref<6x128x128xf32, #tpu.memory_space<vmem>>, vector<16xf32>,
        %get3A_1141 = arith.index_cast %rem3A_928 : i32 to index
        %get3A_1142 = arith.index_cast %add3A_1132 : i32 to index
        %get3A_1143 = arith.constant 32 : index
        %get3A_1144 = tpu.vector_load %arg8[%get3A_1141, %get3A_1142, %get3A_1143] {strides = array<i32>} : memref<6x128x128xf32, #tpu.memory_space<vmem>>, vector<16xf32>,
        %get3A_1145 = arith.index_cast %rem3A_928 : i32 to index
        %get3A_1146 = arith.index_cast %add3A_1132 : i32 to index
        %get3A_1147 = arith.constant 48 : index
        %get3A_1148 = tpu.vector_load %arg8[%get3A_1145, %get3A_1146, %get3A_1147] {strides = array<i32>} : memref<6x128x128xf32, #tpu.memory_space<vmem>>, vector<16xf32>,
        %get3A_1149 = arith.index_cast %rem3A_928 : i32 to index
        %get3A_1150 = arith.index_cast %add3A_1132 : i32 to index
        %get3A_1151 = arith.constant 64 : index
        %get3A_1152 = tpu.vector_load %arg8[%get3A_1149, %get3A_1150, %get3A_1151] {strides = array<i32>} : memref<6x128x128xf32, #tpu.memory_space<vmem>>, vector<16xf32>,
        %get3A_1153 = arith.index_cast %rem3A_928 : i32 to index
        %get3A_1154 = arith.index_cast %add3A_1132 : i32 to index
        %get3A_1155 = arith.constant 80 : index
        %get3A_1156 = tpu.vector_load %arg8[%get3A_1153, %get3A_1154, %get3A_1155] {strides = array<i32>} : memref<6x128x128xf32, #tpu.memory_space<vmem>>, vector<16xf32>,
        %get3A_1157 = arith.index_cast %rem3A_928 : i32 to index
        %get3A_1158 = arith.index_cast %add3A_1132 : i32 to index
        %get3A_1159 = arith.constant 96 : index
        %get3A_1160 = tpu.vector_load %arg8[%get3A_1157, %get3A_1158, %get3A_1159] {strides = array<i32>} : memref<6x128x128xf32, #tpu.memory_space<vmem>>, vector<16xf32>,
        %get3A_1161 = arith.index_cast %rem3A_928 : i32 to index
        %get3A_1162 = arith.index_cast %add3A_1132 : i32 to index
        %get3A_1163 = arith.constant 112 : index
        %get3A_1164 = tpu.vector_load %arg8[%get3A_1161, %get3A_1162, %get3A_1163] {strides = array<i32>} : memref<6x128x128xf32, #tpu.memory_space<vmem>>, vector<16xf32>,
        %add3A_1165 = arith.addf %add3A_1113, %get3A_1136 : vector<16xf32>
        %max3A_1166 = arith.maximumf %max3A_1114, %get3A_1136 : vector<16xf32>
        %add3A_1167 = arith.addf %add3A_1115, %get3A_1140 : vector<16xf32>
        %max3A_1168 = arith.maximumf %max3A_1116, %get3A_1140 : vector<16xf32>
        %add3A_1169 = arith.addf %add3A_1117, %get3A_1144 : vector<16xf32>
        %max3A_1170 = arith.maximumf %max3A_1118, %get3A_1144 : vector<16xf32>
        %add3A_1171 = arith.addf %add3A_1119, %get3A_1148 : vector<16xf32>
        %max3A_1172 = arith.maximumf %max3A_1120, %get3A_1148 : vector<16xf32>
        %add3A_1173 = arith.addf %add3A_1121, %get3A_1152 : vector<16xf32>
        %max3A_1174 = arith.maximumf %max3A_1122, %get3A_1152 : vector<16xf32>
        %add3A_1175 = arith.addf %add3A_1123, %get3A_1156 : vector<16xf32>
        %max3A_1176 = arith.maximumf %max3A_1124, %get3A_1156 : vector<16xf32>
        %add3A_1177 = arith.addf %add3A_1125, %get3A_1160 : vector<16xf32>
        %max3A_1178 = arith.maximumf %max3A_1126, %get3A_1160 : vector<16xf32>
        %add3A_1179 = arith.addf %add3A_1127, %get3A_1164 : vector<16xf32>
        %max3A_1180 = arith.maximumf %max3A_1128, %get3A_1164 : vector<16xf32>
        %mul3A_1181 = arith.constant 8 : i32
        %mul3A_1182 = arith.muli %scan3A_956, %mul3A_1181 : i32
        %add3A_1183 = arith.constant 4 : i32
        %add3A_1184 = arith.addi %mul3A_1182, %add3A_1183 : i32
        %get3A_1185 = arith.index_cast %rem3A_928 : i32 to index
        %get3A_1186 = arith.index_cast %add3A_1184 : i32 to index
        %get3A_1187 = arith.constant 0 : index
        %get3A_1188 = tpu.vector_load %arg8[%get3A_1185, %get3A_1186, %get3A_1187] {strides = array<i32>} : memref<6x128x128xf32, #tpu.memory_space<vmem>>, vector<16xf32>,
        %get3A_1189 = arith.index_cast %rem3A_928 : i32 to index
        %get3A_1190 = arith.index_cast %add3A_1184 : i32 to index
        %get3A_1191 = arith.constant 16 : index
        %get3A_1192 = tpu.vector_load %arg8[%get3A_1189, %get3A_1190, %get3A_1191] {strides = array<i32>} : memref<6x128x128xf32, #tpu.memory_space<vmem>>, vector<16xf32>,
        %get3A_1193 = arith.index_cast %rem3A_928 : i32 to index
        %get3A_1194 = arith.index_cast %add3A_1184 : i32 to index
        %get3A_1195 = arith.constant 32 : index
        %get3A_1196 = tpu.vector_load %arg8[%get3A_1193, %get3A_1194, %get3A_1195] {strides = array<i32>} : memref<6x128x128xf32, #tpu.memory_space<vmem>>, vector<16xf32>,
        %get3A_1197 = arith.index_cast %rem3A_928 : i32 to index
        %get3A_1198 = arith.index_cast %add3A_1184 : i32 to index
        %get3A_1199 = arith.constant 48 : index
        %get3A_1200 = tpu.vector_load %arg8[%get3A_1197, %get3A_1198, %get3A_1199] {strides = array<i32>} : memref<6x128x128xf32, #tpu.memory_space<vmem>>, vector<16xf32>,
        %get3A_1201 = arith.index_cast %rem3A_928 : i32 to index
        %get3A_1202 = arith.index_cast %add3A_1184 : i32 to index
        %get3A_1203 = arith.constant 64 : index
        %get3A_1204 = tpu.vector_load %arg8[%get3A_1201, %get3A_1202, %get3A_1203] {strides = array<i32>} : memref<6x128x128xf32, #tpu.memory_space<vmem>>, vector<16xf32>,
        %get3A_1205 = arith.index_cast %rem3A_928 : i32 to index
        %get3A_1206 = arith.index_cast %add3A_1184 : i32 to index
        %get3A_1207 = arith.constant 80 : index
        %get3A_1208 = tpu.vector_load %arg8[%get3A_1205, %get3A_1206, %get3A_1207] {strides = array<i32>} : memref<6x128x128xf32, #tpu.memory_space<vmem>>, vector<16xf32>,
        %get3A_1209 = arith.index_cast %rem3A_928 : i32 to index
        %get3A_1210 = arith.index_cast %add3A_1184 : i32 to index
        %get3A_1211 = arith.constant 96 : index
        %get3A_1212 = tpu.vector_load %arg8[%get3A_1209, %get3A_1210, %get3A_1211] {strides = array<i32>} : memref<6x128x128xf32, #tpu.memory_space<vmem>>, vector<16xf32>,
        %get3A_1213 = arith.index_cast %rem3A_928 : i32 to index
        %get3A_1214 = arith.index_cast %add3A_1184 : i32 to index
        %get3A_1215 = arith.constant 112 : index
        %get3A_1216 = tpu.vector_load %arg8[%get3A_1213, %get3A_1214, %get3A_1215] {strides = array<i32>} : memref<6x128x128xf32, #tpu.memory_space<vmem>>, vector<16xf32>,
        %add3A_1217 = arith.addf %add3A_1165, %get3A_1188 : vector<16xf32>
        %max3A_1218 = arith.maximumf %max3A_1166, %get3A_1188 : vector<16xf32>
        %add3A_1219 = arith.addf %add3A_1167, %get3A_1192 : vector<16xf32>
        %max3A_1220 = arith.maximumf %max3A_1168, %get3A_1192 : vector<16xf32>
        %add3A_1221 = arith.addf %add3A_1169, %get3A_1196 : vector<16xf32>
        %max3A_1222 = arith.maximumf %max3A_1170, %get3A_1196 : vector<16xf32>
        %add3A_1223 = arith.addf %add3A_1171, %get3A_1200 : vector<16xf32>
        %max3A_1224 = arith.maximumf %max3A_1172, %get3A_1200 : vector<16xf32>
        %add3A_1225 = arith.addf %add3A_1173, %get3A_1204 : vector<16xf32>
        %max3A_1226 = arith.maximumf %max3A_1174, %get3A_1204 : vector<16xf32>
        %add3A_1227 = arith.addf %add3A_1175, %get3A_1208 : vector<16xf32>
        %max3A_1228 = arith.maximumf %max3A_1176, %get3A_1208 : vector<16xf32>
        %add3A_1229 = arith.addf %add3A_1177, %get3A_1212 : vector<16xf32>
        %max3A_1230 = arith.maximumf %max3A_1178, %get3A_1212 : vector<16xf32>
        %add3A_1231 = arith.addf %add3A_1179, %get3A_1216 : vector<16xf32>
        %max3A_1232 = arith.maximumf %max3A_1180, %get3A_1216 : vector<16xf32>
        %mul3A_1233 = arith.constant 8 : i32
        %mul3A_1234 = arith.muli %scan3A_956, %mul3A_1233 : i32
        %add3A_1235 = arith.constant 5 : i32
        %add3A_1236 = arith.addi %mul3A_1234, %add3A_1235 : i32
        %get3A_1237 = arith.index_cast %rem3A_928 : i32 to index
        %get3A_1238 = arith.index_cast %add3A_1236 : i32 to index
        %get3A_1239 = arith.constant 0 : index
        %get3A_1240 = tpu.vector_load %arg8[%get3A_1237, %get3A_1238, %get3A_1239] {strides = array<i32>} : memref<6x128x128xf32, #tpu.memory_space<vmem>>, vector<16xf32>,
        %get3A_1241 = arith.index_cast %rem3A_928 : i32 to index
        %get3A_1242 = arith.index_cast %add3A_1236 : i32 to index
        %get3A_1243 = arith.constant 16 : index
        %get3A_1244 = tpu.vector_load %arg8[%get3A_1241, %get3A_1242, %get3A_1243] {strides = array<i32>} : memref<6x128x128xf32, #tpu.memory_space<vmem>>, vector<16xf32>,
        %get3A_1245 = arith.index_cast %rem3A_928 : i32 to index
        %get3A_1246 = arith.index_cast %add3A_1236 : i32 to index
        %get3A_1247 = arith.constant 32 : index
        %get3A_1248 = tpu.vector_load %arg8[%get3A_1245, %get3A_1246, %get3A_1247] {strides = array<i32>} : memref<6x128x128xf32, #tpu.memory_space<vmem>>, vector<16xf32>,
        %get3A_1249 = arith.index_cast %rem3A_928 : i32 to index
        %get3A_1250 = arith.index_cast %add3A_1236 : i32 to index
        %get3A_1251 = arith.constant 48 : index
        %get3A_1252 = tpu.vector_load %arg8[%get3A_1249, %get3A_1250, %get3A_1251] {strides = array<i32>} : memref<6x128x128xf32, #tpu.memory_space<vmem>>, vector<16xf32>,
        %get3A_1253 = arith.index_cast %rem3A_928 : i32 to index
        %get3A_1254 = arith.index_cast %add3A_1236 : i32 to index
        %get3A_1255 = arith.constant 64 : index
        %get3A_1256 = tpu.vector_load %arg8[%get3A_1253, %get3A_1254, %get3A_1255] {strides = array<i32>} : memref<6x128x128xf32, #tpu.memory_space<vmem>>, vector<16xf32>,
        %get3A_1257 = arith.index_cast %rem3A_928 : i32 to index
        %get3A_1258 = arith.index_cast %add3A_1236 : i32 to index
        %get3A_1259 = arith.constant 80 : index
        %get3A_1260 = tpu.vector_load %arg8[%get3A_1257, %get3A_1258, %get3A_1259] {strides = array<i32>} : memref<6x128x128xf32, #tpu.memory_space<vmem>>, vector<16xf32>,
        %get3A_1261 = arith.index_cast %rem3A_928 : i32 to index
        %get3A_1262 = arith.index_cast %add3A_1236 : i32 to index
        %get3A_1263 = arith.constant 96 : index
        %get3A_1264 = tpu.vector_load %arg8[%get3A_1261, %get3A_1262, %get3A_1263] {strides = array<i32>} : memref<6x128x128xf32, #tpu.memory_space<vmem>>, vector<16xf32>,
        %get3A_1265 = arith.index_cast %rem3A_928 : i32 to index
        %get3A_1266 = arith.index_cast %add3A_1236 : i32 to index
        %get3A_1267 = arith.constant 112 : index
        %get3A_1268 = tpu.vector_load %arg8[%get3A_1265, %get3A_1266, %get3A_1267] {strides = array<i32>} : memref<6x128x128xf32, #tpu.memory_space<vmem>>, vector<16xf32>,
        %add3A_1269 = arith.addf %add3A_1217, %get3A_1240 : vector<16xf32>
        %max3A_1270 = arith.maximumf %max3A_1218, %get3A_1240 : vector<16xf32>
        %add3A_1271 = arith.addf %add3A_1219, %get3A_1244 : vector<16xf32>
        %max3A_1272 = arith.maximumf %max3A_1220, %get3A_1244 : vector<16xf32>
        %add3A_1273 = arith.addf %add3A_1221, %get3A_1248 : vector<16xf32>
        %max3A_1274 = arith.maximumf %max3A_1222, %get3A_1248 : vector<16xf32>
        %add3A_1275 = arith.addf %add3A_1223, %get3A_1252 : vector<16xf32>
        %max3A_1276 = arith.maximumf %max3A_1224, %get3A_1252 : vector<16xf32>
        %add3A_1277 = arith.addf %add3A_1225, %get3A_1256 : vector<16xf32>
        %max3A_1278 = arith.maximumf %max3A_1226, %get3A_1256 : vector<16xf32>
        %add3A_1279 = arith.addf %add3A_1227, %get3A_1260 : vector<16xf32>
        %max3A_1280 = arith.maximumf %max3A_1228, %get3A_1260 : vector<16xf32>
        %add3A_1281 = arith.addf %add3A_1229, %get3A_1264 : vector<16xf32>
        %max3A_1282 = arith.maximumf %max3A_1230, %get3A_1264 : vector<16xf32>
        %add3A_1283 = arith.addf %add3A_1231, %get3A_1268 : vector<16xf32>
        %max3A_1284 = arith.maximumf %max3A_1232, %get3A_1268 : vector<16xf32>
        %mul3A_1285 = arith.constant 8 : i32
        %mul3A_1286 = arith.muli %scan3A_956, %mul3A_1285 : i32
        %add3A_1287 = arith.constant 6 : i32
        %add3A_1288 = arith.addi %mul3A_1286, %add3A_1287 : i32
        %get3A_1289 = arith.index_cast %rem3A_928 : i32 to index
        %get3A_1290 = arith.index_cast %add3A_1288 : i32 to index
        %get3A_1291 = arith.constant 0 : index
        %get3A_1292 = tpu.vector_load %arg8[%get3A_1289, %get3A_1290, %get3A_1291] {strides = array<i32>} : memref<6x128x128xf32, #tpu.memory_space<vmem>>, vector<16xf32>,
        %get3A_1293 = arith.index_cast %rem3A_928 : i32 to index
        %get3A_1294 = arith.index_cast %add3A_1288 : i32 to index
        %get3A_1295 = arith.constant 16 : index
        %get3A_1296 = tpu.vector_load %arg8[%get3A_1293, %get3A_1294, %get3A_1295] {strides = array<i32>} : memref<6x128x128xf32, #tpu.memory_space<vmem>>, vector<16xf32>,
        %get3A_1297 = arith.index_cast %rem3A_928 : i32 to index
        %get3A_1298 = arith.index_cast %add3A_1288 : i32 to index
        %get3A_1299 = arith.constant 32 : index
        %get3A_1300 = tpu.vector_load %arg8[%get3A_1297, %get3A_1298, %get3A_1299] {strides = array<i32>} : memref<6x128x128xf32, #tpu.memory_space<vmem>>, vector<16xf32>,
        %get3A_1301 = arith.index_cast %rem3A_928 : i32 to index
        %get3A_1302 = arith.index_cast %add3A_1288 : i32 to index
        %get3A_1303 = arith.constant 48 : index
        %get3A_1304 = tpu.vector_load %arg8[%get3A_1301, %get3A_1302, %get3A_1303] {strides = array<i32>} : memref<6x128x128xf32, #tpu.memory_space<vmem>>, vector<16xf32>,
        %get3A_1305 = arith.index_cast %rem3A_928 : i32 to index
        %get3A_1306 = arith.index_cast %add3A_1288 : i32 to index
        %get3A_1307 = arith.constant 64 : index
        %get3A_1308 = tpu.vector_load %arg8[%get3A_1305, %get3A_1306, %get3A_1307] {strides = array<i32>} : memref<6x128x128xf32, #tpu.memory_space<vmem>>, vector<16xf32>,
        %get3A_1309 = arith.index_cast %rem3A_928 : i32 to index
        %get3A_1310 = arith.index_cast %add3A_1288 : i32 to index
        %get3A_1311 = arith.constant 80 : index
        %get3A_1312 = tpu.vector_load %arg8[%get3A_1309, %get3A_1310, %get3A_1311] {strides = array<i32>} : memref<6x128x128xf32, #tpu.memory_space<vmem>>, vector<16xf32>,
        %get3A_1313 = arith.index_cast %rem3A_928 : i32 to index
        %get3A_1314 = arith.index_cast %add3A_1288 : i32 to index
        %get3A_1315 = arith.constant 96 : index
        %get3A_1316 = tpu.vector_load %arg8[%get3A_1313, %get3A_1314, %get3A_1315] {strides = array<i32>} : memref<6x128x128xf32, #tpu.memory_space<vmem>>, vector<16xf32>,
        %get3A_1317 = arith.index_cast %rem3A_928 : i32 to index
        %get3A_1318 = arith.index_cast %add3A_1288 : i32 to index
        %get3A_1319 = arith.constant 112 : index
        %get3A_1320 = tpu.vector_load %arg8[%get3A_1317, %get3A_1318, %get3A_1319] {strides = array<i32>} : memref<6x128x128xf32, #tpu.memory_space<vmem>>, vector<16xf32>,
        %add3A_1321 = arith.addf %add3A_1269, %get3A_1292 : vector<16xf32>
        %max3A_1322 = arith.maximumf %max3A_1270, %get3A_1292 : vector<16xf32>
        %add3A_1323 = arith.addf %add3A_1271, %get3A_1296 : vector<16xf32>
        %max3A_1324 = arith.maximumf %max3A_1272, %get3A_1296 : vector<16xf32>
        %add3A_1325 = arith.addf %add3A_1273, %get3A_1300 : vector<16xf32>
        %max3A_1326 = arith.maximumf %max3A_1274, %get3A_1300 : vector<16xf32>
        %add3A_1327 = arith.addf %add3A_1275, %get3A_1304 : vector<16xf32>
        %max3A_1328 = arith.maximumf %max3A_1276, %get3A_1304 : vector<16xf32>
        %add3A_1329 = arith.addf %add3A_1277, %get3A_1308 : vector<16xf32>
        %max3A_1330 = arith.maximumf %max3A_1278, %get3A_1308 : vector<16xf32>
        %add3A_1331 = arith.addf %add3A_1279, %get3A_1312 : vector<16xf32>
        %max3A_1332 = arith.maximumf %max3A_1280, %get3A_1312 : vector<16xf32>
        %add3A_1333 = arith.addf %add3A_1281, %get3A_1316 : vector<16xf32>
        %max3A_1334 = arith.maximumf %max3A_1282, %get3A_1316 : vector<16xf32>
        %add3A_1335 = arith.addf %add3A_1283, %get3A_1320 : vector<16xf32>
        %max3A_1336 = arith.maximumf %max3A_1284, %get3A_1320 : vector<16xf32>
        %mul3A_1337 = arith.constant 8 : i32
        %mul3A_1338 = arith.muli %scan3A_956, %mul3A_1337 : i32
        %add3A_1339 = arith.constant 7 : i32
        %add3A_1340 = arith.addi %mul3A_1338, %add3A_1339 : i32
        %get3A_1341 = arith.index_cast %rem3A_928 : i32 to index
        %get3A_1342 = arith.index_cast %add3A_1340 : i32 to index
        %get3A_1343 = arith.constant 0 : index
        %get3A_1344 = tpu.vector_load %arg8[%get3A_1341, %get3A_1342, %get3A_1343] {strides = array<i32>} : memref<6x128x128xf32, #tpu.memory_space<vmem>>, vector<16xf32>,
        %get3A_1345 = arith.index_cast %rem3A_928 : i32 to index
        %get3A_1346 = arith.index_cast %add3A_1340 : i32 to index
        %get3A_1347 = arith.constant 16 : index
        %get3A_1348 = tpu.vector_load %arg8[%get3A_1345, %get3A_1346, %get3A_1347] {strides = array<i32>} : memref<6x128x128xf32, #tpu.memory_space<vmem>>, vector<16xf32>,
        %get3A_1349 = arith.index_cast %rem3A_928 : i32 to index
        %get3A_1350 = arith.index_cast %add3A_1340 : i32 to index
        %get3A_1351 = arith.constant 32 : index
        %get3A_1352 = tpu.vector_load %arg8[%get3A_1349, %get3A_1350, %get3A_1351] {strides = array<i32>} : memref<6x128x128xf32, #tpu.memory_space<vmem>>, vector<16xf32>,
        %get3A_1353 = arith.index_cast %rem3A_928 : i32 to index
        %get3A_1354 = arith.index_cast %add3A_1340 : i32 to index
        %get3A_1355 = arith.constant 48 : index
        %get3A_1356 = tpu.vector_load %arg8[%get3A_1353, %get3A_1354, %get3A_1355] {strides = array<i32>} : memref<6x128x128xf32, #tpu.memory_space<vmem>>, vector<16xf32>,
        %get3A_1357 = arith.index_cast %rem3A_928 : i32 to index
        %get3A_1358 = arith.index_cast %add3A_1340 : i32 to index
        %get3A_1359 = arith.constant 64 : index
        %get3A_1360 = tpu.vector_load %arg8[%get3A_1357, %get3A_1358, %get3A_1359] {strides = array<i32>} : memref<6x128x128xf32, #tpu.memory_space<vmem>>, vector<16xf32>,
        %get3A_1361 = arith.index_cast %rem3A_928 : i32 to index
        %get3A_1362 = arith.index_cast %add3A_1340 : i32 to index
        %get3A_1363 = arith.constant 80 : index
        %get3A_1364 = tpu.vector_load %arg8[%get3A_1361, %get3A_1362, %get3A_1363] {strides = array<i32>} : memref<6x128x128xf32, #tpu.memory_space<vmem>>, vector<16xf32>,
        %get3A_1365 = arith.index_cast %rem3A_928 : i32 to index
        %get3A_1366 = arith.index_cast %add3A_1340 : i32 to index
        %get3A_1367 = arith.constant 96 : index
        %get3A_1368 = tpu.vector_load %arg8[%get3A_1365, %get3A_1366, %get3A_1367] {strides = array<i32>} : memref<6x128x128xf32, #tpu.memory_space<vmem>>, vector<16xf32>,
        %get3A_1369 = arith.index_cast %rem3A_928 : i32 to index
        %get3A_1370 = arith.index_cast %add3A_1340 : i32 to index
        %get3A_1371 = arith.constant 112 : index
        %get3A_1372 = tpu.vector_load %arg8[%get3A_1369, %get3A_1370, %get3A_1371] {strides = array<i32>} : memref<6x128x128xf32, #tpu.memory_space<vmem>>, vector<16xf32>,
        %add3A_1373 = arith.addf %add3A_1321, %get3A_1344 : vector<16xf32>
        %max3A_1374 = arith.maximumf %max3A_1322, %get3A_1344 : vector<16xf32>
        %add3A_1375 = arith.addf %add3A_1323, %get3A_1348 : vector<16xf32>
        %max3A_1376 = arith.maximumf %max3A_1324, %get3A_1348 : vector<16xf32>
        %add3A_1377 = arith.addf %add3A_1325, %get3A_1352 : vector<16xf32>
        %max3A_1378 = arith.maximumf %max3A_1326, %get3A_1352 : vector<16xf32>
        %add3A_1379 = arith.addf %add3A_1327, %get3A_1356 : vector<16xf32>
        %max3A_1380 = arith.maximumf %max3A_1328, %get3A_1356 : vector<16xf32>
        %add3A_1381 = arith.addf %add3A_1329, %get3A_1360 : vector<16xf32>
        %max3A_1382 = arith.maximumf %max3A_1330, %get3A_1360 : vector<16xf32>
        %add3A_1383 = arith.addf %add3A_1331, %get3A_1364 : vector<16xf32>
        %max3A_1384 = arith.maximumf %max3A_1332, %get3A_1364 : vector<16xf32>
        %add3A_1385 = arith.addf %add3A_1333, %get3A_1368 : vector<16xf32>
        %max3A_1386 = arith.maximumf %max3A_1334, %get3A_1368 : vector<16xf32>
        %add3A_1387 = arith.addf %add3A_1335, %get3A_1372 : vector<16xf32>
        %max3A_1388 = arith.maximumf %max3A_1336, %get3A_1372 : vector<16xf32>
        scf.yield %add3A_1373, %add3A_1375, %add3A_1377, %add3A_1379, %add3A_1381, %add3A_1383, %add3A_1385, %add3A_1387, %max3A_1374, %max3A_1376, %max3A_1378, %max3A_1380, %max3A_1382, %max3A_1384, %max3A_1386, %max3A_1388 : vector<16xf32>, vector<16xf32>, vector<16xf32>, vector<16xf32>, vector<16xf32>, vector<16xf32>, vector<16xf32>, vector<16xf32>, vector<16xf32>, vector<16xf32>, vector<16xf32>, vector<16xf32>, vector<16xf32>, vector<16xf32>, vector<16xf32>, vector<16xf32>
      }
      %scan3A_955 = arith.constant 16 : i32
      scf.yield %scan3A_954#0, %scan3A_954#1, %scan3A_954#2, %scan3A_954#3, %scan3A_954#4, %scan3A_954#5, %scan3A_954#6, %scan3A_954#7, %scan3A_954#8, %scan3A_954#9, %scan3A_954#10, %scan3A_954#11, %scan3A_954#12, %scan3A_954#13, %scan3A_954#14, %scan3A_954#15 : vector<16xf32>, vector<16xf32>, vector<16xf32>, vector<16xf32>, vector<16xf32>, vector<16xf32>, vector<16xf32>, vector<16xf32>, vector<16xf32>, vector<16xf32>, vector<16xf32>, vector<16xf32>, vector<16xf32>, vector<16xf32>, vector<16xf32>, vector<16xf32>
    }
    %while3A_813 = arith.constant 0 : i32
    %while3A_814 = arith.subi %select_n3A_614, %while3A_813 : i32
    %while3A_815 = arith.addi %while3A_813, %while3A_814 : i32
    %while3A_816 = arith.constant 1 : i32
    %while3A_817 = arith.divsi %while3A_814, %while3A_816 : i32
    %while3A_818 = arith.muli %while3A_817, %while3A_816 : i32
    %while3A_819 = arith.addi %while3A_813, %while3A_818 : i32
    %while3A_820 = arith.constant 1 : i32
    %while3A_821:16 = scf.for %while3A_909 = %while3A_813 to %while3A_819 step %while3A_820 iter_args(%while3A_910 = %while3A_812#0, %while3A_911 = %while3A_812#1, %while3A_912 = %while3A_812#2, %while3A_913 = %while3A_812#3, %while3A_914 = %while3A_812#4, %while3A_915 = %while3A_812#5, %while3A_916 = %while3A_812#6, %while3A_917 = %while3A_812#7, %while3A_918 = %while3A_812#8, %while3A_919 = %while3A_812#9, %while3A_920 = %while3A_812#10, %while3A_921 = %while3A_812#11, %while3A_922 = %while3A_812#12, %while3A_923 = %while3A_812#13, %while3A_924 = %while3A_812#14, %while3A_925 = %while3A_812#15) -> (vector<16xf32>, vector<16xf32>, vector<16xf32>, vector<16xf32>, vector<16xf32>, vector<16xf32>, vector<16xf32>, vector<16xf32>, vector<16xf32>, vector<16xf32>, vector<16xf32>, vector<16xf32>, vector<16xf32>, vector<16xf32>, vector<16xf32>, vector<16xf32>)  : i32 {
      %add3A_926 = arith.addi %while3A_909, %rem3A_616 : i32
      %rem3A_927 = arith.constant 2 : i32
      %rem3A_928 = arith.remsi %add3A_926, %rem3A_927 : i32
      %add3A_929 = arith.constant 1 : i32
      %add3A_930 = arith.addi %while3A_909, %add3A_929 : i32
      %lt3A_931 = arith.cmpi slt, %add3A_930, %select_n3A_614 : i32
      %convert_element_type3A_932 = arith.extui %lt3A_931 : i1 to i32
      %cond3A_933 = arith.constant 0 : i32
      %cond3A_934 = arith.cmpi ne, %convert_element_type3A_932, %cond3A_933 : i32
      scf.if %cond3A_934 {
        %add3A_976 = arith.constant 1 : i32
        %add3A_977 = arith.addi %while3A_909, %add3A_976 : i32
        %sub3A_978 = arith.constant 1 : i32
        %sub3A_979 = arith.subi %sub3A_978, %rem3A_928 : i32
        %mul3A_980 = arith.constant 64 : i32
        %mul3A_981 = arith.muli %add3A_977, %mul3A_980 : i32
        %add3A_982 = arith.addi %add3A_552, %mul3A_981 : i32
        %min3A_983 = arith.constant 99936 : i32
        %min3A_984 = arith.minsi %add3A_982, %min3A_983 : i32
        %dma_start3A = arith.constant 0 : i32
        %dma_start3A_985 = arith.constant 0 : i32
        %dma_start3A_986 = tpu.memref_slice %arg9[%sub3A_979, %dma_start3A, %dma_start3A_985] : memref<2x64x128xf32, #tpu.memory_space<vmem>> -> memref<1x64x128xf32, #tpu.memory_space<vmem>>
        %dma_start3A_987 = tpu.memref_squeeze %dma_start3A_986 : memref<1x64x128xf32, #tpu.memory_space<vmem>> -> memref<64x128xf32, #tpu.memory_space<vmem>>
        %dma_start3A_988 = arith.constant 0 : i32
        %dma_start3A_989 = tpu.memref_slice %arg2[%min3A_984, %dma_start3A_988] : memref<100000x128xf32, #tpu.memory_space<hbm>> -> memref<64x128xf32, #tpu.memory_space<hbm>>
        %dma_start3A_990 = tpu.memref_slice %arg13[%sub3A_979] : memref<2x!tpu.dma_semaphore, #tpu.memory_space<semaphore_mem>> -> memref<1x!tpu.dma_semaphore, #tpu.memory_space<semaphore_mem>>
        %dma_start3A_991 = tpu.memref_squeeze %dma_start3A_990 : memref<1x!tpu.dma_semaphore, #tpu.memory_space<semaphore_mem>> -> memref<!tpu.dma_semaphore, #tpu.memory_space<semaphore_mem>>
        %dma_start3A_992 = arith.constant 0 : i32
        %dma_start3A_993 = arith.constant 0 : i32
        %dma_start3A_994 = tpu.memref_slice %arg9[%sub3A_979, %dma_start3A_992, %dma_start3A_993] : memref<2x64x128xf32, #tpu.memory_space<vmem>> -> memref<1x64x128xf32, #tpu.memory_space<vmem>>
        %dma_start3A_995 = tpu.memref_squeeze %dma_start3A_994 : memref<1x64x128xf32, #tpu.memory_space<vmem>> -> memref<64x128xf32, #tpu.memory_space<vmem>>
        %dma_start3A_996 = arith.constant 0 : i32
        %dma_start3A_997 = tpu.memref_slice %arg2[%min3A_984, %dma_start3A_996] : memref<100000x128xf32, #tpu.memory_space<hbm>> -> memref<64x128xf32, #tpu.memory_space<hbm>>
        tpu.enqueue_dma source(%dma_start3A_997 : memref<64x128xf32, #tpu.memory_space<hbm>>) target(%dma_start3A_995 : memref<64x128xf32, #tpu.memory_space<vmem>>) target_semaphore(%dma_start3A_991 : memref<!tpu.dma_semaphore, #tpu.memory_space<semaphore_mem>>)
      } else {
      }
      %dma_wait3A = arith.constant 0 : i32
      %dma_wait3A_935 = arith.constant 0 : i32
      %dma_wait3A_936 = tpu.memref_slice %arg9[%rem3A_928, %dma_wait3A, %dma_wait3A_935] : memref<2x64x128xf32, #tpu.memory_space<vmem>> -> memref<1x64x128xf32, #tpu.memory_space<vmem>>
      %dma_wait3A_937 = tpu.memref_squeeze %dma_wait3A_936 : memref<1x64x128xf32, #tpu.memory_space<vmem>> -> memref<64x128xf32, #tpu.memory_space<vmem>>
      %dma_wait3A_938 = arith.constant 0 : i32
      %dma_wait3A_939 = arith.constant 0 : i32
      %dma_wait3A_940 = tpu.memref_slice %arg2[%dma_wait3A_938, %dma_wait3A_939] : memref<100000x128xf32, #tpu.memory_space<hbm>> -> memref<64x128xf32, #tpu.memory_space<hbm>>
      %dma_wait3A_941 = tpu.memref_slice %arg13[%rem3A_928] : memref<2x!tpu.dma_semaphore, #tpu.memory_space<semaphore_mem>> -> memref<1x!tpu.dma_semaphore, #tpu.memory_space<semaphore_mem>>
      %dma_wait3A_942 = tpu.memref_squeeze %dma_wait3A_941 : memref<1x!tpu.dma_semaphore, #tpu.memory_space<semaphore_mem>> -> memref<!tpu.dma_semaphore, #tpu.memory_space<semaphore_mem>>
      %dma_wait3A_943 = arith.constant 0 : i32
      %dma_wait3A_944 = arith.constant 0 : i32
      %dma_wait3A_945 = tpu.memref_slice %arg9[%rem3A_928, %dma_wait3A_943, %dma_wait3A_944] : memref<2x64x128xf32, #tpu.memory_space<vmem>> -> memref<1x64x128xf32, #tpu.memory_space<vmem>>
      %dma_wait3A_946 = tpu.memref_squeeze %dma_wait3A_945 : memref<1x64x128xf32, #tpu.memory_space<vmem>> -> memref<64x128xf32, #tpu.memory_space<vmem>>
      %dma_wait3A_947 = arith.constant 0 : i32
      %dma_wait3A_948 = arith.constant 0 : i32
      %dma_wait3A_949 = tpu.memref_slice %arg2[%dma_wait3A_947, %dma_wait3A_948] : memref<100000x128xf32, #tpu.memory_space<hbm>> -> memref<64x128xf32, #tpu.memory_space<hbm>>
      tpu.wait_dma2 semaphore(%dma_wait3A_942 : memref<!tpu.dma_semaphore, #tpu.memory_space<semaphore_mem>>) src(%dma_wait3A_949 : memref<64x128xf32, #tpu.memory_space<hbm>>) dst(%dma_wait3A_946 : memref<64x128xf32, #tpu.memory_space<vmem>>)
      %mul3A_950 = arith.constant 64 : i32
      %mul3A_951 = arith.muli %while3A_909, %mul3A_950 : i32
      %add3A_952 = arith.addi %add3A_552, %mul3A_951 : i32
      %min3A_953 = arith.constant 99936 : i32
      %min3A_954 = arith.minsi %add3A_952, %min3A_953 : i32
      %mul3A_955 = arith.constant 64 : i32
      %mul3A_956 = arith.muli %while3A_909, %mul3A_955 : i32
      %add3A_957 = arith.addi %add3A_552, %mul3A_956 : i32
      %sub3A_958 = arith.subi %add3A_957, %min3A_954 : i32
      %add3A_959 = arith.constant 1 : i32
      %add3A_960 = arith.addi %while3A_909, %add3A_959 : i32
      %mul3A_961 = arith.constant 64 : i32
      %mul3A_962 = arith.muli %add3A_960, %mul3A_961 : i32
      %add3A_963 = arith.addi %add3A_552, %mul3A_962 : i32
      %min3A_964 = arith.minsi %add3A_963, %add3A_801 : i32
      %sub3A_965 = arith.subi %min3A_964, %min3A_954 : i32
      %while3A_966 = arith.subi %sub3A_965, %sub3A_958 : i32
      %while3A_967 = arith.addi %sub3A_958, %while3A_966 : i32
      %while3A_968 = arith.constant 1 : i32
      %while3A_969 = arith.divsi %while3A_966, %while3A_968 : i32
      %while3A_970 = arith.muli %while3A_969, %while3A_968 : i32
      %while3A_971 = arith.addi %sub3A_958, %while3A_970 : i32
      %while3A_972 = arith.constant 1 : i32
      %while3A_973:16 = scf.for %while3A_976 = %sub3A_958 to %while3A_971 step %while3A_972 iter_args(%while3A_977 = %while3A_910, %while3A_978 = %while3A_911, %while3A_979 = %while3A_912, %while3A_980 = %while3A_913, %while3A_981 = %while3A_914, %while3A_982 = %while3A_915, %while3A_983 = %while3A_916, %while3A_984 = %while3A_917, %while3A_985 = %while3A_918, %while3A_986 = %while3A_919, %while3A_987 = %while3A_920, %while3A_988 = %while3A_921, %while3A_989 = %while3A_922, %while3A_990 = %while3A_923, %while3A_991 = %while3A_924, %while3A_992 = %while3A_925) -> (vector<16xf32>, vector<16xf32>, vector<16xf32>, vector<16xf32>, vector<16xf32>, vector<16xf32>, vector<16xf32>, vector<16xf32>, vector<16xf32>, vector<16xf32>, vector<16xf32>, vector<16xf32>, vector<16xf32>, vector<16xf32>, vector<16xf32>, vector<16xf32>)  : i32 {
        %get3A_993 = arith.index_cast %rem3A_928 : i32 to index
        %get3A_994 = arith.index_cast %while3A_976 : i32 to index
        %get3A_995 = arith.constant 0 : index
        %get3A_996 = tpu.vector_load %arg9[%get3A_993, %get3A_994, %get3A_995] {strides = array<i32>} : memref<2x64x128xf32, #tpu.memory_space<vmem>>, vector<16xf32>,
        %get3A_997 = arith.index_cast %rem3A_928 : i32 to index
        %get3A_998 = arith.index_cast %while3A_976 : i32 to index
        %get3A_999 = arith.constant 16 : index
        %get3A_1000 = tpu.vector_load %arg9[%get3A_997, %get3A_998, %get3A_999] {strides = array<i32>} : memref<2x64x128xf32, #tpu.memory_space<vmem>>, vector<16xf32>,
        %get3A_1001 = arith.index_cast %rem3A_928 : i32 to index
        %get3A_1002 = arith.index_cast %while3A_976 : i32 to index
        %get3A_1003 = arith.constant 32 : index
        %get3A_1004 = tpu.vector_load %arg9[%get3A_1001, %get3A_1002, %get3A_1003] {strides = array<i32>} : memref<2x64x128xf32, #tpu.memory_space<vmem>>, vector<16xf32>,
        %get3A_1005 = arith.index_cast %rem3A_928 : i32 to index
        %get3A_1006 = arith.index_cast %while3A_976 : i32 to index
        %get3A_1007 = arith.constant 48 : index
        %get3A_1008 = tpu.vector_load %arg9[%get3A_1005, %get3A_1006, %get3A_1007] {strides = array<i32>} : memref<2x64x128xf32, #tpu.memory_space<vmem>>, vector<16xf32>,
        %get3A_1009 = arith.index_cast %rem3A_928 : i32 to index
        %get3A_1010 = arith.index_cast %while3A_976 : i32 to index
        %get3A_1011 = arith.constant 64 : index
        %get3A_1012 = tpu.vector_load %arg9[%get3A_1009, %get3A_1010, %get3A_1011] {strides = array<i32>} : memref<2x64x128xf32, #tpu.memory_space<vmem>>, vector<16xf32>,
        %get3A_1013 = arith.index_cast %rem3A_928 : i32 to index
        %get3A_1014 = arith.index_cast %while3A_976 : i32 to index
        %get3A_1015 = arith.constant 80 : index
        %get3A_1016 = tpu.vector_load %arg9[%get3A_1013, %get3A_1014, %get3A_1015] {strides = array<i32>} : memref<2x64x128xf32, #tpu.memory_space<vmem>>, vector<16xf32>,
        %get3A_1017 = arith.index_cast %rem3A_928 : i32 to index
        %get3A_1018 = arith.index_cast %while3A_976 : i32 to index
        %get3A_1019 = arith.constant 96 : index
        %get3A_1020 = tpu.vector_load %arg9[%get3A_1017, %get3A_1018, %get3A_1019] {strides = array<i32>} : memref<2x64x128xf32, #tpu.memory_space<vmem>>, vector<16xf32>,
        %get3A_1021 = arith.index_cast %rem3A_928 : i32 to index
        %get3A_1022 = arith.index_cast %while3A_976 : i32 to index
        %get3A_1023 = arith.constant 112 : index
        %get3A_1024 = tpu.vector_load %arg9[%get3A_1021, %get3A_1022, %get3A_1023] {strides = array<i32>} : memref<2x64x128xf32, #tpu.memory_space<vmem>>, vector<16xf32>,
        %add3A_1025 = arith.addf %while3A_977, %get3A_996 : vector<16xf32>
        %add3A_1026 = arith.addf %while3A_978, %get3A_1000 : vector<16xf32>
        %add3A_1027 = arith.addf %while3A_979, %get3A_1004 : vector<16xf32>
        %add3A_1028 = arith.addf %while3A_980, %get3A_1008 : vector<16xf32>
        %add3A_1029 = arith.addf %while3A_981, %get3A_1012 : vector<16xf32>
        %add3A_1030 = arith.addf %while3A_982, %get3A_1016 : vector<16xf32>
        %add3A_1031 = arith.addf %while3A_983, %get3A_1020 : vector<16xf32>
        %add3A_1032 = arith.addf %while3A_984, %get3A_1024 : vector<16xf32>
        %max3A_1033 = arith.maximumf %while3A_985, %get3A_996 : vector<16xf32>
        %max3A_1034 = arith.maximumf %while3A_986, %get3A_1000 : vector<16xf32>
        %max3A_1035 = arith.maximumf %while3A_987, %get3A_1004 : vector<16xf32>
        %max3A_1036 = arith.maximumf %while3A_988, %get3A_1008 : vector<16xf32>
        %max3A_1037 = arith.maximumf %while3A_989, %get3A_1012 : vector<16xf32>
        %max3A_1038 = arith.maximumf %while3A_990, %get3A_1016 : vector<16xf32>
        %max3A_1039 = arith.maximumf %while3A_991, %get3A_1020 : vector<16xf32>
        %max3A_1040 = arith.maximumf %while3A_992, %get3A_1024 : vector<16xf32>
        scf.yield %add3A_1025, %add3A_1026, %add3A_1027, %add3A_1028, %add3A_1029, %add3A_1030, %add3A_1031, %add3A_1032, %max3A_1033, %max3A_1034, %max3A_1035, %max3A_1036, %max3A_1037, %max3A_1038, %max3A_1039, %max3A_1040 : vector<16xf32>, vector<16xf32>, vector<16xf32>, vector<16xf32>, vector<16xf32>, vector<16xf32>, vector<16xf32>, vector<16xf32>, vector<16xf32>, vector<16xf32>, vector<16xf32>, vector<16xf32>, vector<16xf32>, vector<16xf32>, vector<16xf32>, vector<16xf32>
      }
      %while3A_974 = arith.constant 1 : i32
      %while3A_975:16 = scf.for %while3A_976 = %while3A_971 to %while3A_967 step %while3A_974 iter_args(%while3A_977 = %while3A_973#0, %while3A_978 = %while3A_973#1, %while3A_979 = %while3A_973#2, %while3A_980 = %while3A_973#3, %while3A_981 = %while3A_973#4, %while3A_982 = %while3A_973#5, %while3A_983 = %while3A_973#6, %while3A_984 = %while3A_973#7, %while3A_985 = %while3A_973#8, %while3A_986 = %while3A_973#9, %while3A_987 = %while3A_973#10, %while3A_988 = %while3A_973#11, %while3A_989 = %while3A_973#12, %while3A_990 = %while3A_973#13, %while3A_991 = %while3A_973#14, %while3A_992 = %while3A_973#15) -> (vector<16xf32>, vector<16xf32>, vector<16xf32>, vector<16xf32>, vector<16xf32>, vector<16xf32>, vector<16xf32>, vector<16xf32>, vector<16xf32>, vector<16xf32>, vector<16xf32>, vector<16xf32>, vector<16xf32>, vector<16xf32>, vector<16xf32>, vector<16xf32>)  : i32 {
        %get3A_993 = arith.index_cast %rem3A_928 : i32 to index
        %get3A_994 = arith.index_cast %while3A_976 : i32 to index
        %get3A_995 = arith.constant 0 : index
        %get3A_996 = tpu.vector_load %arg9[%get3A_993, %get3A_994, %get3A_995] {strides = array<i32>} : memref<2x64x128xf32, #tpu.memory_space<vmem>>, vector<16xf32>,
        %get3A_997 = arith.index_cast %rem3A_928 : i32 to index
        %get3A_998 = arith.index_cast %while3A_976 : i32 to index
        %get3A_999 = arith.constant 16 : index
        %get3A_1000 = tpu.vector_load %arg9[%get3A_997, %get3A_998, %get3A_999] {strides = array<i32>} : memref<2x64x128xf32, #tpu.memory_space<vmem>>, vector<16xf32>,
        %get3A_1001 = arith.index_cast %rem3A_928 : i32 to index
        %get3A_1002 = arith.index_cast %while3A_976 : i32 to index
        %get3A_1003 = arith.constant 32 : index
        %get3A_1004 = tpu.vector_load %arg9[%get3A_1001, %get3A_1002, %get3A_1003] {strides = array<i32>} : memref<2x64x128xf32, #tpu.memory_space<vmem>>, vector<16xf32>,
        %get3A_1005 = arith.index_cast %rem3A_928 : i32 to index
        %get3A_1006 = arith.index_cast %while3A_976 : i32 to index
        %get3A_1007 = arith.constant 48 : index
        %get3A_1008 = tpu.vector_load %arg9[%get3A_1005, %get3A_1006, %get3A_1007] {strides = array<i32>} : memref<2x64x128xf32, #tpu.memory_space<vmem>>, vector<16xf32>,
        %get3A_1009 = arith.index_cast %rem3A_928 : i32 to index
        %get3A_1010 = arith.index_cast %while3A_976 : i32 to index
        %get3A_1011 = arith.constant 64 : index
        %get3A_1012 = tpu.vector_load %arg9[%get3A_1009, %get3A_1010, %get3A_1011] {strides = array<i32>} : memref<2x64x128xf32, #tpu.memory_space<vmem>>, vector<16xf32>,
        %get3A_1013 = arith.index_cast %rem3A_928 : i32 to index
        %get3A_1014 = arith.index_cast %while3A_976 : i32 to index
        %get3A_1015 = arith.constant 80 : index
        %get3A_1016 = tpu.vector_load %arg9[%get3A_1013, %get3A_1014, %get3A_1015] {strides = array<i32>} : memref<2x64x128xf32, #tpu.memory_space<vmem>>, vector<16xf32>,
        %get3A_1017 = arith.index_cast %rem3A_928 : i32 to index
        %get3A_1018 = arith.index_cast %while3A_976 : i32 to index
        %get3A_1019 = arith.constant 96 : index
        %get3A_1020 = tpu.vector_load %arg9[%get3A_1017, %get3A_1018, %get3A_1019] {strides = array<i32>} : memref<2x64x128xf32, #tpu.memory_space<vmem>>, vector<16xf32>,
        %get3A_1021 = arith.index_cast %rem3A_928 : i32 to index
        %get3A_1022 = arith.index_cast %while3A_976 : i32 to index
        %get3A_1023 = arith.constant 112 : index
        %get3A_1024 = tpu.vector_load %arg9[%get3A_1021, %get3A_1022, %get3A_1023] {strides = array<i32>} : memref<2x64x128xf32, #tpu.memory_space<vmem>>, vector<16xf32>,
        %add3A_1025 = arith.addf %while3A_977, %get3A_996 : vector<16xf32>
        %add3A_1026 = arith.addf %while3A_978, %get3A_1000 : vector<16xf32>
        %add3A_1027 = arith.addf %while3A_979, %get3A_1004 : vector<16xf32>
        %add3A_1028 = arith.addf %while3A_980, %get3A_1008 : vector<16xf32>
        %add3A_1029 = arith.addf %while3A_981, %get3A_1012 : vector<16xf32>
        %add3A_1030 = arith.addf %while3A_982, %get3A_1016 : vector<16xf32>
        %add3A_1031 = arith.addf %while3A_983, %get3A_1020 : vector<16xf32>
        %add3A_1032 = arith.addf %while3A_984, %get3A_1024 : vector<16xf32>
        %max3A_1033 = arith.maximumf %while3A_985, %get3A_996 : vector<16xf32>
        %max3A_1034 = arith.maximumf %while3A_986, %get3A_1000 : vector<16xf32>
        %max3A_1035 = arith.maximumf %while3A_987, %get3A_1004 : vector<16xf32>
        %max3A_1036 = arith.maximumf %while3A_988, %get3A_1008 : vector<16xf32>
        %max3A_1037 = arith.maximumf %while3A_989, %get3A_1012 : vector<16xf32>
        %max3A_1038 = arith.maximumf %while3A_990, %get3A_1016 : vector<16xf32>
        %max3A_1039 = arith.maximumf %while3A_991, %get3A_1020 : vector<16xf32>
        %max3A_1040 = arith.maximumf %while3A_992, %get3A_1024 : vector<16xf32>
        scf.yield %add3A_1025, %add3A_1026, %add3A_1027, %add3A_1028, %add3A_1029, %add3A_1030, %add3A_1031, %add3A_1032, %max3A_1033, %max3A_1034, %max3A_1035, %max3A_1036, %max3A_1037, %max3A_1038, %max3A_1039, %max3A_1040 : vector<16xf32>, vector<16xf32>, vector<16xf32>, vector<16xf32>, vector<16xf32>, vector<16xf32>, vector<16xf32>, vector<16xf32>, vector<16xf32>, vector<16xf32>, vector<16xf32>, vector<16xf32>, vector<16xf32>, vector<16xf32>, vector<16xf32>, vector<16xf32>
      }
      scf.yield %while3A_975#0, %while3A_975#1, %while3A_975#2, %while3A_975#3, %while3A_975#4, %while3A_975#5, %while3A_975#6, %while3A_975#7, %while3A_975#8, %while3A_975#9, %while3A_975#10, %while3A_975#11, %while3A_975#12, %while3A_975#13, %while3A_975#14, %while3A_975#15 : vector<16xf32>, vector<16xf32>, vector<16xf32>, vector<16xf32>, vector<16xf32>, vector<16xf32>, vector<16xf32>, vector<16xf32>, vector<16xf32>, vector<16xf32>, vector<16xf32>, vector<16xf32>, vector<16xf32>, vector<16xf32>, vector<16xf32>, vector<16xf32>
    }
    %while3A_822 = arith.constant 1 : i32
    %while3A_823:16 = scf.for %while3A_909 = %while3A_819 to %while3A_815 step %while3A_822 iter_args(%while3A_910 = %while3A_821#0, %while3A_911 = %while3A_821#1, %while3A_912 = %while3A_821#2, %while3A_913 = %while3A_821#3, %while3A_914 = %while3A_821#4, %while3A_915 = %while3A_821#5, %while3A_916 = %while3A_821#6, %while3A_917 = %while3A_821#7, %while3A_918 = %while3A_821#8, %while3A_919 = %while3A_821#9, %while3A_920 = %while3A_821#10, %while3A_921 = %while3A_821#11, %while3A_922 = %while3A_821#12, %while3A_923 = %while3A_821#13, %while3A_924 = %while3A_821#14, %while3A_925 = %while3A_821#15) -> (vector<16xf32>, vector<16xf32>, vector<16xf32>, vector<16xf32>, vector<16xf32>, vector<16xf32>, vector<16xf32>, vector<16xf32>, vector<16xf32>, vector<16xf32>, vector<16xf32>, vector<16xf32>, vector<16xf32>, vector<16xf32>, vector<16xf32>, vector<16xf32>)  : i32 {
      %add3A_926 = arith.addi %while3A_909, %rem3A_616 : i32
      %rem3A_927 = arith.constant 2 : i32
      %rem3A_928 = arith.remsi %add3A_926, %rem3A_927 : i32
      %add3A_929 = arith.constant 1 : i32
      %add3A_930 = arith.addi %while3A_909, %add3A_929 : i32
      %lt3A_931 = arith.cmpi slt, %add3A_930, %select_n3A_614 : i32
      %convert_element_type3A_932 = arith.extui %lt3A_931 : i1 to i32
      %cond3A_933 = arith.constant 0 : i32
      %cond3A_934 = arith.cmpi ne, %convert_element_type3A_932, %cond3A_933 : i32
      scf.if %cond3A_934 {
        %add3A_976 = arith.constant 1 : i32
        %add3A_977 = arith.addi %while3A_909, %add3A_976 : i32
        %sub3A_978 = arith.constant 1 : i32
        %sub3A_979 = arith.subi %sub3A_978, %rem3A_928 : i32
        %mul3A_980 = arith.constant 64 : i32
        %mul3A_981 = arith.muli %add3A_977, %mul3A_980 : i32
        %add3A_982 = arith.addi %add3A_552, %mul3A_981 : i32
        %min3A_983 = arith.constant 99936 : i32
        %min3A_984 = arith.minsi %add3A_982, %min3A_983 : i32
        %dma_start3A = arith.constant 0 : i32
        %dma_start3A_985 = arith.constant 0 : i32
        %dma_start3A_986 = tpu.memref_slice %arg9[%sub3A_979, %dma_start3A, %dma_start3A_985] : memref<2x64x128xf32, #tpu.memory_space<vmem>> -> memref<1x64x128xf32, #tpu.memory_space<vmem>>
        %dma_start3A_987 = tpu.memref_squeeze %dma_start3A_986 : memref<1x64x128xf32, #tpu.memory_space<vmem>> -> memref<64x128xf32, #tpu.memory_space<vmem>>
        %dma_start3A_988 = arith.constant 0 : i32
        %dma_start3A_989 = tpu.memref_slice %arg2[%min3A_984, %dma_start3A_988] : memref<100000x128xf32, #tpu.memory_space<hbm>> -> memref<64x128xf32, #tpu.memory_space<hbm>>
        %dma_start3A_990 = tpu.memref_slice %arg13[%sub3A_979] : memref<2x!tpu.dma_semaphore, #tpu.memory_space<semaphore_mem>> -> memref<1x!tpu.dma_semaphore, #tpu.memory_space<semaphore_mem>>
        %dma_start3A_991 = tpu.memref_squeeze %dma_start3A_990 : memref<1x!tpu.dma_semaphore, #tpu.memory_space<semaphore_mem>> -> memref<!tpu.dma_semaphore, #tpu.memory_space<semaphore_mem>>
        %dma_start3A_992 = arith.constant 0 : i32
        %dma_start3A_993 = arith.constant 0 : i32
        %dma_start3A_994 = tpu.memref_slice %arg9[%sub3A_979, %dma_start3A_992, %dma_start3A_993] : memref<2x64x128xf32, #tpu.memory_space<vmem>> -> memref<1x64x128xf32, #tpu.memory_space<vmem>>
        %dma_start3A_995 = tpu.memref_squeeze %dma_start3A_994 : memref<1x64x128xf32, #tpu.memory_space<vmem>> -> memref<64x128xf32, #tpu.memory_space<vmem>>
        %dma_start3A_996 = arith.constant 0 : i32
        %dma_start3A_997 = tpu.memref_slice %arg2[%min3A_984, %dma_start3A_996] : memref<100000x128xf32, #tpu.memory_space<hbm>> -> memref<64x128xf32, #tpu.memory_space<hbm>>
        tpu.enqueue_dma source(%dma_start3A_997 : memref<64x128xf32, #tpu.memory_space<hbm>>) target(%dma_start3A_995 : memref<64x128xf32, #tpu.memory_space<vmem>>) target_semaphore(%dma_start3A_991 : memref<!tpu.dma_semaphore, #tpu.memory_space<semaphore_mem>>)
      } else {
      }
      %dma_wait3A = arith.constant 0 : i32
      %dma_wait3A_935 = arith.constant 0 : i32
      %dma_wait3A_936 = tpu.memref_slice %arg9[%rem3A_928, %dma_wait3A, %dma_wait3A_935] : memref<2x64x128xf32, #tpu.memory_space<vmem>> -> memref<1x64x128xf32, #tpu.memory_space<vmem>>
      %dma_wait3A_937 = tpu.memref_squeeze %dma_wait3A_936 : memref<1x64x128xf32, #tpu.memory_space<vmem>> -> memref<64x128xf32, #tpu.memory_space<vmem>>
      %dma_wait3A_938 = arith.constant 0 : i32
      %dma_wait3A_939 = arith.constant 0 : i32
      %dma_wait3A_940 = tpu.memref_slice %arg2[%dma_wait3A_938, %dma_wait3A_939] : memref<100000x128xf32, #tpu.memory_space<hbm>> -> memref<64x128xf32, #tpu.memory_space<hbm>>
      %dma_wait3A_941 = tpu.memref_slice %arg13[%rem3A_928] : memref<2x!tpu.dma_semaphore, #tpu.memory_space<semaphore_mem>> -> memref<1x!tpu.dma_semaphore, #tpu.memory_space<semaphore_mem>>
      %dma_wait3A_942 = tpu.memref_squeeze %dma_wait3A_941 : memref<1x!tpu.dma_semaphore, #tpu.memory_space<semaphore_mem>> -> memref<!tpu.dma_semaphore, #tpu.memory_space<semaphore_mem>>
      %dma_wait3A_943 = arith.constant 0 : i32
      %dma_wait3A_944 = arith.constant 0 : i32
      %dma_wait3A_945 = tpu.memref_slice %arg9[%rem3A_928, %dma_wait3A_943, %dma_wait3A_944] : memref<2x64x128xf32, #tpu.memory_space<vmem>> -> memref<1x64x128xf32, #tpu.memory_space<vmem>>
      %dma_wait3A_946 = tpu.memref_squeeze %dma_wait3A_945 : memref<1x64x128xf32, #tpu.memory_space<vmem>> -> memref<64x128xf32, #tpu.memory_space<vmem>>
      %dma_wait3A_947 = arith.constant 0 : i32
      %dma_wait3A_948 = arith.constant 0 : i32
      %dma_wait3A_949 = tpu.memref_slice %arg2[%dma_wait3A_947, %dma_wait3A_948] : memref<100000x128xf32, #tpu.memory_space<hbm>> -> memref<64x128xf32, #tpu.memory_space<hbm>>
      tpu.wait_dma2 semaphore(%dma_wait3A_942 : memref<!tpu.dma_semaphore, #tpu.memory_space<semaphore_mem>>) src(%dma_wait3A_949 : memref<64x128xf32, #tpu.memory_space<hbm>>) dst(%dma_wait3A_946 : memref<64x128xf32, #tpu.memory_space<vmem>>)
      %mul3A_950 = arith.constant 64 : i32
      %mul3A_951 = arith.muli %while3A_909, %mul3A_950 : i32
      %add3A_952 = arith.addi %add3A_552, %mul3A_951 : i32
      %min3A_953 = arith.constant 99936 : i32
      %min3A_954 = arith.minsi %add3A_952, %min3A_953 : i32
      %mul3A_955 = arith.constant 64 : i32
      %mul3A_956 = arith.muli %while3A_909, %mul3A_955 : i32
      %add3A_957 = arith.addi %add3A_552, %mul3A_956 : i32
      %sub3A_958 = arith.subi %add3A_957, %min3A_954 : i32
      %add3A_959 = arith.constant 1 : i32
      %add3A_960 = arith.addi %while3A_909, %add3A_959 : i32
      %mul3A_961 = arith.constant 64 : i32
      %mul3A_962 = arith.muli %add3A_960, %mul3A_961 : i32
      %add3A_963 = arith.addi %add3A_552, %mul3A_962 : i32
      %min3A_964 = arith.minsi %add3A_963, %add3A_801 : i32
      %sub3A_965 = arith.subi %min3A_964, %min3A_954 : i32
      %while3A_966 = arith.subi %sub3A_965, %sub3A_958 : i32
      %while3A_967 = arith.addi %sub3A_958, %while3A_966 : i32
      %while3A_968 = arith.constant 1 : i32
      %while3A_969 = arith.divsi %while3A_966, %while3A_968 : i32
      %while3A_970 = arith.muli %while3A_969, %while3A_968 : i32
      %while3A_971 = arith.addi %sub3A_958, %while3A_970 : i32
      %while3A_972 = arith.constant 1 : i32
      %while3A_973:16 = scf.for %while3A_976 = %sub3A_958 to %while3A_971 step %while3A_972 iter_args(%while3A_977 = %while3A_910, %while3A_978 = %while3A_911, %while3A_979 = %while3A_912, %while3A_980 = %while3A_913, %while3A_981 = %while3A_914, %while3A_982 = %while3A_915, %while3A_983 = %while3A_916, %while3A_984 = %while3A_917, %while3A_985 = %while3A_918, %while3A_986 = %while3A_919, %while3A_987 = %while3A_920, %while3A_988 = %while3A_921, %while3A_989 = %while3A_922, %while3A_990 = %while3A_923, %while3A_991 = %while3A_924, %while3A_992 = %while3A_925) -> (vector<16xf32>, vector<16xf32>, vector<16xf32>, vector<16xf32>, vector<16xf32>, vector<16xf32>, vector<16xf32>, vector<16xf32>, vector<16xf32>, vector<16xf32>, vector<16xf32>, vector<16xf32>, vector<16xf32>, vector<16xf32>, vector<16xf32>, vector<16xf32>)  : i32 {
        %get3A_993 = arith.index_cast %rem3A_928 : i32 to index
        %get3A_994 = arith.index_cast %while3A_976 : i32 to index
        %get3A_995 = arith.constant 0 : index
        %get3A_996 = tpu.vector_load %arg9[%get3A_993, %get3A_994, %get3A_995] {strides = array<i32>} : memref<2x64x128xf32, #tpu.memory_space<vmem>>, vector<16xf32>,
        %get3A_997 = arith.index_cast %rem3A_928 : i32 to index
        %get3A_998 = arith.index_cast %while3A_976 : i32 to index
        %get3A_999 = arith.constant 16 : index
        %get3A_1000 = tpu.vector_load %arg9[%get3A_997, %get3A_998, %get3A_999] {strides = array<i32>} : memref<2x64x128xf32, #tpu.memory_space<vmem>>, vector<16xf32>,
        %get3A_1001 = arith.index_cast %rem3A_928 : i32 to index
        %get3A_1002 = arith.index_cast %while3A_976 : i32 to index
        %get3A_1003 = arith.constant 32 : index
        %get3A_1004 = tpu.vector_load %arg9[%get3A_1001, %get3A_1002, %get3A_1003] {strides = array<i32>} : memref<2x64x128xf32, #tpu.memory_space<vmem>>, vector<16xf32>,
        %get3A_1005 = arith.index_cast %rem3A_928 : i32 to index
        %get3A_1006 = arith.index_cast %while3A_976 : i32 to index
        %get3A_1007 = arith.constant 48 : index
        %get3A_1008 = tpu.vector_load %arg9[%get3A_1005, %get3A_1006, %get3A_1007] {strides = array<i32>} : memref<2x64x128xf32, #tpu.memory_space<vmem>>, vector<16xf32>,
        %get3A_1009 = arith.index_cast %rem3A_928 : i32 to index
        %get3A_1010 = arith.index_cast %while3A_976 : i32 to index
        %get3A_1011 = arith.constant 64 : index
        %get3A_1012 = tpu.vector_load %arg9[%get3A_1009, %get3A_1010, %get3A_1011] {strides = array<i32>} : memref<2x64x128xf32, #tpu.memory_space<vmem>>, vector<16xf32>,
        %get3A_1013 = arith.index_cast %rem3A_928 : i32 to index
        %get3A_1014 = arith.index_cast %while3A_976 : i32 to index
        %get3A_1015 = arith.constant 80 : index
        %get3A_1016 = tpu.vector_load %arg9[%get3A_1013, %get3A_1014, %get3A_1015] {strides = array<i32>} : memref<2x64x128xf32, #tpu.memory_space<vmem>>, vector<16xf32>,
        %get3A_1017 = arith.index_cast %rem3A_928 : i32 to index
        %get3A_1018 = arith.index_cast %while3A_976 : i32 to index
        %get3A_1019 = arith.constant 96 : index
        %get3A_1020 = tpu.vector_load %arg9[%get3A_1017, %get3A_1018, %get3A_1019] {strides = array<i32>} : memref<2x64x128xf32, #tpu.memory_space<vmem>>, vector<16xf32>,
        %get3A_1021 = arith.index_cast %rem3A_928 : i32 to index
        %get3A_1022 = arith.index_cast %while3A_976 : i32 to index
        %get3A_1023 = arith.constant 112 : index
        %get3A_1024 = tpu.vector_load %arg9[%get3A_1021, %get3A_1022, %get3A_1023] {strides = array<i32>} : memref<2x64x128xf32, #tpu.memory_space<vmem>>, vector<16xf32>,
        %add3A_1025 = arith.addf %while3A_977, %get3A_996 : vector<16xf32>
        %add3A_1026 = arith.addf %while3A_978, %get3A_1000 : vector<16xf32>
        %add3A_1027 = arith.addf %while3A_979, %get3A_1004 : vector<16xf32>
        %add3A_1028 = arith.addf %while3A_980, %get3A_1008 : vector<16xf32>
        %add3A_1029 = arith.addf %while3A_981, %get3A_1012 : vector<16xf32>
        %add3A_1030 = arith.addf %while3A_982, %get3A_1016 : vector<16xf32>
        %add3A_1031 = arith.addf %while3A_983, %get3A_1020 : vector<16xf32>
        %add3A_1032 = arith.addf %while3A_984, %get3A_1024 : vector<16xf32>
        %max3A_1033 = arith.maximumf %while3A_985, %get3A_996 : vector<16xf32>
        %max3A_1034 = arith.maximumf %while3A_986, %get3A_1000 : vector<16xf32>
        %max3A_1035 = arith.maximumf %while3A_987, %get3A_1004 : vector<16xf32>
        %max3A_1036 = arith.maximumf %while3A_988, %get3A_1008 : vector<16xf32>
        %max3A_1037 = arith.maximumf %while3A_989, %get3A_1012 : vector<16xf32>
        %max3A_1038 = arith.maximumf %while3A_990, %get3A_1016 : vector<16xf32>
        %max3A_1039 = arith.maximumf %while3A_991, %get3A_1020 : vector<16xf32>
        %max3A_1040 = arith.maximumf %while3A_992, %get3A_1024 : vector<16xf32>
        scf.yield %add3A_1025, %add3A_1026, %add3A_1027, %add3A_1028, %add3A_1029, %add3A_1030, %add3A_1031, %add3A_1032, %max3A_1033, %max3A_1034, %max3A_1035, %max3A_1036, %max3A_1037, %max3A_1038, %max3A_1039, %max3A_1040 : vector<16xf32>, vector<16xf32>, vector<16xf32>, vector<16xf32>, vector<16xf32>, vector<16xf32>, vector<16xf32>, vector<16xf32>, vector<16xf32>, vector<16xf32>, vector<16xf32>, vector<16xf32>, vector<16xf32>, vector<16xf32>, vector<16xf32>, vector<16xf32>
      }
      %while3A_974 = arith.constant 1 : i32
      %while3A_975:16 = scf.for %while3A_976 = %while3A_971 to %while3A_967 step %while3A_974 iter_args(%while3A_977 = %while3A_973#0, %while3A_978 = %while3A_973#1, %while3A_979 = %while3A_973#2, %while3A_980 = %while3A_973#3, %while3A_981 = %while3A_973#4, %while3A_982 = %while3A_973#5, %while3A_983 = %while3A_973#6, %while3A_984 = %while3A_973#7, %while3A_985 = %while3A_973#8, %while3A_986 = %while3A_973#9, %while3A_987 = %while3A_973#10, %while3A_988 = %while3A_973#11, %while3A_989 = %while3A_973#12, %while3A_990 = %while3A_973#13, %while3A_991 = %while3A_973#14, %while3A_992 = %while3A_973#15) -> (vector<16xf32>, vector<16xf32>, vector<16xf32>, vector<16xf32>, vector<16xf32>, vector<16xf32>, vector<16xf32>, vector<16xf32>, vector<16xf32>, vector<16xf32>, vector<16xf32>, vector<16xf32>, vector<16xf32>, vector<16xf32>, vector<16xf32>, vector<16xf32>)  : i32 {
        %get3A_993 = arith.index_cast %rem3A_928 : i32 to index
        %get3A_994 = arith.index_cast %while3A_976 : i32 to index
        %get3A_995 = arith.constant 0 : index
        %get3A_996 = tpu.vector_load %arg9[%get3A_993, %get3A_994, %get3A_995] {strides = array<i32>} : memref<2x64x128xf32, #tpu.memory_space<vmem>>, vector<16xf32>,
        %get3A_997 = arith.index_cast %rem3A_928 : i32 to index
        %get3A_998 = arith.index_cast %while3A_976 : i32 to index
        %get3A_999 = arith.constant 16 : index
        %get3A_1000 = tpu.vector_load %arg9[%get3A_997, %get3A_998, %get3A_999] {strides = array<i32>} : memref<2x64x128xf32, #tpu.memory_space<vmem>>, vector<16xf32>,
        %get3A_1001 = arith.index_cast %rem3A_928 : i32 to index
        %get3A_1002 = arith.index_cast %while3A_976 : i32 to index
        %get3A_1003 = arith.constant 32 : index
        %get3A_1004 = tpu.vector_load %arg9[%get3A_1001, %get3A_1002, %get3A_1003] {strides = array<i32>} : memref<2x64x128xf32, #tpu.memory_space<vmem>>, vector<16xf32>,
        %get3A_1005 = arith.index_cast %rem3A_928 : i32 to index
        %get3A_1006 = arith.index_cast %while3A_976 : i32 to index
        %get3A_1007 = arith.constant 48 : index
        %get3A_1008 = tpu.vector_load %arg9[%get3A_1005, %get3A_1006, %get3A_1007] {strides = array<i32>} : memref<2x64x128xf32, #tpu.memory_space<vmem>>, vector<16xf32>,
        %get3A_1009 = arith.index_cast %rem3A_928 : i32 to index
        %get3A_1010 = arith.index_cast %while3A_976 : i32 to index
        %get3A_1011 = arith.constant 64 : index
        %get3A_1012 = tpu.vector_load %arg9[%get3A_1009, %get3A_1010, %get3A_1011] {strides = array<i32>} : memref<2x64x128xf32, #tpu.memory_space<vmem>>, vector<16xf32>,
        %get3A_1013 = arith.index_cast %rem3A_928 : i32 to index
        %get3A_1014 = arith.index_cast %while3A_976 : i32 to index
        %get3A_1015 = arith.constant 80 : index
        %get3A_1016 = tpu.vector_load %arg9[%get3A_1013, %get3A_1014, %get3A_1015] {strides = array<i32>} : memref<2x64x128xf32, #tpu.memory_space<vmem>>, vector<16xf32>,
        %get3A_1017 = arith.index_cast %rem3A_928 : i32 to index
        %get3A_1018 = arith.index_cast %while3A_976 : i32 to index
        %get3A_1019 = arith.constant 96 : index
        %get3A_1020 = tpu.vector_load %arg9[%get3A_1017, %get3A_1018, %get3A_1019] {strides = array<i32>} : memref<2x64x128xf32, #tpu.memory_space<vmem>>, vector<16xf32>,
        %get3A_1021 = arith.index_cast %rem3A_928 : i32 to index
        %get3A_1022 = arith.index_cast %while3A_976 : i32 to index
        %get3A_1023 = arith.constant 112 : index
        %get3A_1024 = tpu.vector_load %arg9[%get3A_1021, %get3A_1022, %get3A_1023] {strides = array<i32>} : memref<2x64x128xf32, #tpu.memory_space<vmem>>, vector<16xf32>,
        %add3A_1025 = arith.addf %while3A_977, %get3A_996 : vector<16xf32>
        %add3A_1026 = arith.addf %while3A_978, %get3A_1000 : vector<16xf32>
        %add3A_1027 = arith.addf %while3A_979, %get3A_1004 : vector<16xf32>
        %add3A_1028 = arith.addf %while3A_980, %get3A_1008 : vector<16xf32>
        %add3A_1029 = arith.addf %while3A_981, %get3A_1012 : vector<16xf32>
        %add3A_1030 = arith.addf %while3A_982, %get3A_1016 : vector<16xf32>
        %add3A_1031 = arith.addf %while3A_983, %get3A_1020 : vector<16xf32>
        %add3A_1032 = arith.addf %while3A_984, %get3A_1024 : vector<16xf32>
        %max3A_1033 = arith.maximumf %while3A_985, %get3A_996 : vector<16xf32>
        %max3A_1034 = arith.maximumf %while3A_986, %get3A_1000 : vector<16xf32>
        %max3A_1035 = arith.maximumf %while3A_987, %get3A_1004 : vector<16xf32>
        %max3A_1036 = arith.maximumf %while3A_988, %get3A_1008 : vector<16xf32>
        %max3A_1037 = arith.maximumf %while3A_989, %get3A_1012 : vector<16xf32>
        %max3A_1038 = arith.maximumf %while3A_990, %get3A_1016 : vector<16xf32>
        %max3A_1039 = arith.maximumf %while3A_991, %get3A_1020 : vector<16xf32>
        %max3A_1040 = arith.maximumf %while3A_992, %get3A_1024 : vector<16xf32>
        scf.yield %add3A_1025, %add3A_1026, %add3A_1027, %add3A_1028, %add3A_1029, %add3A_1030, %add3A_1031, %add3A_1032, %max3A_1033, %max3A_1034, %max3A_1035, %max3A_1036, %max3A_1037, %max3A_1038, %max3A_1039, %max3A_1040 : vector<16xf32>, vector<16xf32>, vector<16xf32>, vector<16xf32>, vector<16xf32>, vector<16xf32>, vector<16xf32>, vector<16xf32>, vector<16xf32>, vector<16xf32>, vector<16xf32>, vector<16xf32>, vector<16xf32>, vector<16xf32>, vector<16xf32>, vector<16xf32>
      }
      scf.yield %while3A_975#0, %while3A_975#1, %while3A_975#2, %while3A_975#3, %while3A_975#4, %while3A_975#5, %while3A_975#6, %while3A_975#7, %while3A_975#8, %while3A_975#9, %while3A_975#10, %while3A_975#11, %while3A_975#12, %while3A_975#13, %while3A_975#14, %while3A_975#15 : vector<16xf32>, vector<16xf32>, vector<16xf32>, vector<16xf32>, vector<16xf32>, vector<16xf32>, vector<16xf32>, vector<16xf32>, vector<16xf32>, vector<16xf32>, vector<16xf32>, vector<16xf32>, vector<16xf32>, vector<16xf32>, vector<16xf32>, vector<16xf32>
    }
    %convert_element_type3A_824 = arith.sitofp %add3A_505 : i32 to f32
    %max3A_825 = arith.constant 1.000000e+00 : f32
    %max3A_826 = arith.maximumf %convert_element_type3A_824, %max3A_825 : f32
    %div3A_827 = vector.broadcast %max3A_826 : f32 to vector<16xf32>
    %div3A_828 = arith.divf %while3A_823#0, %div3A_827 : vector<16xf32>
    %swap3A_829 = arith.constant 1 : i32
    %swap3A_830 = arith.index_cast %swap3A_829 : i32 to index
    %swap3A_831 = arith.constant 0 : index
    %swap3A_832 = tpu.vector_load %arg10[%swap3A_830, %swap3A_831] {strides = array<i32>} : memref<2x256xf32, #tpu.memory_space<vmem>>, vector<16xf32>,
    tpu.vector_store %arg10[%swap3A_830, %swap3A_831], %div3A_828 {strides = array<i32>} : memref<2x256xf32, #tpu.memory_space<vmem>>, vector<16xf32>,
    %swap3A_833 = arith.constant 1 : i32
    %swap3A_834 = arith.index_cast %swap3A_833 : i32 to index
    %swap3A_835 = arith.constant 128 : index
    %swap3A_836 = tpu.vector_load %arg10[%swap3A_834, %swap3A_835] {strides = array<i32>} : memref<2x256xf32, #tpu.memory_space<vmem>>, vector<16xf32>,
    tpu.vector_store %arg10[%swap3A_834, %swap3A_835], %while3A_823#8 {strides = array<i32>} : memref<2x256xf32, #tpu.memory_space<vmem>>, vector<16xf32>,
    %div3A_837 = vector.broadcast %max3A_826 : f32 to vector<16xf32>
    %div3A_838 = arith.divf %while3A_823#1, %div3A_837 : vector<16xf32>
    %swap3A_839 = arith.constant 1 : i32
    %swap3A_840 = arith.index_cast %swap3A_839 : i32 to index
    %swap3A_841 = arith.constant 16 : index
    %swap3A_842 = tpu.vector_load %arg10[%swap3A_840, %swap3A_841] {strides = array<i32>} : memref<2x256xf32, #tpu.memory_space<vmem>>, vector<16xf32>,
    tpu.vector_store %arg10[%swap3A_840, %swap3A_841], %div3A_838 {strides = array<i32>} : memref<2x256xf32, #tpu.memory_space<vmem>>, vector<16xf32>,
    %swap3A_843 = arith.constant 1 : i32
    %swap3A_844 = arith.index_cast %swap3A_843 : i32 to index
    %swap3A_845 = arith.constant 144 : index
    %swap3A_846 = tpu.vector_load %arg10[%swap3A_844, %swap3A_845] {strides = array<i32>} : memref<2x256xf32, #tpu.memory_space<vmem>>, vector<16xf32>,
    tpu.vector_store %arg10[%swap3A_844, %swap3A_845], %while3A_823#9 {strides = array<i32>} : memref<2x256xf32, #tpu.memory_space<vmem>>, vector<16xf32>,
    %div3A_847 = vector.broadcast %max3A_826 : f32 to vector<16xf32>
    %div3A_848 = arith.divf %while3A_823#2, %div3A_847 : vector<16xf32>
    %swap3A_849 = arith.constant 1 : i32
    %swap3A_850 = arith.index_cast %swap3A_849 : i32 to index
    %swap3A_851 = arith.constant 32 : index
    %swap3A_852 = tpu.vector_load %arg10[%swap3A_850, %swap3A_851] {strides = array<i32>} : memref<2x256xf32, #tpu.memory_space<vmem>>, vector<16xf32>,
    tpu.vector_store %arg10[%swap3A_850, %swap3A_851], %div3A_848 {strides = array<i32>} : memref<2x256xf32, #tpu.memory_space<vmem>>, vector<16xf32>,
    %swap3A_853 = arith.constant 1 : i32
    %swap3A_854 = arith.index_cast %swap3A_853 : i32 to index
    %swap3A_855 = arith.constant 160 : index
    %swap3A_856 = tpu.vector_load %arg10[%swap3A_854, %swap3A_855] {strides = array<i32>} : memref<2x256xf32, #tpu.memory_space<vmem>>, vector<16xf32>,
    tpu.vector_store %arg10[%swap3A_854, %swap3A_855], %while3A_823#10 {strides = array<i32>} : memref<2x256xf32, #tpu.memory_space<vmem>>, vector<16xf32>,
    %div3A_857 = vector.broadcast %max3A_826 : f32 to vector<16xf32>
    %div3A_858 = arith.divf %while3A_823#3, %div3A_857 : vector<16xf32>
    %swap3A_859 = arith.constant 1 : i32
    %swap3A_860 = arith.index_cast %swap3A_859 : i32 to index
    %swap3A_861 = arith.constant 48 : index
    %swap3A_862 = tpu.vector_load %arg10[%swap3A_860, %swap3A_861] {strides = array<i32>} : memref<2x256xf32, #tpu.memory_space<vmem>>, vector<16xf32>,
    tpu.vector_store %arg10[%swap3A_860, %swap3A_861], %div3A_858 {strides = array<i32>} : memref<2x256xf32, #tpu.memory_space<vmem>>, vector<16xf32>,
    %swap3A_863 = arith.constant 1 : i32
    %swap3A_864 = arith.index_cast %swap3A_863 : i32 to index
    %swap3A_865 = arith.constant 176 : index
    %swap3A_866 = tpu.vector_load %arg10[%swap3A_864, %swap3A_865] {strides = array<i32>} : memref<2x256xf32, #tpu.memory_space<vmem>>, vector<16xf32>,
    tpu.vector_store %arg10[%swap3A_864, %swap3A_865], %while3A_823#11 {strides = array<i32>} : memref<2x256xf32, #tpu.memory_space<vmem>>, vector<16xf32>,
    %div3A_867 = vector.broadcast %max3A_826 : f32 to vector<16xf32>
    %div3A_868 = arith.divf %while3A_823#4, %div3A_867 : vector<16xf32>
    %swap3A_869 = arith.constant 1 : i32
    %swap3A_870 = arith.index_cast %swap3A_869 : i32 to index
    %swap3A_871 = arith.constant 64 : index
    %swap3A_872 = tpu.vector_load %arg10[%swap3A_870, %swap3A_871] {strides = array<i32>} : memref<2x256xf32, #tpu.memory_space<vmem>>, vector<16xf32>,
    tpu.vector_store %arg10[%swap3A_870, %swap3A_871], %div3A_868 {strides = array<i32>} : memref<2x256xf32, #tpu.memory_space<vmem>>, vector<16xf32>,
    %swap3A_873 = arith.constant 1 : i32
    %swap3A_874 = arith.index_cast %swap3A_873 : i32 to index
    %swap3A_875 = arith.constant 192 : index
    %swap3A_876 = tpu.vector_load %arg10[%swap3A_874, %swap3A_875] {strides = array<i32>} : memref<2x256xf32, #tpu.memory_space<vmem>>, vector<16xf32>,
    tpu.vector_store %arg10[%swap3A_874, %swap3A_875], %while3A_823#12 {strides = array<i32>} : memref<2x256xf32, #tpu.memory_space<vmem>>, vector<16xf32>,
    %div3A_877 = vector.broadcast %max3A_826 : f32 to vector<16xf32>
    %div3A_878 = arith.divf %while3A_823#5, %div3A_877 : vector<16xf32>
    %swap3A_879 = arith.constant 1 : i32
    %swap3A_880 = arith.index_cast %swap3A_879 : i32 to index
    %swap3A_881 = arith.constant 80 : index
    %swap3A_882 = tpu.vector_load %arg10[%swap3A_880, %swap3A_881] {strides = array<i32>} : memref<2x256xf32, #tpu.memory_space<vmem>>, vector<16xf32>,
    tpu.vector_store %arg10[%swap3A_880, %swap3A_881], %div3A_878 {strides = array<i32>} : memref<2x256xf32, #tpu.memory_space<vmem>>, vector<16xf32>,
    %swap3A_883 = arith.constant 1 : i32
    %swap3A_884 = arith.index_cast %swap3A_883 : i32 to index
    %swap3A_885 = arith.constant 208 : index
    %swap3A_886 = tpu.vector_load %arg10[%swap3A_884, %swap3A_885] {strides = array<i32>} : memref<2x256xf32, #tpu.memory_space<vmem>>, vector<16xf32>,
    tpu.vector_store %arg10[%swap3A_884, %swap3A_885], %while3A_823#13 {strides = array<i32>} : memref<2x256xf32, #tpu.memory_space<vmem>>, vector<16xf32>,
    %div3A_887 = vector.broadcast %max3A_826 : f32 to vector<16xf32>
    %div3A_888 = arith.divf %while3A_823#6, %div3A_887 : vector<16xf32>
    %swap3A_889 = arith.constant 1 : i32
    %swap3A_890 = arith.index_cast %swap3A_889 : i32 to index
    %swap3A_891 = arith.constant 96 : index
    %swap3A_892 = tpu.vector_load %arg10[%swap3A_890, %swap3A_891] {strides = array<i32>} : memref<2x256xf32, #tpu.memory_space<vmem>>, vector<16xf32>,
    tpu.vector_store %arg10[%swap3A_890, %swap3A_891], %div3A_888 {strides = array<i32>} : memref<2x256xf32, #tpu.memory_space<vmem>>, vector<16xf32>,
    %swap3A_893 = arith.constant 1 : i32
    %swap3A_894 = arith.index_cast %swap3A_893 : i32 to index
    %swap3A_895 = arith.constant 224 : index
    %swap3A_896 = tpu.vector_load %arg10[%swap3A_894, %swap3A_895] {strides = array<i32>} : memref<2x256xf32, #tpu.memory_space<vmem>>, vector<16xf32>,
    tpu.vector_store %arg10[%swap3A_894, %swap3A_895], %while3A_823#14 {strides = array<i32>} : memref<2x256xf32, #tpu.memory_space<vmem>>, vector<16xf32>,
    %div3A_897 = vector.broadcast %max3A_826 : f32 to vector<16xf32>
    %div3A_898 = arith.divf %while3A_823#7, %div3A_897 : vector<16xf32>
    %swap3A_899 = arith.constant 1 : i32
    %swap3A_900 = arith.index_cast %swap3A_899 : i32 to index
    %swap3A_901 = arith.constant 112 : index
    %swap3A_902 = tpu.vector_load %arg10[%swap3A_900, %swap3A_901] {strides = array<i32>} : memref<2x256xf32, #tpu.memory_space<vmem>>, vector<16xf32>,
    tpu.vector_store %arg10[%swap3A_900, %swap3A_901], %div3A_898 {strides = array<i32>} : memref<2x256xf32, #tpu.memory_space<vmem>>, vector<16xf32>,
    %swap3A_903 = arith.constant 1 : i32
    %swap3A_904 = arith.index_cast %swap3A_903 : i32 to index
    %swap3A_905 = arith.constant 240 : index
    %swap3A_906 = tpu.vector_load %arg10[%swap3A_904, %swap3A_905] {strides = array<i32>} : memref<2x256xf32, #tpu.memory_space<vmem>>, vector<16xf32>,
    tpu.vector_store %arg10[%swap3A_904, %swap3A_905], %while3A_823#15 {strides = array<i32>} : memref<2x256xf32, #tpu.memory_space<vmem>>, vector<16xf32>,
    %mul3A_907 = arith.constant 2 : i32
    %mul3A_908 = arith.muli %add3A, %mul3A_907 : i32
    "tpu.region"() ({
      %run_scoped3A = tpu.sem_alloc : memref<!tpu.dma_semaphore, #tpu.memory_space<semaphore_mem>>
      %dma_start3A = arith.constant 0 : i32
      %dma_start3A_909 = tpu.memref_slice %arg4[%mul3A_908, %dma_start3A] : memref<64x256xf32, #tpu.memory_space<hbm>> -> memref<2x256xf32, #tpu.memory_space<hbm>>
      %dma_start3A_910 = arith.constant 0 : i32
      %dma_start3A_911 = tpu.memref_slice %arg4[%mul3A_908, %dma_start3A_910] : memref<64x256xf32, #tpu.memory_space<hbm>> -> memref<2x256xf32, #tpu.memory_space<hbm>>
      tpu.enqueue_dma source(%arg10 : memref<2x256xf32, #tpu.memory_space<vmem>>) target(%dma_start3A_911 : memref<2x256xf32, #tpu.memory_space<hbm>>) target_semaphore(%run_scoped3A : memref<!tpu.dma_semaphore, #tpu.memory_space<semaphore_mem>>)
      %dma_wait3A = arith.constant 0 : i32
      %dma_wait3A_912 = tpu.memref_slice %arg4[%mul3A_908, %dma_wait3A] : memref<64x256xf32, #tpu.memory_space<hbm>> -> memref<2x256xf32, #tpu.memory_space<hbm>>
      %dma_wait3A_913 = arith.constant 0 : i32
      %dma_wait3A_914 = tpu.memref_slice %arg4[%mul3A_908, %dma_wait3A_913] : memref<64x256xf32, #tpu.memory_space<hbm>> -> memref<2x256xf32, #tpu.memory_space<hbm>>
      tpu.wait_dma2 semaphore(%run_scoped3A : memref<!tpu.dma_semaphore, #tpu.memory_space<semaphore_mem>>) src(%arg10 : memref<2x256xf32, #tpu.memory_space<vmem>>) dst(%dma_wait3A_914 : memref<2x256xf32, #tpu.memory_space<hbm>>)
      tpu.yield
    }) : () -> ()
    return
  }
}

</mosaic_0001>

<sc_bundles>
// kernel: kernel.3.cloned.1.call-start
scs
__scs_entry_jumppad:
0x0: {  	(pc) =	sbr.rel $0x88, $3  }
0x1: {  	(tag) =	ssettag $0x0;
	lr =	simm.s32 $0x1  }
0x2: {  	[smem:$0x3F9F] =	sst lr;
	_ =	strace $0xD0000000  }
0x3: {  	_ = 	snop  }
0x4: {  	_ = 	snop  }
0x5: {  	_ = 	snop  }
0x6: {  	_ = 	snop  }
0x7: {  	_ = 	snop  }
__scs_overlays_trampoline_lowered:
0x8: {  	[smem:$0x3FAE] =	sst s0  }
0x9: {  	[smem:$0x3FAF] =	sst s1  }
0xa: {  	[smem:$0x3FB0] =	sst s2  }
0xb: {  	[smem:$0x3FB1] =	sst s3  }
0xc: {  	[smem:$0x3FB2] =	sst s4  }
0xd: {  	[smem:$0x3FB3] =	sst s5  }
0xe: {  	[smem:$0x3FB4] =	sst s6  }
0xf: {  	[smem:$0x3FB5] =	sst s7  }
0x10: {  	[smem:$0x3FB6] =	sst s8  }
0x11: {  	[smem:$0x3FB7] =	sst s9;
	s0 =	simm.s32 @!p0 $0x0  }
0x12: {  	s1 =	sld [smem:$0x3F9D];
	s0 =	simm.s32 @p0 $0x1  }
0x13: {  	[smem:$0x3FB8] =	sst s0;
	s0 =	simm.s32 @!p1 $0x0  }
0x14: {  	s2 =	sld [smem:$0x3F9C];
	s0 =	simm.s32 @p1 $0x1  }
0x15: {  	[smem:$0x3FB9] =	sst s0;
	s0 =	simm.s32 @!p2 $0x0  }
0x16: {  	s3 =	sld [smem:$0x3FDB];
	s0 =	simm.s32 @p2 $0x1  }
0x17: {  	s4 =	simm.s32 $0x1BF5;
	[smem:$0x3FBB] =	sst s0  }
0x18: {  	s0 =	sld [smem:$0x3F9E];
	_ =	swait.ge [sflag:s4], $0x0  }
0x19: {  	s7 =	sld [smem:$0x3F9F]  }
0x1a: {  	s8 =	sadd.s32 $0xFFFFE003, lr  }
0x1b: {  	s9 =	sadd.s32 $0xFFFFFEF7, lr;
	s5 =	simm.s32 $0xFFFFFFFF;
	p2 =	slt.u32 s8, $0xFFFFF086  }
0x1c: {  	p1 =	slt.u32 s9, $0xF7A;
	s5 =	simm.s32 @!p2 $0x0  }
0x1d: {  	s5 =	simm.s32 @p1 $0x1;
	p0 =	seq.s32 s7, s2  }
0x1e: {  	s7 =	smul.u32 @!p0 $0xF7A, s2;
	p2 =	seq.s32 @!p0 s5, $0x0  }
0x1f: {  	s9 =	smul.u32 $0xF7A, s1;
	s8 =	simm.s32 @!p0 $0x1BF5;
	p2 =	por !p2, p0  }
0x20: {  	[sflag:s8] =	ssyncset.s32 @!p0 $0xFFFFF086;
	s6 =	sadd.s32 @!p0 s3, s7;
	s7 =	simm.s32 @!p0 $0x108  }
0x21: {  	s3 =	sadd.s32 s3, s9;
	s6 =	sadd.s32 @!p0 $0x88, s6;
	s7 =	simm.s32 @p2 $0x1082  }
0x22: {  	[simem:s7], [sflag:s8] =	dma.local @!p0 [hbm:s6], $0xF7A  }
0x23: {  	s9 =	sor.u32 $0xD0000000, s2;
	s6 =	simm.s32 $0x108;
	_ =	swait.ge @!p0 [sflag:s8], $0x0  }
0x24: {  	s3 =	sadd.s32 $0x88, s3;
	s6 =	simm.s32 @!p1 $0x1082;
	[sflag:s4] =	ssyncset.s32 $0xFFFFF086  }
0x25: {  	[simem:s6], [sflag:s4] =	dma.local [hbm:s3], $0xF7A  }
0x26: {  	[smem:$0x3F9F] =	sst s1;
	(tag) =	ssettag s2;
	_ =	strace s9  }
0x27: {  	s1 =	sld [smem:$0x3FAF]  }
0x28: {  	s2 =	sld [smem:$0x3FB0]  }
0x29: {  	s4 =	sld [smem:$0x3FB2]  }
0x2a: {  	p0 =	seq.s32 s5, $0x0;
	s5 =	sld [smem:$0x3FB3]  }
0x2b: {  	s6 =	sld [smem:$0x3FB4]  }
0x2c: {  	s7 =	sld [smem:$0x3FB5]  }
0x2d: {  	s3 =	simm.s32 $0x108;
	s8 =	sld [smem:$0x3FB6]  }
0x2e: {  	s3 =	simm.s32 @!p0 $0x1082;
	s9 =	sld [smem:$0x3FB7]  }
0x2f: {  	lr =	sadd.s32 s0, s3;
	s0 =	sld [smem:$0x3FAE]  }
0x30: {  	s3 =	sld [smem:$0x3FB1]  }
0x31: {  	[smem:$0x3FBA] =	sst s10  }
0x32: {  	s10 =	sld [smem:$0x3FB8];
	_ =	sdelay $0x3  }
0x33: {  	p0 =	seq.s32 s10, $0x1;
	s10 =	sld [smem:$0x3FBA];
	_ =	sdelay $0x3  }
0x34: {  	[smem:$0x3FBA] =	sst s10  }
0x35: {  	s10 =	sld [smem:$0x3FB9];
	_ =	sdelay $0x3  }
0x36: {  	p1 =	seq.s32 s10, $0x1;
	s10 =	sld [smem:$0x3FBA];
	_ =	sdelay $0x3  }
0x37: {  	[smem:$0x3FBA] =	sst s10  }
0x38: {  	s10 =	sld [smem:$0x3FBB]  }
0x39: {  	_ = 	snop;
	(pc) =	sbr.ind lr, $3  }
0x3a: {  	_ = 	snop  }
0x3b: {  	_ = 	snop  }
0x3c: {  	p2 =	seq.s32 s10, $0x1;
	s10 =	sld [smem:$0x3FBA]  }
0x3d: {  	_ =	shalt  }
0x3e: {  	_ =	shalt  }
0x3f: {  	_ =	shalt  }
0x40: {  	_ =	shalt  }
0x41: {  	_ =	shalt  }
0x42: {  	_ =	shalt  }
0x43: {  	_ =	shalt  }
0x44: {  	_ =	shalt  }
0x45: {  	_ =	shalt  }
0x46: {  	_ =	shalt  }
0x47: {  	_ =	shalt  }
0x48: {  	_ =	shalt  }
0x49: {  	_ =	shalt  }
0x4a: {  	_ =	shalt  }
0x4b: {  	_ =	shalt  }
0x4c: {  	_ =	shalt  }
0x4d: {  	_ =	shalt  }
0x4e: {  	_ =	shalt  }
0x4f: {  	_ =	shalt  }
0x50: {  	_ =	shalt  }
0x51: {  	_ =	shalt  }
0x52: {  	_ =	shalt  }
0x53: {  	_ =	shalt  }
0x54: {  	_ =	shalt  }
0x55: {  	_ =	shalt  }
0x56: {  	_ =	shalt  }
0x57: {  	_ =	shalt  }
0x58: {  	_ =	shalt  }
0x59: {  	_ =	shalt  }
0x5a: {  	_ =	shalt  }
0x5b: {  	_ =	shalt  }
0x5c: {  	_ =	shalt  }
0x5d: {  	_ =	shalt  }
0x5e: {  	_ =	shalt  }
0x5f: {  	_ =	shalt  }
0x60: {  	_ =	shalt  }
0x61: {  	_ =	shalt  }
0x62: {  	_ =	shalt  }
0x63: {  	_ =	shalt  }
0x64: {  	_ =	shalt  }
0x65: {  	_ =	shalt  }
0x66: {  	_ =	shalt  }
0x67: {  	_ =	shalt  }
0x68: {  	_ =	shalt  }
0x69: {  	_ =	shalt  }
0x6a: {  	_ =	shalt  }
0x6b: {  	_ =	shalt  }
0x6c: {  	_ =	shalt  }
0x6d: {  	_ =	shalt  }
0x6e: {  	_ =	shalt  }
0x6f: {  	_ =	shalt  }
0x70: {  	_ =	shalt  }
0x71: {  	_ =	shalt  }
0x72: {  	_ =	shalt  }
0x73: {  	_ =	shalt  }
0x74: {  	_ =	shalt  }
0x75: {  	_ =	shalt  }
0x76: {  	_ =	shalt  }
0x77: {  	_ =	shalt  }
0x78: {  	_ =	shalt  }
0x79: {  	_ =	shalt  }
0x7a: {  	_ =	shalt  }
0x7b: {  	_ =	shalt  }
0x7c: {  	_ =	shalt  }
0x7d: {  	_ =	shalt  }
0x7e: {  	_ =	shalt  }
0x7f: {  	_ =	shalt  }
0x80: {  	_ =	shalt  }
0x81: {  	_ =	shalt  }
0x82: {  	_ =	shalt  }
0x83: {  	_ =	shalt  }
0x84: {  	_ =	shalt  }
0x85: {  	_ =	shalt  }
0x86: {  	_ =	shalt  }
0x87: {  	_ =	shalt  }
.Lfunc_end0:
.L_simem_size_0:
called_computation_lowered:
.L_overlay_start_0:
0x88: {  	s2 =	sld [smem:$0x3FD9]  }
0x89: {  	s3 =	sld [smem:$0x3FFE];
	_ =	sdelay $0x1  }
0x8a: {  	s1 =	srdreg.scid  }
0x8b: {  	s0 =	sand.u32 $0x1, s1  }
0x8c: {  	s17 =	sshll.u32 s0, $0xA;
	s2 =	sadd.s32 s3, s2  }
0x8d: {  	s2 =	sadd.s32 s2, s17  }
0x8e: {  	[smem:$0x3FC6] =	sst s2  }
0x8f: {  	_ = 	snop  }
0x90: {  	s2 =	sld [smem:$0x3FC9]  }
0x91: {  	s18 =	sld [smem:$0x3FC8];
	(tm) =	ssettm $0x1  }
0x92: {  	s4 =	sld [smem:$0x3FFB];
	_ =	sdelay $0x3  }
0x93: {  	_ =	strace s4  }
0x94: {  	s4 =	sld [smem:$0x3FFC];
	_ =	sdelay $0x3  }
0x95: {  	_ =	strace s4  }
0x96: {  	s4 =	sld [smem:$0x3FFD];
	_ =	sdelay $0x3  }
0x97: {  	_ =	strace s4  }
0x98: {  	_ =	strace $0x8FFFFFFF  }
0x99: {  	s19 =	sld [smem:$0x3FDB];
	_ =	sdelay $0x1  }
0x9a: {  	s5 =	simm.s32 $_scs_section_size  }
0x9b: {  	s6 =	simm.s32 $_size__tile_overlayer_lowered;
	s7 =	simm.s32 $_tile_overlayer_lowered  }
0x9c: {  	s22 =	simm.s32 $0x1BFF;
	s21 =	sshll.u32 s7, $0x1;
	s4 =	sadd.s32 s5, s19  }
0x9d: {  	s8 =	simm.s32 $0x0;
	s20 =	sshll.u32 s6, $0x1;
	s6 =	sadd.s32 s21, s4  }
0x9e: {  	[timem:s8], [sflag:s22] =	dma.local [hbm:s6], s20  }
0x9f: {  	_ =	swait.ge [sflag:s22], s20  }
0xa0: {  	s5 =	ssub.s32 $0x0, s20;
	[sflag:s22] =	ssyncset.done $0x0  }
0xa1: {  	[sflag:s22] =	ssyncadd.s32 s5;
	_ =	sdelay $0x1  }
0xa2: {  	s23 =	simm.s32 $0x1B8B  }
0xa3: {  	_ =	swait.ge [sflag:s23], $0x1  }
0xa4: {  	[sflag:s23] =	ssyncset.done $0x0  }
0xa5: {  	s25 =	simm.s32 $0x1B8E;
	s24 =	sld [smem:$0x3FFE];
	[sflag:s23] =	ssyncadd.s32 $0xFFFFFFFF  }
0xa6: {  	s26 =	simm.s32 $execute0_lowered;
	[smem:$0x3FD2] =	sst s25  }
0xa7: {  	s6 =	sshll.u32 s26, $0x1;
	_ =	strace $0x80000046;
	[dreg:$0x1] =	wrdreg $0xFFFFFFFF  }
0xa8: {  	s28 =	simm.s32 $_size_execute0_lowered;
	s4 =	sadd.s32 s4, s6;
	[dreg:$0x0] =	wrdreg $0x0  }
0xa9: {  	s6 =	sshll.u32 s28, $0x1;
	[dreg:$0x2] =	wrdreg s4  }
0xaa: {  	[dreg:$0x3] =	wrdreg s6  }
0xab: {  	[dreg:$0x4] =	wrdreg $0xC0  }
0xac: {  	_ =	task [dreg:s8], $0x5FFFF  }
0xad: {  	[dreg:$0x1] =	wrdreg $0xFFFFFFFF  }
0xae: {  	[dreg:$0x0] =	wrdreg $0x60  }
0xaf: {  	[dreg:$0x2] =	wrdreg s2  }
0xb0: {  	[dreg:$0x3] =	wrdreg s18  }
0xb1: {  	[dreg:$0x4] =	wrdreg s24  }
0xb2: {  	[dreg:$0x5] =	wrdreg $0x1DEC00  }
0xb3: {  	[dreg:$0x6] =	wrdreg $0x9  }
0xb4: {  	_ =	task.clear_ibuf [dreg:s8], $0x7FFFF;
	_ =	strace $0x90000046  }
0xb5: {  	s29 =	simm.s32 $0x9;
	_ =	strace $0x80000048  }
0xb6: {  	_ =	swait.ge [sflag:s29], $0x1  }
0xb7: {  	[sflag:s29] =	ssyncadd.s32 $0xFFFFFFFF  }
0xb8: {  	_ =	strace $0x90000048  }
0xb9: {  	_ =	sfence  }
0xba: {  	s30 =	sld [smem:$0x0];
	_ =	sdelay $0x2  }
0xbb: {  	s31 =	sshll.u32 s1, $0xD;
	s1 =	sshrl.u32 s1, $0x2  }
0xbc: {  	s3 =	sand.u32 $0x4000, s31;
	s1 =	sadd.s32 s1, s30  }
0xbd: {  	s0 =	sor.u32 s3, s0;
	s1 =	sshll.u32 s1, $0x11  }
0xbe: {  	s0 =	sor.u32 s1, s0  }
0xbf: {  	s0 =	sadd.s32 $0x8F2B, s0  }
0xc0: {  	[sflag:s0] =	ssyncadd.remote.s32 $0x1  }
0xc1: {  	_ =	sfence.sel $0xFFFF  }
0xc2: {  	[dreg:$0x0] =	wrdreg $0xFFFFFFFF;
	(pc) =	sbr.abs _section_cstart, $3  }
0xc3: {  	[dreg:$0x1] =	wrdreg $0xFFFFFFFF  }
0xc4: {  	_ =	task.clear_ibuf [dreg:s8], $0x2FFFF;
	_ =	strace $0x9FFFFFFF  }
0xc5: {  	(tm) =	ssettm $0x7FFFFFFF  }
tec
execute0_lowered:
.L_overlay_start_1:
0x0: {  	(tag) =	ssettag $0x1  }
0x1: {  	s10 =	stileid.u32;
	s2 =	srdreg.scid  }
0x2: {  	s6 =	smul.u32 $0x1880, s10;
	s2 =	sand.u32 $0x1, s2  }
0x3: {  	s1 =	rddreg [dreg:$0x0];
	v2 =	vlaneseq.u32;
	v3 =	vimm.s32 $0x0;
	v4 =	vimm.s32 $0x1;
	s5 =	sshll.u32 s10, $0x2;
	s8 =	sshll.u32 s2, $0x1  }
0x4: {  	s0 =	rddreg [dreg:$0x1];
	v8 =	vimm.s32 $0x0;
	v62 =	vimm.s32 $0x0;
	v7 =	vor.u32 $0x30, v2;
	s3 =	smin.u32 s6, $0x16E20;
	s8 =	sor.u32 s8, s5  }
0x5: {  	s7 =	rddreg [dreg:$0x2];
	v63 =	vor.u32 $0x20, v2;
	v9 =	vor.u32 $0x10, v2;
	v0 =	vmov s6;
	s9 =	sadd.s32 $0x1880, s3;
	s25 =	sor.u32 $0x1, s8  }
0x6: {  	s4 =	rddreg [dreg:$0x3];
	v5 =	vmov s8;
	v1 =	vmov s9;
	v6 =	vmov s25  }
0x7: {  	s11 =	simm.s32 $0x1880;
	s19 =	simm.s32 $0x0;
	s31 =	sshll.u32 s10, $0x6;
	vm8 =	veq.s32 v5, v7;
	vm9 =	vgt.u32 v5, v7;
	vm10 =	veq.s32 v5, v63  }
.Ltmp0:
0x8: {  	s2 =	ssub.s32 $0x2, s2;
	s5 =	simm.s32 $0x0;
	vm11 =	vgt.u32 v5, v63;
	vm12 =	veq.s32 v5, v9;
	vm13 =	vgt.u32 v5, v9;
	(pc) =	sbr.rel .LBB2_1-.Ltmp0, $4  }
0x9: {  	s10 =	simm.s32 $0x9;
	s29 =	sshrl.u32 s2, $0x1;
	[smem:$0x7FF] =	sst s5;
	vm14 =	veq.s32 v5, v2;
	vm15 =	vgt.u32 v5, v2;
	vm0 =	veq.s32 v6, v7  }
0xa: {  	s26 =	sshll.u32 s8, $0x5;
	s30 =	sshrl.u32 s3, $0x3;
	s2 =	ssub.s32 s2, s29;
	vm2 =	veq.s32 v6, v63;
	v8 =	vsel vm0, $0xFFFFFFFF, v8;
	vm0 =	vgt.u32 v6, v7  }
0xb: {  	_ =	strace $0x80000047;
	s28 =	sadd.s32 s26, s7;
	s6 =	sadd.s32 s0, s30;
	vm3 =	vgt.u32 v6, v63;
	vm4 =	veq.s32 v6, v9;
	[tilespmem:$0x1FFE0] =	vst v8;
	v8 =	vsel vm0, $0xFFFFFFFF, v62  }
0xc: {  	s7 =	sadd.s32 s31, s4;
	s9 =	smax.u32 s2, $0x1;
	s8 =	sadd.s32 $0x400, s28;
	vm5 =	vgt.u32 v6, v9;
	vm6 =	veq.s32 v6, v2;
	vm7 =	vgt.u32 v6, v2;
	[tilespmem:$0x1FFF0] =	vst v8  }
.LBB2_42:
0xd: {  	s0 =	scvt.s32.f32 s20;
	_ =	sdelay $0x1  }
0xe: {  	s0 =	smax.f32 s0, $1.000000000e+00  }
0xf: {  	v17 =	vmov s0  }
0x10: {  	(erf) = vrcp.f32 v17;
	_ =	sdelay $0x3  }
0x11: {  	[tilespmem:$0x1DE40] =	vst v8  }
0x12: {  	[tilespmem:$0x1DE50] =	vst v10  }
0x13: {  	[tilespmem:$0x1DE60] =	vst v9  }
0x14: {  	[tilespmem:$0x1DE70] =	vst v18  }
0x15: {  	[tilespmem:$0x1DE80] =	vst v11  }
0x16: {  	[tilespmem:$0x1DE90] =	vst v7;
	v17 =	vpop (erf)  }
0x17: {  	[tilespmem:$0x1DEA0] =	vst v6;
	v12 =	vmul.f32 v12, v17  }
0x18: {  	[tilespmem:$0x1DEB0] =	vst v5;
	v58 =	vmul.f32 v14, v17  }
0x19: {  	v59 =	vmul.f32 v16, v17;
	[tilespmem:$0x1DDC0] =	vst v12  }
0x1a: {  	v60 =	vmul.f32 v23, v17;
	[tilespmem:$0x1DDD0] =	vst v58  }
0x1b: {  	v61 =	vmul.f32 v22, v17;
	[tilespmem:$0x1DDE0] =	vst v59  }
0x1c: {  	v62 =	vmul.f32 v21, v17;
	[tilespmem:$0x1DDF0] =	vst v60  }
0x1d: {  	v63 =	vmul.f32 v15, v17;
	[tilespmem:$0x1DE00] =	vst v61  }
0x1e: {  	s19 =	sadd.s32 $0x1, s19;
	v7 =	vmul.f32 v13, v17;
	[tilespmem:$0x1DE10] =	vst v62  }
0x1f: {  	p0 =	sne.s32 s19, s9;
	[tilespmem:$0x1DE20] =	vst v63  }
.Ltmp1:
0x20: {  	s31 =	simm.s32 $0x1DCC0;
	[tilespmem:$0x1DE30] =	vst v7;
	(pc) =	sbr.rel @!p0 .LBB2_43-.Ltmp1, $4  }
0x21: {  	[hbm4b:s8+s5] =	stream.linear.scatter [tilespmem:s31], [sflag:$0x9], $0x200, $0x38;
	[tilespmem:$0x1DF00] =	vst v63  }
0x22: {  	_ =	swait.ge [sflag:s10], $0x200  }
0x23: {  	[sflag:s10] =	ssyncset.done $0x0  }
0x24: {  	[sflag:s10] =	ssyncadd.s32 $0xFFFFFE00  }
.LBB2_1:
0x25: {  	[tilespmem:s5], [sflag:$0x9] =	stream.linear.gather [hbm4b:s6+s5], $0x1880, $0x38;
	[tilespmem:$0x1DF00] =	vst v63  }
0x26: {  	_ =	swait.ge [sflag:s10], $0x1880  }
0x27: {  	[sflag:s10] =	ssyncset.done $0x0  }
0x28: {  	[sflag:s10] =	ssyncadd.s32 $0xFFFFE780  }
0x29: {  	[tilespmem:$0x1880] =	vst v3  }
0x2a: {  	[tilespmem:$0x1890] =	vst v3  }
0x2b: {  	[tilespmem:$0x18A0] =	vst v3  }
0x2c: {  	s0 =	simm.s32 $0x20;
	s2 =	simm.s32 $0x0;
	[tilespmem:$0x18B0] =	vst v3  }
.LBB2_2:
0x2d: {  	s14 =	sadd.s32 s2, s3  }
0x2e: {  	v5 =	vld [tilespmem:s0+$0xFFFFFFE0];
	v6 =	vor.u32 s14, v2  }
0x2f: {  	vm0 =	vge.u32 v6, v0;
	vm1 =	vlt.u32 v6, v1  }
0x30: {  	vm0 =	vmand vm0, vm1;
	_ =	sdelay $0x5  }
0x31: {  	s15 =	sadd.s32 $0x10, s14;
	[tilespmem:v5+s11+$0x0] =	vst.idx.add.s32.msk vm0, v4  }
0x32: {  	v6 =	vor.u32 s15, v2;
	v5 =	vld [tilespmem:s0+$0xFFFFFFF0]  }
0x33: {  	vm1 =	vlt.u32 v6, v1;
	vm0 =	vge.u32 v6, v0  }
0x34: {  	vm0 =	vmand vm0, vm1;
	_ =	sdelay $0x5  }
0x35: {  	s31 =	sadd.s32 $0x20, s14;
	[tilespmem:v5+s11+$0x0] =	vst.idx.add.s32.msk vm0, v4  }
0x36: {  	v6 =	vor.u32 s31, v2;
	v5 =	vld [tilespmem:s0+$0x0]  }
0x37: {  	vm1 =	vlt.u32 v6, v1;
	vm0 =	vge.u32 v6, v0  }
0x38: {  	vm0 =	vmand vm0, vm1;
	_ =	sdelay $0x5  }
0x39: {  	s14 =	sadd.s32 $0x30, s14;
	[tilespmem:v5+s11+$0x0] =	vst.idx.add.s32.msk vm0, v4  }
0x3a: {  	v6 =	vor.u32 s14, v2;
	v5 =	vld [tilespmem:s0+$0x10]  }
0x3b: {  	vm1 =	vlt.u32 v6, v1;
	vm0 =	vge.u32 v6, v0  }
0x3c: {  	vm0 =	vmand vm0, vm1  }
0x3d: {  	p0 =	sne.s32 s2, $0x1840  }
.Ltmp2:
0x3e: {  	_ = 	snop;
	(pc) =	sbr.rel @p0 .LBB2_2-.Ltmp2, $2  }
0x3f: {  	_ =	sdelay $0x2  }
0x40: {  	s2 =	sadd.s32 $0x40, s2;
	s0 =	sadd.s32 $0x40, s0;
	[tilespmem:v5+s11+$0x0] =	vst.idx.add.s32.msk vm0, v4  }
0x41: {  	[spmem:s7] =	stream.linear.scatter [tilespmem:s11], [sflag:$0x9], $0x40, $0x38;
	[tilespmem:$0x1DF00] =	vst v63  }
0x42: {  	_ =	swait.ge [sflag:s10], $0x40  }
0x43: {  	[sflag:s10] =	ssyncset.done $0x0  }
0x44: {  	[sflag:s10] =	ssyncadd.s32 $0xFFFFFFC0  }
0x45: {  	s0 =	simm.s32 $0x18C0;
	[bflag:$0x0] =	sbarrier.arrive $0xFFFF  }
0x46: {  	[tilespmem:s0], [sflag:$0x9] =	stream.linear.gather [spmem:s4], $0x400, $0x38;
	[tilespmem:$0x1DF00] =	vst v63  }
0x47: {  	_ =	swait.ge [sflag:s10], $0x400  }
0x48: {  	[sflag:s10] =	ssyncset.done $0x0  }
0x49: {  	[sflag:s10] =	ssyncadd.s32 $0xFFFFFC00  }
0x4a: {  	v5 =	vld [tilespmem:$0x18C0]  }
0x4b: {  	v6 =	vld [tilespmem:$0x1900]  }
0x4c: {  	v7 =	vld [tilespmem:$0x1940]  }
0x4d: {  	v8 =	vld [tilespmem:$0x1980]  }
0x4e: {  	v9 =	vld [tilespmem:$0x19C0]  }
0x4f: {  	v10 =	vld [tilespmem:$0x1A00]  }
0x50: {  	v11 =	vld [tilespmem:$0x1A40]  }
0x51: {  	v12 =	vld [tilespmem:$0x1A80]  }
0x52: {  	v13 =	vld [tilespmem:$0x1AC0]  }
0x53: {  	v14 =	vld [tilespmem:$0x1B00]  }
0x54: {  	v15 =	vld [tilespmem:$0x1B40]  }
0x55: {  	v16 =	vld [tilespmem:$0x1B80]  }
0x56: {  	v17 =	vld [tilespmem:$0x1BC0]  }
0x57: {  	v18 =	vld [tilespmem:$0x1C00]  }
0x58: {  	v19 =	vld [tilespmem:$0x1C40]  }
0x59: {  	v20 =	vld [tilespmem:$0x1C80]  }
0x5a: {  	v21 =	vld [tilespmem:$0x18D0]  }
0x5b: {  	v22 =	vld [tilespmem:$0x1910]  }
0x5c: {  	v23 =	vld [tilespmem:$0x1950]  }
0x5d: {  	v24 =	vld [tilespmem:$0x1990]  }
0x5e: {  	v25 =	vld [tilespmem:$0x19D0]  }
0x5f: {  	v26 =	vld [tilespmem:$0x1A10]  }
0x60: {  	v27 =	vld [tilespmem:$0x1A50]  }
0x61: {  	v28 =	vld [tilespmem:$0x1A90]  }
0x62: {  	v29 =	vld [tilespmem:$0x1AD0]  }
0x63: {  	v30 =	vld [tilespmem:$0x1B10]  }
0x64: {  	v31 =	vld [tilespmem:$0x1B50]  }
0x65: {  	v32 =	vld [tilespmem:$0x1B90]  }
0x66: {  	v33 =	vld [tilespmem:$0x1BD0]  }
0x67: {  	v34 =	vld [tilespmem:$0x1C10]  }
0x68: {  	v35 =	vld [tilespmem:$0x1C50]  }
0x69: {  	v36 =	vld [tilespmem:$0x1C90]  }
0x6a: {  	v37 =	vld [tilespmem:$0x18E0]  }
0x6b: {  	v38 =	vld [tilespmem:$0x1920]  }
0x6c: {  	v39 =	vld [tilespmem:$0x1960]  }
0x6d: {  	v40 =	vld [tilespmem:$0x19A0]  }
0x6e: {  	v41 =	vld [tilespmem:$0x19E0]  }
0x6f: {  	v42 =	vld [tilespmem:$0x1A20]  }
0x70: {  	v43 =	vld [tilespmem:$0x1A60]  }
0x71: {  	v53 =	vld [tilespmem:$0x1B20]  }
0x72: {  	v54 =	vld [tilespmem:$0x1B60];
	v5 =	vadd.s32 v5, v6  }
0x73: {  	v55 =	vld [tilespmem:$0x1BA0];
	v5 =	vadd.s32 v7, v5  }
0x74: {  	v56 =	vld [tilespmem:$0x1BE0];
	v5 =	vadd.s32 v8, v5  }
0x75: {  	v57 =	vld [tilespmem:$0x1C20];
	v5 =	vadd.s32 v9, v5  }
0x76: {  	v58 =	vld [tilespmem:$0x1C60];
	v5 =	vadd.s32 v10, v5  }
0x77: {  	v61 =	vld [tilespmem:$0x18F0];
	v5 =	vadd.s32 v11, v5  }
0x78: {  	v62 =	vld [tilespmem:$0x1930];
	v5 =	vadd.s32 v12, v5  }
0x79: {  	v59 =	vld [tilespmem:$0x1CA0];
	v5 =	vadd.s32 v13, v5  }
0x7a: {  	v63 =	vld [tilespmem:$0x1970];
	v60 =	vadd.s32 v21, v22;
	v5 =	vadd.s32 v14, v5  }
0x7b: {  	v6 =	vld [tilespmem:$0x1AA0];
	v5 =	vadd.s32 v15, v5;
	v15 =	vadd.s32 v23, v60  }
0x7c: {  	v7 =	vld [tilespmem:$0x1AE0];
	v5 =	vadd.s32 v16, v5;
	v15 =	vadd.s32 v24, v15  }
0x7d: {  	v24 =	vld [tilespmem:$0x19B0];
	v16 =	vadd.s32 v61, v62;
	v5 =	vadd.s32 v17, v5;
	v15 =	vadd.s32 v25, v15  }
0x7e: {  	v25 =	vadd.s32 v37, v38;
	v5 =	vadd.s32 v18, v5;
	v15 =	vadd.s32 v26, v15;
	v26 =	vld [tilespmem:$0x19F0]  }
0x7f: {  	v37 =	vld [tilespmem:$0x1A30];
	v5 =	vadd.s32 v19, v5;
	v15 =	vadd.s32 v27, v15;
	v19 =	vadd.s32 v39, v25  }
0x80: {  	v38 =	vld [tilespmem:$0x1A70];
	v16 =	vadd.s32 v63, v16;
	v15 =	vadd.s32 v28, v15;
	v19 =	vadd.s32 v40, v19  }
0x81: {  	v39 =	vld [tilespmem:$0x1AB0];
	v5 =	vadd.s32 v20, v5;
	v15 =	vadd.s32 v29, v15;
	v19 =	vadd.s32 v41, v19  }
0x82: {  	v40 =	vld [tilespmem:$0x1AF0];
	v16 =	vadd.s32 v24, v16;
	v48 =	vnsel vm15, $0x0, v5;
	v19 =	vadd.s32 v42, v19  }
0x83: {  	v41 =	vld [tilespmem:$0x1B30];
	v49 =	vnsel vm14, $0x0, v5;
	v19 =	vadd.s32 v43, v19;
	v16 =	vadd.s32 v26, v16  }
0x84: {  	v15 =	vadd.s32 v30, v15;
	v42 =	vld [tilespmem:$0x1B70];
	v6 =	vadd.s32 v6, v19;
	v16 =	vadd.s32 v37, v16  }
0x85: {  	v15 =	vadd.s32 v31, v15;
	v43 =	vld [tilespmem:$0x1BB0];
	v6 =	vadd.s32 v7, v6;
	v7 =	vadd.s32 v38, v16  }
0x86: {  	v44 =	vld [tilespmem:$0x1BF0];
	v15 =	vadd.s32 v32, v15;
	v6 =	vadd.s32 v53, v6;
	v7 =	vadd.s32 v39, v7  }
0x87: {  	v45 =	vld [tilespmem:$0x1C30];
	v15 =	vadd.s32 v33, v15;
	v6 =	vadd.s32 v54, v6;
	v7 =	vadd.s32 v40, v7  }
0x88: {  	v46 =	vld [tilespmem:$0x1C70];
	v15 =	vadd.s32 v34, v15;
	v6 =	vadd.s32 v55, v6;
	v7 =	vadd.s32 v41, v7  }
0x89: {  	v47 =	vld [tilespmem:$0x1CB0];
	v15 =	vadd.s32 v35, v15;
	v6 =	vadd.s32 v56, v6;
	v7 =	vadd.s32 v42, v7  }
0x8a: {  	(xrf0) =	vadd.scan.msk.s32 $0xffff, v48;
	v15 =	vadd.s32 v36, v15;
	v6 =	vadd.s32 v57, v6;
	v7 =	vadd.s32 v43, v7  }
0x8b: {  	(xrf0) =	vadd.scan.msk.s32 $0xffff, v49;
	v50 =	vnsel vm13, $0x0, v15;
	v6 =	vadd.s32 v58, v6;
	v7 =	vadd.s32 v44, v7  }
0x8c: {  	v51 =	vnsel vm12, $0x0, v15;
	(xrf0) =	vadd.scan.msk.s32 $0xffff, v50;
	v6 =	vadd.s32 v59, v6;
	v7 =	vadd.s32 v45, v7  }
0x8d: {  	(xrf0) =	vadd.scan.msk.s32 $0xffff, v51;
	v7 =	vadd.s32 v46, v7;
	v52 =	vnsel vm11, $0x0, v6  }
0x8e: {  	v53 =	vnsel vm10, $0x0, v6;
	v7 =	vadd.s32 v47, v7;
	(xrf0) =	vadd.scan.msk.s32 $0xffff, v52  }
0x8f: {  	(xrf0) =	vadd.scan.msk.s32 $0xffff, v53;
	v54 =	vnsel vm9, $0x0, v7  }
0x90: {  	v55, _, _ =	vpop (xrf0);
	v56 =	vnsel vm8, $0x0, v7;
	(xrf0) =	vadd.scan.msk.s32 $0xffff, v54  }
0x91: {  	v57, _, _ =	vpop (xrf0);
	v58 =	vnsel vm7, $0x0, v5;
	(xrf0) =	vadd.scan.msk.s32 $0xffff, v56  }
0x92: {  	v5 =	vnsel vm6, $0x0, v5;
	v59, _, _ =	vpop (xrf0);
	(xrf0) =	vadd.scan.msk.s32 $0xffff, v58  }
0x93: {  	v60, _, _ =	vpop (xrf0);
	(xrf0) =	vadd.scan.msk.s32 $0xffff, v5;
	v5 =	vnsel vm5, $0x0, v15  }
0x94: {  	v61, _, _ =	vpop (xrf0);
	(xrf0) =	vadd.scan.msk.s32 $0xffff, v5;
	v5 =	vnsel vm4, $0x0, v15  }
0x95: {  	v62, _, _ =	vpop (xrf0);
	(xrf0) =	vadd.scan.msk.s32 $0xffff, v5;
	v5 =	vnsel vm3, $0x0, v6  }
0x96: {  	v63, _, _ =	vpop (xrf0);
	(xrf0) =	vadd.scan.msk.s32 $0xffff, v5;
	v5 =	vnsel vm2, $0x0, v6  }
0x97: {  	(v2sf) =	vpush v55, $0xF;
	v6, _, _ =	vpop (xrf0);
	(xrf0) =	vadd.scan.msk.s32 $0xffff, v5;
	v5 =	vld [tilespmem:$0x1FFF0]  }
0x98: {  	(v2sf) =	vpush v57, $0xF  }
0x99: {  	(v2sf) =	vpush v59, $0xF  }
0x9a: {  	(v2sf) =	vpush v60, $0xF  }
0x9b: {  	(v2sf) =	vpush v61, $0xF  }
0x9c: {  	(v2sf) =	vpush v62, $0xF;
	vm0 =	vnez.u8 v5  }
0x9d: {  	(v2sf) =	vpush v63, $0xF;
	v5 =	vnsel vm0, $0x0, v7  }
0x9e: {  	(v2sf) =	vpush v6, $0xF;
	v6, _, _ =	vpop (xrf0);
	(xrf0) =	vadd.scan.msk.s32 $0xffff, v5;
	v5 =	vld [tilespmem:$0x1FFE0];
	_ =	sdelay $0x4  }
0x9f: {  	vm0 =	vnez.u8 v5  }
0xa0: {  	v5 =	vnsel vm0, $0x0, v7;
	_ =	sdelay $0x1  }
0xa1: {  	(v2sf) =	vpush v6, $0xF;
	v6, _, _ =	vpop (xrf0);
	(xrf0) =	vadd.scan.msk.s32 $0xffff, v5  }
0xa2: {  	(v2sf) =	vpush v6, $0xF;
	v5, _, _ =	vpop (xrf0)  }
0xa3: {  	v6, _, _ =	vpop (xrf0);
	(v2sf) =	vpush v5, $0xF  }
0xa4: {  	v5, _, _ =	vpop (xrf0);
	(v2sf) =	vpush v6, $0xF  }
0xa5: {  	v6, _, _ =	vpop (xrf0);
	(v2sf) =	vpush v5, $0xF  }
0xa6: {  	v5, _, _ =	vpop (xrf0);
	(v2sf) =	vpush v6, $0xF  }
0xa7: {  	(v2sf) =	vpush v5, $0xF;
	v5, _, _ =	vpop (xrf0)  }
0xa8: {  	s30 =	spop (v2sf);
	(v2sf) =	vpush v5, $0xF  }
0xa9: {  	s2 =	spop (v2sf)  }
0xaa: {  	s14 =	spop (v2sf)  }
0xab: {  	s15 =	spop (v2sf)  }
0xac: {  	s16 =	spop (v2sf)  }
0xad: {  	s17 =	spop (v2sf)  }
0xae: {  	s21 =	spop (v2sf)  }
0xaf: {  	s20 =	spop (v2sf)  }
0xb0: {  	s22 =	spop (v2sf)  }
0xb1: {  	s2 =	sadd.s32 s2, s15;
	s23 =	spop (v2sf)  }
0xb2: {  	s2 =	sadd.s32 s17, s2;
	s24 =	spop (v2sf)  }
0xb3: {  	s25 =	sadd.s32 s20, s2;
	s31 =	spop (v2sf)  }
0xb4: {  	s0 =	sadd.s32 s30, s14;
	p0 =	slt.s32 s25, $0x1;
	s12 =	spop (v2sf)  }
0xb5: {  	s17 =	sadd.s32 s22, s24;
	s24 =	sshra.s32 s25, $0x1F;
	s13 =	spop (v2sf)  }
0xb6: {  	s14 =	sadd.s32 s23, s31;
	s23 =	sand.u32 $0x7F, s25;
	s18 =	spop (v2sf)  }
0xb7: {  	p1 =	sne.s32 s23, $0x0;
	s2 =	sadd.s32 s13, s14;
	s22 =	spop (v2sf)  }
0xb8: {  	s26 =	sshrl.u32 s24, $0x19;
	p0 =	por !p0, !p1;
	s20 =	sadd.s32 s22, s2  }
0xb9: {  	s14 =	simm.s32 $0x1;
	p0 =	por !p0, !p0;
	s28 =	sand.u32 $0x7F, s20  }
0xba: {  	s2 =	sadd.s32 s26, s25;
	p6 =	slt.s32 s20, $0x1;
	p5 =	sne.s32 s28, $0x0  }
0xbb: {  	s14 =	simm.s32 @!p0 $0x0;
	s2 =	sshra.s32 s2, $0x7;
	p0 =	por !p6, !p5  }
0xbc: {  	s24 =	ssub.s32 s2, s14;
	s14 =	simm.s32 $0x1;
	p0 =	por !p0, !p0  }
0xbd: {  	s14 =	simm.s32 @!p0 $0x0;
	p0 =	sgt.s32 s24, $0x0  }
.Ltmp3:
0xbe: {  	s30 =	sshra.s32 s20, $0x1F;
	(pc) =	sbr.rel @!p0 .LBB2_4-.Ltmp3, $4  }
0xbf: {  	s31 =	sshrl.u32 s30, $0x19  }
0xc0: {  	s2 =	sadd.s32 s31, s20  }
0xc1: {  	s0 =	sadd.s32 s16, s0;
	s15 =	sadd.s32 s12, s17;
	s2 =	sshra.s32 s2, $0x7  }
0xc2: {  	s29 =	sadd.s32 s21, s0;
	s21 =	sadd.s32 s18, s15;
	s22 =	ssub.s32 s2, s14  }
0xc3: {  	p0 =	sne.s32 s24, $0x1  }
.Ltmp4:
0xc4: {  	_ = 	snop;
	(pc) =	sbr.rel @!p0 .LBB2_6-.Ltmp4, $4  }
0xc5: {  	s0 =	sshll.u32 s29, $0x4  }
0xc6: {  	s0 =	sand.u32 $0x1FFFFFF0, s0  }
0xc7: {  	s2 =	simm.s32 $0x1CC0;
	s0 =	sadd.s32 s1, s0  }
0xc8: {  	[tilespmem:s2], [sflag:$0x1] =	stream.linear.gather [hbm4b:s0+s5], $0x4000, $0x38;
	[tilespmem:$0x1DF00] =	vst v63  }
0xc9: {  	p0 =	sgt.u32 s24, $0x2  }
.Ltmp5:
0xca: {  	s0 =	sshll.u32 s29, $0x7;
	(pc) =	sbr.rel @!p0 .LBB2_8-.Ltmp5, $4  }
0xcb: {  	s2 =	sadd.s32 $0x4000, s0  }
0xcc: {  	s2 =	sshrl.u32 s2, $0x3  }
0xcd: {  	s12 =	simm.s32 $0x5CC0;
	s2 =	sadd.s32 s1, s2  }
0xce: {  	[tilespmem:s12], [sflag:$0x2] =	stream.linear.gather [hbm4b:s2+s5], $0x4000, $0x38;
	[tilespmem:$0x1DF00] =	vst v63  }
0xcf: {  	p0 =	sne.s32 s24, $0x3  }
.Ltmp6:
0xd0: {  	_ = 	snop;
	(pc) =	sbr.rel @!p0 .LBB2_10-.Ltmp6, $4  }
0xd1: {  	s2 =	sadd.s32 $0x8000, s0  }
0xd2: {  	s2 =	sshrl.u32 s2, $0x3  }
0xd3: {  	s12 =	simm.s32 $0x9CC0;
	s2 =	sadd.s32 s1, s2  }
0xd4: {  	[tilespmem:s12], [sflag:$0x3] =	stream.linear.gather [hbm4b:s2+s5], $0x4000, $0x38;
	[tilespmem:$0x1DF00] =	vst v63  }
0xd5: {  	p0 =	slt.u32 s24, $0x5  }
.Ltmp7:
0xd6: {  	_ = 	snop;
	(pc) =	sbr.rel @p0 .LBB2_11-.Ltmp7, $4  }
0xd7: {  	s2 =	sadd.s32 $0xC000, s0  }
0xd8: {  	s2 =	sshrl.u32 s2, $0x3  }
0xd9: {  	s12 =	simm.s32 $0xDCC0;
	s2 =	sadd.s32 s1, s2  }
0xda: {  	[tilespmem:s12], [sflag:$0x4] =	stream.linear.gather [hbm4b:s2+s5], $0x4000, $0x38;
	[tilespmem:$0x1DF00] =	vst v63  }
.Ltmp8:
0xdb: {  	(pc) =	sbr.rel .LBB2_15-.Ltmp8, $2  }
0xdc: {  	_ =	sdelay $0x2  }
0xdd: {  	s0 =	sadd.s32 $0x10000, s0  }
.LBB2_4:
0xde: {  	s0 =	ssub.s32 $0x0, s24  }
0xdf: {  	p0 =	sle.s32 s22, s0  }
0xe0: {  	s0 =	sshll.u32 @!p0 s0, $0xE;
	s2 =	sshll.u32 @!p0 s21, $0x7  }
0xe1: {  	s0 =	sadd.s32 @!p0 s2, s0  }
0xe2: {  	s0 =	sshrl.u32 @!p0 s0, $0x3  }
0xe3: {  	s14 =	simm.s32 @!p0 $0x1CC0;
	s2 =	simm.s32 @!p0 $0x0;
	s0 =	sadd.s32 @!p0 s1, s0  }
0xe4: {  	[tilespmem:s14], [sflag:$0x1] =	stream.linear.gather @!p0 [hbm4b:s0+s2], $0x4000, $0x38;
	[tilespmem:$0x1DF00] =	vst v63  }
.LBB2_6:
0xe5: {  	s0 =	ssub.s32 $0x1, s24  }
0xe6: {  	p0 =	sge.s32 s0, s22  }
0xe7: {  	s0 =	sshll.u32 @!p0 s0, $0xE;
	s2 =	sshll.u32 @!p0 s21, $0x7  }
0xe8: {  	s0 =	sadd.s32 @!p0 s2, s0  }
0xe9: {  	s0 =	sshrl.u32 @!p0 s0, $0x3  }
0xea: {  	s14 =	simm.s32 @!p0 $0x5CC0;
	s2 =	simm.s32 @!p0 $0x0;
	s0 =	sadd.s32 @!p0 s1, s0  }
0xeb: {  	[tilespmem:s14], [sflag:$0x2] =	stream.linear.gather @!p0 [hbm4b:s0+s2], $0x4000, $0x38;
	[tilespmem:$0x1DF00] =	vst v63  }
.LBB2_8:
0xec: {  	s0 =	ssub.s32 $0x2, s24  }
0xed: {  	p0 =	sge.s32 s0, s22  }
0xee: {  	s0 =	sshll.u32 @!p0 s0, $0xE;
	s2 =	sshll.u32 @!p0 s21, $0x7  }
0xef: {  	s0 =	sadd.s32 @!p0 s2, s0  }
0xf0: {  	s0 =	sshrl.u32 @!p0 s0, $0x3  }
0xf1: {  	s14 =	simm.s32 @!p0 $0x9CC0;
	s2 =	simm.s32 @!p0 $0x0;
	s0 =	sadd.s32 @!p0 s1, s0  }
0xf2: {  	[tilespmem:s14], [sflag:$0x3] =	stream.linear.gather @!p0 [hbm4b:s0+s2], $0x4000, $0x38;
	[tilespmem:$0x1DF00] =	vst v63  }
.LBB2_10:
0xf3: {  	s0 =	ssub.s32 $0x3, s24  }
0xf4: {  	p0 =	sge.s32 s0, s22  }
0xf5: {  	s0 =	sshll.u32 @!p0 s0, $0xE;
	s2 =	sshll.u32 @!p0 s21, $0x7  }
0xf6: {  	s0 =	sadd.s32 @!p0 s2, s0  }
0xf7: {  	s0 =	sshrl.u32 @!p0 s0, $0x3  }
0xf8: {  	s14 =	simm.s32 @!p0 $0xDCC0;
	s2 =	simm.s32 @!p0 $0x0;
	s0 =	sadd.s32 @!p0 s1, s0  }
0xf9: {  	[tilespmem:s14], [sflag:$0x4] =	stream.linear.gather @!p0 [hbm4b:s0+s2], $0x4000, $0x38;
	[tilespmem:$0x1DF00] =	vst v63  }
.LBB2_11:
0xfa: {  	s0 =	ssub.s32 $0x4, s24  }
0xfb: {  	p0 =	sge.s32 s0, s22  }
.Ltmp9:
0xfc: {  	_ = 	snop;
	(pc) =	sbr.rel @p0 .LBB2_16-.Ltmp9, $1  }
0xfd: {  	_ =	sdelay $0x3  }
0xfe: {  	s0 =	sshll.u32 s0, $0xE;
	s2 =	sshll.u32 s21, $0x7  }
0xff: {  	s0 =	sadd.s32 s2, s0  }
.LBB2_15:
0x100: {  	s0 =	sshrl.u32 s0, $0x3  }
0x101: {  	s2 =	simm.s32 $0x11CC0;
	s0 =	sadd.s32 s1, s0  }
0x102: {  	[tilespmem:s2], [sflag:$0x5] =	stream.linear.gather [hbm4b:s0+s5], $0x4000, $0x38;
	[tilespmem:$0x1DF00] =	vst v63  }
.LBB2_16:
0x103: {  	s0 =	sshll.u32 s24, $0x7  }
0x104: {  	s2 =	ssub.s32 s25, s0  }
0x105: {  	s2 =	sadd.s32 $0x3F, s2  }
0x106: {  	s14 =	sand.u32 $0x3F, s2  }
0x107: {  	s15 =	sshra.s32 s2, $0x1F;
	p0 =	slt.s32 s2, $0x1;
	p1 =	sne.s32 s14, $0x0  }
0x108: {  	s31 =	sshrl.u32 s15, $0x1A;
	p0 =	por !p0, !p1  }
0x109: {  	s14 =	simm.s32 $0x1;
	s2 =	sadd.s32 s31, s2;
	p0 =	por !p0, !p0  }
0x10a: {  	s2 =	sshra.s32 s2, $0x6;
	s14 =	simm.s32 @!p0 $0x0  }
0x10b: {  	s28 =	ssub.s32 s2, s14  }
0x10c: {  	s26 =	sadd.s32 s29, s0;
	p0 =	slt.s32 s28, $0x1  }
0x10d: {  	p1 =	slt.s32 @!p0 s26, $0x18660  }
0x10e: {  	s0 =	smov.u32 s26;
	p1 =	por !p1, p0  }
0x10f: {  	s0 =	simm.s32 @p1 $0x18660;
	p1 =	slt.s32 s24, $0x1  }
.Ltmp10:
0x110: {  	_ = 	snop;
	(pc) =	sbr.rel @p1 .LBB2_17-.Ltmp10, $4  }
0x111: {  	s0 =	sshll.u32 @!p0 s0, $0x4  }
0x112: {  	s23 =	sshll.u32 s21, $0x7;
	s0 =	sand.u32 @!p0 $0x1FFFFFF0, s0  }
0x113: {  	s2 =	simm.s32 @!p0 $0x0;
	s14 =	simm.s32 @!p0 $0x19CC0;
	s0 =	sadd.s32 @!p0 s1, s0  }
0x114: {  	[tilespmem:s14], [sflag:$0x7] =	stream.linear.gather @!p0 [hbm4b:s0+s2], $0x2000, $0x38;
	[tilespmem:$0x1DF00] =	vst v63  }
0x115: {  	v13 =	vimm.f32 $0.0e+00  }
0x116: {  	v5 =	vimm.f32 $-Inf;
	v6 =	vimm.f32 $-Inf;
	v7 =	vimm.f32 $-Inf  }
0x117: {  	v11 =	vimm.f32 $-Inf;
	v18 =	vimm.f32 $-Inf;
	v9 =	vimm.f32 $-Inf  }
0x118: {  	v10 =	vimm.f32 $-Inf;
	v8 =	vimm.f32 $-Inf;
	v15 =	vimm.f32 $0.0e+00  }
0x119: {  	v19 =	vimm.f32 $0.0e+00;
	v20 =	vimm.f32 $0.0e+00;
	v21 =	vimm.f32 $0.0e+00  }
0x11a: {  	s30 =	sshll.u32 s29, $0x7;
	s31 =	simm.s32 $0x0;
	s2 =	simm.s32 $0x1CC0;
	v16 =	vimm.f32 $0.0e+00;
	v14 =	vimm.f32 $0.0e+00;
	v12 =	vimm.f32 $0.0e+00  }
.LBB2_21:
0x11b: {  	s0 =	sadd.s32 $0x5, s31  }
0x11c: {  	p1 =	sge.s32 s0, s24  }
0x11d: {  	s14 =	smulhi.u32 @!p1 $0xAAAAAAAB, s0;
	_ =	sdelay $0x1  }
0x11e: {  	s14 =	sshrl.u32 @!p1 s14, $0x2  }
0x11f: {  	s14 =	smul.u32 @!p1 $0x6, s14  }
0x120: {  	s15 =	sshll.u32 @!p1 s0, $0xE  }
0x121: {  	s15 =	sadd.s32 @!p1 s30, s15;
	s14 =	ssub.s32 @!p1 s0, s14  }
0x122: {  	s17 =	simm.s32 @!p1 $0x0;
	s15 =	sshrl.u32 @!p1 s15, $0x3;
	s16 =	sshll.u32 @!p1 s14, $0xE  }
0x123: {  	s15 =	sadd.s32 @!p1 s1, s15;
	s14 =	sadd.s32 @!p1 $0x1, s14;
	s16 =	sor.u32 @!p1 $0x1CC0, s16  }
0x124: {  	[tilespmem:s16], [sflag:s14] =	stream.linear.gather @!p1 [hbm4b:s15+s17], $0x4000, $0x38;
	[tilespmem:$0x1DF00] =	vst v63  }
0x125: {  	p1 =	slt.s32 s0, s24;
	s14 =	ssub.s32 s0, s24  }
0x126: {  	s17 =	smulhi.u32 $0xAAAAAAAB, s31;
	p2 =	sge.s32 @!p1 s14, s22  }
0x127: {  	p1 =	por p2, p1  }
0x128: {  	s15 =	sshrl.u32 s17, $0x2;
	s16 =	smulhi.u32 @!p1 $0xAAAAAAAB, s0  }
0x129: {  	s18 =	smul.u32 $0xFFFA0000, s15  }
0x12a: {  	s15 =	smul.u32 $0x6, s15;
	s16 =	sshrl.u32 @!p1 s16, $0x2  }
0x12b: {  	s14 =	sshll.u32 @!p1 s14, $0xE;
	s16 =	smul.u32 @!p1 $0x6, s16  }
0x12c: {  	s13 =	simm.s32 @!p1 $0x0;
	s14 =	sadd.s32 @!p1 s23, s14;
	s17 =	sshra.s32 s18, $0x2  }
0x12d: {  	s15 =	ssub.s32 s31, s15;
	s14 =	sshrl.u32 @!p1 s14, $0x3;
	s0 =	ssub.s32 @!p1 s0, s16  }
0x12e: {  	s12 =	sadd.s32 s17, s2;
	s14 =	sadd.s32 @!p1 s1, s14;
	s17 =	sshll.u32 @!p1 s0, $0xE  }
0x12f: {  	s18 =	sadd.s32 $0x1, s15;
	v17 =	vmov s12;
	s0 =	sadd.s32 @!p1 $0x1, s0;
	s17 =	sor.u32 @!p1 $0x1CC0, s17  }
0x130: {  	[tilespmem:s17], [sflag:s0] =	stream.linear.gather @!p1 [hbm4b:s14+s13], $0x4000, $0x38;
	[tilespmem:$0x1DF00] =	vst v63  }
0x131: {  	_ =	swait.ge [sflag:s18], $0x4000  }
0x132: {  	[sflag:s18] =	ssyncset.done $0x0  }
0x133: {  	s16 =	simm.s32 $0x0;
	[sflag:s18] =	ssyncadd.s32 $0xFFFFC000  }
0x134: {  	v29 =	vld.idx.msk [tilespmem:v17+s16+$0x380 ss:$0x1], $0xffff  }
0x135: {  	v32 =	vld.idx.msk [tilespmem:v17+s16+$0x390 ss:$0x1], $0xffff  }
0x136: {  	v43 =	vld.idx.msk [tilespmem:v17+s16+$0x3A0 ss:$0x1], $0xffff  }
0x137: {  	v26 =	vld.idx.msk [tilespmem:v17+s16+$0x3B0 ss:$0x1], $0xffff  }
0x138: {  	v23 =	vld.idx.msk [tilespmem:v17+s16+$0x3C0 ss:$0x1], $0xffff  }
0x139: {  	v22 =	vld.idx.msk [tilespmem:v17+s16+$0x3D0 ss:$0x1], $0xffff  }
0x13a: {  	v33 =	vld.idx.msk [tilespmem:v17+s16+$0x300 ss:$0x1], $0xffff  }
0x13b: {  	v34 =	vld.idx.msk [tilespmem:v17+s16+$0x310 ss:$0x1], $0xffff  }
0x13c: {  	v42 =	vld.idx.msk [tilespmem:v17+s16+$0x320 ss:$0x1], $0xffff  }
0x13d: {  	v27 =	vld.idx.msk [tilespmem:v17+s16+$0x330 ss:$0x1], $0xffff  }
0x13e: {  	v25 =	vld.idx.msk [tilespmem:v17+s16+$0x340 ss:$0x1], $0xffff  }
0x13f: {  	v24 =	vld.idx.msk [tilespmem:v17+s16+$0x350 ss:$0x1], $0xffff  }
0x140: {  	v35 =	vld.idx.msk [tilespmem:v17+s16+$0x280 ss:$0x1], $0xffff  }
0x141: {  	v30 =	vld.idx.msk [tilespmem:v17+s16+$0x0 ss:$0x1], $0xffff  }
0x142: {  	v36 =	vld.idx.msk [tilespmem:v17+s16+$0x290 ss:$0x1], $0xffff  }
0x143: {  	v31 =	vld.idx.msk [tilespmem:v17+s16+$0x80 ss:$0x1], $0xffff  }
0x144: {  	v40 =	vld.idx.msk [tilespmem:v17+s16+$0x2A0 ss:$0x1], $0xffff  }
0x145: {  	v37 =	vld.idx.msk [tilespmem:v17+s16+$0x100 ss:$0x1], $0xffff  }
0x146: {  	v38 =	vld.idx.msk [tilespmem:v17+s16+$0x10 ss:$0x1], $0xffff  }
0x147: {  	v39 =	vld.idx.msk [tilespmem:v17+s16+$0x180 ss:$0x1], $0xffff  }
0x148: {  	v41 =	vld.idx.msk [tilespmem:v17+s16+$0x90 ss:$0x1], $0xffff  }
0x149: {  	v44 =	vld.idx.msk [tilespmem:v17+s16+$0x200 ss:$0x1], $0xffff  }
0x14a: {  	v45 =	vld.idx.msk [tilespmem:v17+s16+$0x110 ss:$0x1], $0xffff  }
0x14b: {  	v46 =	vld.idx.msk [tilespmem:v17+s16+$0x20 ss:$0x1], $0xffff  }
0x14c: {  	v54 =	vld.idx.msk [tilespmem:v17+s16+$0x30 ss:$0x1], $0xffff  }
0x14d: {  	v47 =	vld.idx.msk [tilespmem:v17+s16+$0x190 ss:$0x1], $0xffff;
	v12 =	vadd.f32 v30, v12  }
0x14e: {  	v48 =	vld.idx.msk [tilespmem:v17+s16+$0xA0 ss:$0x1], $0xffff  }
0x14f: {  	v55 =	vld.idx.msk [tilespmem:v17+s16+$0xB0 ss:$0x1], $0xffff;
	v12 =	vadd.f32 v31, v12  }
0x150: {  	v50 =	vld.idx.msk [tilespmem:v17+s16+$0x120 ss:$0x1], $0xffff;
	v14 =	vadd.f32 v38, v14;
	v16 =	vadd.f32 v46, v16;
	v8 =	vmax.f32 v8, v30  }
0x151: {  	v61 =	vld.idx.msk [tilespmem:v17+s16+$0x130 ss:$0x1], $0xffff;
	v10 =	vmax.f32 v10, v38;
	v21 =	vadd.f32 v54, v21;
	v12 =	vadd.f32 v37, v12  }
0x152: {  	v49 =	vld.idx.msk [tilespmem:v17+s16+$0x210 ss:$0x1], $0xffff;
	v9 =	vmax.f32 v9, v46;
	v18 =	vmax.f32 v18, v54;
	v8 =	vmax.f32 v8, v31  }
0x153: {  	v51 =	vld.idx.msk [tilespmem:v17+s16+$0x1A0 ss:$0x1], $0xffff;
	v10 =	vmax.f32 v10, v41;
	v9 =	vmax.f32 v9, v48;
	v12 =	vadd.f32 v39, v12  }
0x154: {  	v28 =	vld.idx.msk [tilespmem:v17+s16+$0x2B0 ss:$0x1], $0xffff;
	v18 =	vmax.f32 v18, v55;
	v14 =	vadd.f32 v41, v14;
	v16 =	vadd.f32 v48, v16  }
0x155: {  	v52 =	vld.idx.msk [tilespmem:v17+s16+$0x220 ss:$0x1], $0xffff;
	v8 =	vmax.f32 v8, v37;
	v10 =	vmax.f32 v10, v45;
	v12 =	vadd.f32 v44, v12  }
0x156: {  	v30 =	vld.idx.msk [tilespmem:v17+s16+$0x40 ss:$0x1], $0xffff;
	v21 =	vadd.f32 v55, v21;
	v9 =	vmax.f32 v9, v50;
	v62 =	vmax.f32 v18, v61  }
0x157: {  	v53 =	vld.idx.msk [tilespmem:v17+s16+$0x230 ss:$0x1], $0xffff;
	v8 =	vmax.f32 v8, v39;
	v10 =	vmax.f32 v10, v47;
	v12 =	vadd.f32 v35, v12  }
0x158: {  	v31 =	vld.idx.msk [tilespmem:v17+s16+$0xC0 ss:$0x1], $0xffff;
	v9 =	vmax.f32 v9, v51;
	v14 =	vadd.f32 v45, v14;
	v8 =	vmax.f32 v8, v44  }
0x159: {  	v38 =	vld.idx.msk [tilespmem:v17+s16+$0x50 ss:$0x1], $0xffff;
	v16 =	vadd.f32 v50, v16;
	v8 =	vmax.f32 v8, v35;
	v12 =	vadd.f32 v33, v12  }
0x15a: {  	v21 =	vadd.f32 v61, v21;
	v14 =	vadd.f32 v47, v14;
	v8 =	vmax.f32 v8, v33;
	v33 =	vld.idx.msk [tilespmem:v17+s16+$0x140 ss:$0x1], $0xffff  }
0x15b: {  	v20 =	vadd.f32 v30, v20;
	v8 =	vmax.f32 v8, v29;
	v12 =	vadd.f32 v29, v12;
	v29 =	vld.idx.msk [tilespmem:v17+s16+$0x1B0 ss:$0x1], $0xffff  }
0x15c: {  	v10 =	vmax.f32 v10, v49;
	v37 =	vld.idx.msk [tilespmem:v17+s16+$0x1C0 ss:$0x1], $0xffff;
	v16 =	vadd.f32 v51, v16;
	v14 =	vadd.f32 v49, v14  }
0x15d: {  	v41 =	vld.idx.msk [tilespmem:v17+s16+$0x150 ss:$0x1], $0xffff;
	v9 =	vmax.f32 v9, v52;
	v10 =	vmax.f32 v10, v36;
	v20 =	vadd.f32 v31, v20  }
0x15e: {  	v9 =	vmax.f32 v9, v40;
	v16 =	vadd.f32 v52, v16;
	v14 =	vadd.f32 v36, v14;
	v36 =	vld.idx.msk [tilespmem:v17+s16+$0x240 ss:$0x1], $0xffff  }
0x15f: {  	v18 =	vadd.f32 v38, v19;
	v10 =	vmax.f32 v10, v34;
	v39 =	vld.idx.msk [tilespmem:v17+s16+$0xD0 ss:$0x1], $0xffff;
	v20 =	vadd.f32 v33, v20  }
0x160: {  	v9 =	vmax.f32 v9, v42;
	v16 =	vadd.f32 v40, v16;
	v35 =	vld.idx.msk [tilespmem:v17+s16+$0x2C0 ss:$0x1], $0xffff;
	v21 =	vadd.f32 v29, v21  }
0x161: {  	v10 =	vmax.f32 v10, v32;
	v40 =	vld.idx.msk [tilespmem:v17+s16+$0x250 ss:$0x1], $0xffff;
	v14 =	vadd.f32 v34, v14;
	v20 =	vadd.f32 v37, v20  }
0x162: {  	v9 =	vmax.f32 v9, v43;
	v16 =	vadd.f32 v42, v16;
	v42 =	vld.idx.msk [tilespmem:v17+s16+$0x1D0 ss:$0x1], $0xffff;
	v63 =	vadd.f32 v53, v21  }
0x163: {  	v34 =	vld.idx.msk [tilespmem:v17+s16+$0x60 ss:$0x1], $0xffff;
	v14 =	vadd.f32 v32, v14;
	v21 =	vmax.f32 v62, v29;
	v19 =	vadd.f32 v36, v20  }
0x164: {  	s0 =	simm.s32 $0x1000;
	v16 =	vadd.f32 v43, v16;
	v32 =	vld.idx.msk [tilespmem:v17+s16+$0x2D0 ss:$0x1], $0xffff;
	v21 =	vmax.f32 v21, v53;
	v20 =	vadd.f32 v28, v63  }
.LBB2_22:
0x165: {  	p1 =	sne.s32 s0, $0xF000;
	v29 =	vld.idx.msk [tilespmem:v17+s16+$0x70 ss:$0x1], $0xffff;
	v18 =	vadd.f32 v39, v18;
	v21 =	vmax.f32 v21, v28;
	v19 =	vadd.f32 v35, v19  }
0x166: {  	v11 =	vmax.f32 v11, v30;
	v28 =	vld.idx.msk [tilespmem:v17+s16+$0xE0 ss:$0x1], $0xffff;
	v20 =	vadd.f32 v27, v20;
	v21 =	vmax.f32 v21, v27  }
0x167: {  	v11 =	vmax.f32 v11, v31;
	v27 =	vld.idx.msk [tilespmem:v17+s16+$0xF0 ss:$0x1], $0xffff;
	v30 =	vadd.f32 v41, v18;
	v31 =	vadd.f32 v25, v19  }
0x168: {  	v11 =	vmax.f32 v11, v33;
	v18 =	vmax.f32 v21, v26;
	v43 =	vld.idx.msk [tilespmem:v17+s16+$0x160 ss:$0x1], $0xffff;
	v19 =	vadd.f32 v26, v20  }
0x169: {  	v11 =	vmax.f32 v11, v37;
	v26 =	vld.idx.msk [tilespmem:v17+s16+$0x170 ss:$0x1], $0xffff;
	v20 =	vadd.f32 v42, v30;
	v21 =	vadd.f32 v23, v31  }
0x16a: {  	v7 =	vmax.f32 v7, v38;
	v15 =	vadd.f32 v34, v15;
	v11 =	vmax.f32 v11, v36;
	v30 =	vld.idx.msk [tilespmem:v17+s16+$0x1E0 ss:$0x1], $0xffff  }
0x16b: {  	v7 =	vmax.f32 v7, v39;
	v13 =	vadd.f32 v29, v13;
	v31 =	vld.idx.msk [tilespmem:v17+s16+$0x1F0 ss:$0x1], $0xffff;
	v20 =	vadd.f32 v40, v20  }
0x16c: {  	v7 =	vmax.f32 v7, v41;
	v11 =	vmax.f32 v11, v35;
	v15 =	vadd.f32 v28, v15;
	v33 =	vld.idx.msk [tilespmem:v17+s16+$0x260 ss:$0x1], $0xffff  }
0x16d: {  	v7 =	vmax.f32 v7, v42;
	v13 =	vadd.f32 v27, v13;
	v35 =	vld.idx.msk [tilespmem:v17+s16+$0x270 ss:$0x1], $0xffff;
	v20 =	vadd.f32 v32, v20  }
0x16e: {  	v7 =	vmax.f32 v7, v40;
	v11 =	vmax.f32 v11, v25;
	v15 =	vadd.f32 v43, v15;
	v36 =	vld.idx.msk [tilespmem:v17+s16+$0x2E0 ss:$0x1], $0xffff  }
0x16f: {  	v7 =	vmax.f32 v7, v32;
	v13 =	vadd.f32 v26, v13;
	v25 =	vld.idx.msk [tilespmem:v17+s16+$0x2F0 ss:$0x1], $0xffff;
	v20 =	vadd.f32 v24, v20  }
0x170: {  	v7 =	vmax.f32 v7, v24;
	v11 =	vmax.f32 v11, v23;
	v15 =	vadd.f32 v30, v15;
	v37 =	vld.idx.msk [tilespmem:v17+s16+$0x360 ss:$0x1], $0xffff  }
0x171: {  	v7 =	vmax.f32 v7, v22;
	v13 =	vadd.f32 v31, v13;
	v24 =	vld.idx.msk [tilespmem:v17+s16+$0x370 ss:$0x1], $0xffff;
	v20 =	vadd.f32 v22, v20  }
0x172: {  	v6 =	vmax.f32 v6, v34;
	v5 =	vmax.f32 v5, v29;
	v15 =	vadd.f32 v33, v15;
	v34 =	vld.idx.msk [tilespmem:v17+s16+$0x3E0 ss:$0x1], $0xffff  }
0x173: {  	v6 =	vmax.f32 v6, v28;
	v5 =	vmax.f32 v5, v27;
	v13 =	vadd.f32 v35, v13;
	v27 =	vld.idx.msk [tilespmem:v17+s16+$0x3F0 ss:$0x1], $0xffff;
	s16 =	sshra.s32 s0, $0x2  }
0x174: {  	v6 =	vmax.f32 v6, v43;
	v5 =	vmax.f32 v5, v26;
	v15 =	vadd.f32 v36, v15;
	v38 =	vld.idx.msk [tilespmem:v17+s16+$0x380 ss:$0x1], $0xffff  }
0x175: {  	v6 =	vmax.f32 v6, v30;
	v5 =	vmax.f32 v5, v31;
	v13 =	vadd.f32 v25, v13;
	v32 =	vld.idx.msk [tilespmem:v17+s16+$0x390 ss:$0x1], $0xffff  }
0x176: {  	v6 =	vmax.f32 v6, v33;
	v5 =	vmax.f32 v5, v35;
	v15 =	vadd.f32 v37, v15;
	v29 =	vld.idx.msk [tilespmem:v17+s16+$0x3A0 ss:$0x1], $0xffff  }
0x177: {  	v6 =	vmax.f32 v6, v36;
	v5 =	vmax.f32 v5, v25;
	v13 =	vadd.f32 v24, v13;
	v26 =	vld.idx.msk [tilespmem:v17+s16+$0x3B0 ss:$0x1], $0xffff  }
0x178: {  	v6 =	vmax.f32 v6, v37;
	v5 =	vmax.f32 v5, v24;
	v15 =	vadd.f32 v34, v15;
	v23 =	vld.idx.msk [tilespmem:v17+s16+$0x3C0 ss:$0x1], $0xffff  }
0x179: {  	v6 =	vmax.f32 v6, v34;
	v13 =	vadd.f32 v27, v13;
	v5 =	vmax.f32 v5, v27;
	v22 =	vld.idx.msk [tilespmem:v17+s16+$0x3D0 ss:$0x1], $0xffff  }
0x17a: {  	v33 =	vld.idx.msk [tilespmem:v17+s16+$0x300 ss:$0x1], $0xffff  }
0x17b: {  	v35 =	vld.idx.msk [tilespmem:v17+s16+$0x310 ss:$0x1], $0xffff  }
0x17c: {  	v34 =	vld.idx.msk [tilespmem:v17+s16+$0x320 ss:$0x1], $0xffff  }
0x17d: {  	v27 =	vld.idx.msk [tilespmem:v17+s16+$0x330 ss:$0x1], $0xffff  }
0x17e: {  	v25 =	vld.idx.msk [tilespmem:v17+s16+$0x340 ss:$0x1], $0xffff  }
0x17f: {  	v24 =	vld.idx.msk [tilespmem:v17+s16+$0x350 ss:$0x1], $0xffff  }
0x180: {  	v36 =	vld.idx.msk [tilespmem:v17+s16+$0x280 ss:$0x1], $0xffff  }
0x181: {  	v30 =	vld.idx.msk [tilespmem:v17+s16+$0x0 ss:$0x1], $0xffff  }
0x182: {  	v39 =	vld.idx.msk [tilespmem:v17+s16+$0x290 ss:$0x1], $0xffff  }
0x183: {  	v31 =	vld.idx.msk [tilespmem:v17+s16+$0x80 ss:$0x1], $0xffff  }
0x184: {  	v40 =	vld.idx.msk [tilespmem:v17+s16+$0x2A0 ss:$0x1], $0xffff  }
0x185: {  	v37 =	vld.idx.msk [tilespmem:v17+s16+$0x100 ss:$0x1], $0xffff  }
0x186: {  	v41 =	vld.idx.msk [tilespmem:v17+s16+$0x10 ss:$0x1], $0xffff  }
0x187: {  	v12 =	vadd.f32 v30, v12;
	v42 =	vld.idx.msk [tilespmem:v17+s16+$0x180 ss:$0x1], $0xffff  }
0x188: {  	v43 =	vld.idx.msk [tilespmem:v17+s16+$0x90 ss:$0x1], $0xffff  }
0x189: {  	v12 =	vadd.f32 v31, v12;
	v44 =	vld.idx.msk [tilespmem:v17+s16+$0x200 ss:$0x1], $0xffff  }
0x18a: {  	v45 =	vld.idx.msk [tilespmem:v17+s16+$0x110 ss:$0x1], $0xffff  }
0x18b: {  	v12 =	vadd.f32 v37, v12;
	v46 =	vld.idx.msk [tilespmem:v17+s16+$0x20 ss:$0x1], $0xffff  }
0x18c: {  	v14 =	vadd.f32 v41, v14;
	v47 =	vld.idx.msk [tilespmem:v17+s16+$0x190 ss:$0x1], $0xffff  }
0x18d: {  	v12 =	vadd.f32 v42, v12;
	v48 =	vld.idx.msk [tilespmem:v17+s16+$0xA0 ss:$0x1], $0xffff  }
0x18e: {  	v14 =	vadd.f32 v43, v14;
	v49 =	vld.idx.msk [tilespmem:v17+s16+$0x210 ss:$0x1], $0xffff  }
0x18f: {  	v12 =	vadd.f32 v44, v12;
	v50 =	vld.idx.msk [tilespmem:v17+s16+$0x120 ss:$0x1], $0xffff  }
0x190: {  	v14 =	vadd.f32 v45, v14;
	v28 =	vld.idx.msk [tilespmem:v17+s16+$0x2B0 ss:$0x1], $0xffff  }
0x191: {  	v16 =	vadd.f32 v46, v16;
	v12 =	vadd.f32 v36, v12;
	v51 =	vld.idx.msk [tilespmem:v17+s16+$0x1A0 ss:$0x1], $0xffff  }
0x192: {  	v8 =	vmax.f32 v8, v30;
	v14 =	vadd.f32 v47, v14;
	v52 =	vld.idx.msk [tilespmem:v17+s16+$0x220 ss:$0x1], $0xffff  }
0x193: {  	v8 =	vmax.f32 v8, v31;
	v16 =	vadd.f32 v48, v16;
	v12 =	vadd.f32 v33, v12;
	v53 =	vld.idx.msk [tilespmem:v17+s16+$0x230 ss:$0x1], $0xffff  }
0x194: {  	v8 =	vmax.f32 v8, v37;
	v14 =	vadd.f32 v49, v14;
	v54 =	vld.idx.msk [tilespmem:v17+s16+$0x30 ss:$0x1], $0xffff  }
0x195: {  	v8 =	vmax.f32 v8, v42;
	v16 =	vadd.f32 v50, v16;
	v12 =	vadd.f32 v38, v12;
	v30 =	vld.idx.msk [tilespmem:v17+s16+$0x40 ss:$0x1], $0xffff  }
0x196: {  	v10 =	vmax.f32 v10, v41;
	v8 =	vmax.f32 v8, v44;
	v14 =	vadd.f32 v39, v14;
	v41 =	vld.idx.msk [tilespmem:v17+s16+$0xB0 ss:$0x1], $0xffff  }
0x197: {  	v10 =	vmax.f32 v10, v43;
	v8 =	vmax.f32 v8, v36;
	v16 =	vadd.f32 v51, v16;
	v31 =	vld.idx.msk [tilespmem:v17+s16+$0xC0 ss:$0x1], $0xffff  }
0x198: {  	v10 =	vmax.f32 v10, v45;
	v8 =	vmax.f32 v8, v33;
	v14 =	vadd.f32 v35, v14;
	v42 =	vld.idx.msk [tilespmem:v17+s16+$0x130 ss:$0x1], $0xffff  }
0x199: {  	v10 =	vmax.f32 v10, v47;
	v8 =	vmax.f32 v8, v38;
	v16 =	vadd.f32 v52, v16;
	v33 =	vld.idx.msk [tilespmem:v17+s16+$0x140 ss:$0x1], $0xffff  }
0x19a: {  	v10 =	vmax.f32 v10, v49;
	v19 =	vadd.f32 v54, v19;
	v14 =	vadd.f32 v32, v14;
	v43 =	vld.idx.msk [tilespmem:v17+s16+$0x1B0 ss:$0x1], $0xffff  }
0x19b: {  	v10 =	vmax.f32 v10, v39;
	v21 =	vadd.f32 v30, v21;
	v16 =	vadd.f32 v40, v16;
	v37 =	vld.idx.msk [tilespmem:v17+s16+$0x1C0 ss:$0x1], $0xffff  }
0x19c: {  	v9 =	vmax.f32 v9, v46;
	v10 =	vmax.f32 v10, v35;
	v19 =	vadd.f32 v41, v19;
	v36 =	vld.idx.msk [tilespmem:v17+s16+$0x240 ss:$0x1], $0xffff  }
0x19d: {  	v9 =	vmax.f32 v9, v48;
	v21 =	vadd.f32 v31, v21;
	v16 =	vadd.f32 v34, v16;
	v38 =	vld.idx.msk [tilespmem:v17+s16+$0x50 ss:$0x1], $0xffff  }
0x19e: {  	v9 =	vmax.f32 v9, v50;
	v10 =	vmax.f32 v10, v32;
	v19 =	vadd.f32 v42, v19;
	v35 =	vld.idx.msk [tilespmem:v17+s16+$0x2C0 ss:$0x1], $0xffff  }
0x19f: {  	v9 =	vmax.f32 v9, v51;
	v21 =	vadd.f32 v33, v21;
	v16 =	vadd.f32 v29, v16;
	v39 =	vld.idx.msk [tilespmem:v17+s16+$0xD0 ss:$0x1], $0xffff  }
.Ltmp11:
0x1a0: {  	v9 =	vmax.f32 v9, v52;
	v18 =	vmax.f32 v18, v54;
	v19 =	vadd.f32 v43, v19;
	v32 =	vld.idx.msk [tilespmem:v17+s16+$0x2D0 ss:$0x1], $0xffff;
	(pc) =	sbr.rel @p1 .LBB2_22-.Ltmp11, $4  }
0x1a1: {  	v9 =	vmax.f32 v9, v40;
	v18 =	vmax.f32 v18, v41;
	v21 =	vadd.f32 v37, v21;
	v41 =	vld.idx.msk [tilespmem:v17+s16+$0x150 ss:$0x1], $0xffff  }
0x1a2: {  	v9 =	vmax.f32 v9, v34;
	v44 =	vmax.f32 v18, v42;
	v45 =	vadd.f32 v53, v19;
	v40 =	vld.idx.msk [tilespmem:v17+s16+$0x250 ss:$0x1], $0xffff  }
0x1a3: {  	v18 =	vadd.f32 v38, v20;
	v20 =	vmax.f32 v44, v43;
	v19 =	vadd.f32 v36, v21;
	v42 =	vld.idx.msk [tilespmem:v17+s16+$0x1D0 ss:$0x1], $0xffff  }
0x1a4: {  	s0 =	sadd.s32 $0x1000, s0;
	v9 =	vmax.f32 v9, v29;
	v21 =	vmax.f32 v20, v53;
	v20 =	vadd.f32 v28, v45;
	v34 =	vld.idx.msk [tilespmem:v17+s16+$0x60 ss:$0x1], $0xffff  }
0x1a5: {  	_ =	sdelay $0x1  }
0x1a6: {  	v18 =	vadd.f32 v39, v18;
	v21 =	vmax.f32 v21, v28  }
0x1a7: {  	v19 =	vadd.f32 v35, v19;
	v11 =	vmax.f32 v11, v30;
	v7 =	vmax.f32 v7, v38  }
0x1a8: {  	v50 =	vld.idx.msk [tilespmem:v17+s16+$0x70 ss:$0x1], $0xffff;
	v20 =	vadd.f32 v27, v20;
	v51 =	vmax.f32 v21, v27;
	v11 =	vmax.f32 v11, v31  }
0x1a9: {  	v29 =	vld.idx.msk [tilespmem:v17+s16+$0xE0 ss:$0x1], $0xffff;
	v7 =	vmax.f32 v7, v39;
	v52 =	vadd.f32 v41, v18;
	v19 =	vadd.f32 v25, v19  }
0x1aa: {  	v53 =	vld.idx.msk [tilespmem:v17+s16+$0xF0 ss:$0x1], $0xffff;
	v11 =	vmax.f32 v11, v33;
	v7 =	vmax.f32 v7, v41;
	v21 =	vadd.f32 v26, v20  }
0x1ab: {  	v54 =	vld.idx.msk [tilespmem:v17+s16+$0x160 ss:$0x1], $0xffff;
	v11 =	vmax.f32 v11, v37;
	v7 =	vmax.f32 v7, v42;
	v55 =	vadd.f32 v42, v52  }
0x1ac: {  	v56 =	vld.idx.msk [tilespmem:v17+s16+$0x170 ss:$0x1], $0xffff;
	v20 =	vadd.f32 v23, v19;
	v15 =	vadd.f32 v34, v15;
	v11 =	vmax.f32 v11, v36  }
0x1ad: {  	v57 =	vld.idx.msk [tilespmem:v17+s16+$0x1E0 ss:$0x1], $0xffff;
	v7 =	vmax.f32 v7, v40;
	v6 =	vmax.f32 v6, v34;
	v13 =	vadd.f32 v50, v13  }
0x1ae: {  	v58 =	vld.idx.msk [tilespmem:v17+s16+$0x1F0 ss:$0x1], $0xffff;
	v11 =	vmax.f32 v11, v35;
	v7 =	vmax.f32 v7, v32;
	v19 =	vadd.f32 v40, v55  }
0x1af: {  	v59 =	vld.idx.msk [tilespmem:v17+s16+$0x260 ss:$0x1], $0xffff;
	v5 =	vmax.f32 v5, v50;
	v15 =	vadd.f32 v29, v15;
	v13 =	vadd.f32 v53, v13  }
0x1b0: {  	v60 =	vld.idx.msk [tilespmem:v17+s16+$0x270 ss:$0x1], $0xffff;
	v6 =	vmax.f32 v6, v29;
	v11 =	vmax.f32 v11, v25;
	v19 =	vadd.f32 v32, v19  }
0x1b1: {  	v61 =	vld.idx.msk [tilespmem:v17+s16+$0x2E0 ss:$0x1], $0xffff;
	v7 =	vmax.f32 v7, v24;
	v15 =	vadd.f32 v54, v15;
	v13 =	vadd.f32 v56, v13  }
0x1b2: {  	v62 =	vld.idx.msk [tilespmem:v17+s16+$0x2F0 ss:$0x1], $0xffff;
	v5 =	vmax.f32 v5, v53;
	v6 =	vmax.f32 v6, v54;
	v19 =	vadd.f32 v24, v19  }
0x1b3: {  	v11 =	vmax.f32 v11, v23;
	v23 =	vld.idx.msk [tilespmem:v17+s16+$0x360 ss:$0x1], $0xffff;
	v15 =	vadd.f32 v57, v15;
	v13 =	vadd.f32 v58, v13  }
0x1b4: {  	v7 =	vmax.f32 v7, v22;
	v5 =	vmax.f32 v5, v56;
	v19 =	vadd.f32 v22, v19;
	v22 =	vld.idx.msk [tilespmem:v17+s16+$0x370 ss:$0x1], $0xffff  }
0x1b5: {  	v63 =	vld.idx.msk [tilespmem:v17+s16+$0x3E0 ss:$0x1], $0xffff;
	s31 =	sadd.s32 $0x1, s31;
	v6 =	vmax.f32 v6, v57;
	v15 =	vadd.f32 v59, v15;
	v13 =	vadd.f32 v60, v13  }
0x1b6: {  	p1 =	seq.s32 s31, s24;
	v5 =	vmax.f32 v5, v58;
	v6 =	vmax.f32 v6, v59;
	v17 =	vld.idx.msk [tilespmem:v17+s16+$0x3F0 ss:$0x1], $0xffff  }
.Ltmp12:
0x1b7: {  	v5 =	vmax.f32 v5, v60;
	v15 =	vadd.f32 v61, v15;
	v13 =	vadd.f32 v62, v13;
	(pc) =	sbr.rel @!p1 .LBB2_21-.Ltmp12, $4  }
.Ltmp13:
0x1b8: {  	v6 =	vmax.f32 v6, v61;
	v5 =	vmax.f32 v5, v62;
	(pc) =	sbr.rel @p1 .LBB2_18-.Ltmp13, $4  }
0x1b9: {  	v6 =	vmax.f32 v6, v23;
	v15 =	vadd.f32 v23, v15;
	v13 =	vadd.f32 v22, v13  }
0x1ba: {  	v18 =	vmax.f32 v51, v26;
	v6 =	vmax.f32 v6, v63;
	v5 =	vmax.f32 v5, v22  }
0x1bb: {  	s2 =	sadd.s32 $0x4000, s2;
	v15 =	vadd.f32 v63, v15;
	v5 =	vmax.f32 v5, v17;
	v13 =	vadd.f32 v17, v13  }
0x1bc: {  	_ = 	snop  }
.LBB2_17:
0x1bd: {  	v8 =	vimm.f32 $-Inf  }
0x1be: {  	v12 =	vimm.f32 $0.0e+00;
	v14 =	vimm.f32 $0.0e+00;
	v16 =	vimm.f32 $0.0e+00  }
0x1bf: {  	v21 =	vimm.f32 $0.0e+00;
	v20 =	vimm.f32 $0.0e+00;
	v19 =	vimm.f32 $0.0e+00  }
0x1c0: {  	v15 =	vimm.f32 $0.0e+00;
	v13 =	vimm.f32 $0.0e+00;
	v10 =	vimm.f32 $-Inf  }
0x1c1: {  	v9 =	vimm.f32 $-Inf;
	v18 =	vimm.f32 $-Inf;
	v11 =	vimm.f32 $-Inf  }
0x1c2: {  	v7 =	vimm.f32 $-Inf;
	v6 =	vimm.f32 $-Inf;
	v5 =	vimm.f32 $-Inf  }
.LBB2_18:
.Ltmp14:
0x1c3: {  	(pc) =	sbr.rel @p0 .LBB2_29-.Ltmp14, $1  }
0x1c4: {  	_ =	sdelay $0x3  }
.Ltmp15:
0x1c5: {  	(pc) =	sbr.rel .LBB2_25-.Ltmp15, $4  }
0x1c6: {  	_ = 	snop  }
0x1c7: {  	s0 =	sshll.u32 s26, $0x9;
	p0 =	por $0x0, $0x0  }
0x1c8: {  	s16 =	smov.u32 s26;
	s30 =	simm.s32 $0x0;
	s2 =	sshra.s32 s0, $0x2  }
0x1c9: {  	s0 =	sadd.s32 s25, s29;
	s29 =	simm.s32 $0x0;
	s2 =	sadd.s32 $0x19CC0, s2  }
.LBB2_28:
0x1ca: {  	_ =	sdelay $0x3  }
0x1cb: {  	v17 =	vld.idx.msk [tilespmem:v17+s15+$0x60 ss:$0x1], $0xffff  }
0x1cc: {  	v8 =	vmax.f32 v8, v27;
	v10 =	vmax.f32 v10, v26  }
0x1cd: {  	v9 =	vmax.f32 v9, v23;
	v18 =	vmax.f32 v18, v24;
	v12 =	vadd.f32 v27, v12  }
0x1ce: {  	v11 =	vmax.f32 v11, v25;
	v14 =	vadd.f32 v26, v14;
	v16 =	vadd.f32 v23, v16  }
0x1cf: {  	v7 =	vmax.f32 v7, v22;
	v21 =	vadd.f32 v24, v21;
	v20 =	vadd.f32 v25, v20  }
0x1d0: {  	v19 =	vadd.f32 v22, v19;
	v15 =	vadd.f32 v17, v15;
	v6 =	vmax.f32 v6, v17  }
.LBB2_24:
0x1d1: {  	p1 =	seq.s32 s29, s28  }
.Ltmp16:
0x1d2: {  	_ = 	snop;
	(pc) =	sbr.rel @p1 .LBB2_29-.Ltmp16, $2  }
0x1d3: {  	_ =	sdelay $0x2  }
0x1d4: {  	p0 =	por !p0, !p0;
	s30 =	sadd.s32 $0x8000, s30;
	s16 =	sadd.s32 $0x40, s16  }
.LBB2_25:
0x1d5: {  	s13 =	smov.u32 s29;
	s29 =	sadd.s32 $0x1, s29  }
0x1d6: {  	p1 =	slt.s32 s29, s28  }
0x1d7: {  	s14 =	sshll.u32 @p1 s29, $0x6  }
0x1d8: {  	s14 =	sadd.s32 @p1 s26, s14  }
0x1d9: {  	p2 =	slt.s32 @p1 s14, $0x18660  }
0x1da: {  	s17 =	smov.u32 s14;
	p2 =	por !p2, !p1  }
0x1db: {  	s15 =	sand.u32 $0x1, s13;
	s17 =	simm.s32 @p2 $0x18660  }
0x1dc: {  	s31 =	sxor.u32 @p1 $0x1, s15;
	s17 =	sshll.u32 @p1 s17, $0x4  }
0x1dd: {  	s18 =	simm.s32 @p1 $0x0;
	s12 =	sshll.u32 @p1 s31, $0xD;
	s17 =	sand.u32 @p1 $0x1FFFFFF0, s17  }
0x1de: {  	s31 =	sadd.s32 @p1 $0x7, s31;
	s12 =	sor.u32 @p1 $0x19CC0, s12;
	s17 =	sadd.s32 @p1 s1, s17  }
0x1df: {  	[tilespmem:s12], [sflag:s31] =	stream.linear.gather @p1 [hbm4b:s17+s18], $0x2000, $0x38;
	[tilespmem:$0x1DF00] =	vst v63  }
0x1e0: {  	s13 =	sshll.u32 s13, $0x6;
	s12 =	sshll.u32 @!p1 s29, $0x6  }
0x1e1: {  	s13 =	sadd.s32 s26, s13;
	s12 =	sadd.s32 @!p1 s26, s12  }
0x1e2: {  	s17 =	smov.u32 s13;
	s12 =	smov.u32 @p1 s14  }
0x1e3: {  	s18 =	smov.u32 s0;
	p1 =	slt.s32 s13, $0x18660;
	p2 =	slt.s32 s12, s0  }
0x1e4: {  	s17 =	simm.s32 @!p1 $0x18660;
	s18 =	smov.u32 @p2 s12  }
0x1e5: {  	s14 =	ssub.s32 s13, s17;
	s31 =	ssub.s32 s18, s17  }
0x1e6: {  	p1 =	sge.s32 s14, s31  }
.Ltmp17:
0x1e7: {  	_ = 	snop;
	(pc) =	sbr.rel @p1 .LBB2_24-.Ltmp17, $4  }
0x1e8: {  	s15 =	sadd.s32 $0x7, s15  }
0x1e9: {  	_ =	swait.ge [sflag:s15], $0x2000  }
0x1ea: {  	[sflag:s15] =	ssyncset.done $0x0  }
0x1eb: {  	[sflag:s15] =	ssyncadd.s32 $0xFFFFE000  }
0x1ec: {  	s12 =	simm.s32 $0x1  }
0x1ed: {  	s12 =	simm.s32 @!p0 $0x0  }
0x1ee: {  	s12 =	sshll.u32 s12, $0xF  }
0x1ef: {  	s12 =	sadd.s32 s12, s30  }
0x1f0: {  	s12 =	sshra.s32 s12, $0x2  }
0x1f1: {  	s12 =	sadd.s32 s12, s2  }
0x1f2: {  	p1 =	slt.s32 s16, $0x18660;
	s13 =	smov.u32 s16;
	v17 =	vmov s12  }
0x1f3: {  	s13 =	simm.s32 @!p1 $0x18660  }
0x1f4: {  	s18 =	sshll.u32 s13, $0x9  }
0x1f5: {  	s12 =	ssub.s32 $0x0, s18  }
0x1f6: {  	s15 =	sshra.s32 s12, $0x2  }
0x1f7: {  	s14 =	sadd.s32 $0x1, s14;
	v28 =	vld.idx.msk [tilespmem:v17+s15+$0x70 ss:$0x1], $0xffff  }
0x1f8: {  	p1 =	slt.s32 s14, s31;
	v27 =	vld.idx.msk [tilespmem:v17+s15+$0x0 ss:$0x1], $0xffff  }
.Ltmp18:
0x1f9: {  	v26 =	vld.idx.msk [tilespmem:v17+s15+$0x10 ss:$0x1], $0xffff;
	(pc) =	sbr.rel @!p1 .LBB2_28-.Ltmp18, $4  }
0x1fa: {  	v23 =	vld.idx.msk [tilespmem:v17+s15+$0x20 ss:$0x1], $0xffff  }
0x1fb: {  	v24 =	vld.idx.msk [tilespmem:v17+s15+$0x30 ss:$0x1], $0xffff  }
0x1fc: {  	v25 =	vld.idx.msk [tilespmem:v17+s15+$0x40 ss:$0x1], $0xffff  }
0x1fd: {  	s17 =	sadd.s32 $0x200, s12;
	v22 =	vld.idx.msk [tilespmem:v17+s15+$0x50 ss:$0x1], $0xffff;
	v13 =	vadd.f32 v28, v13;
	v5 =	vmax.f32 v5, v28  }
.LBB2_27:
0x1fe: {  	s14 =	sadd.s32 $0x1, s14;
	v28 =	vld.idx.msk [tilespmem:v17+s15+$0x60 ss:$0x1], $0xffff;
	s15 =	sshra.s32 s17, $0x2;
	v12 =	vadd.f32 v27, v12;
	v8 =	vmax.f32 v8, v27  }
0x1ff: {  	v14 =	vadd.f32 v26, v14;
	v10 =	vmax.f32 v10, v26;
	v29 =	vld.idx.msk [tilespmem:v17+s15+$0x70 ss:$0x1], $0xffff;
	p1 =	slt.s32 s14, s31  }
0x200: {  	v16 =	vadd.f32 v23, v16;
	v9 =	vmax.f32 v9, v23;
	v27 =	vld.idx.msk [tilespmem:v17+s15+$0x0 ss:$0x1], $0xffff  }
.Ltmp19:
0x201: {  	v21 =	vadd.f32 v24, v21;
	v18 =	vmax.f32 v18, v24;
	v26 =	vld.idx.msk [tilespmem:v17+s15+$0x10 ss:$0x1], $0xffff;
	(pc) =	sbr.rel @p1 .LBB2_27-.Ltmp19, $4  }
0x202: {  	v20 =	vadd.f32 v25, v20;
	v11 =	vmax.f32 v11, v25;
	v23 =	vld.idx.msk [tilespmem:v17+s15+$0x20 ss:$0x1], $0xffff  }
0x203: {  	v19 =	vadd.f32 v22, v19;
	v7 =	vmax.f32 v7, v22;
	v24 =	vld.idx.msk [tilespmem:v17+s15+$0x30 ss:$0x1], $0xffff  }
0x204: {  	v15 =	vadd.f32 v28, v15;
	v6 =	vmax.f32 v6, v28;
	v25 =	vld.idx.msk [tilespmem:v17+s15+$0x40 ss:$0x1], $0xffff  }
0x205: {  	s17 =	sadd.s32 $0x200, s17;
	v13 =	vadd.f32 v29, v13;
	v5 =	vmax.f32 v5, v29;
	v22 =	vld.idx.msk [tilespmem:v17+s15+$0x50 ss:$0x1], $0xffff  }
.Ltmp20:
0x206: {  	_ = 	snop;
	(pc) =	sbr.rel .LBB2_28-.Ltmp20, $1  }
0x207: {  	_ =	sdelay $0x3  }
.LBB2_29:
0x208: {  	s0 =	sshll.u32 s22, $0x7  }
0x209: {  	s12 =	scvt.s32.f32 s25;
	s2 =	ssub.s32 s20, s0  }
0x20a: {  	s2 =	sadd.s32 $0x3F, s2  }
0x20b: {  	s12 =	smax.f32 s12, $1.000000000e+00;
	s13 =	sand.u32 $0x3F, s2  }
0x20c: {  	s14 =	sshra.s32 s2, $0x1F;
	p0 =	slt.s32 s2, $0x1;
	v17 =	vmov s12;
	p1 =	sne.s32 s13, $0x0  }
0x20d: {  	s29 =	sshrl.u32 s14, $0x1A;
	(erf) = vrcp.f32 v17;
	p0 =	por !p0, !p1  }
0x20e: {  	s12 =	simm.s32 $0x1;
	s2 =	sadd.s32 s29, s2;
	p0 =	por !p0, !p0  }
0x20f: {  	s2 =	sshra.s32 s2, $0x6;
	s12 =	simm.s32 @!p0 $0x0  }
0x210: {  	s30 =	sshrl.u32 s28, $0x1F;
	s25 =	ssub.s32 s2, s12  }
0x211: {  	s26 =	sadd.s32 s21, s0;
	s31 =	sadd.s32 s30, s28;
	p0 =	slt.s32 s25, $0x1  }
0x212: {  	s0 =	sand.u32 $0xFFFFFFFE, s31;
	p1 =	slt.s32 @!p0 s26, $0x18660  }
0x213: {  	s28 =	ssub.s32 s28, s0;
	s0 =	smov.u32 s26;
	p1 =	por !p1, p0  }
0x214: {  	s0 =	simm.s32 @p1 $0x18660  }
0x215: {  	s2 =	sshll.u32 @!p0 s28, $0xF;
	s0 =	sshll.u32 @!p0 s0, $0x4  }
0x216: {  	s12 =	sadd.s32 @!p0 $0x7, s28;
	s2 =	sshra.s32 @!p0 s2, $0x2;
	v17 =	vpop (erf);
	s0 =	sand.u32 @!p0 $0x1FFFFFF0, s0  }
0x217: {  	s13 =	simm.s32 @!p0 $0x0;
	s2 =	sadd.s32 @!p0 $0x19CC0, s2;
	v12 =	vmul.f32 v12, v17;
	s0 =	sadd.s32 @!p0 s1, s0  }
0x218: {  	[tilespmem:s2], [sflag:s12] =	stream.linear.gather @!p0 [hbm4b:s0+s13], $0x2000, $0x38;
	[tilespmem:$0x1DF00] =	vst v63  }
0x219: {  	v58 =	vmul.f32 v14, v17;
	[tilespmem:$0x1DCC0] =	vst v12  }
0x21a: {  	[tilespmem:$0x1DD40] =	vst v8  }
0x21b: {  	v59 =	vmul.f32 v16, v17;
	[tilespmem:$0x1DCD0] =	vst v58  }
0x21c: {  	[tilespmem:$0x1DD50] =	vst v10  }
0x21d: {  	v60 =	vmul.f32 v21, v17;
	[tilespmem:$0x1DCE0] =	vst v59  }
0x21e: {  	[tilespmem:$0x1DD60] =	vst v9  }
0x21f: {  	v61 =	vmul.f32 v20, v17;
	[tilespmem:$0x1DCF0] =	vst v60  }
0x220: {  	[tilespmem:$0x1DD70] =	vst v18  }
0x221: {  	v62 =	vmul.f32 v19, v17;
	[tilespmem:$0x1DD00] =	vst v61  }
0x222: {  	[tilespmem:$0x1DD80] =	vst v11  }
0x223: {  	p1 =	slt.s32 s22, $0x1;
	v63 =	vmul.f32 v15, v17;
	[tilespmem:$0x1DD10] =	vst v62  }
.Ltmp21:
0x224: {  	[tilespmem:$0x1DD90] =	vst v7;
	(pc) =	sbr.rel @p1 .LBB2_30-.Ltmp21, $4  }
0x225: {  	[tilespmem:$0x1DD20] =	vst v63  }
0x226: {  	v7 =	vmul.f32 v13, v17;
	[tilespmem:$0x1DDA0] =	vst v6  }
0x227: {  	[tilespmem:$0x1DDB0] =	vst v5  }
0x228: {  	[tilespmem:$0x1DD30] =	vst v7  }
0x229: {  	s0 =	smulhi.u32 $0x2AAAAAAB, s24;
	s2 =	sshra.s32 s24, $0x1F  }
0x22a: {  	s2 =	smul.u32 $0x2AAAAAAB, s2;
	_ =	sdelay $0x1  }
0x22b: {  	v13 =	vimm.f32 $0.0e+00;
	s0 =	sadd.s32 s2, s0  }
0x22c: {  	v5 =	vimm.f32 $-Inf;
	v6 =	vimm.f32 $-Inf;
	v7 =	vimm.f32 $-Inf;
	s2 =	sshrl.u32 s0, $0x1F  }
0x22d: {  	v11 =	vimm.f32 $-Inf;
	v18 =	vimm.f32 $-Inf;
	v9 =	vimm.f32 $-Inf;
	s0 =	sadd.s32 s2, s0  }
0x22e: {  	v10 =	vimm.f32 $-Inf;
	v8 =	vimm.f32 $-Inf;
	v15 =	vimm.f32 $0.0e+00;
	s0 =	smul.u32 $0x6, s0  }
0x22f: {  	v21 =	vimm.f32 $0.0e+00;
	v22 =	vimm.f32 $0.0e+00;
	v23 =	vimm.f32 $0.0e+00  }
0x230: {  	v16 =	vimm.f32 $0.0e+00;
	v14 =	vimm.f32 $0.0e+00;
	v12 =	vimm.f32 $0.0e+00;
	s2 =	ssub.s32 s24, s0;
	s24 =	simm.s32 $0x0  }
.LBB2_34:
0x231: {  	s0 =	sadd.s32 $0x5, s24;
	s15 =	sadd.s32 s2, s24  }
0x232: {  	p1 =	sge.s32 s0, s22;
	s16 =	smulhi.u32 $0x2AAAAAAB, s15;
	s17 =	sshra.s32 s15, $0x1F  }
0x233: {  	s12 =	sadd.s32 @!p1 s2, s0;
	s17 =	smul.u32 $0x2AAAAAAB, s17  }
0x234: {  	s13 =	smulhi.u32 @!p1 $0x2AAAAAAB, s12;
	s14 =	sshra.s32 @!p1 s12, $0x1F  }
0x235: {  	s14 =	smul.u32 @!p1 $0x2AAAAAAB, s14;
	_ =	sdelay $0x1  }
0x236: {  	s16 =	sadd.s32 s17, s16;
	s13 =	sadd.s32 @!p1 s14, s13  }
0x237: {  	s30 =	sshrl.u32 s16, $0x1F;
	s14 =	sshrl.u32 @!p1 s13, $0x1F  }
0x238: {  	s13 =	sadd.s32 @!p1 s14, s13;
	s14 =	sadd.s32 s30, s16  }
0x239: {  	s14 =	smul.u32 $0x6, s14  }
0x23a: {  	s0 =	sshll.u32 @!p1 s0, $0xE;
	s13 =	smul.u32 @!p1 $0x6, s13  }
0x23b: {  	s0 =	sadd.s32 @!p1 s23, s0;
	s14 =	ssub.s32 s15, s14  }
0x23c: {  	s0 =	sshrl.u32 @!p1 s0, $0x3;
	s12 =	ssub.s32 @!p1 s12, s13;
	s15 =	sshll.u32 s14, $0x10  }
0x23d: {  	s0 =	sadd.s32 @!p1 s1, s0;
	s13 =	sshll.u32 @!p1 s12, $0x10;
	s15 =	sshra.s32 s15, $0x2  }
0x23e: {  	s16 =	simm.s32 @!p1 $0x0;
	s13 =	sshra.s32 @!p1 s13, $0x2;
	s15 =	sor.u32 $0x1CC0, s15  }
0x23f: {  	s12 =	sadd.s32 @!p1 $0x1, s12;
	s31 =	sadd.s32 $0x1, s14;
	s13 =	sor.u32 @!p1 $0x1CC0, s13;
	v17 =	vmov s15  }
0x240: {  	[tilespmem:s13], [sflag:s12] =	stream.linear.gather @!p1 [hbm4b:s0+s16], $0x4000, $0x38;
	[tilespmem:$0x1DF00] =	vst v63  }
0x241: {  	_ =	swait.ge [sflag:s31], $0x4000  }
0x242: {  	[sflag:s31] =	ssyncset.done $0x0  }
0x243: {  	s16 =	simm.s32 $0x0;
	[sflag:s31] =	ssyncadd.s32 $0xFFFFC000  }
0x244: {  	v29 =	vld.idx.msk [tilespmem:v17+s16+$0x380 ss:$0x1], $0xffff  }
0x245: {  	v32 =	vld.idx.msk [tilespmem:v17+s16+$0x390 ss:$0x1], $0xffff  }
0x246: {  	v43 =	vld.idx.msk [tilespmem:v17+s16+$0x3A0 ss:$0x1], $0xffff  }
0x247: {  	v26 =	vld.idx.msk [tilespmem:v17+s16+$0x3B0 ss:$0x1], $0xffff  }
0x248: {  	v20 =	vld.idx.msk [tilespmem:v17+s16+$0x3C0 ss:$0x1], $0xffff  }
0x249: {  	v19 =	vld.idx.msk [tilespmem:v17+s16+$0x3D0 ss:$0x1], $0xffff  }
0x24a: {  	v33 =	vld.idx.msk [tilespmem:v17+s16+$0x300 ss:$0x1], $0xffff  }
0x24b: {  	v34 =	vld.idx.msk [tilespmem:v17+s16+$0x310 ss:$0x1], $0xffff  }
0x24c: {  	v42 =	vld.idx.msk [tilespmem:v17+s16+$0x320 ss:$0x1], $0xffff  }
0x24d: {  	v27 =	vld.idx.msk [tilespmem:v17+s16+$0x330 ss:$0x1], $0xffff  }
0x24e: {  	v25 =	vld.idx.msk [tilespmem:v17+s16+$0x340 ss:$0x1], $0xffff  }
0x24f: {  	v24 =	vld.idx.msk [tilespmem:v17+s16+$0x350 ss:$0x1], $0xffff  }
0x250: {  	v35 =	vld.idx.msk [tilespmem:v17+s16+$0x280 ss:$0x1], $0xffff  }
0x251: {  	v30 =	vld.idx.msk [tilespmem:v17+s16+$0x0 ss:$0x1], $0xffff  }
0x252: {  	v36 =	vld.idx.msk [tilespmem:v17+s16+$0x290 ss:$0x1], $0xffff  }
0x253: {  	v31 =	vld.idx.msk [tilespmem:v17+s16+$0x80 ss:$0x1], $0xffff  }
0x254: {  	v40 =	vld.idx.msk [tilespmem:v17+s16+$0x2A0 ss:$0x1], $0xffff  }
0x255: {  	v37 =	vld.idx.msk [tilespmem:v17+s16+$0x100 ss:$0x1], $0xffff  }
0x256: {  	v38 =	vld.idx.msk [tilespmem:v17+s16+$0x10 ss:$0x1], $0xffff  }
0x257: {  	v39 =	vld.idx.msk [tilespmem:v17+s16+$0x180 ss:$0x1], $0xffff  }
0x258: {  	v41 =	vld.idx.msk [tilespmem:v17+s16+$0x90 ss:$0x1], $0xffff  }
0x259: {  	v44 =	vld.idx.msk [tilespmem:v17+s16+$0x200 ss:$0x1], $0xffff  }
0x25a: {  	v45 =	vld.idx.msk [tilespmem:v17+s16+$0x110 ss:$0x1], $0xffff  }
0x25b: {  	v46 =	vld.idx.msk [tilespmem:v17+s16+$0x20 ss:$0x1], $0xffff  }
0x25c: {  	v54 =	vld.idx.msk [tilespmem:v17+s16+$0x30 ss:$0x1], $0xffff  }
0x25d: {  	v47 =	vld.idx.msk [tilespmem:v17+s16+$0x190 ss:$0x1], $0xffff;
	v12 =	vadd.f32 v30, v12  }
0x25e: {  	v48 =	vld.idx.msk [tilespmem:v17+s16+$0xA0 ss:$0x1], $0xffff  }
0x25f: {  	v55 =	vld.idx.msk [tilespmem:v17+s16+$0xB0 ss:$0x1], $0xffff;
	v12 =	vadd.f32 v31, v12  }
0x260: {  	v50 =	vld.idx.msk [tilespmem:v17+s16+$0x120 ss:$0x1], $0xffff;
	v14 =	vadd.f32 v38, v14;
	v16 =	vadd.f32 v46, v16;
	v8 =	vmax.f32 v8, v30  }
0x261: {  	v61 =	vld.idx.msk [tilespmem:v17+s16+$0x130 ss:$0x1], $0xffff;
	v10 =	vmax.f32 v10, v38;
	v23 =	vadd.f32 v54, v23;
	v12 =	vadd.f32 v37, v12  }
0x262: {  	v49 =	vld.idx.msk [tilespmem:v17+s16+$0x210 ss:$0x1], $0xffff;
	v9 =	vmax.f32 v9, v46;
	v18 =	vmax.f32 v18, v54;
	v8 =	vmax.f32 v8, v31  }
0x263: {  	v51 =	vld.idx.msk [tilespmem:v17+s16+$0x1A0 ss:$0x1], $0xffff;
	v10 =	vmax.f32 v10, v41;
	v9 =	vmax.f32 v9, v48;
	v12 =	vadd.f32 v39, v12  }
0x264: {  	v28 =	vld.idx.msk [tilespmem:v17+s16+$0x2B0 ss:$0x1], $0xffff;
	v18 =	vmax.f32 v18, v55;
	v14 =	vadd.f32 v41, v14;
	v16 =	vadd.f32 v48, v16  }
0x265: {  	v52 =	vld.idx.msk [tilespmem:v17+s16+$0x220 ss:$0x1], $0xffff;
	v8 =	vmax.f32 v8, v37;
	v10 =	vmax.f32 v10, v45;
	v12 =	vadd.f32 v44, v12  }
0x266: {  	v30 =	vld.idx.msk [tilespmem:v17+s16+$0x40 ss:$0x1], $0xffff;
	v23 =	vadd.f32 v55, v23;
	v9 =	vmax.f32 v9, v50;
	v62 =	vmax.f32 v18, v61  }
0x267: {  	v53 =	vld.idx.msk [tilespmem:v17+s16+$0x230 ss:$0x1], $0xffff;
	v8 =	vmax.f32 v8, v39;
	v10 =	vmax.f32 v10, v47;
	v12 =	vadd.f32 v35, v12  }
0x268: {  	v31 =	vld.idx.msk [tilespmem:v17+s16+$0xC0 ss:$0x1], $0xffff;
	v9 =	vmax.f32 v9, v51;
	v14 =	vadd.f32 v45, v14;
	v8 =	vmax.f32 v8, v44  }
0x269: {  	v38 =	vld.idx.msk [tilespmem:v17+s16+$0x50 ss:$0x1], $0xffff;
	v16 =	vadd.f32 v50, v16;
	v8 =	vmax.f32 v8, v35;
	v12 =	vadd.f32 v33, v12  }
0x26a: {  	v23 =	vadd.f32 v61, v23;
	v14 =	vadd.f32 v47, v14;
	v8 =	vmax.f32 v8, v33;
	v33 =	vld.idx.msk [tilespmem:v17+s16+$0x140 ss:$0x1], $0xffff  }
0x26b: {  	v22 =	vadd.f32 v30, v22;
	v8 =	vmax.f32 v8, v29;
	v12 =	vadd.f32 v29, v12;
	v29 =	vld.idx.msk [tilespmem:v17+s16+$0x1B0 ss:$0x1], $0xffff  }
0x26c: {  	v10 =	vmax.f32 v10, v49;
	v37 =	vld.idx.msk [tilespmem:v17+s16+$0x1C0 ss:$0x1], $0xffff;
	v16 =	vadd.f32 v51, v16;
	v14 =	vadd.f32 v49, v14  }
0x26d: {  	v41 =	vld.idx.msk [tilespmem:v17+s16+$0x150 ss:$0x1], $0xffff;
	v9 =	vmax.f32 v9, v52;
	v10 =	vmax.f32 v10, v36;
	v22 =	vadd.f32 v31, v22  }
0x26e: {  	v9 =	vmax.f32 v9, v40;
	v16 =	vadd.f32 v52, v16;
	v14 =	vadd.f32 v36, v14;
	v36 =	vld.idx.msk [tilespmem:v17+s16+$0x240 ss:$0x1], $0xffff  }
0x26f: {  	v18 =	vadd.f32 v38, v21;
	v10 =	vmax.f32 v10, v34;
	v39 =	vld.idx.msk [tilespmem:v17+s16+$0xD0 ss:$0x1], $0xffff;
	v22 =	vadd.f32 v33, v22  }
0x270: {  	v9 =	vmax.f32 v9, v42;
	v16 =	vadd.f32 v40, v16;
	v35 =	vld.idx.msk [tilespmem:v17+s16+$0x2C0 ss:$0x1], $0xffff;
	v23 =	vadd.f32 v29, v23  }
0x271: {  	v10 =	vmax.f32 v10, v32;
	v40 =	vld.idx.msk [tilespmem:v17+s16+$0x250 ss:$0x1], $0xffff;
	v14 =	vadd.f32 v34, v14;
	v22 =	vadd.f32 v37, v22  }
0x272: {  	v9 =	vmax.f32 v9, v43;
	v16 =	vadd.f32 v42, v16;
	v42 =	vld.idx.msk [tilespmem:v17+s16+$0x1D0 ss:$0x1], $0xffff;
	v63 =	vadd.f32 v53, v23  }
0x273: {  	v34 =	vld.idx.msk [tilespmem:v17+s16+$0x60 ss:$0x1], $0xffff;
	v14 =	vadd.f32 v32, v14;
	v23 =	vmax.f32 v62, v29;
	v21 =	vadd.f32 v36, v22  }
0x274: {  	s0 =	simm.s32 $0x1000;
	v16 =	vadd.f32 v43, v16;
	v32 =	vld.idx.msk [tilespmem:v17+s16+$0x2D0 ss:$0x1], $0xffff;
	v23 =	vmax.f32 v23, v53;
	v22 =	vadd.f32 v28, v63  }
.LBB2_35:
0x275: {  	p1 =	sne.s32 s0, $0xF000;
	v29 =	vld.idx.msk [tilespmem:v17+s16+$0x70 ss:$0x1], $0xffff;
	v18 =	vadd.f32 v39, v18;
	v23 =	vmax.f32 v23, v28;
	v21 =	vadd.f32 v35, v21  }
0x276: {  	v11 =	vmax.f32 v11, v30;
	v28 =	vld.idx.msk [tilespmem:v17+s16+$0xE0 ss:$0x1], $0xffff;
	v22 =	vadd.f32 v27, v22;
	v23 =	vmax.f32 v23, v27  }
0x277: {  	v11 =	vmax.f32 v11, v31;
	v27 =	vld.idx.msk [tilespmem:v17+s16+$0xF0 ss:$0x1], $0xffff;
	v30 =	vadd.f32 v41, v18;
	v31 =	vadd.f32 v25, v21  }
0x278: {  	v11 =	vmax.f32 v11, v33;
	v18 =	vmax.f32 v23, v26;
	v43 =	vld.idx.msk [tilespmem:v17+s16+$0x160 ss:$0x1], $0xffff;
	v21 =	vadd.f32 v26, v22  }
0x279: {  	v11 =	vmax.f32 v11, v37;
	v26 =	vld.idx.msk [tilespmem:v17+s16+$0x170 ss:$0x1], $0xffff;
	v22 =	vadd.f32 v42, v30;
	v23 =	vadd.f32 v20, v31  }
0x27a: {  	v7 =	vmax.f32 v7, v38;
	v15 =	vadd.f32 v34, v15;
	v11 =	vmax.f32 v11, v36;
	v30 =	vld.idx.msk [tilespmem:v17+s16+$0x1E0 ss:$0x1], $0xffff  }
0x27b: {  	v7 =	vmax.f32 v7, v39;
	v13 =	vadd.f32 v29, v13;
	v31 =	vld.idx.msk [tilespmem:v17+s16+$0x1F0 ss:$0x1], $0xffff;
	v22 =	vadd.f32 v40, v22  }
0x27c: {  	v7 =	vmax.f32 v7, v41;
	v11 =	vmax.f32 v11, v35;
	v15 =	vadd.f32 v28, v15;
	v33 =	vld.idx.msk [tilespmem:v17+s16+$0x260 ss:$0x1], $0xffff  }
0x27d: {  	v7 =	vmax.f32 v7, v42;
	v13 =	vadd.f32 v27, v13;
	v35 =	vld.idx.msk [tilespmem:v17+s16+$0x270 ss:$0x1], $0xffff;
	v22 =	vadd.f32 v32, v22  }
0x27e: {  	v7 =	vmax.f32 v7, v40;
	v11 =	vmax.f32 v11, v25;
	v15 =	vadd.f32 v43, v15;
	v36 =	vld.idx.msk [tilespmem:v17+s16+$0x2E0 ss:$0x1], $0xffff  }
0x27f: {  	v7 =	vmax.f32 v7, v32;
	v13 =	vadd.f32 v26, v13;
	v25 =	vld.idx.msk [tilespmem:v17+s16+$0x2F0 ss:$0x1], $0xffff;
	v22 =	vadd.f32 v24, v22  }
0x280: {  	v7 =	vmax.f32 v7, v24;
	v11 =	vmax.f32 v11, v20;
	v15 =	vadd.f32 v30, v15;
	v37 =	vld.idx.msk [tilespmem:v17+s16+$0x360 ss:$0x1], $0xffff  }
0x281: {  	v7 =	vmax.f32 v7, v19;
	v13 =	vadd.f32 v31, v13;
	v24 =	vld.idx.msk [tilespmem:v17+s16+$0x370 ss:$0x1], $0xffff;
	v22 =	vadd.f32 v19, v22  }
0x282: {  	v6 =	vmax.f32 v6, v34;
	v5 =	vmax.f32 v5, v29;
	v15 =	vadd.f32 v33, v15;
	v34 =	vld.idx.msk [tilespmem:v17+s16+$0x3E0 ss:$0x1], $0xffff  }
0x283: {  	v6 =	vmax.f32 v6, v28;
	v5 =	vmax.f32 v5, v27;
	v13 =	vadd.f32 v35, v13;
	v27 =	vld.idx.msk [tilespmem:v17+s16+$0x3F0 ss:$0x1], $0xffff;
	s16 =	sshra.s32 s0, $0x2  }
0x284: {  	v6 =	vmax.f32 v6, v43;
	v5 =	vmax.f32 v5, v26;
	v15 =	vadd.f32 v36, v15;
	v38 =	vld.idx.msk [tilespmem:v17+s16+$0x380 ss:$0x1], $0xffff  }
0x285: {  	v6 =	vmax.f32 v6, v30;
	v5 =	vmax.f32 v5, v31;
	v13 =	vadd.f32 v25, v13;
	v32 =	vld.idx.msk [tilespmem:v17+s16+$0x390 ss:$0x1], $0xffff  }
0x286: {  	v6 =	vmax.f32 v6, v33;
	v5 =	vmax.f32 v5, v35;
	v15 =	vadd.f32 v37, v15;
	v29 =	vld.idx.msk [tilespmem:v17+s16+$0x3A0 ss:$0x1], $0xffff  }
0x287: {  	v6 =	vmax.f32 v6, v36;
	v5 =	vmax.f32 v5, v25;
	v13 =	vadd.f32 v24, v13;
	v26 =	vld.idx.msk [tilespmem:v17+s16+$0x3B0 ss:$0x1], $0xffff  }
0x288: {  	v6 =	vmax.f32 v6, v37;
	v5 =	vmax.f32 v5, v24;
	v15 =	vadd.f32 v34, v15;
	v20 =	vld.idx.msk [tilespmem:v17+s16+$0x3C0 ss:$0x1], $0xffff  }
0x289: {  	v6 =	vmax.f32 v6, v34;
	v13 =	vadd.f32 v27, v13;
	v5 =	vmax.f32 v5, v27;
	v19 =	vld.idx.msk [tilespmem:v17+s16+$0x3D0 ss:$0x1], $0xffff  }
0x28a: {  	v33 =	vld.idx.msk [tilespmem:v17+s16+$0x300 ss:$0x1], $0xffff  }
0x28b: {  	v35 =	vld.idx.msk [tilespmem:v17+s16+$0x310 ss:$0x1], $0xffff  }
0x28c: {  	v34 =	vld.idx.msk [tilespmem:v17+s16+$0x320 ss:$0x1], $0xffff  }
0x28d: {  	v27 =	vld.idx.msk [tilespmem:v17+s16+$0x330 ss:$0x1], $0xffff  }
0x28e: {  	v25 =	vld.idx.msk [tilespmem:v17+s16+$0x340 ss:$0x1], $0xffff  }
0x28f: {  	v24 =	vld.idx.msk [tilespmem:v17+s16+$0x350 ss:$0x1], $0xffff  }
0x290: {  	v36 =	vld.idx.msk [tilespmem:v17+s16+$0x280 ss:$0x1], $0xffff  }
0x291: {  	v30 =	vld.idx.msk [tilespmem:v17+s16+$0x0 ss:$0x1], $0xffff  }
0x292: {  	v39 =	vld.idx.msk [tilespmem:v17+s16+$0x290 ss:$0x1], $0xffff  }
0x293: {  	v31 =	vld.idx.msk [tilespmem:v17+s16+$0x80 ss:$0x1], $0xffff  }
0x294: {  	v40 =	vld.idx.msk [tilespmem:v17+s16+$0x2A0 ss:$0x1], $0xffff  }
0x295: {  	v37 =	vld.idx.msk [tilespmem:v17+s16+$0x100 ss:$0x1], $0xffff  }
0x296: {  	v41 =	vld.idx.msk [tilespmem:v17+s16+$0x10 ss:$0x1], $0xffff  }
0x297: {  	v12 =	vadd.f32 v30, v12;
	v42 =	vld.idx.msk [tilespmem:v17+s16+$0x180 ss:$0x1], $0xffff  }
0x298: {  	v43 =	vld.idx.msk [tilespmem:v17+s16+$0x90 ss:$0x1], $0xffff  }
0x299: {  	v12 =	vadd.f32 v31, v12;
	v44 =	vld.idx.msk [tilespmem:v17+s16+$0x200 ss:$0x1], $0xffff  }
0x29a: {  	v45 =	vld.idx.msk [tilespmem:v17+s16+$0x110 ss:$0x1], $0xffff  }
0x29b: {  	v12 =	vadd.f32 v37, v12;
	v46 =	vld.idx.msk [tilespmem:v17+s16+$0x20 ss:$0x1], $0xffff  }
0x29c: {  	v14 =	vadd.f32 v41, v14;
	v47 =	vld.idx.msk [tilespmem:v17+s16+$0x190 ss:$0x1], $0xffff  }
0x29d: {  	v12 =	vadd.f32 v42, v12;
	v48 =	vld.idx.msk [tilespmem:v17+s16+$0xA0 ss:$0x1], $0xffff  }
0x29e: {  	v14 =	vadd.f32 v43, v14;
	v49 =	vld.idx.msk [tilespmem:v17+s16+$0x210 ss:$0x1], $0xffff  }
0x29f: {  	v12 =	vadd.f32 v44, v12;
	v50 =	vld.idx.msk [tilespmem:v17+s16+$0x120 ss:$0x1], $0xffff  }
0x2a0: {  	v14 =	vadd.f32 v45, v14;
	v28 =	vld.idx.msk [tilespmem:v17+s16+$0x2B0 ss:$0x1], $0xffff  }
0x2a1: {  	v16 =	vadd.f32 v46, v16;
	v12 =	vadd.f32 v36, v12;
	v51 =	vld.idx.msk [tilespmem:v17+s16+$0x1A0 ss:$0x1], $0xffff  }
0x2a2: {  	v8 =	vmax.f32 v8, v30;
	v14 =	vadd.f32 v47, v14;
	v52 =	vld.idx.msk [tilespmem:v17+s16+$0x220 ss:$0x1], $0xffff  }
0x2a3: {  	v8 =	vmax.f32 v8, v31;
	v16 =	vadd.f32 v48, v16;
	v12 =	vadd.f32 v33, v12;
	v53 =	vld.idx.msk [tilespmem:v17+s16+$0x230 ss:$0x1], $0xffff  }
0x2a4: {  	v8 =	vmax.f32 v8, v37;
	v14 =	vadd.f32 v49, v14;
	v54 =	vld.idx.msk [tilespmem:v17+s16+$0x30 ss:$0x1], $0xffff  }
0x2a5: {  	v8 =	vmax.f32 v8, v42;
	v16 =	vadd.f32 v50, v16;
	v12 =	vadd.f32 v38, v12;
	v30 =	vld.idx.msk [tilespmem:v17+s16+$0x40 ss:$0x1], $0xffff  }
0x2a6: {  	v10 =	vmax.f32 v10, v41;
	v8 =	vmax.f32 v8, v44;
	v14 =	vadd.f32 v39, v14;
	v41 =	vld.idx.msk [tilespmem:v17+s16+$0xB0 ss:$0x1], $0xffff  }
0x2a7: {  	v10 =	vmax.f32 v10, v43;
	v8 =	vmax.f32 v8, v36;
	v16 =	vadd.f32 v51, v16;
	v31 =	vld.idx.msk [tilespmem:v17+s16+$0xC0 ss:$0x1], $0xffff  }
0x2a8: {  	v10 =	vmax.f32 v10, v45;
	v8 =	vmax.f32 v8, v33;
	v14 =	vadd.f32 v35, v14;
	v42 =	vld.idx.msk [tilespmem:v17+s16+$0x130 ss:$0x1], $0xffff  }
0x2a9: {  	v10 =	vmax.f32 v10, v47;
	v8 =	vmax.f32 v8, v38;
	v16 =	vadd.f32 v52, v16;
	v33 =	vld.idx.msk [tilespmem:v17+s16+$0x140 ss:$0x1], $0xffff  }
0x2aa: {  	v10 =	vmax.f32 v10, v49;
	v21 =	vadd.f32 v54, v21;
	v14 =	vadd.f32 v32, v14;
	v43 =	vld.idx.msk [tilespmem:v17+s16+$0x1B0 ss:$0x1], $0xffff  }
0x2ab: {  	v10 =	vmax.f32 v10, v39;
	v23 =	vadd.f32 v30, v23;
	v16 =	vadd.f32 v40, v16;
	v37 =	vld.idx.msk [tilespmem:v17+s16+$0x1C0 ss:$0x1], $0xffff  }
0x2ac: {  	v9 =	vmax.f32 v9, v46;
	v10 =	vmax.f32 v10, v35;
	v21 =	vadd.f32 v41, v21;
	v36 =	vld.idx.msk [tilespmem:v17+s16+$0x240 ss:$0x1], $0xffff  }
0x2ad: {  	v9 =	vmax.f32 v9, v48;
	v23 =	vadd.f32 v31, v23;
	v16 =	vadd.f32 v34, v16;
	v38 =	vld.idx.msk [tilespmem:v17+s16+$0x50 ss:$0x1], $0xffff  }
0x2ae: {  	v9 =	vmax.f32 v9, v50;
	v10 =	vmax.f32 v10, v32;
	v21 =	vadd.f32 v42, v21;
	v35 =	vld.idx.msk [tilespmem:v17+s16+$0x2C0 ss:$0x1], $0xffff  }
0x2af: {  	v9 =	vmax.f32 v9, v51;
	v23 =	vadd.f32 v33, v23;
	v16 =	vadd.f32 v29, v16;
	v39 =	vld.idx.msk [tilespmem:v17+s16+$0xD0 ss:$0x1], $0xffff  }
.Ltmp22:
0x2b0: {  	v9 =	vmax.f32 v9, v52;
	v18 =	vmax.f32 v18, v54;
	v21 =	vadd.f32 v43, v21;
	v32 =	vld.idx.msk [tilespmem:v17+s16+$0x2D0 ss:$0x1], $0xffff;
	(pc) =	sbr.rel @p1 .LBB2_35-.Ltmp22, $4  }
0x2b1: {  	v9 =	vmax.f32 v9, v40;
	v18 =	vmax.f32 v18, v41;
	v23 =	vadd.f32 v37, v23;
	v41 =	vld.idx.msk [tilespmem:v17+s16+$0x150 ss:$0x1], $0xffff  }
0x2b2: {  	v9 =	vmax.f32 v9, v34;
	v44 =	vmax.f32 v18, v42;
	v45 =	vadd.f32 v53, v21;
	v40 =	vld.idx.msk [tilespmem:v17+s16+$0x250 ss:$0x1], $0xffff  }
0x2b3: {  	v18 =	vadd.f32 v38, v22;
	v22 =	vmax.f32 v44, v43;
	v21 =	vadd.f32 v36, v23;
	v42 =	vld.idx.msk [tilespmem:v17+s16+$0x1D0 ss:$0x1], $0xffff  }
0x2b4: {  	s0 =	sadd.s32 $0x1000, s0;
	v9 =	vmax.f32 v9, v29;
	v23 =	vmax.f32 v22, v53;
	v22 =	vadd.f32 v28, v45;
	v34 =	vld.idx.msk [tilespmem:v17+s16+$0x60 ss:$0x1], $0xffff  }
0x2b5: {  	_ =	sdelay $0x1  }
0x2b6: {  	v18 =	vadd.f32 v39, v18;
	v23 =	vmax.f32 v23, v28  }
0x2b7: {  	v21 =	vadd.f32 v35, v21;
	v11 =	vmax.f32 v11, v30;
	v7 =	vmax.f32 v7, v38  }
0x2b8: {  	v50 =	vld.idx.msk [tilespmem:v17+s16+$0x70 ss:$0x1], $0xffff;
	v22 =	vadd.f32 v27, v22;
	v51 =	vmax.f32 v23, v27;
	v11 =	vmax.f32 v11, v31  }
0x2b9: {  	v29 =	vld.idx.msk [tilespmem:v17+s16+$0xE0 ss:$0x1], $0xffff;
	v7 =	vmax.f32 v7, v39;
	v52 =	vadd.f32 v41, v18;
	v21 =	vadd.f32 v25, v21  }
0x2ba: {  	v53 =	vld.idx.msk [tilespmem:v17+s16+$0xF0 ss:$0x1], $0xffff;
	v11 =	vmax.f32 v11, v33;
	v7 =	vmax.f32 v7, v41;
	v23 =	vadd.f32 v26, v22  }
0x2bb: {  	v54 =	vld.idx.msk [tilespmem:v17+s16+$0x160 ss:$0x1], $0xffff;
	v11 =	vmax.f32 v11, v37;
	v7 =	vmax.f32 v7, v42;
	v55 =	vadd.f32 v42, v52  }
0x2bc: {  	v56 =	vld.idx.msk [tilespmem:v17+s16+$0x170 ss:$0x1], $0xffff;
	v22 =	vadd.f32 v20, v21;
	v15 =	vadd.f32 v34, v15;
	v11 =	vmax.f32 v11, v36  }
0x2bd: {  	v57 =	vld.idx.msk [tilespmem:v17+s16+$0x1E0 ss:$0x1], $0xffff;
	v7 =	vmax.f32 v7, v40;
	v6 =	vmax.f32 v6, v34;
	v13 =	vadd.f32 v50, v13  }
0x2be: {  	v58 =	vld.idx.msk [tilespmem:v17+s16+$0x1F0 ss:$0x1], $0xffff;
	v11 =	vmax.f32 v11, v35;
	v7 =	vmax.f32 v7, v32;
	v21 =	vadd.f32 v40, v55  }
0x2bf: {  	v59 =	vld.idx.msk [tilespmem:v17+s16+$0x260 ss:$0x1], $0xffff;
	v5 =	vmax.f32 v5, v50;
	v15 =	vadd.f32 v29, v15;
	v13 =	vadd.f32 v53, v13  }
0x2c0: {  	v60 =	vld.idx.msk [tilespmem:v17+s16+$0x270 ss:$0x1], $0xffff;
	v6 =	vmax.f32 v6, v29;
	v11 =	vmax.f32 v11, v25;
	v21 =	vadd.f32 v32, v21  }
0x2c1: {  	v61 =	vld.idx.msk [tilespmem:v17+s16+$0x2E0 ss:$0x1], $0xffff;
	v7 =	vmax.f32 v7, v24;
	v15 =	vadd.f32 v54, v15;
	v13 =	vadd.f32 v56, v13  }
0x2c2: {  	v62 =	vld.idx.msk [tilespmem:v17+s16+$0x2F0 ss:$0x1], $0xffff;
	v5 =	vmax.f32 v5, v53;
	v6 =	vmax.f32 v6, v54;
	v21 =	vadd.f32 v24, v21  }
0x2c3: {  	v11 =	vmax.f32 v11, v20;
	v20 =	vld.idx.msk [tilespmem:v17+s16+$0x360 ss:$0x1], $0xffff;
	v15 =	vadd.f32 v57, v15;
	v13 =	vadd.f32 v58, v13  }
0x2c4: {  	v7 =	vmax.f32 v7, v19;
	v5 =	vmax.f32 v5, v56;
	v21 =	vadd.f32 v19, v21;
	v19 =	vld.idx.msk [tilespmem:v17+s16+$0x370 ss:$0x1], $0xffff  }
0x2c5: {  	v63 =	vld.idx.msk [tilespmem:v17+s16+$0x3E0 ss:$0x1], $0xffff;
	s24 =	sadd.s32 $0x1, s24;
	v6 =	vmax.f32 v6, v57;
	v15 =	vadd.f32 v59, v15;
	v13 =	vadd.f32 v60, v13  }
0x2c6: {  	p1 =	seq.s32 s24, s22;
	v5 =	vmax.f32 v5, v58;
	v6 =	vmax.f32 v6, v59;
	v17 =	vld.idx.msk [tilespmem:v17+s16+$0x3F0 ss:$0x1], $0xffff  }
.Ltmp23:
0x2c7: {  	v5 =	vmax.f32 v5, v60;
	v15 =	vadd.f32 v61, v15;
	v13 =	vadd.f32 v62, v13;
	(pc) =	sbr.rel @!p1 .LBB2_34-.Ltmp23, $4  }
.Ltmp24:
0x2c8: {  	v6 =	vmax.f32 v6, v61;
	v5 =	vmax.f32 v5, v62;
	(pc) =	sbr.rel @p1 .LBB2_31-.Ltmp24, $4  }
0x2c9: {  	v6 =	vmax.f32 v6, v20;
	v15 =	vadd.f32 v20, v15;
	v13 =	vadd.f32 v19, v13  }
0x2ca: {  	v18 =	vmax.f32 v51, v26;
	v6 =	vmax.f32 v6, v63;
	v5 =	vmax.f32 v5, v19  }
0x2cb: {  	v15 =	vadd.f32 v63, v15;
	v5 =	vmax.f32 v5, v17;
	v13 =	vadd.f32 v17, v13  }
0x2cc: {  	_ = 	snop  }
.LBB2_30:
0x2cd: {  	v8 =	vimm.f32 $-Inf  }
0x2ce: {  	v12 =	vimm.f32 $0.0e+00;
	v14 =	vimm.f32 $0.0e+00;
	v16 =	vimm.f32 $0.0e+00  }
0x2cf: {  	v23 =	vimm.f32 $0.0e+00;
	v22 =	vimm.f32 $0.0e+00;
	v21 =	vimm.f32 $0.0e+00  }
0x2d0: {  	v15 =	vimm.f32 $0.0e+00;
	v13 =	vimm.f32 $0.0e+00;
	v10 =	vimm.f32 $-Inf  }
0x2d1: {  	v9 =	vimm.f32 $-Inf;
	v18 =	vimm.f32 $-Inf;
	v11 =	vimm.f32 $-Inf  }
0x2d2: {  	v7 =	vimm.f32 $-Inf;
	v6 =	vimm.f32 $-Inf;
	v5 =	vimm.f32 $-Inf  }
.LBB2_31:
.Ltmp25:
0x2d3: {  	(pc) =	sbr.rel @p0 .LBB2_42-.Ltmp25, $1  }
0x2d4: {  	_ =	sdelay $0x3  }
.Ltmp26:
0x2d5: {  	(pc) =	sbr.rel .LBB2_38-.Ltmp26, $4  }
0x2d6: {  	_ = 	snop  }
0x2d7: {  	s2 =	sshll.u32 s26, $0x9  }
0x2d8: {  	s0 =	sadd.s32 s20, s21;
	s22 =	simm.s32 $0x0;
	s2 =	sshra.s32 s2, $0x2  }
0x2d9: {  	s16 =	smov.u32 s26;
	s21 =	simm.s32 $0x0;
	s2 =	sadd.s32 $0x19CC0, s2  }
.LBB2_41:
0x2da: {  	_ =	sdelay $0x3  }
0x2db: {  	v17 =	vld.idx.msk [tilespmem:v17+s15+$0x60 ss:$0x1], $0xffff  }
0x2dc: {  	v8 =	vmax.f32 v8, v27;
	v10 =	vmax.f32 v10, v26  }
0x2dd: {  	v9 =	vmax.f32 v9, v20;
	v18 =	vmax.f32 v18, v24;
	v12 =	vadd.f32 v27, v12  }
0x2de: {  	v11 =	vmax.f32 v11, v25;
	v14 =	vadd.f32 v26, v14;
	v16 =	vadd.f32 v20, v16  }
0x2df: {  	v7 =	vmax.f32 v7, v19;
	v23 =	vadd.f32 v24, v23;
	v22 =	vadd.f32 v25, v22  }
0x2e0: {  	v21 =	vadd.f32 v19, v21;
	v15 =	vadd.f32 v17, v15;
	v6 =	vmax.f32 v6, v17  }
.LBB2_37:
0x2e1: {  	p0 =	seq.s32 s22, s25  }
.Ltmp27:
0x2e2: {  	_ = 	snop;
	(pc) =	sbr.rel @p0 .LBB2_42-.Ltmp27, $2  }
0x2e3: {  	_ =	sdelay $0x2  }
0x2e4: {  	s21 =	sadd.s32 $0x8000, s21;
	s16 =	sadd.s32 $0x40, s16  }
.LBB2_38:
0x2e5: {  	s12 =	smov.u32 s22;
	s13 =	sadd.s32 s28, s22;
	s22 =	sadd.s32 $0x1, s22  }
0x2e6: {  	p0 =	slt.s32 s22, s25  }
0x2e7: {  	s14 =	sshrl.u32 s13, $0x1F;
	s15 =	sshll.u32 @p0 s22, $0x6  }
0x2e8: {  	s14 =	sadd.s32 s14, s13;
	s15 =	sadd.s32 @p0 s26, s15  }
0x2e9: {  	s14 =	sand.u32 $0xFFFFFFFE, s14;
	p1 =	slt.s32 @p0 s15, $0x18660  }
0x2ea: {  	s14 =	ssub.s32 s13, s14;
	s17 =	smov.u32 s15;
	p1 =	por !p1, !p0  }
0x2eb: {  	s13 =	ssub.s32 @p0 $0x1, s14;
	s17 =	simm.s32 @p1 $0x18660  }
0x2ec: {  	s13 =	sshll.u32 @p0 s13, $0xD;
	s17 =	sshll.u32 @p0 s17, $0x4  }
0x2ed: {  	s23 =	simm.s32 @p0 $0x0;
	s13 =	sand.u32 @p0 $0x3FFFE000, s13;
	s17 =	sand.u32 @p0 $0x1FFFFFF0, s17  }
0x2ee: {  	s18 =	ssub.s32 @p0 $0x8, s14;
	s13 =	sadd.s32 @p0 $0x19CC0, s13;
	s17 =	sadd.s32 @p0 s1, s17  }
0x2ef: {  	[tilespmem:s13], [sflag:s18] =	stream.linear.gather @p0 [hbm4b:s17+s23], $0x2000, $0x38;
	[tilespmem:$0x1DF00] =	vst v63  }
0x2f0: {  	s13 =	sshll.u32 @!p0 s22, $0x6  }
0x2f1: {  	s12 =	sshll.u32 s12, $0x6;
	s13 =	sadd.s32 @!p0 s26, s13  }
0x2f2: {  	s12 =	sadd.s32 s26, s12;
	s18 =	smov.u32 s0;
	s13 =	smov.u32 @p0 s15  }
0x2f3: {  	p0 =	slt.s32 s12, $0x18660;
	s15 =	smov.u32 s12;
	p1 =	slt.s32 s13, s0  }
0x2f4: {  	s15 =	simm.s32 @!p0 $0x18660;
	s18 =	smov.u32 @p1 s13  }
0x2f5: {  	s17 =	ssub.s32 s12, s15;
	s23 =	ssub.s32 s18, s15  }
0x2f6: {  	p0 =	sge.s32 s17, s23  }
.Ltmp28:
0x2f7: {  	_ = 	snop;
	(pc) =	sbr.rel @p0 .LBB2_37-.Ltmp28, $4  }
0x2f8: {  	s24 =	sadd.s32 $0x7, s14  }
0x2f9: {  	_ =	swait.ge [sflag:s24], $0x2000  }
0x2fa: {  	[sflag:s24] =	ssyncset.done $0x0  }
0x2fb: {  	[sflag:s24] =	ssyncadd.s32 $0xFFFFE000  }
0x2fc: {  	s12 =	sshll.u32 s14, $0xF  }
0x2fd: {  	s12 =	sadd.s32 s12, s21  }
0x2fe: {  	s12 =	sshra.s32 s12, $0x2  }
0x2ff: {  	s12 =	sadd.s32 s12, s2  }
0x300: {  	p0 =	slt.s32 s16, $0x18660;
	s13 =	smov.u32 s16;
	v17 =	vmov s12  }
0x301: {  	s13 =	simm.s32 @!p0 $0x18660  }
0x302: {  	s31 =	sshll.u32 s13, $0x9  }
0x303: {  	s12 =	ssub.s32 $0x0, s31  }
0x304: {  	s15 =	sshra.s32 s12, $0x2  }
0x305: {  	s14 =	sadd.s32 $0x1, s17;
	v28 =	vld.idx.msk [tilespmem:v17+s15+$0x70 ss:$0x1], $0xffff  }
0x306: {  	p0 =	slt.s32 s14, s23;
	v27 =	vld.idx.msk [tilespmem:v17+s15+$0x0 ss:$0x1], $0xffff  }
.Ltmp29:
0x307: {  	v26 =	vld.idx.msk [tilespmem:v17+s15+$0x10 ss:$0x1], $0xffff;
	(pc) =	sbr.rel @!p0 .LBB2_41-.Ltmp29, $4  }
0x308: {  	v20 =	vld.idx.msk [tilespmem:v17+s15+$0x20 ss:$0x1], $0xffff  }
0x309: {  	v24 =	vld.idx.msk [tilespmem:v17+s15+$0x30 ss:$0x1], $0xffff  }
0x30a: {  	v25 =	vld.idx.msk [tilespmem:v17+s15+$0x40 ss:$0x1], $0xffff  }
0x30b: {  	s17 =	sadd.s32 $0x200, s12;
	v19 =	vld.idx.msk [tilespmem:v17+s15+$0x50 ss:$0x1], $0xffff;
	v13 =	vadd.f32 v28, v13;
	v5 =	vmax.f32 v5, v28  }
.LBB2_40:
0x30c: {  	s14 =	sadd.s32 $0x1, s14;
	v28 =	vld.idx.msk [tilespmem:v17+s15+$0x60 ss:$0x1], $0xffff;
	s15 =	sshra.s32 s17, $0x2;
	v12 =	vadd.f32 v27, v12;
	v8 =	vmax.f32 v8, v27  }
0x30d: {  	v14 =	vadd.f32 v26, v14;
	v10 =	vmax.f32 v10, v26;
	v29 =	vld.idx.msk [tilespmem:v17+s15+$0x70 ss:$0x1], $0xffff;
	p0 =	slt.s32 s14, s23  }
0x30e: {  	v16 =	vadd.f32 v20, v16;
	v9 =	vmax.f32 v9, v20;
	v27 =	vld.idx.msk [tilespmem:v17+s15+$0x0 ss:$0x1], $0xffff  }
.Ltmp30:
0x30f: {  	v23 =	vadd.f32 v24, v23;
	v18 =	vmax.f32 v18, v24;
	v26 =	vld.idx.msk [tilespmem:v17+s15+$0x10 ss:$0x1], $0xffff;
	(pc) =	sbr.rel @p0 .LBB2_40-.Ltmp30, $4  }
0x310: {  	v22 =	vadd.f32 v25, v22;
	v11 =	vmax.f32 v11, v25;
	v20 =	vld.idx.msk [tilespmem:v17+s15+$0x20 ss:$0x1], $0xffff  }
0x311: {  	v21 =	vadd.f32 v19, v21;
	v7 =	vmax.f32 v7, v19;
	v24 =	vld.idx.msk [tilespmem:v17+s15+$0x30 ss:$0x1], $0xffff  }
0x312: {  	v15 =	vadd.f32 v28, v15;
	v6 =	vmax.f32 v6, v28;
	v25 =	vld.idx.msk [tilespmem:v17+s15+$0x40 ss:$0x1], $0xffff  }
0x313: {  	s17 =	sadd.s32 $0x200, s17;
	v13 =	vadd.f32 v29, v13;
	v5 =	vmax.f32 v5, v29;
	v19 =	vld.idx.msk [tilespmem:v17+s15+$0x50 ss:$0x1], $0xffff  }
.Ltmp31:
0x314: {  	_ = 	snop;
	(pc) =	sbr.rel .LBB2_41-.Ltmp31, $1  }
0x315: {  	_ =	sdelay $0x3  }
.LBB2_43:
0x316: {  	_ =	sfence.sel $0x180000  }
0x317: {  	[bflag:$0x0] =	sbarrier.arrive $0xFFFF  }
0x318: {  	_ =	strace $0x90000047  }
0x319: {  	s0 =	stileid.u32;
	[bflag:$0x2] =	sbarrier.arrive $0xFFFF  }
0x31a: {  	p0 =	sne.s32 s0, $0x0;
	s0 =	rddreg [dreg:$0x4]  }
0x31b: {  	s0 =	sadd.s32 @!p0 $0x100000, s0  }
0x31c: {  	[sflag:s0] =	ssyncadd.tile.s32 @!p0 $0x1;
	_ =	shalt  }
.Lfunc_end2:
_tile_overlayer_lowered:
.L_overlay_start_2:
0x31d: {  	(tag) =	ssettag $0x2  }
0x31e: {  	s0 =	rddreg [dreg:$0x0];
	s2 =	stileid.u32  }
0x31f: {  	s1 =	rddreg [dreg:$0x1];
	p0 =	sne.s32 s2, $0x0  }
0x320: {  	s3 =	rddreg [dreg:$0x2];
	[bflag:$0x3] =	sbarrier.arrive $0xFFFF;
	s2 =	simm.s32 @!p0 $0x1C09  }
0x321: {  	[timem:s3], [sflag:s2] =	dma.local @!p0 [hbm:s0], s1  }
0x322: {  	s0 =	simm.s32 @!p0 $0x9  }
0x323: {  	_ =	swait.ge @!p0 [sflag:s0], s1  }
0x324: {  	s1 =	ssub.s32 @!p0 $0x0, s1;
	[sflag:s0] =	ssyncset.done @!p0 $0x0  }
0x325: {  	[sflag:s0] =	ssyncadd.s32 @!p0 s1  }
0x326: {  	[bflag:$0x3] =	sbarrier.arrive $0xFFFF  }
0x327: {  	_ =	shalt  }

</sc_bundles>
